<compile_context>
chip_gen: v7x
topology: tpu7x:2x2x1
jax: 0.10.2.dev20260603
libtpu: 0.0.44.dev20260713+nightly
codegen_flags: <defaults>
</compile_context>

<pallas_src>
import functools

import jax
import jax.numpy as jnp
from jax import lax
from jax.experimental import pallas as pl
from jax.experimental.pallas import tpu as pltpu
from jax.experimental.pallas import tpu_sc as plsc

EPS = 1e-5
_NW = 32
_FPAD = 32
_NG = 4


_SC_MESH = plsc.VectorSubcoreMesh(core_axis_name="c", subcore_axis_name="s")
_SC_PARAMS = pltpu.CompilerParams(
    use_tc_tiling_on_sc=False, needs_layout_passes=False
)


def _sc_indices(catT, F, vpad):
    B = catT.shape[1]
    per_b = B // 8
    nidx = B * _FPAD

    @functools.partial(
        pl.kernel,
        mesh=_SC_MESH,
        compiler_params=_SC_PARAMS,
        out_type=jax.ShapeDtypeStruct((nidx,), jnp.int32),
        scratch_types=[
            pltpu.VMEM((8, per_b), jnp.int32),
            pltpu.VMEM((8 * per_b,), jnp.int32),
        ],
    )
    def idx_k(cat_hbm, out_hbm, cat_v, idx_v):
        wid = lax.axis_index("s") * 2 + lax.axis_index("c")
        k = wid // 8
        b0 = (wid % 8) * per_b
        frs = []
        for fj in range(8):
            fr = 8 * k + fj
            fr = jnp.where(fr < F, fr, (F - 2) + (fj & 1))
            frs.append(fr)
            pltpu.sync_copy(cat_hbm.at[fr, pl.ds(b0, per_b)], cat_v.at[fj])
        lanes = lax.iota(jnp.int32, 16)

        def body(cch, carry):
            for fj in range(8):
                v = cat_v[fj, pl.ds(cch * 16, 16)]
                u = v & 1023
                fl = frs[fj] - (k // 2) * 16
                t = (v - u) + ((v & 127) << 3) + (u >> 7) + fl * vpad
                pos = lanes * 8 + (cch * 128 + fj)
                plsc.store_scatter(idx_v, [pos], t)
            return carry

        lax.fori_loop(0, per_b // 16, body, 0)
        pltpu.sync_copy(idx_v, out_hbm.at[pl.ds(wid * 8 * per_b, 8 * per_b)])

    return idx_k(catT)


def _sc_gather(table, idx, C, nidx, gbase):
    Dd = table.shape[1]
    per_w = nidx // _NW
    n_chunk = per_w // C

    @functools.partial(
        pl.kernel,
        mesh=_SC_MESH,
        compiler_params=_SC_PARAMS,
        out_type=jax.ShapeDtypeStruct((nidx, Dd), jnp.float32),
        scratch_types=[
            pltpu.VMEM((per_w,), jnp.int32),
            pltpu.VMEM((2, C, Dd), jnp.float32),
            pltpu.SemaphoreType.DMA,
            pltpu.SemaphoreType.DMA,
        ],
    )
    def gather_k(table_hbm, idx_hbm, out_hbm, idx_v, rows_v, gsem0, gsem1):
        wid = lax.axis_index("s") * 2 + lax.axis_index("c")
        base = wid * per_w
        pltpu.sync_copy(idx_hbm.at[pl.ds(gbase + base, per_w)], idx_v)
        sems = (gsem0, gsem1)
        cur = pltpu.async_copy(
            table_hbm.at[idx_v.at[pl.ds(0, C)]], rows_v.at[0], sems[0]
        )
        for j in range(n_chunk):
            nxt = None
            if j + 1 < n_chunk:
                nxt = pltpu.async_copy(
                    table_hbm.at[idx_v.at[pl.ds((j + 1) * C, C)]],
                    rows_v.at[(j + 1) % 2],
                    sems[(j + 1) % 2],
                )
            cur.wait()
            pltpu.sync_copy(rows_v.at[j % 2], out_hbm.at[pl.ds(base + j * C, C)])
            cur = nxt

    return gather_k(table, idx)


_VC = 50176


def _tr_body(tt_ref, out_ref):
    x = tt_ref[0]
    for c in range(_VC // 1024):
        w = jnp.concatenate(
            [x[:, c * 1024 + q * 128 : c * 1024 + (q + 1) * 128] for q in range(8)],
            axis=0,
        )
        out_ref[pl.ds(c * 128, 128), :] = w.T


def _num_stats_body(numT_ref, acc_ref):
    x = numT_ref[...]
    stats = jnp.concatenate(
        [jnp.sum(x, axis=1, keepdims=True), jnp.sum(x * x, axis=1, keepdims=True)],
        axis=1,
    )
    i = pl.program_id(0)

    @pl.when(i == 0)
    def _():
        acc_ref[...] = stats

    @pl.when(i > 0)
    def _():
        acc_ref[...] += stats


def _l1_body(e0_ref, e1_ref, e2_ref, e3_ref, numT_ref, nst_ref, g0_ref,
             be0_ref, w1_ref, w1n_ref, b1_ref, h1_ref, acc_ref, *, nB):
    i = pl.program_id(0)
    m = nst_ref[:, 0:1] * (1.0 / nB)
    var = nst_ref[:, 1:2] * (1.0 / nB) - m * m
    numn = (numT_ref[...] - m) * lax.rsqrt(var + EPS) * g0_ref[...] + be0_ref[...]
    h = lax.dot_general(
        numn, w1n_ref[...], (((0,), (0,)), ((), ())),
        preferred_element_type=jnp.float32,
    ) + b1_ref[...]
    for k, e_ref in enumerate((e0_ref, e1_ref, e2_ref, e3_ref)):
        h += jnp.dot(
            e_ref[...], w1_ref[pl.ds(k * 128, 128), :],
            preferred_element_type=jnp.float32,
        )
    h = jnp.maximum(h, 0.0)
    h1_ref[...] = h
    stats = jnp.concatenate(
        [jnp.sum(h, axis=0, keepdims=True), jnp.sum(h * h, axis=0, keepdims=True)],
        axis=0,
    )

    @pl.when(i == 0)
    def _():
        acc_ref[...] = stats

    @pl.when(i > 0)
    def _():
        acc_ref[...] += stats


def _l2_body(h1_ref, st_ref, g_ref, be_ref, w2_ref, b2_ref, h2_ref, acc_ref, *, nB):
    i = pl.program_id(0)
    mean = st_ref[0:1, :] * (1.0 / nB)
    var = st_ref[1:2, :] * (1.0 / nB) - mean * mean
    xn = (h1_ref[...] - mean) * lax.rsqrt(var + EPS) * g_ref[...] + be_ref[...]
    h = jnp.dot(xn, w2_ref[...], preferred_element_type=jnp.float32)
    h = jnp.maximum(h + b2_ref[...], 0.0)
    h2_ref[...] = h
    stats = jnp.concatenate(
        [jnp.sum(h, axis=0, keepdims=True), jnp.sum(h * h, axis=0, keepdims=True)],
        axis=0,
    )

    @pl.when(i == 0)
    def _():
        acc_ref[...] = stats

    @pl.when(i > 0)
    def _():
        acc_ref[...] += stats


def _l3_body(h2_ref, st_ref, g_ref, be_ref, wo_ref, bo_ref, out_ref, *, nB):
    mean = st_ref[0:1, :] * (1.0 / nB)
    var = st_ref[1:2, :] * (1.0 / nB) - mean * mean
    xn = (h2_ref[...] - mean) * lax.rsqrt(var + EPS) * g_ref[...] + be_ref[...]
    out_ref[...] = lax.dot_general(
        wo_ref[...], xn, (((1,), (1,)), ((), ())),
        preferred_element_type=jnp.float32,
    ) + bo_ref[...]


def kernel(numerical_data, cat_data, tables, W1, b1, W2, b2, Wo, bo,
           g0, be0, g1, be1, g2, be2):
    B, NUM = numerical_data.shape
    F = cat_data.shape[1]
    V = tables.shape[1]
    D = tables.shape[2]
    ED = F * D
    GW = _FPAD // _NG
    H1, H2 = W1.shape[0], W2.shape[0]
    fB = float(B)

    tt = jnp.swapaxes(tables, 1, 2)
    nch = (V + _VC - 1) // _VC
    vpad = nch * _VC

    catT = jnp.swapaxes(cat_data, 0, 1)
    idx_r = _sc_indices(catT, F, vpad)

    halves = []
    for h in range(2):
        f0 = h * 2 * GW
        nf = min(2 * GW, F - f0)
        tp = pl.pallas_call(
            _tr_body,
            grid=(nf, nch),
            in_specs=[
                pl.BlockSpec((1, D, _VC), lambda f, c, f0=f0: (f0 + f, 0, c))
            ],
            out_specs=pl.BlockSpec((_VC // 8, 128), lambda f, c: (f * nch + c, 0)),
            out_shape=jax.ShapeDtypeStruct((nf * vpad // 8, 128), jnp.float32),
        )(tt)
        emb_h = _sc_gather(
            tp.reshape(nf * vpad, D), idx_r, C=2048,
            nidx=2 * B * GW, gbase=h * 2 * B * GW,
        )
        halves.append(emb_h.reshape(2 * B, GW * D))
    embs = [halves[0], halves[0], halves[1], halves[1]]

    bt = 2048
    T = B // bt

    numT = jnp.swapaxes(numerical_data, 0, 1)
    nst = pl.pallas_call(
        _num_stats_body,
        grid=(T,),
        in_specs=[pl.BlockSpec((NUM, bt), lambda i: (0, i))],
        out_specs=pl.BlockSpec((NUM, 2), lambda i: (0, 0)),
        out_shape=jax.ShapeDtypeStruct((NUM, 2), jnp.float32),
    )(numT)

    w1et = jnp.pad(W1[:, :ED].T, ((0, _FPAD * D - ED), (0, 0)))

    h1, st1 = pl.pallas_call(
        functools.partial(_l1_body, nB=fB),
        grid=(T,),
        in_specs=[
            pl.BlockSpec((bt, 128), lambda i: (i, 0)),
            pl.BlockSpec((bt, 128), lambda i: ((B // bt) + i, 0)),
            pl.BlockSpec((bt, 128), lambda i: (i, 0)),
            pl.BlockSpec((bt, 128), lambda i: ((B // bt) + i, 0)),
            pl.BlockSpec((NUM, bt), lambda i: (0, i)),
            pl.BlockSpec((NUM, 2), lambda i: (0, 0)),
            pl.BlockSpec((NUM, 1), lambda i: (0, 0)),
            pl.BlockSpec((NUM, 1), lambda i: (0, 0)),
            pl.BlockSpec((_FPAD * D, H1), lambda i: (0, 0)),
            pl.BlockSpec((NUM, H1), lambda i: (0, 0)),
            pl.BlockSpec((1, H1), lambda i: (0, 0)),
        ],
        out_specs=[
            pl.BlockSpec((bt, H1), lambda i: (i, 0)),
            pl.BlockSpec((2, H1), lambda i: (0, 0)),
        ],
        out_shape=[
            jax.ShapeDtypeStruct((B, H1), jnp.float32),
            jax.ShapeDtypeStruct((2, H1), jnp.float32),
        ],
    )(embs[0], embs[1], embs[2], embs[3], numT, nst, g0.reshape(NUM, 1),
      be0.reshape(NUM, 1), w1et, W1[:, ED:].T, b1.reshape(1, H1))

    bt2 = 2048
    T2 = B // bt2
    h2, st2 = pl.pallas_call(
        functools.partial(_l2_body, nB=fB),
        grid=(T2,),
        in_specs=[
            pl.BlockSpec((bt2, H1), lambda i: (i, 0)),
            pl.BlockSpec((2, H1), lambda i: (0, 0)),
            pl.BlockSpec((1, H1), lambda i: (0, 0)),
            pl.BlockSpec((1, H1), lambda i: (0, 0)),
            pl.BlockSpec((H1, H2), lambda i: (0, 0)),
            pl.BlockSpec((1, H2), lambda i: (0, 0)),
        ],
        out_specs=[
            pl.BlockSpec((bt2, H2), lambda i: (i, 0)),
            pl.BlockSpec((2, H2), lambda i: (0, 0)),
        ],
        out_shape=[
            jax.ShapeDtypeStruct((B, H2), jnp.float32),
            jax.ShapeDtypeStruct((2, H2), jnp.float32),
        ],
    )(h1, st1, g1.reshape(1, H1), be1.reshape(1, H1), W2.T, b2.reshape(1, H2))

    outT = pl.pallas_call(
        functools.partial(_l3_body, nB=fB),
        grid=(T2,),
        in_specs=[
            pl.BlockSpec((bt2, H2), lambda i: (i, 0)),
            pl.BlockSpec((2, H2), lambda i: (0, 0)),
            pl.BlockSpec((1, H2), lambda i: (0, 0)),
            pl.BlockSpec((1, H2), lambda i: (0, 0)),
            pl.BlockSpec((1, H2), lambda i: (0, 0)),
            pl.BlockSpec((1, 1), lambda i: (0, 0)),
        ],
        out_specs=pl.BlockSpec((1, bt2), lambda i: (0, i)),
        out_shape=jax.ShapeDtypeStruct((1, B), jnp.float32),
    )(h2, st2, g2.reshape(1, H2), be2.reshape(1, H2), Wo.reshape(1, H2),
      bo.reshape(1, 1))

    return outT.reshape(B, 1)

# --- scband reference (transcript-rebuilt; emitter-appended) ---
"""Pipeline reference for scband-tabular-embedding-nn-16844861735189 (READ-ONLY COPY).

The authoritative reference and input builder live on the scoring server;
editing this copy changes nothing except your own understanding.
"""

import jax, jax.numpy as jnp
import numpy as np

EPS = 1e-5

def _bn(x, gamma, beta):
    # BatchNorm1d in training mode: batch statistics (biased variance)
    mean = jnp.mean(x, axis=0)
    var = jnp.var(x, axis=0)
    return (x - mean) / jnp.sqrt(var + EPS) * gamma + beta

def setup_inputs(seed: int = 0):
    key = jax.random.key(seed)
    ks = jax.random.split(key, 8)
    B = 16384; F = 26; V = 100000; D = 16; NUM = 13
    in_dim = F * D + NUM  # 429
    numerical_data = jax.random.normal(ks[0], (B, NUM), dtype=jnp.float32)
    cat_data = jax.random.randint(ks[1], (B, F), 0, V)
    tables = jax.random.normal(ks[2], (F, V, D), dtype=jnp.float32) * 0.01
    W1 = jax.random.normal(ks[3], (512, in_dim), dtype=jnp.float32) * np.sqrt(2.0 / in_dim)
    b1 = jnp.zeros((512,), jnp.float32)
    W2 = jax.random.normal(ks[4], (256, 512), dtype=jnp.float32) * np.sqrt(2.0 / 512)
    b2 = jnp.zeros((256,), jnp.float32)
    Wo = jax.random.normal(ks[5], (1, 256), dtype=jnp.float32) * np.sqrt(2.0 / 256)
    bo = jnp.zeros((1,), jnp.float32)
    g0 = jnp.ones((NUM,), jnp.float32); be0 = jnp.zeros((NUM,), jnp.float32)
    g1 = jnp.ones((512,), jnp.float32); be1 = jnp.zeros((512,), jnp.float32)
    g2 = jnp.ones((256,), jnp.float32); be2 = jnp.zeros((256,), jnp.float32)
    return {"numerical_data": numerical_data, "cat_data": cat_data, "tables": tables,
            "W1": W1, "b1": b1, "W2": W2, "b2": b2, "Wo": Wo, "bo": bo,
            "g0": g0, "be0": be0, "g1": g1, "be1": be1, "g2": g2, "be2": be2}

def reference(numerical_data, cat_data, tables, W1, b1, W2, b2, Wo, bo, g0, be0, g1, be1, g2, be2):
    B = cat_data.shape[0]
    # per-field embedding lookup: tables[i][cat_data[:, i]] for each of 26 fields
    emb = jax.vmap(lambda t, idx: jnp.take(t, idx, axis=0), in_axes=(0, 1), out_axes=1)(tables, cat_data)
    emb = emb.reshape(B, -1)  # [B, 26*16]; emb_dropout p=0.0 -> identity
    num = _bn(numerical_data, g0, be0)
    X = jnp.concatenate([emb, num], axis=1)
    X = jax.nn.relu(X @ W1.T + b1)
    X = _bn(X, g1, be1)  # dropout p=0.0 -> identity
    X = jax.nn.relu(X @ W2.T + b2)
    X = _bn(X, g2, be2)
    X = X @ Wo.T + bo
    return X

if __name__ == "__main__":
    import jax
    _d = setup_inputs()
    print(jax.jit(kernel)(*tuple(_d.values())))

</pallas_src>

<mosaic_0001>
#map = affine_map<(d0, d1) -> (0, 0)>
#map1 = affine_map<(d0, d1) -> (0)>
module attributes {stable_mosaic.version = 14 : i64} {
  func.func @idx_k(%arg0: i32, %arg1: i32, %arg2: memref<26x16384xi32, #tpu.memory_space<hbm>>, %arg3: memref<524288xi32, #tpu.memory_space<hbm>>, %arg4: memref<8x2048xi32, #tpu.memory_space<vmem>>, %arg5: memref<16384xi32, #tpu.memory_space<vmem>>) attributes {dimension_semantics = [#tpu.dimension_semantics<core_parallel>, #tpu.dimension_semantics<subcore_parallel>], iteration_bounds = array<i64: 2, 16>, scalar_prefetch = 0 : i64, scratch_operands = 2 : i64, tpu.core_type = #tpu.core_type<sc_vector_subcore>, window_params = [{transform_indices = #map}, {transform_indices = #map1}]} {
    %mul3A = arith.constant 2 : i32
    %mul3A_0 = arith.muli %arg1, %mul3A : i32
    %add3A = arith.addi %mul3A_0, %arg0 : i32
    %jit3A = arith.constant 8 : i32
    %div3A = arith.divsi %add3A, %jit3A : i32
    %sign3A = arith.constant 0 : i32
    %sign3A_1 = arith.cmpi sgt, %add3A, %sign3A : i32
    %sign3A_2 = arith.extui %sign3A_1 : i1 to i32
    %sign3A_3 = arith.constant 0 : i32
    %sign3A_4 = arith.cmpi slt, %add3A, %sign3A_3 : i32
    %sign3A_5 = arith.extui %sign3A_4 : i1 to i32
    %sign3A_6 = arith.subi %sign3A_2, %sign3A_5 : i32
    %sign3A_7 = arith.constant 0 : i32
    %sign3A_8 = arith.cmpi sgt, %jit3A, %sign3A_7 : i32
    %sign3A_9 = arith.extui %sign3A_8 : i1 to i32
    %sign3A_10 = arith.constant 0 : i32
    %sign3A_11 = arith.cmpi slt, %jit3A, %sign3A_10 : i32
    %sign3A_12 = arith.extui %sign3A_11 : i1 to i32
    %sign3A_13 = arith.subi %sign3A_9, %sign3A_12 : i32
    %ne3A = arith.cmpi ne, %sign3A_6, %sign3A_13 : i32
    %rem3A = arith.remsi %add3A, %jit3A : i32
    %ne3A_14 = arith.constant 0 : i32
    %ne3A_15 = arith.cmpi ne, %rem3A, %ne3A_14 : i32
    %and3A = arith.andi %ne3A, %ne3A_15 : i1
    %sub3A = arith.constant 1 : i32
    %sub3A_16 = arith.subi %div3A, %sub3A : i32
    %select_n3A = arith.select %and3A, %sub3A_16, %div3A : i32
    %jit3A_17 = arith.constant 8 : i32
    %eq3A = arith.constant 0 : i32
    %eq3A_18 = arith.cmpi eq, %jit3A_17, %eq3A : i32
    %jit3A_19 = arith.constant 1 : i32
    %select_n3A_20 = arith.select %eq3A_18, %jit3A_19, %jit3A_17 : i32
    %rem3A_21 = arith.remsi %add3A, %select_n3A_20 : i32
    %ne3A_22 = arith.constant 0 : i32
    %ne3A_23 = arith.cmpi ne, %rem3A_21, %ne3A_22 : i32
    %lt3A = arith.constant 0 : i32
    %lt3A_24 = arith.cmpi slt, %rem3A_21, %lt3A : i32
    %lt3A_25 = arith.constant 0 : i32
    %lt3A_26 = arith.cmpi slt, %select_n3A_20, %lt3A_25 : i32
    %ne3A_27 = arith.xori %lt3A_24, %lt3A_26 : i1
    %and3A_28 = arith.andi %ne3A_27, %ne3A_23 : i1
    %add3A_29 = arith.addi %rem3A_21, %select_n3A_20 : i32
    %select_n3A_30 = arith.select %and3A_28, %add3A_29, %rem3A_21 : i32
    %mul3A_31 = arith.constant 2048 : i32
    %mul3A_32 = arith.muli %select_n3A_30, %mul3A_31 : i32
    %mul3A_33 = arith.constant 8 : i32
    %mul3A_34 = arith.muli %mul3A_33, %select_n3A : i32
    %add3A_35 = arith.constant 0 : i32
    %add3A_36 = arith.addi %mul3A_34, %add3A_35 : i32
    %lt3A_37 = arith.constant 26 : i32
    %lt3A_38 = arith.cmpi slt, %add3A_36, %lt3A_37 : i32
    %jit3A_39 = arith.constant 24 : i32
    %select_n3A_40 = arith.select %lt3A_38, %add3A_36, %jit3A_39 : i32
    %run_scoped3A = arith.constant 0 : i32
    "tpu.region"() ({
      %run_scoped3A_113 = tpu.sem_alloc : memref<!tpu.dma_semaphore, #tpu.memory_space<semaphore_mem>>
      %dma_start3A = arith.constant 0 : i32
      %dma_start3A_114 = tpu.memref_slice %arg4[%run_scoped3A, %dma_start3A] : memref<8x2048xi32, #tpu.memory_space<vmem>> -> memref<1x2048xi32, #tpu.memory_space<vmem>>
      %dma_start3A_115 = tpu.memref_squeeze %dma_start3A_114 : memref<1x2048xi32, #tpu.memory_space<vmem>> -> memref<2048xi32, #tpu.memory_space<vmem>>
      %dma_start3A_116 = tpu.memref_slice %arg2[%select_n3A_40, %mul3A_32] : memref<26x16384xi32, #tpu.memory_space<hbm>> -> memref<1x2048xi32, #tpu.memory_space<hbm>>
      %dma_start3A_117 = tpu.memref_squeeze %dma_start3A_116 : memref<1x2048xi32, #tpu.memory_space<hbm>> -> memref<2048xi32, #tpu.memory_space<hbm>>
      %dma_start3A_118 = arith.constant 0 : i32
      %dma_start3A_119 = tpu.memref_slice %arg4[%run_scoped3A, %dma_start3A_118] : memref<8x2048xi32, #tpu.memory_space<vmem>> -> memref<1x2048xi32, #tpu.memory_space<vmem>>
      %dma_start3A_120 = tpu.memref_squeeze %dma_start3A_119 : memref<1x2048xi32, #tpu.memory_space<vmem>> -> memref<2048xi32, #tpu.memory_space<vmem>>
      %dma_start3A_121 = tpu.memref_slice %arg2[%select_n3A_40, %mul3A_32] : memref<26x16384xi32, #tpu.memory_space<hbm>> -> memref<1x2048xi32, #tpu.memory_space<hbm>>
      %dma_start3A_122 = tpu.memref_squeeze %dma_start3A_121 : memref<1x2048xi32, #tpu.memory_space<hbm>> -> memref<2048xi32, #tpu.memory_space<hbm>>
      tpu.enqueue_dma source(%dma_start3A_122 : memref<2048xi32, #tpu.memory_space<hbm>>) target(%dma_start3A_120 : memref<2048xi32, #tpu.memory_space<vmem>>) target_semaphore(%run_scoped3A_113 : memref<!tpu.dma_semaphore, #tpu.memory_space<semaphore_mem>>)
      %dma_wait3A = arith.constant 0 : i32
      %dma_wait3A_123 = tpu.memref_slice %arg4[%run_scoped3A, %dma_wait3A] : memref<8x2048xi32, #tpu.memory_space<vmem>> -> memref<1x2048xi32, #tpu.memory_space<vmem>>
      %dma_wait3A_124 = tpu.memref_squeeze %dma_wait3A_123 : memref<1x2048xi32, #tpu.memory_space<vmem>> -> memref<2048xi32, #tpu.memory_space<vmem>>
      %dma_wait3A_125 = tpu.memref_slice %arg2[%select_n3A_40, %mul3A_32] : memref<26x16384xi32, #tpu.memory_space<hbm>> -> memref<1x2048xi32, #tpu.memory_space<hbm>>
      %dma_wait3A_126 = tpu.memref_squeeze %dma_wait3A_125 : memref<1x2048xi32, #tpu.memory_space<hbm>> -> memref<2048xi32, #tpu.memory_space<hbm>>
      %dma_wait3A_127 = arith.constant 0 : i32
      %dma_wait3A_128 = tpu.memref_slice %arg4[%run_scoped3A, %dma_wait3A_127] : memref<8x2048xi32, #tpu.memory_space<vmem>> -> memref<1x2048xi32, #tpu.memory_space<vmem>>
      %dma_wait3A_129 = tpu.memref_squeeze %dma_wait3A_128 : memref<1x2048xi32, #tpu.memory_space<vmem>> -> memref<2048xi32, #tpu.memory_space<vmem>>
      %dma_wait3A_130 = tpu.memref_slice %arg2[%select_n3A_40, %mul3A_32] : memref<26x16384xi32, #tpu.memory_space<hbm>> -> memref<1x2048xi32, #tpu.memory_space<hbm>>
      %dma_wait3A_131 = tpu.memref_squeeze %dma_wait3A_130 : memref<1x2048xi32, #tpu.memory_space<hbm>> -> memref<2048xi32, #tpu.memory_space<hbm>>
      tpu.wait_dma2 semaphore(%run_scoped3A_113 : memref<!tpu.dma_semaphore, #tpu.memory_space<semaphore_mem>>) src(%dma_wait3A_131 : memref<2048xi32, #tpu.memory_space<hbm>>) dst(%dma_wait3A_129 : memref<2048xi32, #tpu.memory_space<vmem>>)
      tpu.yield
    }) : () -> ()
    %mul3A_41 = arith.constant 8 : i32
    %mul3A_42 = arith.muli %mul3A_41, %select_n3A : i32
    %add3A_43 = arith.constant 1 : i32
    %add3A_44 = arith.addi %mul3A_42, %add3A_43 : i32
    %lt3A_45 = arith.constant 26 : i32
    %lt3A_46 = arith.cmpi slt, %add3A_44, %lt3A_45 : i32
    %jit3A_47 = arith.constant 25 : i32
    %select_n3A_48 = arith.select %lt3A_46, %add3A_44, %jit3A_47 : i32
    %run_scoped3A_49 = arith.constant 1 : i32
    "tpu.region"() ({
      %run_scoped3A_113 = tpu.sem_alloc : memref<!tpu.dma_semaphore, #tpu.memory_space<semaphore_mem>>
      %dma_start3A = arith.constant 0 : i32
      %dma_start3A_114 = tpu.memref_slice %arg4[%run_scoped3A_49, %dma_start3A] : memref<8x2048xi32, #tpu.memory_space<vmem>> -> memref<1x2048xi32, #tpu.memory_space<vmem>>
      %dma_start3A_115 = tpu.memref_squeeze %dma_start3A_114 : memref<1x2048xi32, #tpu.memory_space<vmem>> -> memref<2048xi32, #tpu.memory_space<vmem>>
      %dma_start3A_116 = tpu.memref_slice %arg2[%select_n3A_48, %mul3A_32] : memref<26x16384xi32, #tpu.memory_space<hbm>> -> memref<1x2048xi32, #tpu.memory_space<hbm>>
      %dma_start3A_117 = tpu.memref_squeeze %dma_start3A_116 : memref<1x2048xi32, #tpu.memory_space<hbm>> -> memref<2048xi32, #tpu.memory_space<hbm>>
      %dma_start3A_118 = arith.constant 0 : i32
      %dma_start3A_119 = tpu.memref_slice %arg4[%run_scoped3A_49, %dma_start3A_118] : memref<8x2048xi32, #tpu.memory_space<vmem>> -> memref<1x2048xi32, #tpu.memory_space<vmem>>
      %dma_start3A_120 = tpu.memref_squeeze %dma_start3A_119 : memref<1x2048xi32, #tpu.memory_space<vmem>> -> memref<2048xi32, #tpu.memory_space<vmem>>
      %dma_start3A_121 = tpu.memref_slice %arg2[%select_n3A_48, %mul3A_32] : memref<26x16384xi32, #tpu.memory_space<hbm>> -> memref<1x2048xi32, #tpu.memory_space<hbm>>
      %dma_start3A_122 = tpu.memref_squeeze %dma_start3A_121 : memref<1x2048xi32, #tpu.memory_space<hbm>> -> memref<2048xi32, #tpu.memory_space<hbm>>
      tpu.enqueue_dma source(%dma_start3A_122 : memref<2048xi32, #tpu.memory_space<hbm>>) target(%dma_start3A_120 : memref<2048xi32, #tpu.memory_space<vmem>>) target_semaphore(%run_scoped3A_113 : memref<!tpu.dma_semaphore, #tpu.memory_space<semaphore_mem>>)
      %dma_wait3A = arith.constant 0 : i32
      %dma_wait3A_123 = tpu.memref_slice %arg4[%run_scoped3A_49, %dma_wait3A] : memref<8x2048xi32, #tpu.memory_space<vmem>> -> memref<1x2048xi32, #tpu.memory_space<vmem>>
      %dma_wait3A_124 = tpu.memref_squeeze %dma_wait3A_123 : memref<1x2048xi32, #tpu.memory_space<vmem>> -> memref<2048xi32, #tpu.memory_space<vmem>>
      %dma_wait3A_125 = tpu.memref_slice %arg2[%select_n3A_48, %mul3A_32] : memref<26x16384xi32, #tpu.memory_space<hbm>> -> memref<1x2048xi32, #tpu.memory_space<hbm>>
      %dma_wait3A_126 = tpu.memref_squeeze %dma_wait3A_125 : memref<1x2048xi32, #tpu.memory_space<hbm>> -> memref<2048xi32, #tpu.memory_space<hbm>>
      %dma_wait3A_127 = arith.constant 0 : i32
      %dma_wait3A_128 = tpu.memref_slice %arg4[%run_scoped3A_49, %dma_wait3A_127] : memref<8x2048xi32, #tpu.memory_space<vmem>> -> memref<1x2048xi32, #tpu.memory_space<vmem>>
      %dma_wait3A_129 = tpu.memref_squeeze %dma_wait3A_128 : memref<1x2048xi32, #tpu.memory_space<vmem>> -> memref<2048xi32, #tpu.memory_space<vmem>>
      %dma_wait3A_130 = tpu.memref_slice %arg2[%select_n3A_48, %mul3A_32] : memref<26x16384xi32, #tpu.memory_space<hbm>> -> memref<1x2048xi32, #tpu.memory_space<hbm>>
      %dma_wait3A_131 = tpu.memref_squeeze %dma_wait3A_130 : memref<1x2048xi32, #tpu.memory_space<hbm>> -> memref<2048xi32, #tpu.memory_space<hbm>>
      tpu.wait_dma2 semaphore(%run_scoped3A_113 : memref<!tpu.dma_semaphore, #tpu.memory_space<semaphore_mem>>) src(%dma_wait3A_131 : memref<2048xi32, #tpu.memory_space<hbm>>) dst(%dma_wait3A_129 : memref<2048xi32, #tpu.memory_space<vmem>>)
      tpu.yield
    }) : () -> ()
    %mul3A_50 = arith.constant 8 : i32
    %mul3A_51 = arith.muli %mul3A_50, %select_n3A : i32
    %add3A_52 = arith.constant 2 : i32
    %add3A_53 = arith.addi %mul3A_51, %add3A_52 : i32
    %lt3A_54 = arith.constant 26 : i32
    %lt3A_55 = arith.cmpi slt, %add3A_53, %lt3A_54 : i32
    %jit3A_56 = arith.constant 24 : i32
    %select_n3A_57 = arith.select %lt3A_55, %add3A_53, %jit3A_56 : i32
    %run_scoped3A_58 = arith.constant 2 : i32
    "tpu.region"() ({
      %run_scoped3A_113 = tpu.sem_alloc : memref<!tpu.dma_semaphore, #tpu.memory_space<semaphore_mem>>
      %dma_start3A = arith.constant 0 : i32
      %dma_start3A_114 = tpu.memref_slice %arg4[%run_scoped3A_58, %dma_start3A] : memref<8x2048xi32, #tpu.memory_space<vmem>> -> memref<1x2048xi32, #tpu.memory_space<vmem>>
      %dma_start3A_115 = tpu.memref_squeeze %dma_start3A_114 : memref<1x2048xi32, #tpu.memory_space<vmem>> -> memref<2048xi32, #tpu.memory_space<vmem>>
      %dma_start3A_116 = tpu.memref_slice %arg2[%select_n3A_57, %mul3A_32] : memref<26x16384xi32, #tpu.memory_space<hbm>> -> memref<1x2048xi32, #tpu.memory_space<hbm>>
      %dma_start3A_117 = tpu.memref_squeeze %dma_start3A_116 : memref<1x2048xi32, #tpu.memory_space<hbm>> -> memref<2048xi32, #tpu.memory_space<hbm>>
      %dma_start3A_118 = arith.constant 0 : i32
      %dma_start3A_119 = tpu.memref_slice %arg4[%run_scoped3A_58, %dma_start3A_118] : memref<8x2048xi32, #tpu.memory_space<vmem>> -> memref<1x2048xi32, #tpu.memory_space<vmem>>
      %dma_start3A_120 = tpu.memref_squeeze %dma_start3A_119 : memref<1x2048xi32, #tpu.memory_space<vmem>> -> memref<2048xi32, #tpu.memory_space<vmem>>
      %dma_start3A_121 = tpu.memref_slice %arg2[%select_n3A_57, %mul3A_32] : memref<26x16384xi32, #tpu.memory_space<hbm>> -> memref<1x2048xi32, #tpu.memory_space<hbm>>
      %dma_start3A_122 = tpu.memref_squeeze %dma_start3A_121 : memref<1x2048xi32, #tpu.memory_space<hbm>> -> memref<2048xi32, #tpu.memory_space<hbm>>
      tpu.enqueue_dma source(%dma_start3A_122 : memref<2048xi32, #tpu.memory_space<hbm>>) target(%dma_start3A_120 : memref<2048xi32, #tpu.memory_space<vmem>>) target_semaphore(%run_scoped3A_113 : memref<!tpu.dma_semaphore, #tpu.memory_space<semaphore_mem>>)
      %dma_wait3A = arith.constant 0 : i32
      %dma_wait3A_123 = tpu.memref_slice %arg4[%run_scoped3A_58, %dma_wait3A] : memref<8x2048xi32, #tpu.memory_space<vmem>> -> memref<1x2048xi32, #tpu.memory_space<vmem>>
      %dma_wait3A_124 = tpu.memref_squeeze %dma_wait3A_123 : memref<1x2048xi32, #tpu.memory_space<vmem>> -> memref<2048xi32, #tpu.memory_space<vmem>>
      %dma_wait3A_125 = tpu.memref_slice %arg2[%select_n3A_57, %mul3A_32] : memref<26x16384xi32, #tpu.memory_space<hbm>> -> memref<1x2048xi32, #tpu.memory_space<hbm>>
      %dma_wait3A_126 = tpu.memref_squeeze %dma_wait3A_125 : memref<1x2048xi32, #tpu.memory_space<hbm>> -> memref<2048xi32, #tpu.memory_space<hbm>>
      %dma_wait3A_127 = arith.constant 0 : i32
      %dma_wait3A_128 = tpu.memref_slice %arg4[%run_scoped3A_58, %dma_wait3A_127] : memref<8x2048xi32, #tpu.memory_space<vmem>> -> memref<1x2048xi32, #tpu.memory_space<vmem>>
      %dma_wait3A_129 = tpu.memref_squeeze %dma_wait3A_128 : memref<1x2048xi32, #tpu.memory_space<vmem>> -> memref<2048xi32, #tpu.memory_space<vmem>>
      %dma_wait3A_130 = tpu.memref_slice %arg2[%select_n3A_57, %mul3A_32] : memref<26x16384xi32, #tpu.memory_space<hbm>> -> memref<1x2048xi32, #tpu.memory_space<hbm>>
      %dma_wait3A_131 = tpu.memref_squeeze %dma_wait3A_130 : memref<1x2048xi32, #tpu.memory_space<hbm>> -> memref<2048xi32, #tpu.memory_space<hbm>>
      tpu.wait_dma2 semaphore(%run_scoped3A_113 : memref<!tpu.dma_semaphore, #tpu.memory_space<semaphore_mem>>) src(%dma_wait3A_131 : memref<2048xi32, #tpu.memory_space<hbm>>) dst(%dma_wait3A_129 : memref<2048xi32, #tpu.memory_space<vmem>>)
      tpu.yield
    }) : () -> ()
    %mul3A_59 = arith.constant 8 : i32
    %mul3A_60 = arith.muli %mul3A_59, %select_n3A : i32
    %add3A_61 = arith.constant 3 : i32
    %add3A_62 = arith.addi %mul3A_60, %add3A_61 : i32
    %lt3A_63 = arith.constant 26 : i32
    %lt3A_64 = arith.cmpi slt, %add3A_62, %lt3A_63 : i32
    %jit3A_65 = arith.constant 25 : i32
    %select_n3A_66 = arith.select %lt3A_64, %add3A_62, %jit3A_65 : i32
    %run_scoped3A_67 = arith.constant 3 : i32
    "tpu.region"() ({
      %run_scoped3A_113 = tpu.sem_alloc : memref<!tpu.dma_semaphore, #tpu.memory_space<semaphore_mem>>
      %dma_start3A = arith.constant 0 : i32
      %dma_start3A_114 = tpu.memref_slice %arg4[%run_scoped3A_67, %dma_start3A] : memref<8x2048xi32, #tpu.memory_space<vmem>> -> memref<1x2048xi32, #tpu.memory_space<vmem>>
      %dma_start3A_115 = tpu.memref_squeeze %dma_start3A_114 : memref<1x2048xi32, #tpu.memory_space<vmem>> -> memref<2048xi32, #tpu.memory_space<vmem>>
      %dma_start3A_116 = tpu.memref_slice %arg2[%select_n3A_66, %mul3A_32] : memref<26x16384xi32, #tpu.memory_space<hbm>> -> memref<1x2048xi32, #tpu.memory_space<hbm>>
      %dma_start3A_117 = tpu.memref_squeeze %dma_start3A_116 : memref<1x2048xi32, #tpu.memory_space<hbm>> -> memref<2048xi32, #tpu.memory_space<hbm>>
      %dma_start3A_118 = arith.constant 0 : i32
      %dma_start3A_119 = tpu.memref_slice %arg4[%run_scoped3A_67, %dma_start3A_118] : memref<8x2048xi32, #tpu.memory_space<vmem>> -> memref<1x2048xi32, #tpu.memory_space<vmem>>
      %dma_start3A_120 = tpu.memref_squeeze %dma_start3A_119 : memref<1x2048xi32, #tpu.memory_space<vmem>> -> memref<2048xi32, #tpu.memory_space<vmem>>
      %dma_start3A_121 = tpu.memref_slice %arg2[%select_n3A_66, %mul3A_32] : memref<26x16384xi32, #tpu.memory_space<hbm>> -> memref<1x2048xi32, #tpu.memory_space<hbm>>
      %dma_start3A_122 = tpu.memref_squeeze %dma_start3A_121 : memref<1x2048xi32, #tpu.memory_space<hbm>> -> memref<2048xi32, #tpu.memory_space<hbm>>
      tpu.enqueue_dma source(%dma_start3A_122 : memref<2048xi32, #tpu.memory_space<hbm>>) target(%dma_start3A_120 : memref<2048xi32, #tpu.memory_space<vmem>>) target_semaphore(%run_scoped3A_113 : memref<!tpu.dma_semaphore, #tpu.memory_space<semaphore_mem>>)
      %dma_wait3A = arith.constant 0 : i32
      %dma_wait3A_123 = tpu.memref_slice %arg4[%run_scoped3A_67, %dma_wait3A] : memref<8x2048xi32, #tpu.memory_space<vmem>> -> memref<1x2048xi32, #tpu.memory_space<vmem>>
      %dma_wait3A_124 = tpu.memref_squeeze %dma_wait3A_123 : memref<1x2048xi32, #tpu.memory_space<vmem>> -> memref<2048xi32, #tpu.memory_space<vmem>>
      %dma_wait3A_125 = tpu.memref_slice %arg2[%select_n3A_66, %mul3A_32] : memref<26x16384xi32, #tpu.memory_space<hbm>> -> memref<1x2048xi32, #tpu.memory_space<hbm>>
      %dma_wait3A_126 = tpu.memref_squeeze %dma_wait3A_125 : memref<1x2048xi32, #tpu.memory_space<hbm>> -> memref<2048xi32, #tpu.memory_space<hbm>>
      %dma_wait3A_127 = arith.constant 0 : i32
      %dma_wait3A_128 = tpu.memref_slice %arg4[%run_scoped3A_67, %dma_wait3A_127] : memref<8x2048xi32, #tpu.memory_space<vmem>> -> memref<1x2048xi32, #tpu.memory_space<vmem>>
      %dma_wait3A_129 = tpu.memref_squeeze %dma_wait3A_128 : memref<1x2048xi32, #tpu.memory_space<vmem>> -> memref<2048xi32, #tpu.memory_space<vmem>>
      %dma_wait3A_130 = tpu.memref_slice %arg2[%select_n3A_66, %mul3A_32] : memref<26x16384xi32, #tpu.memory_space<hbm>> -> memref<1x2048xi32, #tpu.memory_space<hbm>>
      %dma_wait3A_131 = tpu.memref_squeeze %dma_wait3A_130 : memref<1x2048xi32, #tpu.memory_space<hbm>> -> memref<2048xi32, #tpu.memory_space<hbm>>
      tpu.wait_dma2 semaphore(%run_scoped3A_113 : memref<!tpu.dma_semaphore, #tpu.memory_space<semaphore_mem>>) src(%dma_wait3A_131 : memref<2048xi32, #tpu.memory_space<hbm>>) dst(%dma_wait3A_129 : memref<2048xi32, #tpu.memory_space<vmem>>)
      tpu.yield
    }) : () -> ()
    %mul3A_68 = arith.constant 8 : i32
    %mul3A_69 = arith.muli %mul3A_68, %select_n3A : i32
    %add3A_70 = arith.constant 4 : i32
    %add3A_71 = arith.addi %mul3A_69, %add3A_70 : i32
    %lt3A_72 = arith.constant 26 : i32
    %lt3A_73 = arith.cmpi slt, %add3A_71, %lt3A_72 : i32
    %jit3A_74 = arith.constant 24 : i32
    %select_n3A_75 = arith.select %lt3A_73, %add3A_71, %jit3A_74 : i32
    %run_scoped3A_76 = arith.constant 4 : i32
    "tpu.region"() ({
      %run_scoped3A_113 = tpu.sem_alloc : memref<!tpu.dma_semaphore, #tpu.memory_space<semaphore_mem>>
      %dma_start3A = arith.constant 0 : i32
      %dma_start3A_114 = tpu.memref_slice %arg4[%run_scoped3A_76, %dma_start3A] : memref<8x2048xi32, #tpu.memory_space<vmem>> -> memref<1x2048xi32, #tpu.memory_space<vmem>>
      %dma_start3A_115 = tpu.memref_squeeze %dma_start3A_114 : memref<1x2048xi32, #tpu.memory_space<vmem>> -> memref<2048xi32, #tpu.memory_space<vmem>>
      %dma_start3A_116 = tpu.memref_slice %arg2[%select_n3A_75, %mul3A_32] : memref<26x16384xi32, #tpu.memory_space<hbm>> -> memref<1x2048xi32, #tpu.memory_space<hbm>>
      %dma_start3A_117 = tpu.memref_squeeze %dma_start3A_116 : memref<1x2048xi32, #tpu.memory_space<hbm>> -> memref<2048xi32, #tpu.memory_space<hbm>>
      %dma_start3A_118 = arith.constant 0 : i32
      %dma_start3A_119 = tpu.memref_slice %arg4[%run_scoped3A_76, %dma_start3A_118] : memref<8x2048xi32, #tpu.memory_space<vmem>> -> memref<1x2048xi32, #tpu.memory_space<vmem>>
      %dma_start3A_120 = tpu.memref_squeeze %dma_start3A_119 : memref<1x2048xi32, #tpu.memory_space<vmem>> -> memref<2048xi32, #tpu.memory_space<vmem>>
      %dma_start3A_121 = tpu.memref_slice %arg2[%select_n3A_75, %mul3A_32] : memref<26x16384xi32, #tpu.memory_space<hbm>> -> memref<1x2048xi32, #tpu.memory_space<hbm>>
      %dma_start3A_122 = tpu.memref_squeeze %dma_start3A_121 : memref<1x2048xi32, #tpu.memory_space<hbm>> -> memref<2048xi32, #tpu.memory_space<hbm>>
      tpu.enqueue_dma source(%dma_start3A_122 : memref<2048xi32, #tpu.memory_space<hbm>>) target(%dma_start3A_120 : memref<2048xi32, #tpu.memory_space<vmem>>) target_semaphore(%run_scoped3A_113 : memref<!tpu.dma_semaphore, #tpu.memory_space<semaphore_mem>>)
      %dma_wait3A = arith.constant 0 : i32
      %dma_wait3A_123 = tpu.memref_slice %arg4[%run_scoped3A_76, %dma_wait3A] : memref<8x2048xi32, #tpu.memory_space<vmem>> -> memref<1x2048xi32, #tpu.memory_space<vmem>>
      %dma_wait3A_124 = tpu.memref_squeeze %dma_wait3A_123 : memref<1x2048xi32, #tpu.memory_space<vmem>> -> memref<2048xi32, #tpu.memory_space<vmem>>
      %dma_wait3A_125 = tpu.memref_slice %arg2[%select_n3A_75, %mul3A_32] : memref<26x16384xi32, #tpu.memory_space<hbm>> -> memref<1x2048xi32, #tpu.memory_space<hbm>>
      %dma_wait3A_126 = tpu.memref_squeeze %dma_wait3A_125 : memref<1x2048xi32, #tpu.memory_space<hbm>> -> memref<2048xi32, #tpu.memory_space<hbm>>
      %dma_wait3A_127 = arith.constant 0 : i32
      %dma_wait3A_128 = tpu.memref_slice %arg4[%run_scoped3A_76, %dma_wait3A_127] : memref<8x2048xi32, #tpu.memory_space<vmem>> -> memref<1x2048xi32, #tpu.memory_space<vmem>>
      %dma_wait3A_129 = tpu.memref_squeeze %dma_wait3A_128 : memref<1x2048xi32, #tpu.memory_space<vmem>> -> memref<2048xi32, #tpu.memory_space<vmem>>
      %dma_wait3A_130 = tpu.memref_slice %arg2[%select_n3A_75, %mul3A_32] : memref<26x16384xi32, #tpu.memory_space<hbm>> -> memref<1x2048xi32, #tpu.memory_space<hbm>>
      %dma_wait3A_131 = tpu.memref_squeeze %dma_wait3A_130 : memref<1x2048xi32, #tpu.memory_space<hbm>> -> memref<2048xi32, #tpu.memory_space<hbm>>
      tpu.wait_dma2 semaphore(%run_scoped3A_113 : memref<!tpu.dma_semaphore, #tpu.memory_space<semaphore_mem>>) src(%dma_wait3A_131 : memref<2048xi32, #tpu.memory_space<hbm>>) dst(%dma_wait3A_129 : memref<2048xi32, #tpu.memory_space<vmem>>)
      tpu.yield
    }) : () -> ()
    %mul3A_77 = arith.constant 8 : i32
    %mul3A_78 = arith.muli %mul3A_77, %select_n3A : i32
    %add3A_79 = arith.constant 5 : i32
    %add3A_80 = arith.addi %mul3A_78, %add3A_79 : i32
    %lt3A_81 = arith.constant 26 : i32
    %lt3A_82 = arith.cmpi slt, %add3A_80, %lt3A_81 : i32
    %jit3A_83 = arith.constant 25 : i32
    %select_n3A_84 = arith.select %lt3A_82, %add3A_80, %jit3A_83 : i32
    %run_scoped3A_85 = arith.constant 5 : i32
    "tpu.region"() ({
      %run_scoped3A_113 = tpu.sem_alloc : memref<!tpu.dma_semaphore, #tpu.memory_space<semaphore_mem>>
      %dma_start3A = arith.constant 0 : i32
      %dma_start3A_114 = tpu.memref_slice %arg4[%run_scoped3A_85, %dma_start3A] : memref<8x2048xi32, #tpu.memory_space<vmem>> -> memref<1x2048xi32, #tpu.memory_space<vmem>>
      %dma_start3A_115 = tpu.memref_squeeze %dma_start3A_114 : memref<1x2048xi32, #tpu.memory_space<vmem>> -> memref<2048xi32, #tpu.memory_space<vmem>>
      %dma_start3A_116 = tpu.memref_slice %arg2[%select_n3A_84, %mul3A_32] : memref<26x16384xi32, #tpu.memory_space<hbm>> -> memref<1x2048xi32, #tpu.memory_space<hbm>>
      %dma_start3A_117 = tpu.memref_squeeze %dma_start3A_116 : memref<1x2048xi32, #tpu.memory_space<hbm>> -> memref<2048xi32, #tpu.memory_space<hbm>>
      %dma_start3A_118 = arith.constant 0 : i32
      %dma_start3A_119 = tpu.memref_slice %arg4[%run_scoped3A_85, %dma_start3A_118] : memref<8x2048xi32, #tpu.memory_space<vmem>> -> memref<1x2048xi32, #tpu.memory_space<vmem>>
      %dma_start3A_120 = tpu.memref_squeeze %dma_start3A_119 : memref<1x2048xi32, #tpu.memory_space<vmem>> -> memref<2048xi32, #tpu.memory_space<vmem>>
      %dma_start3A_121 = tpu.memref_slice %arg2[%select_n3A_84, %mul3A_32] : memref<26x16384xi32, #tpu.memory_space<hbm>> -> memref<1x2048xi32, #tpu.memory_space<hbm>>
      %dma_start3A_122 = tpu.memref_squeeze %dma_start3A_121 : memref<1x2048xi32, #tpu.memory_space<hbm>> -> memref<2048xi32, #tpu.memory_space<hbm>>
      tpu.enqueue_dma source(%dma_start3A_122 : memref<2048xi32, #tpu.memory_space<hbm>>) target(%dma_start3A_120 : memref<2048xi32, #tpu.memory_space<vmem>>) target_semaphore(%run_scoped3A_113 : memref<!tpu.dma_semaphore, #tpu.memory_space<semaphore_mem>>)
      %dma_wait3A = arith.constant 0 : i32
      %dma_wait3A_123 = tpu.memref_slice %arg4[%run_scoped3A_85, %dma_wait3A] : memref<8x2048xi32, #tpu.memory_space<vmem>> -> memref<1x2048xi32, #tpu.memory_space<vmem>>
      %dma_wait3A_124 = tpu.memref_squeeze %dma_wait3A_123 : memref<1x2048xi32, #tpu.memory_space<vmem>> -> memref<2048xi32, #tpu.memory_space<vmem>>
      %dma_wait3A_125 = tpu.memref_slice %arg2[%select_n3A_84, %mul3A_32] : memref<26x16384xi32, #tpu.memory_space<hbm>> -> memref<1x2048xi32, #tpu.memory_space<hbm>>
      %dma_wait3A_126 = tpu.memref_squeeze %dma_wait3A_125 : memref<1x2048xi32, #tpu.memory_space<hbm>> -> memref<2048xi32, #tpu.memory_space<hbm>>
      %dma_wait3A_127 = arith.constant 0 : i32
      %dma_wait3A_128 = tpu.memref_slice %arg4[%run_scoped3A_85, %dma_wait3A_127] : memref<8x2048xi32, #tpu.memory_space<vmem>> -> memref<1x2048xi32, #tpu.memory_space<vmem>>
      %dma_wait3A_129 = tpu.memref_squeeze %dma_wait3A_128 : memref<1x2048xi32, #tpu.memory_space<vmem>> -> memref<2048xi32, #tpu.memory_space<vmem>>
      %dma_wait3A_130 = tpu.memref_slice %arg2[%select_n3A_84, %mul3A_32] : memref<26x16384xi32, #tpu.memory_space<hbm>> -> memref<1x2048xi32, #tpu.memory_space<hbm>>
      %dma_wait3A_131 = tpu.memref_squeeze %dma_wait3A_130 : memref<1x2048xi32, #tpu.memory_space<hbm>> -> memref<2048xi32, #tpu.memory_space<hbm>>
      tpu.wait_dma2 semaphore(%run_scoped3A_113 : memref<!tpu.dma_semaphore, #tpu.memory_space<semaphore_mem>>) src(%dma_wait3A_131 : memref<2048xi32, #tpu.memory_space<hbm>>) dst(%dma_wait3A_129 : memref<2048xi32, #tpu.memory_space<vmem>>)
      tpu.yield
    }) : () -> ()
    %mul3A_86 = arith.constant 8 : i32
    %mul3A_87 = arith.muli %mul3A_86, %select_n3A : i32
    %add3A_88 = arith.constant 6 : i32
    %add3A_89 = arith.addi %mul3A_87, %add3A_88 : i32
    %lt3A_90 = arith.constant 26 : i32
    %lt3A_91 = arith.cmpi slt, %add3A_89, %lt3A_90 : i32
    %jit3A_92 = arith.constant 24 : i32
    %select_n3A_93 = arith.select %lt3A_91, %add3A_89, %jit3A_92 : i32
    %run_scoped3A_94 = arith.constant 6 : i32
    "tpu.region"() ({
      %run_scoped3A_113 = tpu.sem_alloc : memref<!tpu.dma_semaphore, #tpu.memory_space<semaphore_mem>>
      %dma_start3A = arith.constant 0 : i32
      %dma_start3A_114 = tpu.memref_slice %arg4[%run_scoped3A_94, %dma_start3A] : memref<8x2048xi32, #tpu.memory_space<vmem>> -> memref<1x2048xi32, #tpu.memory_space<vmem>>
      %dma_start3A_115 = tpu.memref_squeeze %dma_start3A_114 : memref<1x2048xi32, #tpu.memory_space<vmem>> -> memref<2048xi32, #tpu.memory_space<vmem>>
      %dma_start3A_116 = tpu.memref_slice %arg2[%select_n3A_93, %mul3A_32] : memref<26x16384xi32, #tpu.memory_space<hbm>> -> memref<1x2048xi32, #tpu.memory_space<hbm>>
      %dma_start3A_117 = tpu.memref_squeeze %dma_start3A_116 : memref<1x2048xi32, #tpu.memory_space<hbm>> -> memref<2048xi32, #tpu.memory_space<hbm>>
      %dma_start3A_118 = arith.constant 0 : i32
      %dma_start3A_119 = tpu.memref_slice %arg4[%run_scoped3A_94, %dma_start3A_118] : memref<8x2048xi32, #tpu.memory_space<vmem>> -> memref<1x2048xi32, #tpu.memory_space<vmem>>
      %dma_start3A_120 = tpu.memref_squeeze %dma_start3A_119 : memref<1x2048xi32, #tpu.memory_space<vmem>> -> memref<2048xi32, #tpu.memory_space<vmem>>
      %dma_start3A_121 = tpu.memref_slice %arg2[%select_n3A_93, %mul3A_32] : memref<26x16384xi32, #tpu.memory_space<hbm>> -> memref<1x2048xi32, #tpu.memory_space<hbm>>
      %dma_start3A_122 = tpu.memref_squeeze %dma_start3A_121 : memref<1x2048xi32, #tpu.memory_space<hbm>> -> memref<2048xi32, #tpu.memory_space<hbm>>
      tpu.enqueue_dma source(%dma_start3A_122 : memref<2048xi32, #tpu.memory_space<hbm>>) target(%dma_start3A_120 : memref<2048xi32, #tpu.memory_space<vmem>>) target_semaphore(%run_scoped3A_113 : memref<!tpu.dma_semaphore, #tpu.memory_space<semaphore_mem>>)
      %dma_wait3A = arith.constant 0 : i32
      %dma_wait3A_123 = tpu.memref_slice %arg4[%run_scoped3A_94, %dma_wait3A] : memref<8x2048xi32, #tpu.memory_space<vmem>> -> memref<1x2048xi32, #tpu.memory_space<vmem>>
      %dma_wait3A_124 = tpu.memref_squeeze %dma_wait3A_123 : memref<1x2048xi32, #tpu.memory_space<vmem>> -> memref<2048xi32, #tpu.memory_space<vmem>>
      %dma_wait3A_125 = tpu.memref_slice %arg2[%select_n3A_93, %mul3A_32] : memref<26x16384xi32, #tpu.memory_space<hbm>> -> memref<1x2048xi32, #tpu.memory_space<hbm>>
      %dma_wait3A_126 = tpu.memref_squeeze %dma_wait3A_125 : memref<1x2048xi32, #tpu.memory_space<hbm>> -> memref<2048xi32, #tpu.memory_space<hbm>>
      %dma_wait3A_127 = arith.constant 0 : i32
      %dma_wait3A_128 = tpu.memref_slice %arg4[%run_scoped3A_94, %dma_wait3A_127] : memref<8x2048xi32, #tpu.memory_space<vmem>> -> memref<1x2048xi32, #tpu.memory_space<vmem>>
      %dma_wait3A_129 = tpu.memref_squeeze %dma_wait3A_128 : memref<1x2048xi32, #tpu.memory_space<vmem>> -> memref<2048xi32, #tpu.memory_space<vmem>>
      %dma_wait3A_130 = tpu.memref_slice %arg2[%select_n3A_93, %mul3A_32] : memref<26x16384xi32, #tpu.memory_space<hbm>> -> memref<1x2048xi32, #tpu.memory_space<hbm>>
      %dma_wait3A_131 = tpu.memref_squeeze %dma_wait3A_130 : memref<1x2048xi32, #tpu.memory_space<hbm>> -> memref<2048xi32, #tpu.memory_space<hbm>>
      tpu.wait_dma2 semaphore(%run_scoped3A_113 : memref<!tpu.dma_semaphore, #tpu.memory_space<semaphore_mem>>) src(%dma_wait3A_131 : memref<2048xi32, #tpu.memory_space<hbm>>) dst(%dma_wait3A_129 : memref<2048xi32, #tpu.memory_space<vmem>>)
      tpu.yield
    }) : () -> ()
    %mul3A_95 = arith.constant 8 : i32
    %mul3A_96 = arith.muli %mul3A_95, %select_n3A : i32
    %add3A_97 = arith.constant 7 : i32
    %add3A_98 = arith.addi %mul3A_96, %add3A_97 : i32
    %lt3A_99 = arith.constant 26 : i32
    %lt3A_100 = arith.cmpi slt, %add3A_98, %lt3A_99 : i32
    %jit3A_101 = arith.constant 25 : i32
    %select_n3A_102 = arith.select %lt3A_100, %add3A_98, %jit3A_101 : i32
    %run_scoped3A_103 = arith.constant 7 : i32
    "tpu.region"() ({
      %run_scoped3A_113 = tpu.sem_alloc : memref<!tpu.dma_semaphore, #tpu.memory_space<semaphore_mem>>
      %dma_start3A = arith.constant 0 : i32
      %dma_start3A_114 = tpu.memref_slice %arg4[%run_scoped3A_103, %dma_start3A] : memref<8x2048xi32, #tpu.memory_space<vmem>> -> memref<1x2048xi32, #tpu.memory_space<vmem>>
      %dma_start3A_115 = tpu.memref_squeeze %dma_start3A_114 : memref<1x2048xi32, #tpu.memory_space<vmem>> -> memref<2048xi32, #tpu.memory_space<vmem>>
      %dma_start3A_116 = tpu.memref_slice %arg2[%select_n3A_102, %mul3A_32] : memref<26x16384xi32, #tpu.memory_space<hbm>> -> memref<1x2048xi32, #tpu.memory_space<hbm>>
      %dma_start3A_117 = tpu.memref_squeeze %dma_start3A_116 : memref<1x2048xi32, #tpu.memory_space<hbm>> -> memref<2048xi32, #tpu.memory_space<hbm>>
      %dma_start3A_118 = arith.constant 0 : i32
      %dma_start3A_119 = tpu.memref_slice %arg4[%run_scoped3A_103, %dma_start3A_118] : memref<8x2048xi32, #tpu.memory_space<vmem>> -> memref<1x2048xi32, #tpu.memory_space<vmem>>
      %dma_start3A_120 = tpu.memref_squeeze %dma_start3A_119 : memref<1x2048xi32, #tpu.memory_space<vmem>> -> memref<2048xi32, #tpu.memory_space<vmem>>
      %dma_start3A_121 = tpu.memref_slice %arg2[%select_n3A_102, %mul3A_32] : memref<26x16384xi32, #tpu.memory_space<hbm>> -> memref<1x2048xi32, #tpu.memory_space<hbm>>
      %dma_start3A_122 = tpu.memref_squeeze %dma_start3A_121 : memref<1x2048xi32, #tpu.memory_space<hbm>> -> memref<2048xi32, #tpu.memory_space<hbm>>
      tpu.enqueue_dma source(%dma_start3A_122 : memref<2048xi32, #tpu.memory_space<hbm>>) target(%dma_start3A_120 : memref<2048xi32, #tpu.memory_space<vmem>>) target_semaphore(%run_scoped3A_113 : memref<!tpu.dma_semaphore, #tpu.memory_space<semaphore_mem>>)
      %dma_wait3A = arith.constant 0 : i32
      %dma_wait3A_123 = tpu.memref_slice %arg4[%run_scoped3A_103, %dma_wait3A] : memref<8x2048xi32, #tpu.memory_space<vmem>> -> memref<1x2048xi32, #tpu.memory_space<vmem>>
      %dma_wait3A_124 = tpu.memref_squeeze %dma_wait3A_123 : memref<1x2048xi32, #tpu.memory_space<vmem>> -> memref<2048xi32, #tpu.memory_space<vmem>>
      %dma_wait3A_125 = tpu.memref_slice %arg2[%select_n3A_102, %mul3A_32] : memref<26x16384xi32, #tpu.memory_space<hbm>> -> memref<1x2048xi32, #tpu.memory_space<hbm>>
      %dma_wait3A_126 = tpu.memref_squeeze %dma_wait3A_125 : memref<1x2048xi32, #tpu.memory_space<hbm>> -> memref<2048xi32, #tpu.memory_space<hbm>>
      %dma_wait3A_127 = arith.constant 0 : i32
      %dma_wait3A_128 = tpu.memref_slice %arg4[%run_scoped3A_103, %dma_wait3A_127] : memref<8x2048xi32, #tpu.memory_space<vmem>> -> memref<1x2048xi32, #tpu.memory_space<vmem>>
      %dma_wait3A_129 = tpu.memref_squeeze %dma_wait3A_128 : memref<1x2048xi32, #tpu.memory_space<vmem>> -> memref<2048xi32, #tpu.memory_space<vmem>>
      %dma_wait3A_130 = tpu.memref_slice %arg2[%select_n3A_102, %mul3A_32] : memref<26x16384xi32, #tpu.memory_space<hbm>> -> memref<1x2048xi32, #tpu.memory_space<hbm>>
      %dma_wait3A_131 = tpu.memref_squeeze %dma_wait3A_130 : memref<1x2048xi32, #tpu.memory_space<hbm>> -> memref<2048xi32, #tpu.memory_space<hbm>>
      tpu.wait_dma2 semaphore(%run_scoped3A_113 : memref<!tpu.dma_semaphore, #tpu.memory_space<semaphore_mem>>) src(%dma_wait3A_131 : memref<2048xi32, #tpu.memory_space<hbm>>) dst(%dma_wait3A_129 : memref<2048xi32, #tpu.memory_space<vmem>>)
      tpu.yield
    }) : () -> ()
    %iota3A = tpu.iota {dimensions = array<i32: 0>} : vector<16xi32>
    %scan3A = arith.constant 0 : i32
    %scan3A_104 = arith.constant 0 : i32
    %scan3A_105 = arith.constant 128 : i32
    %scan3A_106 = arith.addi %scan3A_104, %scan3A_105 : i32
    %scan3A_107 = arith.constant 1 : i32
    scf.for %scan3A_113 = %scan3A_104 to %scan3A_106 step %scan3A_107  : i32 {
      %mul3A_114 = arith.constant 16 : i32
      %mul3A_115 = arith.muli %scan3A_113, %mul3A_114 : i32
      %get3A = arith.constant 0 : i32
      %get3A_116 = arith.index_cast %get3A : i32 to index
      %get3A_117 = arith.index_cast %mul3A_115 : i32 to index
      %get3A_118 = tpu.vector_load %arg4[%get3A_116, %get3A_117] {strides = array<i32>} : memref<8x2048xi32, #tpu.memory_space<vmem>>, vector<16xi32>,
      %and3A_119 = arith.constant 1023 : i32
      %and3A_120 = vector.broadcast %and3A_119 : i32 to vector<16xi32>
      %and3A_121 = arith.andi %get3A_118, %and3A_120 : vector<16xi32>
      %jit3A_122 = arith.constant 2 : i32
      %div3A_123 = arith.divsi %select_n3A, %jit3A_122 : i32
      %sign3A_124 = arith.constant 0 : i32
      %sign3A_125 = arith.cmpi sgt, %select_n3A, %sign3A_124 : i32
      %sign3A_126 = arith.extui %sign3A_125 : i1 to i32
      %sign3A_127 = arith.constant 0 : i32
      %sign3A_128 = arith.cmpi slt, %select_n3A, %sign3A_127 : i32
      %sign3A_129 = arith.extui %sign3A_128 : i1 to i32
      %sign3A_130 = arith.subi %sign3A_126, %sign3A_129 : i32
      %sign3A_131 = arith.constant 0 : i32
      %sign3A_132 = arith.cmpi sgt, %jit3A_122, %sign3A_131 : i32
      %sign3A_133 = arith.extui %sign3A_132 : i1 to i32
      %sign3A_134 = arith.constant 0 : i32
      %sign3A_135 = arith.cmpi slt, %jit3A_122, %sign3A_134 : i32
      %sign3A_136 = arith.extui %sign3A_135 : i1 to i32
      %sign3A_137 = arith.subi %sign3A_133, %sign3A_136 : i32
      %ne3A_138 = arith.cmpi ne, %sign3A_130, %sign3A_137 : i32
      %rem3A_139 = arith.remsi %select_n3A, %jit3A_122 : i32
      %ne3A_140 = arith.constant 0 : i32
      %ne3A_141 = arith.cmpi ne, %rem3A_139, %ne3A_140 : i32
      %and3A_142 = arith.andi %ne3A_138, %ne3A_141 : i1
      %sub3A_143 = arith.constant 1 : i32
      %sub3A_144 = arith.subi %div3A_123, %sub3A_143 : i32
      %select_n3A_145 = arith.select %and3A_142, %sub3A_144, %div3A_123 : i32
      %mul3A_146 = arith.constant 16 : i32
      %mul3A_147 = arith.muli %select_n3A_145, %mul3A_146 : i32
      %sub3A_148 = arith.subi %select_n3A_40, %mul3A_147 : i32
      %sub3A_149 = arith.subi %get3A_118, %and3A_121 : vector<16xi32>
      %and3A_150 = arith.constant 127 : i32
      %and3A_151 = vector.broadcast %and3A_150 : i32 to vector<16xi32>
      %and3A_152 = arith.andi %get3A_118, %and3A_151 : vector<16xi32>
      %shift_left3A = arith.constant 3 : i32
      %shift_left3A_153 = vector.broadcast %shift_left3A : i32 to vector<16xi32>
      %shift_left3A_154 = arith.shli %and3A_152, %shift_left3A_153 : vector<16xi32>
      %add3A_155 = arith.addi %sub3A_149, %shift_left3A_154 : vector<16xi32>
      %shift_right_arithmetic3A = arith.constant 7 : i32
      %shift_right_arithmetic3A_156 = vector.broadcast %shift_right_arithmetic3A : i32 to vector<16xi32>
      %shift_right_arithmetic3A_157 = arith.shrsi %and3A_121, %shift_right_arithmetic3A_156 : vector<16xi32>
      %add3A_158 = arith.addi %add3A_155, %shift_right_arithmetic3A_157 : vector<16xi32>
      %mul3A_159 = arith.constant 100352 : i32
      %mul3A_160 = arith.muli %sub3A_148, %mul3A_159 : i32
      %add3A_161 = vector.broadcast %mul3A_160 : i32 to vector<16xi32>
      %add3A_162 = arith.addi %add3A_158, %add3A_161 : vector<16xi32>
      %mul3A_163 = arith.constant 8 : i32
      %mul3A_164 = vector.broadcast %mul3A_163 : i32 to vector<16xi32>
      %mul3A_165 = arith.muli %iota3A, %mul3A_164 : vector<16xi32>
      %mul3A_166 = arith.constant 128 : i32
      %mul3A_167 = arith.muli %scan3A_113, %mul3A_166 : i32
      %add3A_168 = arith.constant 0 : i32
      %add3A_169 = arith.addi %mul3A_167, %add3A_168 : i32
      %add3A_170 = vector.broadcast %add3A_169 : i32 to vector<16xi32>
      %add3A_171 = arith.addi %mul3A_165, %add3A_170 : vector<16xi32>
      tpu.vector_store_idx %arg5[%add3A_171], %add3A_162 : memref<16384xi32, #tpu.memory_space<vmem>>[vector<16xi32>], vector<16xi32>,
      %mul3A_172 = arith.constant 16 : i32
      %mul3A_173 = arith.muli %scan3A_113, %mul3A_172 : i32
      %get3A_174 = arith.constant 1 : i32
      %get3A_175 = arith.index_cast %get3A_174 : i32 to index
      %get3A_176 = arith.index_cast %mul3A_173 : i32 to index
      %get3A_177 = tpu.vector_load %arg4[%get3A_175, %get3A_176] {strides = array<i32>} : memref<8x2048xi32, #tpu.memory_space<vmem>>, vector<16xi32>,
      %and3A_178 = arith.constant 1023 : i32
      %and3A_179 = vector.broadcast %and3A_178 : i32 to vector<16xi32>
      %and3A_180 = arith.andi %get3A_177, %and3A_179 : vector<16xi32>
      %jit3A_181 = arith.constant 2 : i32
      %div3A_182 = arith.divsi %select_n3A, %jit3A_181 : i32
      %sign3A_183 = arith.constant 0 : i32
      %sign3A_184 = arith.cmpi sgt, %select_n3A, %sign3A_183 : i32
      %sign3A_185 = arith.extui %sign3A_184 : i1 to i32
      %sign3A_186 = arith.constant 0 : i32
      %sign3A_187 = arith.cmpi slt, %select_n3A, %sign3A_186 : i32
      %sign3A_188 = arith.extui %sign3A_187 : i1 to i32
      %sign3A_189 = arith.subi %sign3A_185, %sign3A_188 : i32
      %sign3A_190 = arith.constant 0 : i32
      %sign3A_191 = arith.cmpi sgt, %jit3A_181, %sign3A_190 : i32
      %sign3A_192 = arith.extui %sign3A_191 : i1 to i32
      %sign3A_193 = arith.constant 0 : i32
      %sign3A_194 = arith.cmpi slt, %jit3A_181, %sign3A_193 : i32
      %sign3A_195 = arith.extui %sign3A_194 : i1 to i32
      %sign3A_196 = arith.subi %sign3A_192, %sign3A_195 : i32
      %ne3A_197 = arith.cmpi ne, %sign3A_189, %sign3A_196 : i32
      %rem3A_198 = arith.remsi %select_n3A, %jit3A_181 : i32
      %ne3A_199 = arith.constant 0 : i32
      %ne3A_200 = arith.cmpi ne, %rem3A_198, %ne3A_199 : i32
      %and3A_201 = arith.andi %ne3A_197, %ne3A_200 : i1
      %sub3A_202 = arith.constant 1 : i32
      %sub3A_203 = arith.subi %div3A_182, %sub3A_202 : i32
      %select_n3A_204 = arith.select %and3A_201, %sub3A_203, %div3A_182 : i32
      %mul3A_205 = arith.constant 16 : i32
      %mul3A_206 = arith.muli %select_n3A_204, %mul3A_205 : i32
      %sub3A_207 = arith.subi %select_n3A_48, %mul3A_206 : i32
      %sub3A_208 = arith.subi %get3A_177, %and3A_180 : vector<16xi32>
      %and3A_209 = arith.constant 127 : i32
      %and3A_210 = vector.broadcast %and3A_209 : i32 to vector<16xi32>
      %and3A_211 = arith.andi %get3A_177, %and3A_210 : vector<16xi32>
      %shift_left3A_212 = arith.constant 3 : i32
      %shift_left3A_213 = vector.broadcast %shift_left3A_212 : i32 to vector<16xi32>
      %shift_left3A_214 = arith.shli %and3A_211, %shift_left3A_213 : vector<16xi32>
      %add3A_215 = arith.addi %sub3A_208, %shift_left3A_214 : vector<16xi32>
      %shift_right_arithmetic3A_216 = arith.constant 7 : i32
      %shift_right_arithmetic3A_217 = vector.broadcast %shift_right_arithmetic3A_216 : i32 to vector<16xi32>
      %shift_right_arithmetic3A_218 = arith.shrsi %and3A_180, %shift_right_arithmetic3A_217 : vector<16xi32>
      %add3A_219 = arith.addi %add3A_215, %shift_right_arithmetic3A_218 : vector<16xi32>
      %mul3A_220 = arith.constant 100352 : i32
      %mul3A_221 = arith.muli %sub3A_207, %mul3A_220 : i32
      %add3A_222 = vector.broadcast %mul3A_221 : i32 to vector<16xi32>
      %add3A_223 = arith.addi %add3A_219, %add3A_222 : vector<16xi32>
      %mul3A_224 = arith.constant 8 : i32
      %mul3A_225 = vector.broadcast %mul3A_224 : i32 to vector<16xi32>
      %mul3A_226 = arith.muli %iota3A, %mul3A_225 : vector<16xi32>
      %mul3A_227 = arith.constant 128 : i32
      %mul3A_228 = arith.muli %scan3A_113, %mul3A_227 : i32
      %add3A_229 = arith.constant 1 : i32
      %add3A_230 = arith.addi %mul3A_228, %add3A_229 : i32
      %add3A_231 = vector.broadcast %add3A_230 : i32 to vector<16xi32>
      %add3A_232 = arith.addi %mul3A_226, %add3A_231 : vector<16xi32>
      tpu.vector_store_idx %arg5[%add3A_232], %add3A_223 : memref<16384xi32, #tpu.memory_space<vmem>>[vector<16xi32>], vector<16xi32>,
      %mul3A_233 = arith.constant 16 : i32
      %mul3A_234 = arith.muli %scan3A_113, %mul3A_233 : i32
      %get3A_235 = arith.constant 2 : i32
      %get3A_236 = arith.index_cast %get3A_235 : i32 to index
      %get3A_237 = arith.index_cast %mul3A_234 : i32 to index
      %get3A_238 = tpu.vector_load %arg4[%get3A_236, %get3A_237] {strides = array<i32>} : memref<8x2048xi32, #tpu.memory_space<vmem>>, vector<16xi32>,
      %and3A_239 = arith.constant 1023 : i32
      %and3A_240 = vector.broadcast %and3A_239 : i32 to vector<16xi32>
      %and3A_241 = arith.andi %get3A_238, %and3A_240 : vector<16xi32>
      %jit3A_242 = arith.constant 2 : i32
      %div3A_243 = arith.divsi %select_n3A, %jit3A_242 : i32
      %sign3A_244 = arith.constant 0 : i32
      %sign3A_245 = arith.cmpi sgt, %select_n3A, %sign3A_244 : i32
      %sign3A_246 = arith.extui %sign3A_245 : i1 to i32
      %sign3A_247 = arith.constant 0 : i32
      %sign3A_248 = arith.cmpi slt, %select_n3A, %sign3A_247 : i32
      %sign3A_249 = arith.extui %sign3A_248 : i1 to i32
      %sign3A_250 = arith.subi %sign3A_246, %sign3A_249 : i32
      %sign3A_251 = arith.constant 0 : i32
      %sign3A_252 = arith.cmpi sgt, %jit3A_242, %sign3A_251 : i32
      %sign3A_253 = arith.extui %sign3A_252 : i1 to i32
      %sign3A_254 = arith.constant 0 : i32
      %sign3A_255 = arith.cmpi slt, %jit3A_242, %sign3A_254 : i32
      %sign3A_256 = arith.extui %sign3A_255 : i1 to i32
      %sign3A_257 = arith.subi %sign3A_253, %sign3A_256 : i32
      %ne3A_258 = arith.cmpi ne, %sign3A_250, %sign3A_257 : i32
      %rem3A_259 = arith.remsi %select_n3A, %jit3A_242 : i32
      %ne3A_260 = arith.constant 0 : i32
      %ne3A_261 = arith.cmpi ne, %rem3A_259, %ne3A_260 : i32
      %and3A_262 = arith.andi %ne3A_258, %ne3A_261 : i1
      %sub3A_263 = arith.constant 1 : i32
      %sub3A_264 = arith.subi %div3A_243, %sub3A_263 : i32
      %select_n3A_265 = arith.select %and3A_262, %sub3A_264, %div3A_243 : i32
      %mul3A_266 = arith.constant 16 : i32
      %mul3A_267 = arith.muli %select_n3A_265, %mul3A_266 : i32
      %sub3A_268 = arith.subi %select_n3A_57, %mul3A_267 : i32
      %sub3A_269 = arith.subi %get3A_238, %and3A_241 : vector<16xi32>
      %and3A_270 = arith.constant 127 : i32
      %and3A_271 = vector.broadcast %and3A_270 : i32 to vector<16xi32>
      %and3A_272 = arith.andi %get3A_238, %and3A_271 : vector<16xi32>
      %shift_left3A_273 = arith.constant 3 : i32
      %shift_left3A_274 = vector.broadcast %shift_left3A_273 : i32 to vector<16xi32>
      %shift_left3A_275 = arith.shli %and3A_272, %shift_left3A_274 : vector<16xi32>
      %add3A_276 = arith.addi %sub3A_269, %shift_left3A_275 : vector<16xi32>
      %shift_right_arithmetic3A_277 = arith.constant 7 : i32
      %shift_right_arithmetic3A_278 = vector.broadcast %shift_right_arithmetic3A_277 : i32 to vector<16xi32>
      %shift_right_arithmetic3A_279 = arith.shrsi %and3A_241, %shift_right_arithmetic3A_278 : vector<16xi32>
      %add3A_280 = arith.addi %add3A_276, %shift_right_arithmetic3A_279 : vector<16xi32>
      %mul3A_281 = arith.constant 100352 : i32
      %mul3A_282 = arith.muli %sub3A_268, %mul3A_281 : i32
      %add3A_283 = vector.broadcast %mul3A_282 : i32 to vector<16xi32>
      %add3A_284 = arith.addi %add3A_280, %add3A_283 : vector<16xi32>
      %mul3A_285 = arith.constant 8 : i32
      %mul3A_286 = vector.broadcast %mul3A_285 : i32 to vector<16xi32>
      %mul3A_287 = arith.muli %iota3A, %mul3A_286 : vector<16xi32>
      %mul3A_288 = arith.constant 128 : i32
      %mul3A_289 = arith.muli %scan3A_113, %mul3A_288 : i32
      %add3A_290 = arith.constant 2 : i32
      %add3A_291 = arith.addi %mul3A_289, %add3A_290 : i32
      %add3A_292 = vector.broadcast %add3A_291 : i32 to vector<16xi32>
      %add3A_293 = arith.addi %mul3A_287, %add3A_292 : vector<16xi32>
      tpu.vector_store_idx %arg5[%add3A_293], %add3A_284 : memref<16384xi32, #tpu.memory_space<vmem>>[vector<16xi32>], vector<16xi32>,
      %mul3A_294 = arith.constant 16 : i32
      %mul3A_295 = arith.muli %scan3A_113, %mul3A_294 : i32
      %get3A_296 = arith.constant 3 : i32
      %get3A_297 = arith.index_cast %get3A_296 : i32 to index
      %get3A_298 = arith.index_cast %mul3A_295 : i32 to index
      %get3A_299 = tpu.vector_load %arg4[%get3A_297, %get3A_298] {strides = array<i32>} : memref<8x2048xi32, #tpu.memory_space<vmem>>, vector<16xi32>,
      %and3A_300 = arith.constant 1023 : i32
      %and3A_301 = vector.broadcast %and3A_300 : i32 to vector<16xi32>
      %and3A_302 = arith.andi %get3A_299, %and3A_301 : vector<16xi32>
      %jit3A_303 = arith.constant 2 : i32
      %div3A_304 = arith.divsi %select_n3A, %jit3A_303 : i32
      %sign3A_305 = arith.constant 0 : i32
      %sign3A_306 = arith.cmpi sgt, %select_n3A, %sign3A_305 : i32
      %sign3A_307 = arith.extui %sign3A_306 : i1 to i32
      %sign3A_308 = arith.constant 0 : i32
      %sign3A_309 = arith.cmpi slt, %select_n3A, %sign3A_308 : i32
      %sign3A_310 = arith.extui %sign3A_309 : i1 to i32
      %sign3A_311 = arith.subi %sign3A_307, %sign3A_310 : i32
      %sign3A_312 = arith.constant 0 : i32
      %sign3A_313 = arith.cmpi sgt, %jit3A_303, %sign3A_312 : i32
      %sign3A_314 = arith.extui %sign3A_313 : i1 to i32
      %sign3A_315 = arith.constant 0 : i32
      %sign3A_316 = arith.cmpi slt, %jit3A_303, %sign3A_315 : i32
      %sign3A_317 = arith.extui %sign3A_316 : i1 to i32
      %sign3A_318 = arith.subi %sign3A_314, %sign3A_317 : i32
      %ne3A_319 = arith.cmpi ne, %sign3A_311, %sign3A_318 : i32
      %rem3A_320 = arith.remsi %select_n3A, %jit3A_303 : i32
      %ne3A_321 = arith.constant 0 : i32
      %ne3A_322 = arith.cmpi ne, %rem3A_320, %ne3A_321 : i32
      %and3A_323 = arith.andi %ne3A_319, %ne3A_322 : i1
      %sub3A_324 = arith.constant 1 : i32
      %sub3A_325 = arith.subi %div3A_304, %sub3A_324 : i32
      %select_n3A_326 = arith.select %and3A_323, %sub3A_325, %div3A_304 : i32
      %mul3A_327 = arith.constant 16 : i32
      %mul3A_328 = arith.muli %select_n3A_326, %mul3A_327 : i32
      %sub3A_329 = arith.subi %select_n3A_66, %mul3A_328 : i32
      %sub3A_330 = arith.subi %get3A_299, %and3A_302 : vector<16xi32>
      %and3A_331 = arith.constant 127 : i32
      %and3A_332 = vector.broadcast %and3A_331 : i32 to vector<16xi32>
      %and3A_333 = arith.andi %get3A_299, %and3A_332 : vector<16xi32>
      %shift_left3A_334 = arith.constant 3 : i32
      %shift_left3A_335 = vector.broadcast %shift_left3A_334 : i32 to vector<16xi32>
      %shift_left3A_336 = arith.shli %and3A_333, %shift_left3A_335 : vector<16xi32>
      %add3A_337 = arith.addi %sub3A_330, %shift_left3A_336 : vector<16xi32>
      %shift_right_arithmetic3A_338 = arith.constant 7 : i32
      %shift_right_arithmetic3A_339 = vector.broadcast %shift_right_arithmetic3A_338 : i32 to vector<16xi32>
      %shift_right_arithmetic3A_340 = arith.shrsi %and3A_302, %shift_right_arithmetic3A_339 : vector<16xi32>
      %add3A_341 = arith.addi %add3A_337, %shift_right_arithmetic3A_340 : vector<16xi32>
      %mul3A_342 = arith.constant 100352 : i32
      %mul3A_343 = arith.muli %sub3A_329, %mul3A_342 : i32
      %add3A_344 = vector.broadcast %mul3A_343 : i32 to vector<16xi32>
      %add3A_345 = arith.addi %add3A_341, %add3A_344 : vector<16xi32>
      %mul3A_346 = arith.constant 8 : i32
      %mul3A_347 = vector.broadcast %mul3A_346 : i32 to vector<16xi32>
      %mul3A_348 = arith.muli %iota3A, %mul3A_347 : vector<16xi32>
      %mul3A_349 = arith.constant 128 : i32
      %mul3A_350 = arith.muli %scan3A_113, %mul3A_349 : i32
      %add3A_351 = arith.constant 3 : i32
      %add3A_352 = arith.addi %mul3A_350, %add3A_351 : i32
      %add3A_353 = vector.broadcast %add3A_352 : i32 to vector<16xi32>
      %add3A_354 = arith.addi %mul3A_348, %add3A_353 : vector<16xi32>
      tpu.vector_store_idx %arg5[%add3A_354], %add3A_345 : memref<16384xi32, #tpu.memory_space<vmem>>[vector<16xi32>], vector<16xi32>,
      %mul3A_355 = arith.constant 16 : i32
      %mul3A_356 = arith.muli %scan3A_113, %mul3A_355 : i32
      %get3A_357 = arith.constant 4 : i32
      %get3A_358 = arith.index_cast %get3A_357 : i32 to index
      %get3A_359 = arith.index_cast %mul3A_356 : i32 to index
      %get3A_360 = tpu.vector_load %arg4[%get3A_358, %get3A_359] {strides = array<i32>} : memref<8x2048xi32, #tpu.memory_space<vmem>>, vector<16xi32>,
      %and3A_361 = arith.constant 1023 : i32
      %and3A_362 = vector.broadcast %and3A_361 : i32 to vector<16xi32>
      %and3A_363 = arith.andi %get3A_360, %and3A_362 : vector<16xi32>
      %jit3A_364 = arith.constant 2 : i32
      %div3A_365 = arith.divsi %select_n3A, %jit3A_364 : i32
      %sign3A_366 = arith.constant 0 : i32
      %sign3A_367 = arith.cmpi sgt, %select_n3A, %sign3A_366 : i32
      %sign3A_368 = arith.extui %sign3A_367 : i1 to i32
      %sign3A_369 = arith.constant 0 : i32
      %sign3A_370 = arith.cmpi slt, %select_n3A, %sign3A_369 : i32
      %sign3A_371 = arith.extui %sign3A_370 : i1 to i32
      %sign3A_372 = arith.subi %sign3A_368, %sign3A_371 : i32
      %sign3A_373 = arith.constant 0 : i32
      %sign3A_374 = arith.cmpi sgt, %jit3A_364, %sign3A_373 : i32
      %sign3A_375 = arith.extui %sign3A_374 : i1 to i32
      %sign3A_376 = arith.constant 0 : i32
      %sign3A_377 = arith.cmpi slt, %jit3A_364, %sign3A_376 : i32
      %sign3A_378 = arith.extui %sign3A_377 : i1 to i32
      %sign3A_379 = arith.subi %sign3A_375, %sign3A_378 : i32
      %ne3A_380 = arith.cmpi ne, %sign3A_372, %sign3A_379 : i32
      %rem3A_381 = arith.remsi %select_n3A, %jit3A_364 : i32
      %ne3A_382 = arith.constant 0 : i32
      %ne3A_383 = arith.cmpi ne, %rem3A_381, %ne3A_382 : i32
      %and3A_384 = arith.andi %ne3A_380, %ne3A_383 : i1
      %sub3A_385 = arith.constant 1 : i32
      %sub3A_386 = arith.subi %div3A_365, %sub3A_385 : i32
      %select_n3A_387 = arith.select %and3A_384, %sub3A_386, %div3A_365 : i32
      %mul3A_388 = arith.constant 16 : i32
      %mul3A_389 = arith.muli %select_n3A_387, %mul3A_388 : i32
      %sub3A_390 = arith.subi %select_n3A_75, %mul3A_389 : i32
      %sub3A_391 = arith.subi %get3A_360, %and3A_363 : vector<16xi32>
      %and3A_392 = arith.constant 127 : i32
      %and3A_393 = vector.broadcast %and3A_392 : i32 to vector<16xi32>
      %and3A_394 = arith.andi %get3A_360, %and3A_393 : vector<16xi32>
      %shift_left3A_395 = arith.constant 3 : i32
      %shift_left3A_396 = vector.broadcast %shift_left3A_395 : i32 to vector<16xi32>
      %shift_left3A_397 = arith.shli %and3A_394, %shift_left3A_396 : vector<16xi32>
      %add3A_398 = arith.addi %sub3A_391, %shift_left3A_397 : vector<16xi32>
      %shift_right_arithmetic3A_399 = arith.constant 7 : i32
      %shift_right_arithmetic3A_400 = vector.broadcast %shift_right_arithmetic3A_399 : i32 to vector<16xi32>
      %shift_right_arithmetic3A_401 = arith.shrsi %and3A_363, %shift_right_arithmetic3A_400 : vector<16xi32>
      %add3A_402 = arith.addi %add3A_398, %shift_right_arithmetic3A_401 : vector<16xi32>
      %mul3A_403 = arith.constant 100352 : i32
      %mul3A_404 = arith.muli %sub3A_390, %mul3A_403 : i32
      %add3A_405 = vector.broadcast %mul3A_404 : i32 to vector<16xi32>
      %add3A_406 = arith.addi %add3A_402, %add3A_405 : vector<16xi32>
      %mul3A_407 = arith.constant 8 : i32
      %mul3A_408 = vector.broadcast %mul3A_407 : i32 to vector<16xi32>
      %mul3A_409 = arith.muli %iota3A, %mul3A_408 : vector<16xi32>
      %mul3A_410 = arith.constant 128 : i32
      %mul3A_411 = arith.muli %scan3A_113, %mul3A_410 : i32
      %add3A_412 = arith.constant 4 : i32
      %add3A_413 = arith.addi %mul3A_411, %add3A_412 : i32
      %add3A_414 = vector.broadcast %add3A_413 : i32 to vector<16xi32>
      %add3A_415 = arith.addi %mul3A_409, %add3A_414 : vector<16xi32>
      tpu.vector_store_idx %arg5[%add3A_415], %add3A_406 : memref<16384xi32, #tpu.memory_space<vmem>>[vector<16xi32>], vector<16xi32>,
      %mul3A_416 = arith.constant 16 : i32
      %mul3A_417 = arith.muli %scan3A_113, %mul3A_416 : i32
      %get3A_418 = arith.constant 5 : i32
      %get3A_419 = arith.index_cast %get3A_418 : i32 to index
      %get3A_420 = arith.index_cast %mul3A_417 : i32 to index
      %get3A_421 = tpu.vector_load %arg4[%get3A_419, %get3A_420] {strides = array<i32>} : memref<8x2048xi32, #tpu.memory_space<vmem>>, vector<16xi32>,
      %and3A_422 = arith.constant 1023 : i32
      %and3A_423 = vector.broadcast %and3A_422 : i32 to vector<16xi32>
      %and3A_424 = arith.andi %get3A_421, %and3A_423 : vector<16xi32>
      %jit3A_425 = arith.constant 2 : i32
      %div3A_426 = arith.divsi %select_n3A, %jit3A_425 : i32
      %sign3A_427 = arith.constant 0 : i32
      %sign3A_428 = arith.cmpi sgt, %select_n3A, %sign3A_427 : i32
      %sign3A_429 = arith.extui %sign3A_428 : i1 to i32
      %sign3A_430 = arith.constant 0 : i32
      %sign3A_431 = arith.cmpi slt, %select_n3A, %sign3A_430 : i32
      %sign3A_432 = arith.extui %sign3A_431 : i1 to i32
      %sign3A_433 = arith.subi %sign3A_429, %sign3A_432 : i32
      %sign3A_434 = arith.constant 0 : i32
      %sign3A_435 = arith.cmpi sgt, %jit3A_425, %sign3A_434 : i32
      %sign3A_436 = arith.extui %sign3A_435 : i1 to i32
      %sign3A_437 = arith.constant 0 : i32
      %sign3A_438 = arith.cmpi slt, %jit3A_425, %sign3A_437 : i32
      %sign3A_439 = arith.extui %sign3A_438 : i1 to i32
      %sign3A_440 = arith.subi %sign3A_436, %sign3A_439 : i32
      %ne3A_441 = arith.cmpi ne, %sign3A_433, %sign3A_440 : i32
      %rem3A_442 = arith.remsi %select_n3A, %jit3A_425 : i32
      %ne3A_443 = arith.constant 0 : i32
      %ne3A_444 = arith.cmpi ne, %rem3A_442, %ne3A_443 : i32
      %and3A_445 = arith.andi %ne3A_441, %ne3A_444 : i1
      %sub3A_446 = arith.constant 1 : i32
      %sub3A_447 = arith.subi %div3A_426, %sub3A_446 : i32
      %select_n3A_448 = arith.select %and3A_445, %sub3A_447, %div3A_426 : i32
      %mul3A_449 = arith.constant 16 : i32
      %mul3A_450 = arith.muli %select_n3A_448, %mul3A_449 : i32
      %sub3A_451 = arith.subi %select_n3A_84, %mul3A_450 : i32
      %sub3A_452 = arith.subi %get3A_421, %and3A_424 : vector<16xi32>
      %and3A_453 = arith.constant 127 : i32
      %and3A_454 = vector.broadcast %and3A_453 : i32 to vector<16xi32>
      %and3A_455 = arith.andi %get3A_421, %and3A_454 : vector<16xi32>
      %shift_left3A_456 = arith.constant 3 : i32
      %shift_left3A_457 = vector.broadcast %shift_left3A_456 : i32 to vector<16xi32>
      %shift_left3A_458 = arith.shli %and3A_455, %shift_left3A_457 : vector<16xi32>
      %add3A_459 = arith.addi %sub3A_452, %shift_left3A_458 : vector<16xi32>
      %shift_right_arithmetic3A_460 = arith.constant 7 : i32
      %shift_right_arithmetic3A_461 = vector.broadcast %shift_right_arithmetic3A_460 : i32 to vector<16xi32>
      %shift_right_arithmetic3A_462 = arith.shrsi %and3A_424, %shift_right_arithmetic3A_461 : vector<16xi32>
      %add3A_463 = arith.addi %add3A_459, %shift_right_arithmetic3A_462 : vector<16xi32>
      %mul3A_464 = arith.constant 100352 : i32
      %mul3A_465 = arith.muli %sub3A_451, %mul3A_464 : i32
      %add3A_466 = vector.broadcast %mul3A_465 : i32 to vector<16xi32>
      %add3A_467 = arith.addi %add3A_463, %add3A_466 : vector<16xi32>
      %mul3A_468 = arith.constant 8 : i32
      %mul3A_469 = vector.broadcast %mul3A_468 : i32 to vector<16xi32>
      %mul3A_470 = arith.muli %iota3A, %mul3A_469 : vector<16xi32>
      %mul3A_471 = arith.constant 128 : i32
      %mul3A_472 = arith.muli %scan3A_113, %mul3A_471 : i32
      %add3A_473 = arith.constant 5 : i32
      %add3A_474 = arith.addi %mul3A_472, %add3A_473 : i32
      %add3A_475 = vector.broadcast %add3A_474 : i32 to vector<16xi32>
      %add3A_476 = arith.addi %mul3A_470, %add3A_475 : vector<16xi32>
      tpu.vector_store_idx %arg5[%add3A_476], %add3A_467 : memref<16384xi32, #tpu.memory_space<vmem>>[vector<16xi32>], vector<16xi32>,
      %mul3A_477 = arith.constant 16 : i32
      %mul3A_478 = arith.muli %scan3A_113, %mul3A_477 : i32
      %get3A_479 = arith.constant 6 : i32
      %get3A_480 = arith.index_cast %get3A_479 : i32 to index
      %get3A_481 = arith.index_cast %mul3A_478 : i32 to index
      %get3A_482 = tpu.vector_load %arg4[%get3A_480, %get3A_481] {strides = array<i32>} : memref<8x2048xi32, #tpu.memory_space<vmem>>, vector<16xi32>,
      %and3A_483 = arith.constant 1023 : i32
      %and3A_484 = vector.broadcast %and3A_483 : i32 to vector<16xi32>
      %and3A_485 = arith.andi %get3A_482, %and3A_484 : vector<16xi32>
      %jit3A_486 = arith.constant 2 : i32
      %div3A_487 = arith.divsi %select_n3A, %jit3A_486 : i32
      %sign3A_488 = arith.constant 0 : i32
      %sign3A_489 = arith.cmpi sgt, %select_n3A, %sign3A_488 : i32
      %sign3A_490 = arith.extui %sign3A_489 : i1 to i32
      %sign3A_491 = arith.constant 0 : i32
      %sign3A_492 = arith.cmpi slt, %select_n3A, %sign3A_491 : i32
      %sign3A_493 = arith.extui %sign3A_492 : i1 to i32
      %sign3A_494 = arith.subi %sign3A_490, %sign3A_493 : i32
      %sign3A_495 = arith.constant 0 : i32
      %sign3A_496 = arith.cmpi sgt, %jit3A_486, %sign3A_495 : i32
      %sign3A_497 = arith.extui %sign3A_496 : i1 to i32
      %sign3A_498 = arith.constant 0 : i32
      %sign3A_499 = arith.cmpi slt, %jit3A_486, %sign3A_498 : i32
      %sign3A_500 = arith.extui %sign3A_499 : i1 to i32
      %sign3A_501 = arith.subi %sign3A_497, %sign3A_500 : i32
      %ne3A_502 = arith.cmpi ne, %sign3A_494, %sign3A_501 : i32
      %rem3A_503 = arith.remsi %select_n3A, %jit3A_486 : i32
      %ne3A_504 = arith.constant 0 : i32
      %ne3A_505 = arith.cmpi ne, %rem3A_503, %ne3A_504 : i32
      %and3A_506 = arith.andi %ne3A_502, %ne3A_505 : i1
      %sub3A_507 = arith.constant 1 : i32
      %sub3A_508 = arith.subi %div3A_487, %sub3A_507 : i32
      %select_n3A_509 = arith.select %and3A_506, %sub3A_508, %div3A_487 : i32
      %mul3A_510 = arith.constant 16 : i32
      %mul3A_511 = arith.muli %select_n3A_509, %mul3A_510 : i32
      %sub3A_512 = arith.subi %select_n3A_93, %mul3A_511 : i32
      %sub3A_513 = arith.subi %get3A_482, %and3A_485 : vector<16xi32>
      %and3A_514 = arith.constant 127 : i32
      %and3A_515 = vector.broadcast %and3A_514 : i32 to vector<16xi32>
      %and3A_516 = arith.andi %get3A_482, %and3A_515 : vector<16xi32>
      %shift_left3A_517 = arith.constant 3 : i32
      %shift_left3A_518 = vector.broadcast %shift_left3A_517 : i32 to vector<16xi32>
      %shift_left3A_519 = arith.shli %and3A_516, %shift_left3A_518 : vector<16xi32>
      %add3A_520 = arith.addi %sub3A_513, %shift_left3A_519 : vector<16xi32>
      %shift_right_arithmetic3A_521 = arith.constant 7 : i32
      %shift_right_arithmetic3A_522 = vector.broadcast %shift_right_arithmetic3A_521 : i32 to vector<16xi32>
      %shift_right_arithmetic3A_523 = arith.shrsi %and3A_485, %shift_right_arithmetic3A_522 : vector<16xi32>
      %add3A_524 = arith.addi %add3A_520, %shift_right_arithmetic3A_523 : vector<16xi32>
      %mul3A_525 = arith.constant 100352 : i32
      %mul3A_526 = arith.muli %sub3A_512, %mul3A_525 : i32
      %add3A_527 = vector.broadcast %mul3A_526 : i32 to vector<16xi32>
      %add3A_528 = arith.addi %add3A_524, %add3A_527 : vector<16xi32>
      %mul3A_529 = arith.constant 8 : i32
      %mul3A_530 = vector.broadcast %mul3A_529 : i32 to vector<16xi32>
      %mul3A_531 = arith.muli %iota3A, %mul3A_530 : vector<16xi32>
      %mul3A_532 = arith.constant 128 : i32
      %mul3A_533 = arith.muli %scan3A_113, %mul3A_532 : i32
      %add3A_534 = arith.constant 6 : i32
      %add3A_535 = arith.addi %mul3A_533, %add3A_534 : i32
      %add3A_536 = vector.broadcast %add3A_535 : i32 to vector<16xi32>
      %add3A_537 = arith.addi %mul3A_531, %add3A_536 : vector<16xi32>
      tpu.vector_store_idx %arg5[%add3A_537], %add3A_528 : memref<16384xi32, #tpu.memory_space<vmem>>[vector<16xi32>], vector<16xi32>,
      %mul3A_538 = arith.constant 16 : i32
      %mul3A_539 = arith.muli %scan3A_113, %mul3A_538 : i32
      %get3A_540 = arith.constant 7 : i32
      %get3A_541 = arith.index_cast %get3A_540 : i32 to index
      %get3A_542 = arith.index_cast %mul3A_539 : i32 to index
      %get3A_543 = tpu.vector_load %arg4[%get3A_541, %get3A_542] {strides = array<i32>} : memref<8x2048xi32, #tpu.memory_space<vmem>>, vector<16xi32>,
      %and3A_544 = arith.constant 1023 : i32
      %and3A_545 = vector.broadcast %and3A_544 : i32 to vector<16xi32>
      %and3A_546 = arith.andi %get3A_543, %and3A_545 : vector<16xi32>
      %jit3A_547 = arith.constant 2 : i32
      %div3A_548 = arith.divsi %select_n3A, %jit3A_547 : i32
      %sign3A_549 = arith.constant 0 : i32
      %sign3A_550 = arith.cmpi sgt, %select_n3A, %sign3A_549 : i32
      %sign3A_551 = arith.extui %sign3A_550 : i1 to i32
      %sign3A_552 = arith.constant 0 : i32
      %sign3A_553 = arith.cmpi slt, %select_n3A, %sign3A_552 : i32
      %sign3A_554 = arith.extui %sign3A_553 : i1 to i32
      %sign3A_555 = arith.subi %sign3A_551, %sign3A_554 : i32
      %sign3A_556 = arith.constant 0 : i32
      %sign3A_557 = arith.cmpi sgt, %jit3A_547, %sign3A_556 : i32
      %sign3A_558 = arith.extui %sign3A_557 : i1 to i32
      %sign3A_559 = arith.constant 0 : i32
      %sign3A_560 = arith.cmpi slt, %jit3A_547, %sign3A_559 : i32
      %sign3A_561 = arith.extui %sign3A_560 : i1 to i32
      %sign3A_562 = arith.subi %sign3A_558, %sign3A_561 : i32
      %ne3A_563 = arith.cmpi ne, %sign3A_555, %sign3A_562 : i32
      %rem3A_564 = arith.remsi %select_n3A, %jit3A_547 : i32
      %ne3A_565 = arith.constant 0 : i32
      %ne3A_566 = arith.cmpi ne, %rem3A_564, %ne3A_565 : i32
      %and3A_567 = arith.andi %ne3A_563, %ne3A_566 : i1
      %sub3A_568 = arith.constant 1 : i32
      %sub3A_569 = arith.subi %div3A_548, %sub3A_568 : i32
      %select_n3A_570 = arith.select %and3A_567, %sub3A_569, %div3A_548 : i32
      %mul3A_571 = arith.constant 16 : i32
      %mul3A_572 = arith.muli %select_n3A_570, %mul3A_571 : i32
      %sub3A_573 = arith.subi %select_n3A_102, %mul3A_572 : i32
      %sub3A_574 = arith.subi %get3A_543, %and3A_546 : vector<16xi32>
      %and3A_575 = arith.constant 127 : i32
      %and3A_576 = vector.broadcast %and3A_575 : i32 to vector<16xi32>
      %and3A_577 = arith.andi %get3A_543, %and3A_576 : vector<16xi32>
      %shift_left3A_578 = arith.constant 3 : i32
      %shift_left3A_579 = vector.broadcast %shift_left3A_578 : i32 to vector<16xi32>
      %shift_left3A_580 = arith.shli %and3A_577, %shift_left3A_579 : vector<16xi32>
      %add3A_581 = arith.addi %sub3A_574, %shift_left3A_580 : vector<16xi32>
      %shift_right_arithmetic3A_582 = arith.constant 7 : i32
      %shift_right_arithmetic3A_583 = vector.broadcast %shift_right_arithmetic3A_582 : i32 to vector<16xi32>
      %shift_right_arithmetic3A_584 = arith.shrsi %and3A_546, %shift_right_arithmetic3A_583 : vector<16xi32>
      %add3A_585 = arith.addi %add3A_581, %shift_right_arithmetic3A_584 : vector<16xi32>
      %mul3A_586 = arith.constant 100352 : i32
      %mul3A_587 = arith.muli %sub3A_573, %mul3A_586 : i32
      %add3A_588 = vector.broadcast %mul3A_587 : i32 to vector<16xi32>
      %add3A_589 = arith.addi %add3A_585, %add3A_588 : vector<16xi32>
      %mul3A_590 = arith.constant 8 : i32
      %mul3A_591 = vector.broadcast %mul3A_590 : i32 to vector<16xi32>
      %mul3A_592 = arith.muli %iota3A, %mul3A_591 : vector<16xi32>
      %mul3A_593 = arith.constant 128 : i32
      %mul3A_594 = arith.muli %scan3A_113, %mul3A_593 : i32
      %add3A_595 = arith.constant 7 : i32
      %add3A_596 = arith.addi %mul3A_594, %add3A_595 : i32
      %add3A_597 = vector.broadcast %add3A_596 : i32 to vector<16xi32>
      %add3A_598 = arith.addi %mul3A_592, %add3A_597 : vector<16xi32>
      tpu.vector_store_idx %arg5[%add3A_598], %add3A_589 : memref<16384xi32, #tpu.memory_space<vmem>>[vector<16xi32>], vector<16xi32>,
    }
    %scan3A_108 = arith.constant 128 : i32
    %mul3A_109 = arith.constant 8 : i32
    %mul3A_110 = arith.muli %add3A, %mul3A_109 : i32
    %mul3A_111 = arith.constant 2048 : i32
    %mul3A_112 = arith.muli %mul3A_110, %mul3A_111 : i32
    "tpu.region"() ({
      %run_scoped3A_113 = tpu.sem_alloc : memref<!tpu.dma_semaphore, #tpu.memory_space<semaphore_mem>>
      %dma_start3A = tpu.memref_slice %arg3[%mul3A_112] : memref<524288xi32, #tpu.memory_space<hbm>> -> memref<16384xi32, #tpu.memory_space<hbm>>
      %dma_start3A_114 = tpu.memref_slice %arg3[%mul3A_112] : memref<524288xi32, #tpu.memory_space<hbm>> -> memref<16384xi32, #tpu.memory_space<hbm>>
      tpu.enqueue_dma source(%arg5 : memref<16384xi32, #tpu.memory_space<vmem>>) target(%dma_start3A_114 : memref<16384xi32, #tpu.memory_space<hbm>>) target_semaphore(%run_scoped3A_113 : memref<!tpu.dma_semaphore, #tpu.memory_space<semaphore_mem>>)
      %dma_wait3A = tpu.memref_slice %arg3[%mul3A_112] : memref<524288xi32, #tpu.memory_space<hbm>> -> memref<16384xi32, #tpu.memory_space<hbm>>
      %dma_wait3A_115 = tpu.memref_slice %arg3[%mul3A_112] : memref<524288xi32, #tpu.memory_space<hbm>> -> memref<16384xi32, #tpu.memory_space<hbm>>
      tpu.wait_dma2 semaphore(%run_scoped3A_113 : memref<!tpu.dma_semaphore, #tpu.memory_space<semaphore_mem>>) src(%arg5 : memref<16384xi32, #tpu.memory_space<vmem>>) dst(%dma_wait3A_115 : memref<16384xi32, #tpu.memory_space<hbm>>)
      tpu.yield
    }) : () -> ()
    return
  }
}

#map = affine_map<(d0, d1) -> (0, 0)>
#map1 = affine_map<(d0, d1) -> (0)>
module attributes {stable_mosaic.version = 14 : i64} {
  func.func @gather_k(%arg0: i32, %arg1: i32, %arg2: memref<1003520x16xf32, #tpu.memory_space<hbm>>, %arg3: memref<524288xi32, #tpu.memory_space<hbm>>, %arg4: memref<262144x16xf32, #tpu.memory_space<hbm>>, %arg5: memref<8192xi32, #tpu.memory_space<vmem>>, %arg6: memref<2x2048x16xf32, #tpu.memory_space<vmem>>, %arg7: memref<!tpu.dma_semaphore, #tpu.memory_space<semaphore_mem>>, %arg8: memref<!tpu.dma_semaphore, #tpu.memory_space<semaphore_mem>>) attributes {dimension_semantics = [#tpu.dimension_semantics<core_parallel>, #tpu.dimension_semantics<subcore_parallel>], iteration_bounds = array<i64: 2, 16>, scalar_prefetch = 0 : i64, scratch_operands = 4 : i64, tpu.core_type = #tpu.core_type<sc_vector_subcore>, window_params = [{transform_indices = #map}, {transform_indices = #map1}, {transform_indices = #map}]} {
    %mul3A = arith.constant 2 : i32
    %mul3A_0 = arith.muli %arg1, %mul3A : i32
    %add3A = arith.addi %mul3A_0, %arg0 : i32
    %mul3A_1 = arith.constant 8192 : i32
    %mul3A_2 = arith.muli %add3A, %mul3A_1 : i32
    %add3A_3 = arith.constant 262144 : i32
    %add3A_4 = arith.addi %add3A_3, %mul3A_2 : i32
    "tpu.region"() ({
      %run_scoped3A_94 = tpu.sem_alloc : memref<!tpu.dma_semaphore, #tpu.memory_space<semaphore_mem>>
      %dma_start3A_95 = tpu.memref_slice %arg3[%add3A_4] : memref<524288xi32, #tpu.memory_space<hbm>> -> memref<8192xi32, #tpu.memory_space<hbm>>
      %dma_start3A_96 = tpu.memref_slice %arg3[%add3A_4] : memref<524288xi32, #tpu.memory_space<hbm>> -> memref<8192xi32, #tpu.memory_space<hbm>>
      tpu.enqueue_dma source(%dma_start3A_96 : memref<8192xi32, #tpu.memory_space<hbm>>) target(%arg5 : memref<8192xi32, #tpu.memory_space<vmem>>) target_semaphore(%run_scoped3A_94 : memref<!tpu.dma_semaphore, #tpu.memory_space<semaphore_mem>>)
      %dma_wait3A_97 = tpu.memref_slice %arg3[%add3A_4] : memref<524288xi32, #tpu.memory_space<hbm>> -> memref<8192xi32, #tpu.memory_space<hbm>>
      %dma_wait3A_98 = tpu.memref_slice %arg3[%add3A_4] : memref<524288xi32, #tpu.memory_space<hbm>> -> memref<8192xi32, #tpu.memory_space<hbm>>
      tpu.wait_dma2 semaphore(%run_scoped3A_94 : memref<!tpu.dma_semaphore, #tpu.memory_space<semaphore_mem>>) src(%dma_wait3A_98 : memref<8192xi32, #tpu.memory_space<hbm>>) dst(%arg5 : memref<8192xi32, #tpu.memory_space<vmem>>)
      tpu.yield
    }) : () -> ()
    %dma_start3A = arith.constant 0 : i32
    %dma_start3A_5 = arith.constant 0 : i32
    %dma_start3A_6 = arith.constant 0 : i32
    %dma_start3A_7 = tpu.memref_slice %arg6[%dma_start3A, %dma_start3A_5, %dma_start3A_6] : memref<2x2048x16xf32, #tpu.memory_space<vmem>> -> memref<1x2048x16xf32, #tpu.memory_space<vmem>>
    %dma_start3A_8 = tpu.memref_squeeze %dma_start3A_7 : memref<1x2048x16xf32, #tpu.memory_space<vmem>> -> memref<2048x16xf32, #tpu.memory_space<vmem>>
    %dma_start3A_9 = arith.constant 0 : i32
    %dma_start3A_10 = tpu.memref_slice %arg5[%dma_start3A_9] : memref<8192xi32, #tpu.memory_space<vmem>> -> memref<2048xi32, #tpu.memory_space<vmem>>
    %dma_start3A_11 = arith.constant 0 : i32
    %dma_start3A_12 = arith.constant 0 : i32
    %dma_start3A_13 = tpu.memref_slice %arg2[%dma_start3A_11, %dma_start3A_12] : memref<1003520x16xf32, #tpu.memory_space<hbm>> -> memref<1003520x16xf32, #tpu.memory_space<hbm>>
    tpu.enqueue_indirect_dma source(%dma_start3A_13 : memref<1003520x16xf32, #tpu.memory_space<hbm>>) target(%dma_start3A_8 : memref<2048x16xf32, #tpu.memory_space<vmem>>) offsets(%dma_start3A_10 : memref<2048xi32, #tpu.memory_space<vmem>>) semaphore(%arg7 : memref<!tpu.dma_semaphore, #tpu.memory_space<semaphore_mem>>)
    %dma_start3A_14 = arith.constant 1 : i32
    %dma_start3A_15 = arith.constant 0 : i32
    %dma_start3A_16 = arith.constant 0 : i32
    %dma_start3A_17 = tpu.memref_slice %arg6[%dma_start3A_14, %dma_start3A_15, %dma_start3A_16] : memref<2x2048x16xf32, #tpu.memory_space<vmem>> -> memref<1x2048x16xf32, #tpu.memory_space<vmem>>
    %dma_start3A_18 = tpu.memref_squeeze %dma_start3A_17 : memref<1x2048x16xf32, #tpu.memory_space<vmem>> -> memref<2048x16xf32, #tpu.memory_space<vmem>>
    %dma_start3A_19 = arith.constant 2048 : i32
    %dma_start3A_20 = tpu.memref_slice %arg5[%dma_start3A_19] : memref<8192xi32, #tpu.memory_space<vmem>> -> memref<2048xi32, #tpu.memory_space<vmem>>
    %dma_start3A_21 = arith.constant 0 : i32
    %dma_start3A_22 = arith.constant 0 : i32
    %dma_start3A_23 = tpu.memref_slice %arg2[%dma_start3A_21, %dma_start3A_22] : memref<1003520x16xf32, #tpu.memory_space<hbm>> -> memref<1003520x16xf32, #tpu.memory_space<hbm>>
    tpu.enqueue_indirect_dma source(%dma_start3A_23 : memref<1003520x16xf32, #tpu.memory_space<hbm>>) target(%dma_start3A_18 : memref<2048x16xf32, #tpu.memory_space<vmem>>) offsets(%dma_start3A_20 : memref<2048xi32, #tpu.memory_space<vmem>>) semaphore(%arg8 : memref<!tpu.dma_semaphore, #tpu.memory_space<semaphore_mem>>)
    %dma_wait3A = arith.constant 0 : i32
    %dma_wait3A_24 = arith.constant 0 : i32
    %dma_wait3A_25 = arith.constant 0 : i32
    %dma_wait3A_26 = tpu.memref_slice %arg6[%dma_wait3A, %dma_wait3A_24, %dma_wait3A_25] : memref<2x2048x16xf32, #tpu.memory_space<vmem>> -> memref<1x2048x16xf32, #tpu.memory_space<vmem>>
    %dma_wait3A_27 = tpu.memref_squeeze %dma_wait3A_26 : memref<1x2048x16xf32, #tpu.memory_space<vmem>> -> memref<2048x16xf32, #tpu.memory_space<vmem>>
    %dma_wait3A_28 = arith.constant 0 : i32
    %dma_wait3A_29 = tpu.memref_slice %arg5[%dma_wait3A_28] : memref<8192xi32, #tpu.memory_space<vmem>> -> memref<2048xi32, #tpu.memory_space<vmem>>
    %dma_wait3A_30 = arith.constant 0 : i32
    %dma_wait3A_31 = arith.constant 0 : i32
    %dma_wait3A_32 = tpu.memref_slice %arg2[%dma_wait3A_30, %dma_wait3A_31] : memref<1003520x16xf32, #tpu.memory_space<hbm>> -> memref<1003520x16xf32, #tpu.memory_space<hbm>>
    tpu.wait_indirect_dma semaphore(%arg7 : memref<!tpu.dma_semaphore, #tpu.memory_space<semaphore_mem>>) src(%dma_wait3A_32 : memref<1003520x16xf32, #tpu.memory_space<hbm>>) dst(%dma_wait3A_27 : memref<2048x16xf32, #tpu.memory_space<vmem>>)
    %add3A_33 = arith.constant 0 : i32
    %add3A_34 = arith.addi %mul3A_2, %add3A_33 : i32
    %run_scoped3A = arith.constant 0 : i32
    "tpu.region"() ({
      %run_scoped3A_94 = tpu.sem_alloc : memref<!tpu.dma_semaphore, #tpu.memory_space<semaphore_mem>>
      %dma_start3A_95 = arith.constant 0 : i32
      %dma_start3A_96 = arith.constant 0 : i32
      %dma_start3A_97 = tpu.memref_slice %arg6[%run_scoped3A, %dma_start3A_95, %dma_start3A_96] : memref<2x2048x16xf32, #tpu.memory_space<vmem>> -> memref<1x2048x16xf32, #tpu.memory_space<vmem>>
      %dma_start3A_98 = tpu.memref_squeeze %dma_start3A_97 : memref<1x2048x16xf32, #tpu.memory_space<vmem>> -> memref<2048x16xf32, #tpu.memory_space<vmem>>
      %dma_start3A_99 = arith.constant 0 : i32
      %dma_start3A_100 = tpu.memref_slice %arg4[%add3A_34, %dma_start3A_99] : memref<262144x16xf32, #tpu.memory_space<hbm>> -> memref<2048x16xf32, #tpu.memory_space<hbm>>
      %dma_start3A_101 = arith.constant 0 : i32
      %dma_start3A_102 = tpu.memref_slice %arg4[%add3A_34, %dma_start3A_101] : memref<262144x16xf32, #tpu.memory_space<hbm>> -> memref<2048x16xf32, #tpu.memory_space<hbm>>
      %dma_start3A_103 = arith.constant 0 : i32
      %dma_start3A_104 = arith.constant 0 : i32
      %dma_start3A_105 = tpu.memref_slice %arg6[%run_scoped3A, %dma_start3A_103, %dma_start3A_104] : memref<2x2048x16xf32, #tpu.memory_space<vmem>> -> memref<1x2048x16xf32, #tpu.memory_space<vmem>>
      %dma_start3A_106 = tpu.memref_squeeze %dma_start3A_105 : memref<1x2048x16xf32, #tpu.memory_space<vmem>> -> memref<2048x16xf32, #tpu.memory_space<vmem>>
      tpu.enqueue_dma source(%dma_start3A_106 : memref<2048x16xf32, #tpu.memory_space<vmem>>) target(%dma_start3A_102 : memref<2048x16xf32, #tpu.memory_space<hbm>>) target_semaphore(%run_scoped3A_94 : memref<!tpu.dma_semaphore, #tpu.memory_space<semaphore_mem>>)
      %dma_wait3A_107 = arith.constant 0 : i32
      %dma_wait3A_108 = arith.constant 0 : i32
      %dma_wait3A_109 = tpu.memref_slice %arg6[%run_scoped3A, %dma_wait3A_107, %dma_wait3A_108] : memref<2x2048x16xf32, #tpu.memory_space<vmem>> -> memref<1x2048x16xf32, #tpu.memory_space<vmem>>
      %dma_wait3A_110 = tpu.memref_squeeze %dma_wait3A_109 : memref<1x2048x16xf32, #tpu.memory_space<vmem>> -> memref<2048x16xf32, #tpu.memory_space<vmem>>
      %dma_wait3A_111 = arith.constant 0 : i32
      %dma_wait3A_112 = tpu.memref_slice %arg4[%add3A_34, %dma_wait3A_111] : memref<262144x16xf32, #tpu.memory_space<hbm>> -> memref<2048x16xf32, #tpu.memory_space<hbm>>
      %dma_wait3A_113 = arith.constant 0 : i32
      %dma_wait3A_114 = tpu.memref_slice %arg4[%add3A_34, %dma_wait3A_113] : memref<262144x16xf32, #tpu.memory_space<hbm>> -> memref<2048x16xf32, #tpu.memory_space<hbm>>
      %dma_wait3A_115 = arith.constant 0 : i32
      %dma_wait3A_116 = arith.constant 0 : i32
      %dma_wait3A_117 = tpu.memref_slice %arg6[%run_scoped3A, %dma_wait3A_115, %dma_wait3A_116] : memref<2x2048x16xf32, #tpu.memory_space<vmem>> -> memref<1x2048x16xf32, #tpu.memory_space<vmem>>
      %dma_wait3A_118 = tpu.memref_squeeze %dma_wait3A_117 : memref<1x2048x16xf32, #tpu.memory_space<vmem>> -> memref<2048x16xf32, #tpu.memory_space<vmem>>
      tpu.wait_dma2 semaphore(%run_scoped3A_94 : memref<!tpu.dma_semaphore, #tpu.memory_space<semaphore_mem>>) src(%dma_wait3A_118 : memref<2048x16xf32, #tpu.memory_space<vmem>>) dst(%dma_wait3A_114 : memref<2048x16xf32, #tpu.memory_space<hbm>>)
      tpu.yield
    }) : () -> ()
    %dma_start3A_35 = arith.constant 0 : i32
    %dma_start3A_36 = arith.constant 0 : i32
    %dma_start3A_37 = arith.constant 0 : i32
    %dma_start3A_38 = tpu.memref_slice %arg6[%dma_start3A_35, %dma_start3A_36, %dma_start3A_37] : memref<2x2048x16xf32, #tpu.memory_space<vmem>> -> memref<1x2048x16xf32, #tpu.memory_space<vmem>>
    %dma_start3A_39 = tpu.memref_squeeze %dma_start3A_38 : memref<1x2048x16xf32, #tpu.memory_space<vmem>> -> memref<2048x16xf32, #tpu.memory_space<vmem>>
    %dma_start3A_40 = arith.constant 4096 : i32
    %dma_start3A_41 = tpu.memref_slice %arg5[%dma_start3A_40] : memref<8192xi32, #tpu.memory_space<vmem>> -> memref<2048xi32, #tpu.memory_space<vmem>>
    %dma_start3A_42 = arith.constant 0 : i32
    %dma_start3A_43 = arith.constant 0 : i32
    %dma_start3A_44 = tpu.memref_slice %arg2[%dma_start3A_42, %dma_start3A_43] : memref<1003520x16xf32, #tpu.memory_space<hbm>> -> memref<1003520x16xf32, #tpu.memory_space<hbm>>
    tpu.enqueue_indirect_dma source(%dma_start3A_44 : memref<1003520x16xf32, #tpu.memory_space<hbm>>) target(%dma_start3A_39 : memref<2048x16xf32, #tpu.memory_space<vmem>>) offsets(%dma_start3A_41 : memref<2048xi32, #tpu.memory_space<vmem>>) semaphore(%arg7 : memref<!tpu.dma_semaphore, #tpu.memory_space<semaphore_mem>>)
    %dma_wait3A_45 = arith.constant 1 : i32
    %dma_wait3A_46 = arith.constant 0 : i32
    %dma_wait3A_47 = arith.constant 0 : i32
    %dma_wait3A_48 = tpu.memref_slice %arg6[%dma_wait3A_45, %dma_wait3A_46, %dma_wait3A_47] : memref<2x2048x16xf32, #tpu.memory_space<vmem>> -> memref<1x2048x16xf32, #tpu.memory_space<vmem>>
    %dma_wait3A_49 = tpu.memref_squeeze %dma_wait3A_48 : memref<1x2048x16xf32, #tpu.memory_space<vmem>> -> memref<2048x16xf32, #tpu.memory_space<vmem>>
    %dma_wait3A_50 = arith.constant 2048 : i32
    %dma_wait3A_51 = tpu.memref_slice %arg5[%dma_wait3A_50] : memref<8192xi32, #tpu.memory_space<vmem>> -> memref<2048xi32, #tpu.memory_space<vmem>>
    %dma_wait3A_52 = arith.constant 0 : i32
    %dma_wait3A_53 = arith.constant 0 : i32
    %dma_wait3A_54 = tpu.memref_slice %arg2[%dma_wait3A_52, %dma_wait3A_53] : memref<1003520x16xf32, #tpu.memory_space<hbm>> -> memref<1003520x16xf32, #tpu.memory_space<hbm>>
    tpu.wait_indirect_dma semaphore(%arg8 : memref<!tpu.dma_semaphore, #tpu.memory_space<semaphore_mem>>) src(%dma_wait3A_54 : memref<1003520x16xf32, #tpu.memory_space<hbm>>) dst(%dma_wait3A_49 : memref<2048x16xf32, #tpu.memory_space<vmem>>)
    %add3A_55 = arith.constant 2048 : i32
    %add3A_56 = arith.addi %mul3A_2, %add3A_55 : i32
    %run_scoped3A_57 = arith.constant 1 : i32
    "tpu.region"() ({
      %run_scoped3A_94 = tpu.sem_alloc : memref<!tpu.dma_semaphore, #tpu.memory_space<semaphore_mem>>
      %dma_start3A_95 = arith.constant 0 : i32
      %dma_start3A_96 = arith.constant 0 : i32
      %dma_start3A_97 = tpu.memref_slice %arg6[%run_scoped3A_57, %dma_start3A_95, %dma_start3A_96] : memref<2x2048x16xf32, #tpu.memory_space<vmem>> -> memref<1x2048x16xf32, #tpu.memory_space<vmem>>
      %dma_start3A_98 = tpu.memref_squeeze %dma_start3A_97 : memref<1x2048x16xf32, #tpu.memory_space<vmem>> -> memref<2048x16xf32, #tpu.memory_space<vmem>>
      %dma_start3A_99 = arith.constant 0 : i32
      %dma_start3A_100 = tpu.memref_slice %arg4[%add3A_56, %dma_start3A_99] : memref<262144x16xf32, #tpu.memory_space<hbm>> -> memref<2048x16xf32, #tpu.memory_space<hbm>>
      %dma_start3A_101 = arith.constant 0 : i32
      %dma_start3A_102 = tpu.memref_slice %arg4[%add3A_56, %dma_start3A_101] : memref<262144x16xf32, #tpu.memory_space<hbm>> -> memref<2048x16xf32, #tpu.memory_space<hbm>>
      %dma_start3A_103 = arith.constant 0 : i32
      %dma_start3A_104 = arith.constant 0 : i32
      %dma_start3A_105 = tpu.memref_slice %arg6[%run_scoped3A_57, %dma_start3A_103, %dma_start3A_104] : memref<2x2048x16xf32, #tpu.memory_space<vmem>> -> memref<1x2048x16xf32, #tpu.memory_space<vmem>>
      %dma_start3A_106 = tpu.memref_squeeze %dma_start3A_105 : memref<1x2048x16xf32, #tpu.memory_space<vmem>> -> memref<2048x16xf32, #tpu.memory_space<vmem>>
      tpu.enqueue_dma source(%dma_start3A_106 : memref<2048x16xf32, #tpu.memory_space<vmem>>) target(%dma_start3A_102 : memref<2048x16xf32, #tpu.memory_space<hbm>>) target_semaphore(%run_scoped3A_94 : memref<!tpu.dma_semaphore, #tpu.memory_space<semaphore_mem>>)
      %dma_wait3A_107 = arith.constant 0 : i32
      %dma_wait3A_108 = arith.constant 0 : i32
      %dma_wait3A_109 = tpu.memref_slice %arg6[%run_scoped3A_57, %dma_wait3A_107, %dma_wait3A_108] : memref<2x2048x16xf32, #tpu.memory_space<vmem>> -> memref<1x2048x16xf32, #tpu.memory_space<vmem>>
      %dma_wait3A_110 = tpu.memref_squeeze %dma_wait3A_109 : memref<1x2048x16xf32, #tpu.memory_space<vmem>> -> memref<2048x16xf32, #tpu.memory_space<vmem>>
      %dma_wait3A_111 = arith.constant 0 : i32
      %dma_wait3A_112 = tpu.memref_slice %arg4[%add3A_56, %dma_wait3A_111] : memref<262144x16xf32, #tpu.memory_space<hbm>> -> memref<2048x16xf32, #tpu.memory_space<hbm>>
      %dma_wait3A_113 = arith.constant 0 : i32
      %dma_wait3A_114 = tpu.memref_slice %arg4[%add3A_56, %dma_wait3A_113] : memref<262144x16xf32, #tpu.memory_space<hbm>> -> memref<2048x16xf32, #tpu.memory_space<hbm>>
      %dma_wait3A_115 = arith.constant 0 : i32
      %dma_wait3A_116 = arith.constant 0 : i32
      %dma_wait3A_117 = tpu.memref_slice %arg6[%run_scoped3A_57, %dma_wait3A_115, %dma_wait3A_116] : memref<2x2048x16xf32, #tpu.memory_space<vmem>> -> memref<1x2048x16xf32, #tpu.memory_space<vmem>>
      %dma_wait3A_118 = tpu.memref_squeeze %dma_wait3A_117 : memref<1x2048x16xf32, #tpu.memory_space<vmem>> -> memref<2048x16xf32, #tpu.memory_space<vmem>>
      tpu.wait_dma2 semaphore(%run_scoped3A_94 : memref<!tpu.dma_semaphore, #tpu.memory_space<semaphore_mem>>) src(%dma_wait3A_118 : memref<2048x16xf32, #tpu.memory_space<vmem>>) dst(%dma_wait3A_114 : memref<2048x16xf32, #tpu.memory_space<hbm>>)
      tpu.yield
    }) : () -> ()
    %dma_start3A_58 = arith.constant 1 : i32
    %dma_start3A_59 = arith.constant 0 : i32
    %dma_start3A_60 = arith.constant 0 : i32
    %dma_start3A_61 = tpu.memref_slice %arg6[%dma_start3A_58, %dma_start3A_59, %dma_start3A_60] : memref<2x2048x16xf32, #tpu.memory_space<vmem>> -> memref<1x2048x16xf32, #tpu.memory_space<vmem>>
    %dma_start3A_62 = tpu.memref_squeeze %dma_start3A_61 : memref<1x2048x16xf32, #tpu.memory_space<vmem>> -> memref<2048x16xf32, #tpu.memory_space<vmem>>
    %dma_start3A_63 = arith.constant 6144 : i32
    %dma_start3A_64 = tpu.memref_slice %arg5[%dma_start3A_63] : memref<8192xi32, #tpu.memory_space<vmem>> -> memref<2048xi32, #tpu.memory_space<vmem>>
    %dma_start3A_65 = arith.constant 0 : i32
    %dma_start3A_66 = arith.constant 0 : i32
    %dma_start3A_67 = tpu.memref_slice %arg2[%dma_start3A_65, %dma_start3A_66] : memref<1003520x16xf32, #tpu.memory_space<hbm>> -> memref<1003520x16xf32, #tpu.memory_space<hbm>>
    tpu.enqueue_indirect_dma source(%dma_start3A_67 : memref<1003520x16xf32, #tpu.memory_space<hbm>>) target(%dma_start3A_62 : memref<2048x16xf32, #tpu.memory_space<vmem>>) offsets(%dma_start3A_64 : memref<2048xi32, #tpu.memory_space<vmem>>) semaphore(%arg8 : memref<!tpu.dma_semaphore, #tpu.memory_space<semaphore_mem>>)
    %dma_wait3A_68 = arith.constant 0 : i32
    %dma_wait3A_69 = arith.constant 0 : i32
    %dma_wait3A_70 = arith.constant 0 : i32
    %dma_wait3A_71 = tpu.memref_slice %arg6[%dma_wait3A_68, %dma_wait3A_69, %dma_wait3A_70] : memref<2x2048x16xf32, #tpu.memory_space<vmem>> -> memref<1x2048x16xf32, #tpu.memory_space<vmem>>
    %dma_wait3A_72 = tpu.memref_squeeze %dma_wait3A_71 : memref<1x2048x16xf32, #tpu.memory_space<vmem>> -> memref<2048x16xf32, #tpu.memory_space<vmem>>
    %dma_wait3A_73 = arith.constant 4096 : i32
    %dma_wait3A_74 = tpu.memref_slice %arg5[%dma_wait3A_73] : memref<8192xi32, #tpu.memory_space<vmem>> -> memref<2048xi32, #tpu.memory_space<vmem>>
    %dma_wait3A_75 = arith.constant 0 : i32
    %dma_wait3A_76 = arith.constant 0 : i32
    %dma_wait3A_77 = tpu.memref_slice %arg2[%dma_wait3A_75, %dma_wait3A_76] : memref<1003520x16xf32, #tpu.memory_space<hbm>> -> memref<1003520x16xf32, #tpu.memory_space<hbm>>
    tpu.wait_indirect_dma semaphore(%arg7 : memref<!tpu.dma_semaphore, #tpu.memory_space<semaphore_mem>>) src(%dma_wait3A_77 : memref<1003520x16xf32, #tpu.memory_space<hbm>>) dst(%dma_wait3A_72 : memref<2048x16xf32, #tpu.memory_space<vmem>>)
    %add3A_78 = arith.constant 4096 : i32
    %add3A_79 = arith.addi %mul3A_2, %add3A_78 : i32
    %run_scoped3A_80 = arith.constant 0 : i32
    "tpu.region"() ({
      %run_scoped3A_94 = tpu.sem_alloc : memref<!tpu.dma_semaphore, #tpu.memory_space<semaphore_mem>>
      %dma_start3A_95 = arith.constant 0 : i32
      %dma_start3A_96 = arith.constant 0 : i32
      %dma_start3A_97 = tpu.memref_slice %arg6[%run_scoped3A_80, %dma_start3A_95, %dma_start3A_96] : memref<2x2048x16xf32, #tpu.memory_space<vmem>> -> memref<1x2048x16xf32, #tpu.memory_space<vmem>>
      %dma_start3A_98 = tpu.memref_squeeze %dma_start3A_97 : memref<1x2048x16xf32, #tpu.memory_space<vmem>> -> memref<2048x16xf32, #tpu.memory_space<vmem>>
      %dma_start3A_99 = arith.constant 0 : i32
      %dma_start3A_100 = tpu.memref_slice %arg4[%add3A_79, %dma_start3A_99] : memref<262144x16xf32, #tpu.memory_space<hbm>> -> memref<2048x16xf32, #tpu.memory_space<hbm>>
      %dma_start3A_101 = arith.constant 0 : i32
      %dma_start3A_102 = tpu.memref_slice %arg4[%add3A_79, %dma_start3A_101] : memref<262144x16xf32, #tpu.memory_space<hbm>> -> memref<2048x16xf32, #tpu.memory_space<hbm>>
      %dma_start3A_103 = arith.constant 0 : i32
      %dma_start3A_104 = arith.constant 0 : i32
      %dma_start3A_105 = tpu.memref_slice %arg6[%run_scoped3A_80, %dma_start3A_103, %dma_start3A_104] : memref<2x2048x16xf32, #tpu.memory_space<vmem>> -> memref<1x2048x16xf32, #tpu.memory_space<vmem>>
      %dma_start3A_106 = tpu.memref_squeeze %dma_start3A_105 : memref<1x2048x16xf32, #tpu.memory_space<vmem>> -> memref<2048x16xf32, #tpu.memory_space<vmem>>
      tpu.enqueue_dma source(%dma_start3A_106 : memref<2048x16xf32, #tpu.memory_space<vmem>>) target(%dma_start3A_102 : memref<2048x16xf32, #tpu.memory_space<hbm>>) target_semaphore(%run_scoped3A_94 : memref<!tpu.dma_semaphore, #tpu.memory_space<semaphore_mem>>)
      %dma_wait3A_107 = arith.constant 0 : i32
      %dma_wait3A_108 = arith.constant 0 : i32
      %dma_wait3A_109 = tpu.memref_slice %arg6[%run_scoped3A_80, %dma_wait3A_107, %dma_wait3A_108] : memref<2x2048x16xf32, #tpu.memory_space<vmem>> -> memref<1x2048x16xf32, #tpu.memory_space<vmem>>
      %dma_wait3A_110 = tpu.memref_squeeze %dma_wait3A_109 : memref<1x2048x16xf32, #tpu.memory_space<vmem>> -> memref<2048x16xf32, #tpu.memory_space<vmem>>
      %dma_wait3A_111 = arith.constant 0 : i32
      %dma_wait3A_112 = tpu.memref_slice %arg4[%add3A_79, %dma_wait3A_111] : memref<262144x16xf32, #tpu.memory_space<hbm>> -> memref<2048x16xf32, #tpu.memory_space<hbm>>
      %dma_wait3A_113 = arith.constant 0 : i32
      %dma_wait3A_114 = tpu.memref_slice %arg4[%add3A_79, %dma_wait3A_113] : memref<262144x16xf32, #tpu.memory_space<hbm>> -> memref<2048x16xf32, #tpu.memory_space<hbm>>
      %dma_wait3A_115 = arith.constant 0 : i32
      %dma_wait3A_116 = arith.constant 0 : i32
      %dma_wait3A_117 = tpu.memref_slice %arg6[%run_scoped3A_80, %dma_wait3A_115, %dma_wait3A_116] : memref<2x2048x16xf32, #tpu.memory_space<vmem>> -> memref<1x2048x16xf32, #tpu.memory_space<vmem>>
      %dma_wait3A_118 = tpu.memref_squeeze %dma_wait3A_117 : memref<1x2048x16xf32, #tpu.memory_space<vmem>> -> memref<2048x16xf32, #tpu.memory_space<vmem>>
      tpu.wait_dma2 semaphore(%run_scoped3A_94 : memref<!tpu.dma_semaphore, #tpu.memory_space<semaphore_mem>>) src(%dma_wait3A_118 : memref<2048x16xf32, #tpu.memory_space<vmem>>) dst(%dma_wait3A_114 : memref<2048x16xf32, #tpu.memory_space<hbm>>)
      tpu.yield
    }) : () -> ()
    %dma_wait3A_81 = arith.constant 1 : i32
    %dma_wait3A_82 = arith.constant 0 : i32
    %dma_wait3A_83 = arith.constant 0 : i32
    %dma_wait3A_84 = tpu.memref_slice %arg6[%dma_wait3A_81, %dma_wait3A_82, %dma_wait3A_83] : memref<2x2048x16xf32, #tpu.memory_space<vmem>> -> memref<1x2048x16xf32, #tpu.memory_space<vmem>>
    %dma_wait3A_85 = tpu.memref_squeeze %dma_wait3A_84 : memref<1x2048x16xf32, #tpu.memory_space<vmem>> -> memref<2048x16xf32, #tpu.memory_space<vmem>>
    %dma_wait3A_86 = arith.constant 6144 : i32
    %dma_wait3A_87 = tpu.memref_slice %arg5[%dma_wait3A_86] : memref<8192xi32, #tpu.memory_space<vmem>> -> memref<2048xi32, #tpu.memory_space<vmem>>
    %dma_wait3A_88 = arith.constant 0 : i32
    %dma_wait3A_89 = arith.constant 0 : i32
    %dma_wait3A_90 = tpu.memref_slice %arg2[%dma_wait3A_88, %dma_wait3A_89] : memref<1003520x16xf32, #tpu.memory_space<hbm>> -> memref<1003520x16xf32, #tpu.memory_space<hbm>>
    tpu.wait_indirect_dma semaphore(%arg8 : memref<!tpu.dma_semaphore, #tpu.memory_space<semaphore_mem>>) src(%dma_wait3A_90 : memref<1003520x16xf32, #tpu.memory_space<hbm>>) dst(%dma_wait3A_85 : memref<2048x16xf32, #tpu.memory_space<vmem>>)
    %add3A_91 = arith.constant 6144 : i32
    %add3A_92 = arith.addi %mul3A_2, %add3A_91 : i32
    %run_scoped3A_93 = arith.constant 1 : i32
    "tpu.region"() ({
      %run_scoped3A_94 = tpu.sem_alloc : memref<!tpu.dma_semaphore, #tpu.memory_space<semaphore_mem>>
      %dma_start3A_95 = arith.constant 0 : i32
      %dma_start3A_96 = arith.constant 0 : i32
      %dma_start3A_97 = tpu.memref_slice %arg6[%run_scoped3A_93, %dma_start3A_95, %dma_start3A_96] : memref<2x2048x16xf32, #tpu.memory_space<vmem>> -> memref<1x2048x16xf32, #tpu.memory_space<vmem>>
      %dma_start3A_98 = tpu.memref_squeeze %dma_start3A_97 : memref<1x2048x16xf32, #tpu.memory_space<vmem>> -> memref<2048x16xf32, #tpu.memory_space<vmem>>
      %dma_start3A_99 = arith.constant 0 : i32
      %dma_start3A_100 = tpu.memref_slice %arg4[%add3A_92, %dma_start3A_99] : memref<262144x16xf32, #tpu.memory_space<hbm>> -> memref<2048x16xf32, #tpu.memory_space<hbm>>
      %dma_start3A_101 = arith.constant 0 : i32
      %dma_start3A_102 = tpu.memref_slice %arg4[%add3A_92, %dma_start3A_101] : memref<262144x16xf32, #tpu.memory_space<hbm>> -> memref<2048x16xf32, #tpu.memory_space<hbm>>
      %dma_start3A_103 = arith.constant 0 : i32
      %dma_start3A_104 = arith.constant 0 : i32
      %dma_start3A_105 = tpu.memref_slice %arg6[%run_scoped3A_93, %dma_start3A_103, %dma_start3A_104] : memref<2x2048x16xf32, #tpu.memory_space<vmem>> -> memref<1x2048x16xf32, #tpu.memory_space<vmem>>
      %dma_start3A_106 = tpu.memref_squeeze %dma_start3A_105 : memref<1x2048x16xf32, #tpu.memory_space<vmem>> -> memref<2048x16xf32, #tpu.memory_space<vmem>>
      tpu.enqueue_dma source(%dma_start3A_106 : memref<2048x16xf32, #tpu.memory_space<vmem>>) target(%dma_start3A_102 : memref<2048x16xf32, #tpu.memory_space<hbm>>) target_semaphore(%run_scoped3A_94 : memref<!tpu.dma_semaphore, #tpu.memory_space<semaphore_mem>>)
      %dma_wait3A_107 = arith.constant 0 : i32
      %dma_wait3A_108 = arith.constant 0 : i32
      %dma_wait3A_109 = tpu.memref_slice %arg6[%run_scoped3A_93, %dma_wait3A_107, %dma_wait3A_108] : memref<2x2048x16xf32, #tpu.memory_space<vmem>> -> memref<1x2048x16xf32, #tpu.memory_space<vmem>>
      %dma_wait3A_110 = tpu.memref_squeeze %dma_wait3A_109 : memref<1x2048x16xf32, #tpu.memory_space<vmem>> -> memref<2048x16xf32, #tpu.memory_space<vmem>>
      %dma_wait3A_111 = arith.constant 0 : i32
      %dma_wait3A_112 = tpu.memref_slice %arg4[%add3A_92, %dma_wait3A_111] : memref<262144x16xf32, #tpu.memory_space<hbm>> -> memref<2048x16xf32, #tpu.memory_space<hbm>>
      %dma_wait3A_113 = arith.constant 0 : i32
      %dma_wait3A_114 = tpu.memref_slice %arg4[%add3A_92, %dma_wait3A_113] : memref<262144x16xf32, #tpu.memory_space<hbm>> -> memref<2048x16xf32, #tpu.memory_space<hbm>>
      %dma_wait3A_115 = arith.constant 0 : i32
      %dma_wait3A_116 = arith.constant 0 : i32
      %dma_wait3A_117 = tpu.memref_slice %arg6[%run_scoped3A_93, %dma_wait3A_115, %dma_wait3A_116] : memref<2x2048x16xf32, #tpu.memory_space<vmem>> -> memref<1x2048x16xf32, #tpu.memory_space<vmem>>
      %dma_wait3A_118 = tpu.memref_squeeze %dma_wait3A_117 : memref<1x2048x16xf32, #tpu.memory_space<vmem>> -> memref<2048x16xf32, #tpu.memory_space<vmem>>
      tpu.wait_dma2 semaphore(%run_scoped3A_94 : memref<!tpu.dma_semaphore, #tpu.memory_space<semaphore_mem>>) src(%dma_wait3A_118 : memref<2048x16xf32, #tpu.memory_space<vmem>>) dst(%dma_wait3A_114 : memref<2048x16xf32, #tpu.memory_space<hbm>>)
      tpu.yield
    }) : () -> ()
    return
  }
}

#map = affine_map<(d0, d1) -> (0, 0)>
#map1 = affine_map<(d0, d1) -> (0)>
module attributes {stable_mosaic.version = 14 : i64} {
  func.func @gather_k(%arg0: i32, %arg1: i32, %arg2: memref<1605632x16xf32, #tpu.memory_space<hbm>>, %arg3: memref<524288xi32, #tpu.memory_space<hbm>>, %arg4: memref<262144x16xf32, #tpu.memory_space<hbm>>, %arg5: memref<8192xi32, #tpu.memory_space<vmem>>, %arg6: memref<2x2048x16xf32, #tpu.memory_space<vmem>>, %arg7: memref<!tpu.dma_semaphore, #tpu.memory_space<semaphore_mem>>, %arg8: memref<!tpu.dma_semaphore, #tpu.memory_space<semaphore_mem>>) attributes {dimension_semantics = [#tpu.dimension_semantics<core_parallel>, #tpu.dimension_semantics<subcore_parallel>], iteration_bounds = array<i64: 2, 16>, scalar_prefetch = 0 : i64, scratch_operands = 4 : i64, tpu.core_type = #tpu.core_type<sc_vector_subcore>, window_params = [{transform_indices = #map}, {transform_indices = #map1}, {transform_indices = #map}]} {
    %mul3A = arith.constant 2 : i32
    %mul3A_0 = arith.muli %arg1, %mul3A : i32
    %add3A = arith.addi %mul3A_0, %arg0 : i32
    %mul3A_1 = arith.constant 8192 : i32
    %mul3A_2 = arith.muli %add3A, %mul3A_1 : i32
    %add3A_3 = arith.constant 0 : i32
    %add3A_4 = arith.addi %add3A_3, %mul3A_2 : i32
    "tpu.region"() ({
      %run_scoped3A_94 = tpu.sem_alloc : memref<!tpu.dma_semaphore, #tpu.memory_space<semaphore_mem>>
      %dma_start3A_95 = tpu.memref_slice %arg3[%add3A_4] : memref<524288xi32, #tpu.memory_space<hbm>> -> memref<8192xi32, #tpu.memory_space<hbm>>
      %dma_start3A_96 = tpu.memref_slice %arg3[%add3A_4] : memref<524288xi32, #tpu.memory_space<hbm>> -> memref<8192xi32, #tpu.memory_space<hbm>>
      tpu.enqueue_dma source(%dma_start3A_96 : memref<8192xi32, #tpu.memory_space<hbm>>) target(%arg5 : memref<8192xi32, #tpu.memory_space<vmem>>) target_semaphore(%run_scoped3A_94 : memref<!tpu.dma_semaphore, #tpu.memory_space<semaphore_mem>>)
      %dma_wait3A_97 = tpu.memref_slice %arg3[%add3A_4] : memref<524288xi32, #tpu.memory_space<hbm>> -> memref<8192xi32, #tpu.memory_space<hbm>>
      %dma_wait3A_98 = tpu.memref_slice %arg3[%add3A_4] : memref<524288xi32, #tpu.memory_space<hbm>> -> memref<8192xi32, #tpu.memory_space<hbm>>
      tpu.wait_dma2 semaphore(%run_scoped3A_94 : memref<!tpu.dma_semaphore, #tpu.memory_space<semaphore_mem>>) src(%dma_wait3A_98 : memref<8192xi32, #tpu.memory_space<hbm>>) dst(%arg5 : memref<8192xi32, #tpu.memory_space<vmem>>)
      tpu.yield
    }) : () -> ()
    %dma_start3A = arith.constant 0 : i32
    %dma_start3A_5 = arith.constant 0 : i32
    %dma_start3A_6 = arith.constant 0 : i32
    %dma_start3A_7 = tpu.memref_slice %arg6[%dma_start3A, %dma_start3A_5, %dma_start3A_6] : memref<2x2048x16xf32, #tpu.memory_space<vmem>> -> memref<1x2048x16xf32, #tpu.memory_space<vmem>>
    %dma_start3A_8 = tpu.memref_squeeze %dma_start3A_7 : memref<1x2048x16xf32, #tpu.memory_space<vmem>> -> memref<2048x16xf32, #tpu.memory_space<vmem>>
    %dma_start3A_9 = arith.constant 0 : i32
    %dma_start3A_10 = tpu.memref_slice %arg5[%dma_start3A_9] : memref<8192xi32, #tpu.memory_space<vmem>> -> memref<2048xi32, #tpu.memory_space<vmem>>
    %dma_start3A_11 = arith.constant 0 : i32
    %dma_start3A_12 = arith.constant 0 : i32
    %dma_start3A_13 = tpu.memref_slice %arg2[%dma_start3A_11, %dma_start3A_12] : memref<1605632x16xf32, #tpu.memory_space<hbm>> -> memref<1605632x16xf32, #tpu.memory_space<hbm>>
    tpu.enqueue_indirect_dma source(%dma_start3A_13 : memref<1605632x16xf32, #tpu.memory_space<hbm>>) target(%dma_start3A_8 : memref<2048x16xf32, #tpu.memory_space<vmem>>) offsets(%dma_start3A_10 : memref<2048xi32, #tpu.memory_space<vmem>>) semaphore(%arg7 : memref<!tpu.dma_semaphore, #tpu.memory_space<semaphore_mem>>)
    %dma_start3A_14 = arith.constant 1 : i32
    %dma_start3A_15 = arith.constant 0 : i32
    %dma_start3A_16 = arith.constant 0 : i32
    %dma_start3A_17 = tpu.memref_slice %arg6[%dma_start3A_14, %dma_start3A_15, %dma_start3A_16] : memref<2x2048x16xf32, #tpu.memory_space<vmem>> -> memref<1x2048x16xf32, #tpu.memory_space<vmem>>
    %dma_start3A_18 = tpu.memref_squeeze %dma_start3A_17 : memref<1x2048x16xf32, #tpu.memory_space<vmem>> -> memref<2048x16xf32, #tpu.memory_space<vmem>>
    %dma_start3A_19 = arith.constant 2048 : i32
    %dma_start3A_20 = tpu.memref_slice %arg5[%dma_start3A_19] : memref<8192xi32, #tpu.memory_space<vmem>> -> memref<2048xi32, #tpu.memory_space<vmem>>
    %dma_start3A_21 = arith.constant 0 : i32
    %dma_start3A_22 = arith.constant 0 : i32
    %dma_start3A_23 = tpu.memref_slice %arg2[%dma_start3A_21, %dma_start3A_22] : memref<1605632x16xf32, #tpu.memory_space<hbm>> -> memref<1605632x16xf32, #tpu.memory_space<hbm>>
    tpu.enqueue_indirect_dma source(%dma_start3A_23 : memref<1605632x16xf32, #tpu.memory_space<hbm>>) target(%dma_start3A_18 : memref<2048x16xf32, #tpu.memory_space<vmem>>) offsets(%dma_start3A_20 : memref<2048xi32, #tpu.memory_space<vmem>>) semaphore(%arg8 : memref<!tpu.dma_semaphore, #tpu.memory_space<semaphore_mem>>)
    %dma_wait3A = arith.constant 0 : i32
    %dma_wait3A_24 = arith.constant 0 : i32
    %dma_wait3A_25 = arith.constant 0 : i32
    %dma_wait3A_26 = tpu.memref_slice %arg6[%dma_wait3A, %dma_wait3A_24, %dma_wait3A_25] : memref<2x2048x16xf32, #tpu.memory_space<vmem>> -> memref<1x2048x16xf32, #tpu.memory_space<vmem>>
    %dma_wait3A_27 = tpu.memref_squeeze %dma_wait3A_26 : memref<1x2048x16xf32, #tpu.memory_space<vmem>> -> memref<2048x16xf32, #tpu.memory_space<vmem>>
    %dma_wait3A_28 = arith.constant 0 : i32
    %dma_wait3A_29 = tpu.memref_slice %arg5[%dma_wait3A_28] : memref<8192xi32, #tpu.memory_space<vmem>> -> memref<2048xi32, #tpu.memory_space<vmem>>
    %dma_wait3A_30 = arith.constant 0 : i32
    %dma_wait3A_31 = arith.constant 0 : i32
    %dma_wait3A_32 = tpu.memref_slice %arg2[%dma_wait3A_30, %dma_wait3A_31] : memref<1605632x16xf32, #tpu.memory_space<hbm>> -> memref<1605632x16xf32, #tpu.memory_space<hbm>>
    tpu.wait_indirect_dma semaphore(%arg7 : memref<!tpu.dma_semaphore, #tpu.memory_space<semaphore_mem>>) src(%dma_wait3A_32 : memref<1605632x16xf32, #tpu.memory_space<hbm>>) dst(%dma_wait3A_27 : memref<2048x16xf32, #tpu.memory_space<vmem>>)
    %add3A_33 = arith.constant 0 : i32
    %add3A_34 = arith.addi %mul3A_2, %add3A_33 : i32
    %run_scoped3A = arith.constant 0 : i32
    "tpu.region"() ({
      %run_scoped3A_94 = tpu.sem_alloc : memref<!tpu.dma_semaphore, #tpu.memory_space<semaphore_mem>>
      %dma_start3A_95 = arith.constant 0 : i32
      %dma_start3A_96 = arith.constant 0 : i32
      %dma_start3A_97 = tpu.memref_slice %arg6[%run_scoped3A, %dma_start3A_95, %dma_start3A_96] : memref<2x2048x16xf32, #tpu.memory_space<vmem>> -> memref<1x2048x16xf32, #tpu.memory_space<vmem>>
      %dma_start3A_98 = tpu.memref_squeeze %dma_start3A_97 : memref<1x2048x16xf32, #tpu.memory_space<vmem>> -> memref<2048x16xf32, #tpu.memory_space<vmem>>
      %dma_start3A_99 = arith.constant 0 : i32
      %dma_start3A_100 = tpu.memref_slice %arg4[%add3A_34, %dma_start3A_99] : memref<262144x16xf32, #tpu.memory_space<hbm>> -> memref<2048x16xf32, #tpu.memory_space<hbm>>
      %dma_start3A_101 = arith.constant 0 : i32
      %dma_start3A_102 = tpu.memref_slice %arg4[%add3A_34, %dma_start3A_101] : memref<262144x16xf32, #tpu.memory_space<hbm>> -> memref<2048x16xf32, #tpu.memory_space<hbm>>
      %dma_start3A_103 = arith.constant 0 : i32
      %dma_start3A_104 = arith.constant 0 : i32
      %dma_start3A_105 = tpu.memref_slice %arg6[%run_scoped3A, %dma_start3A_103, %dma_start3A_104] : memref<2x2048x16xf32, #tpu.memory_space<vmem>> -> memref<1x2048x16xf32, #tpu.memory_space<vmem>>
      %dma_start3A_106 = tpu.memref_squeeze %dma_start3A_105 : memref<1x2048x16xf32, #tpu.memory_space<vmem>> -> memref<2048x16xf32, #tpu.memory_space<vmem>>
      tpu.enqueue_dma source(%dma_start3A_106 : memref<2048x16xf32, #tpu.memory_space<vmem>>) target(%dma_start3A_102 : memref<2048x16xf32, #tpu.memory_space<hbm>>) target_semaphore(%run_scoped3A_94 : memref<!tpu.dma_semaphore, #tpu.memory_space<semaphore_mem>>)
      %dma_wait3A_107 = arith.constant 0 : i32
      %dma_wait3A_108 = arith.constant 0 : i32
      %dma_wait3A_109 = tpu.memref_slice %arg6[%run_scoped3A, %dma_wait3A_107, %dma_wait3A_108] : memref<2x2048x16xf32, #tpu.memory_space<vmem>> -> memref<1x2048x16xf32, #tpu.memory_space<vmem>>
      %dma_wait3A_110 = tpu.memref_squeeze %dma_wait3A_109 : memref<1x2048x16xf32, #tpu.memory_space<vmem>> -> memref<2048x16xf32, #tpu.memory_space<vmem>>
      %dma_wait3A_111 = arith.constant 0 : i32
      %dma_wait3A_112 = tpu.memref_slice %arg4[%add3A_34, %dma_wait3A_111] : memref<262144x16xf32, #tpu.memory_space<hbm>> -> memref<2048x16xf32, #tpu.memory_space<hbm>>
      %dma_wait3A_113 = arith.constant 0 : i32
      %dma_wait3A_114 = tpu.memref_slice %arg4[%add3A_34, %dma_wait3A_113] : memref<262144x16xf32, #tpu.memory_space<hbm>> -> memref<2048x16xf32, #tpu.memory_space<hbm>>
      %dma_wait3A_115 = arith.constant 0 : i32
      %dma_wait3A_116 = arith.constant 0 : i32
      %dma_wait3A_117 = tpu.memref_slice %arg6[%run_scoped3A, %dma_wait3A_115, %dma_wait3A_116] : memref<2x2048x16xf32, #tpu.memory_space<vmem>> -> memref<1x2048x16xf32, #tpu.memory_space<vmem>>
      %dma_wait3A_118 = tpu.memref_squeeze %dma_wait3A_117 : memref<1x2048x16xf32, #tpu.memory_space<vmem>> -> memref<2048x16xf32, #tpu.memory_space<vmem>>
      tpu.wait_dma2 semaphore(%run_scoped3A_94 : memref<!tpu.dma_semaphore, #tpu.memory_space<semaphore_mem>>) src(%dma_wait3A_118 : memref<2048x16xf32, #tpu.memory_space<vmem>>) dst(%dma_wait3A_114 : memref<2048x16xf32, #tpu.memory_space<hbm>>)
      tpu.yield
    }) : () -> ()
    %dma_start3A_35 = arith.constant 0 : i32
    %dma_start3A_36 = arith.constant 0 : i32
    %dma_start3A_37 = arith.constant 0 : i32
    %dma_start3A_38 = tpu.memref_slice %arg6[%dma_start3A_35, %dma_start3A_36, %dma_start3A_37] : memref<2x2048x16xf32, #tpu.memory_space<vmem>> -> memref<1x2048x16xf32, #tpu.memory_space<vmem>>
    %dma_start3A_39 = tpu.memref_squeeze %dma_start3A_38 : memref<1x2048x16xf32, #tpu.memory_space<vmem>> -> memref<2048x16xf32, #tpu.memory_space<vmem>>
    %dma_start3A_40 = arith.constant 4096 : i32
    %dma_start3A_41 = tpu.memref_slice %arg5[%dma_start3A_40] : memref<8192xi32, #tpu.memory_space<vmem>> -> memref<2048xi32, #tpu.memory_space<vmem>>
    %dma_start3A_42 = arith.constant 0 : i32
    %dma_start3A_43 = arith.constant 0 : i32
    %dma_start3A_44 = tpu.memref_slice %arg2[%dma_start3A_42, %dma_start3A_43] : memref<1605632x16xf32, #tpu.memory_space<hbm>> -> memref<1605632x16xf32, #tpu.memory_space<hbm>>
    tpu.enqueue_indirect_dma source(%dma_start3A_44 : memref<1605632x16xf32, #tpu.memory_space<hbm>>) target(%dma_start3A_39 : memref<2048x16xf32, #tpu.memory_space<vmem>>) offsets(%dma_start3A_41 : memref<2048xi32, #tpu.memory_space<vmem>>) semaphore(%arg7 : memref<!tpu.dma_semaphore, #tpu.memory_space<semaphore_mem>>)
    %dma_wait3A_45 = arith.constant 1 : i32
    %dma_wait3A_46 = arith.constant 0 : i32
    %dma_wait3A_47 = arith.constant 0 : i32
    %dma_wait3A_48 = tpu.memref_slice %arg6[%dma_wait3A_45, %dma_wait3A_46, %dma_wait3A_47] : memref<2x2048x16xf32, #tpu.memory_space<vmem>> -> memref<1x2048x16xf32, #tpu.memory_space<vmem>>
    %dma_wait3A_49 = tpu.memref_squeeze %dma_wait3A_48 : memref<1x2048x16xf32, #tpu.memory_space<vmem>> -> memref<2048x16xf32, #tpu.memory_space<vmem>>
    %dma_wait3A_50 = arith.constant 2048 : i32
    %dma_wait3A_51 = tpu.memref_slice %arg5[%dma_wait3A_50] : memref<8192xi32, #tpu.memory_space<vmem>> -> memref<2048xi32, #tpu.memory_space<vmem>>
    %dma_wait3A_52 = arith.constant 0 : i32
    %dma_wait3A_53 = arith.constant 0 : i32
    %dma_wait3A_54 = tpu.memref_slice %arg2[%dma_wait3A_52, %dma_wait3A_53] : memref<1605632x16xf32, #tpu.memory_space<hbm>> -> memref<1605632x16xf32, #tpu.memory_space<hbm>>
    tpu.wait_indirect_dma semaphore(%arg8 : memref<!tpu.dma_semaphore, #tpu.memory_space<semaphore_mem>>) src(%dma_wait3A_54 : memref<1605632x16xf32, #tpu.memory_space<hbm>>) dst(%dma_wait3A_49 : memref<2048x16xf32, #tpu.memory_space<vmem>>)
    %add3A_55 = arith.constant 2048 : i32
    %add3A_56 = arith.addi %mul3A_2, %add3A_55 : i32
    %run_scoped3A_57 = arith.constant 1 : i32
    "tpu.region"() ({
      %run_scoped3A_94 = tpu.sem_alloc : memref<!tpu.dma_semaphore, #tpu.memory_space<semaphore_mem>>
      %dma_start3A_95 = arith.constant 0 : i32
      %dma_start3A_96 = arith.constant 0 : i32
      %dma_start3A_97 = tpu.memref_slice %arg6[%run_scoped3A_57, %dma_start3A_95, %dma_start3A_96] : memref<2x2048x16xf32, #tpu.memory_space<vmem>> -> memref<1x2048x16xf32, #tpu.memory_space<vmem>>
      %dma_start3A_98 = tpu.memref_squeeze %dma_start3A_97 : memref<1x2048x16xf32, #tpu.memory_space<vmem>> -> memref<2048x16xf32, #tpu.memory_space<vmem>>
      %dma_start3A_99 = arith.constant 0 : i32
      %dma_start3A_100 = tpu.memref_slice %arg4[%add3A_56, %dma_start3A_99] : memref<262144x16xf32, #tpu.memory_space<hbm>> -> memref<2048x16xf32, #tpu.memory_space<hbm>>
      %dma_start3A_101 = arith.constant 0 : i32
      %dma_start3A_102 = tpu.memref_slice %arg4[%add3A_56, %dma_start3A_101] : memref<262144x16xf32, #tpu.memory_space<hbm>> -> memref<2048x16xf32, #tpu.memory_space<hbm>>
      %dma_start3A_103 = arith.constant 0 : i32
      %dma_start3A_104 = arith.constant 0 : i32
      %dma_start3A_105 = tpu.memref_slice %arg6[%run_scoped3A_57, %dma_start3A_103, %dma_start3A_104] : memref<2x2048x16xf32, #tpu.memory_space<vmem>> -> memref<1x2048x16xf32, #tpu.memory_space<vmem>>
      %dma_start3A_106 = tpu.memref_squeeze %dma_start3A_105 : memref<1x2048x16xf32, #tpu.memory_space<vmem>> -> memref<2048x16xf32, #tpu.memory_space<vmem>>
      tpu.enqueue_dma source(%dma_start3A_106 : memref<2048x16xf32, #tpu.memory_space<vmem>>) target(%dma_start3A_102 : memref<2048x16xf32, #tpu.memory_space<hbm>>) target_semaphore(%run_scoped3A_94 : memref<!tpu.dma_semaphore, #tpu.memory_space<semaphore_mem>>)
      %dma_wait3A_107 = arith.constant 0 : i32
      %dma_wait3A_108 = arith.constant 0 : i32
      %dma_wait3A_109 = tpu.memref_slice %arg6[%run_scoped3A_57, %dma_wait3A_107, %dma_wait3A_108] : memref<2x2048x16xf32, #tpu.memory_space<vmem>> -> memref<1x2048x16xf32, #tpu.memory_space<vmem>>
      %dma_wait3A_110 = tpu.memref_squeeze %dma_wait3A_109 : memref<1x2048x16xf32, #tpu.memory_space<vmem>> -> memref<2048x16xf32, #tpu.memory_space<vmem>>
      %dma_wait3A_111 = arith.constant 0 : i32
      %dma_wait3A_112 = tpu.memref_slice %arg4[%add3A_56, %dma_wait3A_111] : memref<262144x16xf32, #tpu.memory_space<hbm>> -> memref<2048x16xf32, #tpu.memory_space<hbm>>
      %dma_wait3A_113 = arith.constant 0 : i32
      %dma_wait3A_114 = tpu.memref_slice %arg4[%add3A_56, %dma_wait3A_113] : memref<262144x16xf32, #tpu.memory_space<hbm>> -> memref<2048x16xf32, #tpu.memory_space<hbm>>
      %dma_wait3A_115 = arith.constant 0 : i32
      %dma_wait3A_116 = arith.constant 0 : i32
      %dma_wait3A_117 = tpu.memref_slice %arg6[%run_scoped3A_57, %dma_wait3A_115, %dma_wait3A_116] : memref<2x2048x16xf32, #tpu.memory_space<vmem>> -> memref<1x2048x16xf32, #tpu.memory_space<vmem>>
      %dma_wait3A_118 = tpu.memref_squeeze %dma_wait3A_117 : memref<1x2048x16xf32, #tpu.memory_space<vmem>> -> memref<2048x16xf32, #tpu.memory_space<vmem>>
      tpu.wait_dma2 semaphore(%run_scoped3A_94 : memref<!tpu.dma_semaphore, #tpu.memory_space<semaphore_mem>>) src(%dma_wait3A_118 : memref<2048x16xf32, #tpu.memory_space<vmem>>) dst(%dma_wait3A_114 : memref<2048x16xf32, #tpu.memory_space<hbm>>)
      tpu.yield
    }) : () -> ()
    %dma_start3A_58 = arith.constant 1 : i32
    %dma_start3A_59 = arith.constant 0 : i32
    %dma_start3A_60 = arith.constant 0 : i32
    %dma_start3A_61 = tpu.memref_slice %arg6[%dma_start3A_58, %dma_start3A_59, %dma_start3A_60] : memref<2x2048x16xf32, #tpu.memory_space<vmem>> -> memref<1x2048x16xf32, #tpu.memory_space<vmem>>
    %dma_start3A_62 = tpu.memref_squeeze %dma_start3A_61 : memref<1x2048x16xf32, #tpu.memory_space<vmem>> -> memref<2048x16xf32, #tpu.memory_space<vmem>>
    %dma_start3A_63 = arith.constant 6144 : i32
    %dma_start3A_64 = tpu.memref_slice %arg5[%dma_start3A_63] : memref<8192xi32, #tpu.memory_space<vmem>> -> memref<2048xi32, #tpu.memory_space<vmem>>
    %dma_start3A_65 = arith.constant 0 : i32
    %dma_start3A_66 = arith.constant 0 : i32
    %dma_start3A_67 = tpu.memref_slice %arg2[%dma_start3A_65, %dma_start3A_66] : memref<1605632x16xf32, #tpu.memory_space<hbm>> -> memref<1605632x16xf32, #tpu.memory_space<hbm>>
    tpu.enqueue_indirect_dma source(%dma_start3A_67 : memref<1605632x16xf32, #tpu.memory_space<hbm>>) target(%dma_start3A_62 : memref<2048x16xf32, #tpu.memory_space<vmem>>) offsets(%dma_start3A_64 : memref<2048xi32, #tpu.memory_space<vmem>>) semaphore(%arg8 : memref<!tpu.dma_semaphore, #tpu.memory_space<semaphore_mem>>)
    %dma_wait3A_68 = arith.constant 0 : i32
    %dma_wait3A_69 = arith.constant 0 : i32
    %dma_wait3A_70 = arith.constant 0 : i32
    %dma_wait3A_71 = tpu.memref_slice %arg6[%dma_wait3A_68, %dma_wait3A_69, %dma_wait3A_70] : memref<2x2048x16xf32, #tpu.memory_space<vmem>> -> memref<1x2048x16xf32, #tpu.memory_space<vmem>>
    %dma_wait3A_72 = tpu.memref_squeeze %dma_wait3A_71 : memref<1x2048x16xf32, #tpu.memory_space<vmem>> -> memref<2048x16xf32, #tpu.memory_space<vmem>>
    %dma_wait3A_73 = arith.constant 4096 : i32
    %dma_wait3A_74 = tpu.memref_slice %arg5[%dma_wait3A_73] : memref<8192xi32, #tpu.memory_space<vmem>> -> memref<2048xi32, #tpu.memory_space<vmem>>
    %dma_wait3A_75 = arith.constant 0 : i32
    %dma_wait3A_76 = arith.constant 0 : i32
    %dma_wait3A_77 = tpu.memref_slice %arg2[%dma_wait3A_75, %dma_wait3A_76] : memref<1605632x16xf32, #tpu.memory_space<hbm>> -> memref<1605632x16xf32, #tpu.memory_space<hbm>>
    tpu.wait_indirect_dma semaphore(%arg7 : memref<!tpu.dma_semaphore, #tpu.memory_space<semaphore_mem>>) src(%dma_wait3A_77 : memref<1605632x16xf32, #tpu.memory_space<hbm>>) dst(%dma_wait3A_72 : memref<2048x16xf32, #tpu.memory_space<vmem>>)
    %add3A_78 = arith.constant 4096 : i32
    %add3A_79 = arith.addi %mul3A_2, %add3A_78 : i32
    %run_scoped3A_80 = arith.constant 0 : i32
    "tpu.region"() ({
      %run_scoped3A_94 = tpu.sem_alloc : memref<!tpu.dma_semaphore, #tpu.memory_space<semaphore_mem>>
      %dma_start3A_95 = arith.constant 0 : i32
      %dma_start3A_96 = arith.constant 0 : i32
      %dma_start3A_97 = tpu.memref_slice %arg6[%run_scoped3A_80, %dma_start3A_95, %dma_start3A_96] : memref<2x2048x16xf32, #tpu.memory_space<vmem>> -> memref<1x2048x16xf32, #tpu.memory_space<vmem>>
      %dma_start3A_98 = tpu.memref_squeeze %dma_start3A_97 : memref<1x2048x16xf32, #tpu.memory_space<vmem>> -> memref<2048x16xf32, #tpu.memory_space<vmem>>
      %dma_start3A_99 = arith.constant 0 : i32
      %dma_start3A_100 = tpu.memref_slice %arg4[%add3A_79, %dma_start3A_99] : memref<262144x16xf32, #tpu.memory_space<hbm>> -> memref<2048x16xf32, #tpu.memory_space<hbm>>
      %dma_start3A_101 = arith.constant 0 : i32
      %dma_start3A_102 = tpu.memref_slice %arg4[%add3A_79, %dma_start3A_101] : memref<262144x16xf32, #tpu.memory_space<hbm>> -> memref<2048x16xf32, #tpu.memory_space<hbm>>
      %dma_start3A_103 = arith.constant 0 : i32
      %dma_start3A_104 = arith.constant 0 : i32
      %dma_start3A_105 = tpu.memref_slice %arg6[%run_scoped3A_80, %dma_start3A_103, %dma_start3A_104] : memref<2x2048x16xf32, #tpu.memory_space<vmem>> -> memref<1x2048x16xf32, #tpu.memory_space<vmem>>
      %dma_start3A_106 = tpu.memref_squeeze %dma_start3A_105 : memref<1x2048x16xf32, #tpu.memory_space<vmem>> -> memref<2048x16xf32, #tpu.memory_space<vmem>>
      tpu.enqueue_dma source(%dma_start3A_106 : memref<2048x16xf32, #tpu.memory_space<vmem>>) target(%dma_start3A_102 : memref<2048x16xf32, #tpu.memory_space<hbm>>) target_semaphore(%run_scoped3A_94 : memref<!tpu.dma_semaphore, #tpu.memory_space<semaphore_mem>>)
      %dma_wait3A_107 = arith.constant 0 : i32
      %dma_wait3A_108 = arith.constant 0 : i32
      %dma_wait3A_109 = tpu.memref_slice %arg6[%run_scoped3A_80, %dma_wait3A_107, %dma_wait3A_108] : memref<2x2048x16xf32, #tpu.memory_space<vmem>> -> memref<1x2048x16xf32, #tpu.memory_space<vmem>>
      %dma_wait3A_110 = tpu.memref_squeeze %dma_wait3A_109 : memref<1x2048x16xf32, #tpu.memory_space<vmem>> -> memref<2048x16xf32, #tpu.memory_space<vmem>>
      %dma_wait3A_111 = arith.constant 0 : i32
      %dma_wait3A_112 = tpu.memref_slice %arg4[%add3A_79, %dma_wait3A_111] : memref<262144x16xf32, #tpu.memory_space<hbm>> -> memref<2048x16xf32, #tpu.memory_space<hbm>>
      %dma_wait3A_113 = arith.constant 0 : i32
      %dma_wait3A_114 = tpu.memref_slice %arg4[%add3A_79, %dma_wait3A_113] : memref<262144x16xf32, #tpu.memory_space<hbm>> -> memref<2048x16xf32, #tpu.memory_space<hbm>>
      %dma_wait3A_115 = arith.constant 0 : i32
      %dma_wait3A_116 = arith.constant 0 : i32
      %dma_wait3A_117 = tpu.memref_slice %arg6[%run_scoped3A_80, %dma_wait3A_115, %dma_wait3A_116] : memref<2x2048x16xf32, #tpu.memory_space<vmem>> -> memref<1x2048x16xf32, #tpu.memory_space<vmem>>
      %dma_wait3A_118 = tpu.memref_squeeze %dma_wait3A_117 : memref<1x2048x16xf32, #tpu.memory_space<vmem>> -> memref<2048x16xf32, #tpu.memory_space<vmem>>
      tpu.wait_dma2 semaphore(%run_scoped3A_94 : memref<!tpu.dma_semaphore, #tpu.memory_space<semaphore_mem>>) src(%dma_wait3A_118 : memref<2048x16xf32, #tpu.memory_space<vmem>>) dst(%dma_wait3A_114 : memref<2048x16xf32, #tpu.memory_space<hbm>>)
      tpu.yield
    }) : () -> ()
    %dma_wait3A_81 = arith.constant 1 : i32
    %dma_wait3A_82 = arith.constant 0 : i32
    %dma_wait3A_83 = arith.constant 0 : i32
    %dma_wait3A_84 = tpu.memref_slice %arg6[%dma_wait3A_81, %dma_wait3A_82, %dma_wait3A_83] : memref<2x2048x16xf32, #tpu.memory_space<vmem>> -> memref<1x2048x16xf32, #tpu.memory_space<vmem>>
    %dma_wait3A_85 = tpu.memref_squeeze %dma_wait3A_84 : memref<1x2048x16xf32, #tpu.memory_space<vmem>> -> memref<2048x16xf32, #tpu.memory_space<vmem>>
    %dma_wait3A_86 = arith.constant 6144 : i32
    %dma_wait3A_87 = tpu.memref_slice %arg5[%dma_wait3A_86] : memref<8192xi32, #tpu.memory_space<vmem>> -> memref<2048xi32, #tpu.memory_space<vmem>>
    %dma_wait3A_88 = arith.constant 0 : i32
    %dma_wait3A_89 = arith.constant 0 : i32
    %dma_wait3A_90 = tpu.memref_slice %arg2[%dma_wait3A_88, %dma_wait3A_89] : memref<1605632x16xf32, #tpu.memory_space<hbm>> -> memref<1605632x16xf32, #tpu.memory_space<hbm>>
    tpu.wait_indirect_dma semaphore(%arg8 : memref<!tpu.dma_semaphore, #tpu.memory_space<semaphore_mem>>) src(%dma_wait3A_90 : memref<1605632x16xf32, #tpu.memory_space<hbm>>) dst(%dma_wait3A_85 : memref<2048x16xf32, #tpu.memory_space<vmem>>)
    %add3A_91 = arith.constant 6144 : i32
    %add3A_92 = arith.addi %mul3A_2, %add3A_91 : i32
    %run_scoped3A_93 = arith.constant 1 : i32
    "tpu.region"() ({
      %run_scoped3A_94 = tpu.sem_alloc : memref<!tpu.dma_semaphore, #tpu.memory_space<semaphore_mem>>
      %dma_start3A_95 = arith.constant 0 : i32
      %dma_start3A_96 = arith.constant 0 : i32
      %dma_start3A_97 = tpu.memref_slice %arg6[%run_scoped3A_93, %dma_start3A_95, %dma_start3A_96] : memref<2x2048x16xf32, #tpu.memory_space<vmem>> -> memref<1x2048x16xf32, #tpu.memory_space<vmem>>
      %dma_start3A_98 = tpu.memref_squeeze %dma_start3A_97 : memref<1x2048x16xf32, #tpu.memory_space<vmem>> -> memref<2048x16xf32, #tpu.memory_space<vmem>>
      %dma_start3A_99 = arith.constant 0 : i32
      %dma_start3A_100 = tpu.memref_slice %arg4[%add3A_92, %dma_start3A_99] : memref<262144x16xf32, #tpu.memory_space<hbm>> -> memref<2048x16xf32, #tpu.memory_space<hbm>>
      %dma_start3A_101 = arith.constant 0 : i32
      %dma_start3A_102 = tpu.memref_slice %arg4[%add3A_92, %dma_start3A_101] : memref<262144x16xf32, #tpu.memory_space<hbm>> -> memref<2048x16xf32, #tpu.memory_space<hbm>>
      %dma_start3A_103 = arith.constant 0 : i32
      %dma_start3A_104 = arith.constant 0 : i32
      %dma_start3A_105 = tpu.memref_slice %arg6[%run_scoped3A_93, %dma_start3A_103, %dma_start3A_104] : memref<2x2048x16xf32, #tpu.memory_space<vmem>> -> memref<1x2048x16xf32, #tpu.memory_space<vmem>>
      %dma_start3A_106 = tpu.memref_squeeze %dma_start3A_105 : memref<1x2048x16xf32, #tpu.memory_space<vmem>> -> memref<2048x16xf32, #tpu.memory_space<vmem>>
      tpu.enqueue_dma source(%dma_start3A_106 : memref<2048x16xf32, #tpu.memory_space<vmem>>) target(%dma_start3A_102 : memref<2048x16xf32, #tpu.memory_space<hbm>>) target_semaphore(%run_scoped3A_94 : memref<!tpu.dma_semaphore, #tpu.memory_space<semaphore_mem>>)
      %dma_wait3A_107 = arith.constant 0 : i32
      %dma_wait3A_108 = arith.constant 0 : i32
      %dma_wait3A_109 = tpu.memref_slice %arg6[%run_scoped3A_93, %dma_wait3A_107, %dma_wait3A_108] : memref<2x2048x16xf32, #tpu.memory_space<vmem>> -> memref<1x2048x16xf32, #tpu.memory_space<vmem>>
      %dma_wait3A_110 = tpu.memref_squeeze %dma_wait3A_109 : memref<1x2048x16xf32, #tpu.memory_space<vmem>> -> memref<2048x16xf32, #tpu.memory_space<vmem>>
      %dma_wait3A_111 = arith.constant 0 : i32
      %dma_wait3A_112 = tpu.memref_slice %arg4[%add3A_92, %dma_wait3A_111] : memref<262144x16xf32, #tpu.memory_space<hbm>> -> memref<2048x16xf32, #tpu.memory_space<hbm>>
      %dma_wait3A_113 = arith.constant 0 : i32
      %dma_wait3A_114 = tpu.memref_slice %arg4[%add3A_92, %dma_wait3A_113] : memref<262144x16xf32, #tpu.memory_space<hbm>> -> memref<2048x16xf32, #tpu.memory_space<hbm>>
      %dma_wait3A_115 = arith.constant 0 : i32
      %dma_wait3A_116 = arith.constant 0 : i32
      %dma_wait3A_117 = tpu.memref_slice %arg6[%run_scoped3A_93, %dma_wait3A_115, %dma_wait3A_116] : memref<2x2048x16xf32, #tpu.memory_space<vmem>> -> memref<1x2048x16xf32, #tpu.memory_space<vmem>>
      %dma_wait3A_118 = tpu.memref_squeeze %dma_wait3A_117 : memref<1x2048x16xf32, #tpu.memory_space<vmem>> -> memref<2048x16xf32, #tpu.memory_space<vmem>>
      tpu.wait_dma2 semaphore(%run_scoped3A_94 : memref<!tpu.dma_semaphore, #tpu.memory_space<semaphore_mem>>) src(%dma_wait3A_118 : memref<2048x16xf32, #tpu.memory_space<vmem>>) dst(%dma_wait3A_114 : memref<2048x16xf32, #tpu.memory_space<hbm>>)
      tpu.yield
    }) : () -> ()
    return
  }
}

module attributes {stable_mosaic.version = 14 : i64} {
  func.func @_num_stats_body(%arg0: i32, %arg1: memref<13x2048xf32, #tpu.memory_space<vmem>>, %arg2: memref<13x2xf32, #tpu.memory_space<vmem>>) attributes {dimension_semantics = [#tpu.dimension_semantics<arbitrary>], iteration_bounds = array<i64: 8>, scalar_prefetch = 0 : i64, scratch_operands = 0 : i64, tpu.core_type = #tpu.core_type<tc>, window_params = [{transform_indices = @transform_0, window_bounds = array<i64: 13, 2048>}, {pipeline_mode = #tpu.pipeline_mode<synchronous>, transform_indices = @transform_1, window_bounds = array<i64: 13, 2>}]} {
    %get3A = arith.constant 0 : index
    %get3A_0 = arith.constant 0 : index
    %get3A_1 = vector.load %arg1[%get3A, %get3A_0] : memref<13x2048xf32, #tpu.memory_space<vmem>>, vector<13x2048xf32>
    %reduce_sum3A = arith.constant dense<0.000000e+00> : vector<13xf32>
    %reduce_sum3A_2 = vector.multi_reduction <add>, %get3A_1, %reduce_sum3A [1] : vector<13x2048xf32> to vector<13xf32>
    %broadcast_in_dim3A = vector.shape_cast %reduce_sum3A_2 : vector<13xf32> to vector<13x1xf32>
    %mul3A = arith.mulf %get3A_1, %get3A_1 : vector<13x2048xf32>
    %reduce_sum3A_3 = arith.constant dense<0.000000e+00> : vector<13xf32>
    %reduce_sum3A_4 = vector.multi_reduction <add>, %mul3A, %reduce_sum3A_3 [1] : vector<13x2048xf32> to vector<13xf32>
    %broadcast_in_dim3A_5 = vector.shape_cast %reduce_sum3A_4 : vector<13xf32> to vector<13x1xf32>
    %concatenate3A = tpu.concatenate %broadcast_in_dim3A, %broadcast_in_dim3A_5 in 1 : vector<13x1xf32>, vector<13x1xf32> -> vector<13x2xf32>
    %eq3A = arith.constant 0 : i32
    %eq3A_6 = arith.cmpi eq, %arg0, %eq3A : i32
    %convert_element_type3A = arith.extui %eq3A_6 : i1 to i32
    %cond3A = arith.constant 0 : i32
    %cond3A_7 = arith.cmpi ne, %convert_element_type3A, %cond3A : i32
    scf.if %cond3A_7 {
      %swap3A = arith.constant 0 : index
      %swap3A_12 = arith.constant 0 : index
      %swap3A_13 = vector.load %arg2[%swap3A, %swap3A_12] : memref<13x2xf32, #tpu.memory_space<vmem>>, vector<13x2xf32>
      tpu.vector_store %arg2[%swap3A, %swap3A_12], %concatenate3A {strides = array<i32>} : memref<13x2xf32, #tpu.memory_space<vmem>>, vector<13x2xf32>,
    } else {
    }
    %gt3A = arith.constant 0 : i32
    %gt3A_8 = arith.cmpi sgt, %arg0, %gt3A : i32
    %convert_element_type3A_9 = arith.extui %gt3A_8 : i1 to i32
    %cond3A_10 = arith.constant 0 : i32
    %cond3A_11 = arith.cmpi ne, %convert_element_type3A_9, %cond3A_10 : i32
    scf.if %cond3A_11 {
      %get3A_12 = arith.constant 0 : index
      %get3A_13 = arith.constant 0 : index
      %get3A_14 = vector.load %arg2[%get3A_12, %get3A_13] : memref<13x2xf32, #tpu.memory_space<vmem>>, vector<13x2xf32>
      %add3A = arith.addf %get3A_14, %concatenate3A : vector<13x2xf32>
      %swap3A = arith.constant 0 : index
      %swap3A_15 = arith.constant 0 : index
      %swap3A_16 = vector.load %arg2[%swap3A, %swap3A_15] : memref<13x2xf32, #tpu.memory_space<vmem>>, vector<13x2xf32>
      tpu.vector_store %arg2[%swap3A, %swap3A_15], %add3A {strides = array<i32>} : memref<13x2xf32, #tpu.memory_space<vmem>>, vector<13x2xf32>,
    } else {
    }
    return
  }
  func.func @transform_0(%arg0: i32) -> (i32, i32) {
    %c0_i32 = arith.constant 0 : i32
    %c0_i32_0 = arith.constant 0 : i32
    return %c0_i32, %arg0 : i32, i32
  }
  func.func @transform_1(%arg0: i32) -> (i32, i32) {
    %c0_i32 = arith.constant 0 : i32
    %c0_i32_0 = arith.constant 0 : i32
    %c0_i32_1 = arith.constant 0 : i32
    return %c0_i32, %c0_i32_0 : i32, i32
  }
}

module attributes {stable_mosaic.version = 14 : i64} {
  func.func @_tr_body(%arg0: i32, %arg1: i32, %arg2: memref<1x16x50176xf32, #tpu.memory_space<vmem>>, %arg3: memref<6272x128xf32, #tpu.memory_space<vmem>>) attributes {dimension_semantics = [#tpu.dimension_semantics<arbitrary>, #tpu.dimension_semantics<arbitrary>], iteration_bounds = array<i64: 10, 2>, scalar_prefetch = 0 : i64, scratch_operands = 0 : i64, tpu.core_type = #tpu.core_type<tc>, window_params = [{transform_indices = @transform_0, window_bounds = array<i64: 1, 16, 50176>}, {transform_indices = @transform_1, window_bounds = array<i64: 6272, 128>}]} {
    %get3A = arith.constant 0 : index
    %get3A_0 = arith.constant 0 : index
    %get3A_1 = arith.constant 0 : index
    %get3A_2 = vector.load %arg2[%get3A, %get3A_0, %get3A_1] : memref<1x16x50176xf32, #tpu.memory_space<vmem>>, vector<1x16x50176xf32>
    %get3A_3 = vector.shape_cast %get3A_2 : vector<1x16x50176xf32> to vector<16x50176xf32>
    %slice3A = vector.extract_strided_slice %get3A_3 {offsets = [0, 0], sizes = [16, 128], strides = [1, 1]} : vector<16x50176xf32> to vector<16x128xf32>
    %slice3A_4 = vector.extract_strided_slice %get3A_3 {offsets = [0, 128], sizes = [16, 128], strides = [1, 1]} : vector<16x50176xf32> to vector<16x128xf32>
    %slice3A_5 = vector.extract_strided_slice %get3A_3 {offsets = [0, 256], sizes = [16, 128], strides = [1, 1]} : vector<16x50176xf32> to vector<16x128xf32>
    %slice3A_6 = vector.extract_strided_slice %get3A_3 {offsets = [0, 384], sizes = [16, 128], strides = [1, 1]} : vector<16x50176xf32> to vector<16x128xf32>
    %slice3A_7 = vector.extract_strided_slice %get3A_3 {offsets = [0, 512], sizes = [16, 128], strides = [1, 1]} : vector<16x50176xf32> to vector<16x128xf32>
    %slice3A_8 = vector.extract_strided_slice %get3A_3 {offsets = [0, 640], sizes = [16, 128], strides = [1, 1]} : vector<16x50176xf32> to vector<16x128xf32>
    %slice3A_9 = vector.extract_strided_slice %get3A_3 {offsets = [0, 768], sizes = [16, 128], strides = [1, 1]} : vector<16x50176xf32> to vector<16x128xf32>
    %slice3A_10 = vector.extract_strided_slice %get3A_3 {offsets = [0, 896], sizes = [16, 128], strides = [1, 1]} : vector<16x50176xf32> to vector<16x128xf32>
    %concatenate3A = tpu.concatenate %slice3A, %slice3A_4, %slice3A_5, %slice3A_6, %slice3A_7, %slice3A_8, %slice3A_9, %slice3A_10 in 0 : vector<16x128xf32>, vector<16x128xf32>, vector<16x128xf32>, vector<16x128xf32>, vector<16x128xf32>, vector<16x128xf32>, vector<16x128xf32>, vector<16x128xf32> -> vector<128x128xf32>
    %transpose3A = tpu.transpose %concatenate3A, [1, 0] : vector<128x128xf32> -> vector<128x128xf32>
    %swap3A = arith.constant 0 : index
    %swap3A_11 = arith.constant 0 : index
    %swap3A_12 = vector.load %arg3[%swap3A, %swap3A_11] : memref<6272x128xf32, #tpu.memory_space<vmem>>, vector<128x128xf32>
    tpu.vector_store %arg3[%swap3A, %swap3A_11], %transpose3A {strides = array<i32>} : memref<6272x128xf32, #tpu.memory_space<vmem>>, vector<128x128xf32>,
    %slice3A_13 = vector.extract_strided_slice %get3A_3 {offsets = [0, 1024], sizes = [16, 128], strides = [1, 1]} : vector<16x50176xf32> to vector<16x128xf32>
    %slice3A_14 = vector.extract_strided_slice %get3A_3 {offsets = [0, 1152], sizes = [16, 128], strides = [1, 1]} : vector<16x50176xf32> to vector<16x128xf32>
    %slice3A_15 = vector.extract_strided_slice %get3A_3 {offsets = [0, 1280], sizes = [16, 128], strides = [1, 1]} : vector<16x50176xf32> to vector<16x128xf32>
    %slice3A_16 = vector.extract_strided_slice %get3A_3 {offsets = [0, 1408], sizes = [16, 128], strides = [1, 1]} : vector<16x50176xf32> to vector<16x128xf32>
    %slice3A_17 = vector.extract_strided_slice %get3A_3 {offsets = [0, 1536], sizes = [16, 128], strides = [1, 1]} : vector<16x50176xf32> to vector<16x128xf32>
    %slice3A_18 = vector.extract_strided_slice %get3A_3 {offsets = [0, 1664], sizes = [16, 128], strides = [1, 1]} : vector<16x50176xf32> to vector<16x128xf32>
    %slice3A_19 = vector.extract_strided_slice %get3A_3 {offsets = [0, 1792], sizes = [16, 128], strides = [1, 1]} : vector<16x50176xf32> to vector<16x128xf32>
    %slice3A_20 = vector.extract_strided_slice %get3A_3 {offsets = [0, 1920], sizes = [16, 128], strides = [1, 1]} : vector<16x50176xf32> to vector<16x128xf32>
    %concatenate3A_21 = tpu.concatenate %slice3A_13, %slice3A_14, %slice3A_15, %slice3A_16, %slice3A_17, %slice3A_18, %slice3A_19, %slice3A_20 in 0 : vector<16x128xf32>, vector<16x128xf32>, vector<16x128xf32>, vector<16x128xf32>, vector<16x128xf32>, vector<16x128xf32>, vector<16x128xf32>, vector<16x128xf32> -> vector<128x128xf32>
    %transpose3A_22 = tpu.transpose %concatenate3A_21, [1, 0] : vector<128x128xf32> -> vector<128x128xf32>
    %swap3A_23 = arith.constant 128 : index
    %swap3A_24 = arith.constant 0 : index
    %swap3A_25 = vector.load %arg3[%swap3A_23, %swap3A_24] : memref<6272x128xf32, #tpu.memory_space<vmem>>, vector<128x128xf32>
    tpu.vector_store %arg3[%swap3A_23, %swap3A_24], %transpose3A_22 {strides = array<i32>} : memref<6272x128xf32, #tpu.memory_space<vmem>>, vector<128x128xf32>,
    %slice3A_26 = vector.extract_strided_slice %get3A_3 {offsets = [0, 2048], sizes = [16, 128], strides = [1, 1]} : vector<16x50176xf32> to vector<16x128xf32>
    %slice3A_27 = vector.extract_strided_slice %get3A_3 {offsets = [0, 2176], sizes = [16, 128], strides = [1, 1]} : vector<16x50176xf32> to vector<16x128xf32>
    %slice3A_28 = vector.extract_strided_slice %get3A_3 {offsets = [0, 2304], sizes = [16, 128], strides = [1, 1]} : vector<16x50176xf32> to vector<16x128xf32>
    %slice3A_29 = vector.extract_strided_slice %get3A_3 {offsets = [0, 2432], sizes = [16, 128], strides = [1, 1]} : vector<16x50176xf32> to vector<16x128xf32>
    %slice3A_30 = vector.extract_strided_slice %get3A_3 {offsets = [0, 2560], sizes = [16, 128], strides = [1, 1]} : vector<16x50176xf32> to vector<16x128xf32>
    %slice3A_31 = vector.extract_strided_slice %get3A_3 {offsets = [0, 2688], sizes = [16, 128], strides = [1, 1]} : vector<16x50176xf32> to vector<16x128xf32>
    %slice3A_32 = vector.extract_strided_slice %get3A_3 {offsets = [0, 2816], sizes = [16, 128], strides = [1, 1]} : vector<16x50176xf32> to vector<16x128xf32>
    %slice3A_33 = vector.extract_strided_slice %get3A_3 {offsets = [0, 2944], sizes = [16, 128], strides = [1, 1]} : vector<16x50176xf32> to vector<16x128xf32>
    %concatenate3A_34 = tpu.concatenate %slice3A_26, %slice3A_27, %slice3A_28, %slice3A_29, %slice3A_30, %slice3A_31, %slice3A_32, %slice3A_33 in 0 : vector<16x128xf32>, vector<16x128xf32>, vector<16x128xf32>, vector<16x128xf32>, vector<16x128xf32>, vector<16x128xf32>, vector<16x128xf32>, vector<16x128xf32> -> vector<128x128xf32>
    %transpose3A_35 = tpu.transpose %concatenate3A_34, [1, 0] : vector<128x128xf32> -> vector<128x128xf32>
    %swap3A_36 = arith.constant 256 : index
    %swap3A_37 = arith.constant 0 : index
    %swap3A_38 = vector.load %arg3[%swap3A_36, %swap3A_37] : memref<6272x128xf32, #tpu.memory_space<vmem>>, vector<128x128xf32>
    tpu.vector_store %arg3[%swap3A_36, %swap3A_37], %transpose3A_35 {strides = array<i32>} : memref<6272x128xf32, #tpu.memory_space<vmem>>, vector<128x128xf32>,
    %slice3A_39 = vector.extract_strided_slice %get3A_3 {offsets = [0, 3072], sizes = [16, 128], strides = [1, 1]} : vector<16x50176xf32> to vector<16x128xf32>
    %slice3A_40 = vector.extract_strided_slice %get3A_3 {offsets = [0, 3200], sizes = [16, 128], strides = [1, 1]} : vector<16x50176xf32> to vector<16x128xf32>
    %slice3A_41 = vector.extract_strided_slice %get3A_3 {offsets = [0, 3328], sizes = [16, 128], strides = [1, 1]} : vector<16x50176xf32> to vector<16x128xf32>
    %slice3A_42 = vector.extract_strided_slice %get3A_3 {offsets = [0, 3456], sizes = [16, 128], strides = [1, 1]} : vector<16x50176xf32> to vector<16x128xf32>
    %slice3A_43 = vector.extract_strided_slice %get3A_3 {offsets = [0, 3584], sizes = [16, 128], strides = [1, 1]} : vector<16x50176xf32> to vector<16x128xf32>
    %slice3A_44 = vector.extract_strided_slice %get3A_3 {offsets = [0, 3712], sizes = [16, 128], strides = [1, 1]} : vector<16x50176xf32> to vector<16x128xf32>
    %slice3A_45 = vector.extract_strided_slice %get3A_3 {offsets = [0, 3840], sizes = [16, 128], strides = [1, 1]} : vector<16x50176xf32> to vector<16x128xf32>
    %slice3A_46 = vector.extract_strided_slice %get3A_3 {offsets = [0, 3968], sizes = [16, 128], strides = [1, 1]} : vector<16x50176xf32> to vector<16x128xf32>
    %concatenate3A_47 = tpu.concatenate %slice3A_39, %slice3A_40, %slice3A_41, %slice3A_42, %slice3A_43, %slice3A_44, %slice3A_45, %slice3A_46 in 0 : vector<16x128xf32>, vector<16x128xf32>, vector<16x128xf32>, vector<16x128xf32>, vector<16x128xf32>, vector<16x128xf32>, vector<16x128xf32>, vector<16x128xf32> -> vector<128x128xf32>
    %transpose3A_48 = tpu.transpose %concatenate3A_47, [1, 0] : vector<128x128xf32> -> vector<128x128xf32>
    %swap3A_49 = arith.constant 384 : index
    %swap3A_50 = arith.constant 0 : index
    %swap3A_51 = vector.load %arg3[%swap3A_49, %swap3A_50] : memref<6272x128xf32, #tpu.memory_space<vmem>>, vector<128x128xf32>
    tpu.vector_store %arg3[%swap3A_49, %swap3A_50], %transpose3A_48 {strides = array<i32>} : memref<6272x128xf32, #tpu.memory_space<vmem>>, vector<128x128xf32>,
    %slice3A_52 = vector.extract_strided_slice %get3A_3 {offsets = [0, 4096], sizes = [16, 128], strides = [1, 1]} : vector<16x50176xf32> to vector<16x128xf32>
    %slice3A_53 = vector.extract_strided_slice %get3A_3 {offsets = [0, 4224], sizes = [16, 128], strides = [1, 1]} : vector<16x50176xf32> to vector<16x128xf32>
    %slice3A_54 = vector.extract_strided_slice %get3A_3 {offsets = [0, 4352], sizes = [16, 128], strides = [1, 1]} : vector<16x50176xf32> to vector<16x128xf32>
    %slice3A_55 = vector.extract_strided_slice %get3A_3 {offsets = [0, 4480], sizes = [16, 128], strides = [1, 1]} : vector<16x50176xf32> to vector<16x128xf32>
    %slice3A_56 = vector.extract_strided_slice %get3A_3 {offsets = [0, 4608], sizes = [16, 128], strides = [1, 1]} : vector<16x50176xf32> to vector<16x128xf32>
    %slice3A_57 = vector.extract_strided_slice %get3A_3 {offsets = [0, 4736], sizes = [16, 128], strides = [1, 1]} : vector<16x50176xf32> to vector<16x128xf32>
    %slice3A_58 = vector.extract_strided_slice %get3A_3 {offsets = [0, 4864], sizes = [16, 128], strides = [1, 1]} : vector<16x50176xf32> to vector<16x128xf32>
    %slice3A_59 = vector.extract_strided_slice %get3A_3 {offsets = [0, 4992], sizes = [16, 128], strides = [1, 1]} : vector<16x50176xf32> to vector<16x128xf32>
    %concatenate3A_60 = tpu.concatenate %slice3A_52, %slice3A_53, %slice3A_54, %slice3A_55, %slice3A_56, %slice3A_57, %slice3A_58, %slice3A_59 in 0 : vector<16x128xf32>, vector<16x128xf32>, vector<16x128xf32>, vector<16x128xf32>, vector<16x128xf32>, vector<16x128xf32>, vector<16x128xf32>, vector<16x128xf32> -> vector<128x128xf32>
    %transpose3A_61 = tpu.transpose %concatenate3A_60, [1, 0] : vector<128x128xf32> -> vector<128x128xf32>
    %swap3A_62 = arith.constant 512 : index
    %swap3A_63 = arith.constant 0 : index
    %swap3A_64 = vector.load %arg3[%swap3A_62, %swap3A_63] : memref<6272x128xf32, #tpu.memory_space<vmem>>, vector<128x128xf32>
    tpu.vector_store %arg3[%swap3A_62, %swap3A_63], %transpose3A_61 {strides = array<i32>} : memref<6272x128xf32, #tpu.memory_space<vmem>>, vector<128x128xf32>,
    %slice3A_65 = vector.extract_strided_slice %get3A_3 {offsets = [0, 5120], sizes = [16, 128], strides = [1, 1]} : vector<16x50176xf32> to vector<16x128xf32>
    %slice3A_66 = vector.extract_strided_slice %get3A_3 {offsets = [0, 5248], sizes = [16, 128], strides = [1, 1]} : vector<16x50176xf32> to vector<16x128xf32>
    %slice3A_67 = vector.extract_strided_slice %get3A_3 {offsets = [0, 5376], sizes = [16, 128], strides = [1, 1]} : vector<16x50176xf32> to vector<16x128xf32>
    %slice3A_68 = vector.extract_strided_slice %get3A_3 {offsets = [0, 5504], sizes = [16, 128], strides = [1, 1]} : vector<16x50176xf32> to vector<16x128xf32>
    %slice3A_69 = vector.extract_strided_slice %get3A_3 {offsets = [0, 5632], sizes = [16, 128], strides = [1, 1]} : vector<16x50176xf32> to vector<16x128xf32>
    %slice3A_70 = vector.extract_strided_slice %get3A_3 {offsets = [0, 5760], sizes = [16, 128], strides = [1, 1]} : vector<16x50176xf32> to vector<16x128xf32>
    %slice3A_71 = vector.extract_strided_slice %get3A_3 {offsets = [0, 5888], sizes = [16, 128], strides = [1, 1]} : vector<16x50176xf32> to vector<16x128xf32>
    %slice3A_72 = vector.extract_strided_slice %get3A_3 {offsets = [0, 6016], sizes = [16, 128], strides = [1, 1]} : vector<16x50176xf32> to vector<16x128xf32>
    %concatenate3A_73 = tpu.concatenate %slice3A_65, %slice3A_66, %slice3A_67, %slice3A_68, %slice3A_69, %slice3A_70, %slice3A_71, %slice3A_72 in 0 : vector<16x128xf32>, vector<16x128xf32>, vector<16x128xf32>, vector<16x128xf32>, vector<16x128xf32>, vector<16x128xf32>, vector<16x128xf32>, vector<16x128xf32> -> vector<128x128xf32>
    %transpose3A_74 = tpu.transpose %concatenate3A_73, [1, 0] : vector<128x128xf32> -> vector<128x128xf32>
    %swap3A_75 = arith.constant 640 : index
    %swap3A_76 = arith.constant 0 : index
    %swap3A_77 = vector.load %arg3[%swap3A_75, %swap3A_76] : memref<6272x128xf32, #tpu.memory_space<vmem>>, vector<128x128xf32>
    tpu.vector_store %arg3[%swap3A_75, %swap3A_76], %transpose3A_74 {strides = array<i32>} : memref<6272x128xf32, #tpu.memory_space<vmem>>, vector<128x128xf32>,
    %slice3A_78 = vector.extract_strided_slice %get3A_3 {offsets = [0, 6144], sizes = [16, 128], strides = [1, 1]} : vector<16x50176xf32> to vector<16x128xf32>
    %slice3A_79 = vector.extract_strided_slice %get3A_3 {offsets = [0, 6272], sizes = [16, 128], strides = [1, 1]} : vector<16x50176xf32> to vector<16x128xf32>
    %slice3A_80 = vector.extract_strided_slice %get3A_3 {offsets = [0, 6400], sizes = [16, 128], strides = [1, 1]} : vector<16x50176xf32> to vector<16x128xf32>
    %slice3A_81 = vector.extract_strided_slice %get3A_3 {offsets = [0, 6528], sizes = [16, 128], strides = [1, 1]} : vector<16x50176xf32> to vector<16x128xf32>
    %slice3A_82 = vector.extract_strided_slice %get3A_3 {offsets = [0, 6656], sizes = [16, 128], strides = [1, 1]} : vector<16x50176xf32> to vector<16x128xf32>
    %slice3A_83 = vector.extract_strided_slice %get3A_3 {offsets = [0, 6784], sizes = [16, 128], strides = [1, 1]} : vector<16x50176xf32> to vector<16x128xf32>
    %slice3A_84 = vector.extract_strided_slice %get3A_3 {offsets = [0, 6912], sizes = [16, 128], strides = [1, 1]} : vector<16x50176xf32> to vector<16x128xf32>
    %slice3A_85 = vector.extract_strided_slice %get3A_3 {offsets = [0, 7040], sizes = [16, 128], strides = [1, 1]} : vector<16x50176xf32> to vector<16x128xf32>
    %concatenate3A_86 = tpu.concatenate %slice3A_78, %slice3A_79, %slice3A_80, %slice3A_81, %slice3A_82, %slice3A_83, %slice3A_84, %slice3A_85 in 0 : vector<16x128xf32>, vector<16x128xf32>, vector<16x128xf32>, vector<16x128xf32>, vector<16x128xf32>, vector<16x128xf32>, vector<16x128xf32>, vector<16x128xf32> -> vector<128x128xf32>
    %transpose3A_87 = tpu.transpose %concatenate3A_86, [1, 0] : vector<128x128xf32> -> vector<128x128xf32>
    %swap3A_88 = arith.constant 768 : index
    %swap3A_89 = arith.constant 0 : index
    %swap3A_90 = vector.load %arg3[%swap3A_88, %swap3A_89] : memref<6272x128xf32, #tpu.memory_space<vmem>>, vector<128x128xf32>
    tpu.vector_store %arg3[%swap3A_88, %swap3A_89], %transpose3A_87 {strides = array<i32>} : memref<6272x128xf32, #tpu.memory_space<vmem>>, vector<128x128xf32>,
    %slice3A_91 = vector.extract_strided_slice %get3A_3 {offsets = [0, 7168], sizes = [16, 128], strides = [1, 1]} : vector<16x50176xf32> to vector<16x128xf32>
    %slice3A_92 = vector.extract_strided_slice %get3A_3 {offsets = [0, 7296], sizes = [16, 128], strides = [1, 1]} : vector<16x50176xf32> to vector<16x128xf32>
    %slice3A_93 = vector.extract_strided_slice %get3A_3 {offsets = [0, 7424], sizes = [16, 128], strides = [1, 1]} : vector<16x50176xf32> to vector<16x128xf32>
    %slice3A_94 = vector.extract_strided_slice %get3A_3 {offsets = [0, 7552], sizes = [16, 128], strides = [1, 1]} : vector<16x50176xf32> to vector<16x128xf32>
    %slice3A_95 = vector.extract_strided_slice %get3A_3 {offsets = [0, 7680], sizes = [16, 128], strides = [1, 1]} : vector<16x50176xf32> to vector<16x128xf32>
    %slice3A_96 = vector.extract_strided_slice %get3A_3 {offsets = [0, 7808], sizes = [16, 128], strides = [1, 1]} : vector<16x50176xf32> to vector<16x128xf32>
    %slice3A_97 = vector.extract_strided_slice %get3A_3 {offsets = [0, 7936], sizes = [16, 128], strides = [1, 1]} : vector<16x50176xf32> to vector<16x128xf32>
    %slice3A_98 = vector.extract_strided_slice %get3A_3 {offsets = [0, 8064], sizes = [16, 128], strides = [1, 1]} : vector<16x50176xf32> to vector<16x128xf32>
    %concatenate3A_99 = tpu.concatenate %slice3A_91, %slice3A_92, %slice3A_93, %slice3A_94, %slice3A_95, %slice3A_96, %slice3A_97, %slice3A_98 in 0 : vector<16x128xf32>, vector<16x128xf32>, vector<16x128xf32>, vector<16x128xf32>, vector<16x128xf32>, vector<16x128xf32>, vector<16x128xf32>, vector<16x128xf32> -> vector<128x128xf32>
    %transpose3A_100 = tpu.transpose %concatenate3A_99, [1, 0] : vector<128x128xf32> -> vector<128x128xf32>
    %swap3A_101 = arith.constant 896 : index
    %swap3A_102 = arith.constant 0 : index
    %swap3A_103 = vector.load %arg3[%swap3A_101, %swap3A_102] : memref<6272x128xf32, #tpu.memory_space<vmem>>, vector<128x128xf32>
    tpu.vector_store %arg3[%swap3A_101, %swap3A_102], %transpose3A_100 {strides = array<i32>} : memref<6272x128xf32, #tpu.memory_space<vmem>>, vector<128x128xf32>,
    %slice3A_104 = vector.extract_strided_slice %get3A_3 {offsets = [0, 8192], sizes = [16, 128], strides = [1, 1]} : vector<16x50176xf32> to vector<16x128xf32>
    %slice3A_105 = vector.extract_strided_slice %get3A_3 {offsets = [0, 8320], sizes = [16, 128], strides = [1, 1]} : vector<16x50176xf32> to vector<16x128xf32>
    %slice3A_106 = vector.extract_strided_slice %get3A_3 {offsets = [0, 8448], sizes = [16, 128], strides = [1, 1]} : vector<16x50176xf32> to vector<16x128xf32>
    %slice3A_107 = vector.extract_strided_slice %get3A_3 {offsets = [0, 8576], sizes = [16, 128], strides = [1, 1]} : vector<16x50176xf32> to vector<16x128xf32>
    %slice3A_108 = vector.extract_strided_slice %get3A_3 {offsets = [0, 8704], sizes = [16, 128], strides = [1, 1]} : vector<16x50176xf32> to vector<16x128xf32>
    %slice3A_109 = vector.extract_strided_slice %get3A_3 {offsets = [0, 8832], sizes = [16, 128], strides = [1, 1]} : vector<16x50176xf32> to vector<16x128xf32>
    %slice3A_110 = vector.extract_strided_slice %get3A_3 {offsets = [0, 8960], sizes = [16, 128], strides = [1, 1]} : vector<16x50176xf32> to vector<16x128xf32>
    %slice3A_111 = vector.extract_strided_slice %get3A_3 {offsets = [0, 9088], sizes = [16, 128], strides = [1, 1]} : vector<16x50176xf32> to vector<16x128xf32>
    %concatenate3A_112 = tpu.concatenate %slice3A_104, %slice3A_105, %slice3A_106, %slice3A_107, %slice3A_108, %slice3A_109, %slice3A_110, %slice3A_111 in 0 : vector<16x128xf32>, vector<16x128xf32>, vector<16x128xf32>, vector<16x128xf32>, vector<16x128xf32>, vector<16x128xf32>, vector<16x128xf32>, vector<16x128xf32> -> vector<128x128xf32>
    %transpose3A_113 = tpu.transpose %concatenate3A_112, [1, 0] : vector<128x128xf32> -> vector<128x128xf32>
    %swap3A_114 = arith.constant 1024 : index
    %swap3A_115 = arith.constant 0 : index
    %swap3A_116 = vector.load %arg3[%swap3A_114, %swap3A_115] : memref<6272x128xf32, #tpu.memory_space<vmem>>, vector<128x128xf32>
    tpu.vector_store %arg3[%swap3A_114, %swap3A_115], %transpose3A_113 {strides = array<i32>} : memref<6272x128xf32, #tpu.memory_space<vmem>>, vector<128x128xf32>,
    %slice3A_117 = vector.extract_strided_slice %get3A_3 {offsets = [0, 9216], sizes = [16, 128], strides = [1, 1]} : vector<16x50176xf32> to vector<16x128xf32>
    %slice3A_118 = vector.extract_strided_slice %get3A_3 {offsets = [0, 9344], sizes = [16, 128], strides = [1, 1]} : vector<16x50176xf32> to vector<16x128xf32>
    %slice3A_119 = vector.extract_strided_slice %get3A_3 {offsets = [0, 9472], sizes = [16, 128], strides = [1, 1]} : vector<16x50176xf32> to vector<16x128xf32>
    %slice3A_120 = vector.extract_strided_slice %get3A_3 {offsets = [0, 9600], sizes = [16, 128], strides = [1, 1]} : vector<16x50176xf32> to vector<16x128xf32>
    %slice3A_121 = vector.extract_strided_slice %get3A_3 {offsets = [0, 9728], sizes = [16, 128], strides = [1, 1]} : vector<16x50176xf32> to vector<16x128xf32>
    %slice3A_122 = vector.extract_strided_slice %get3A_3 {offsets = [0, 9856], sizes = [16, 128], strides = [1, 1]} : vector<16x50176xf32> to vector<16x128xf32>
    %slice3A_123 = vector.extract_strided_slice %get3A_3 {offsets = [0, 9984], sizes = [16, 128], strides = [1, 1]} : vector<16x50176xf32> to vector<16x128xf32>
    %slice3A_124 = vector.extract_strided_slice %get3A_3 {offsets = [0, 10112], sizes = [16, 128], strides = [1, 1]} : vector<16x50176xf32> to vector<16x128xf32>
    %concatenate3A_125 = tpu.concatenate %slice3A_117, %slice3A_118, %slice3A_119, %slice3A_120, %slice3A_121, %slice3A_122, %slice3A_123, %slice3A_124 in 0 : vector<16x128xf32>, vector<16x128xf32>, vector<16x128xf32>, vector<16x128xf32>, vector<16x128xf32>, vector<16x128xf32>, vector<16x128xf32>, vector<16x128xf32> -> vector<128x128xf32>
    %transpose3A_126 = tpu.transpose %concatenate3A_125, [1, 0] : vector<128x128xf32> -> vector<128x128xf32>
    %swap3A_127 = arith.constant 1152 : index
    %swap3A_128 = arith.constant 0 : index
    %swap3A_129 = vector.load %arg3[%swap3A_127, %swap3A_128] : memref<6272x128xf32, #tpu.memory_space<vmem>>, vector<128x128xf32>
    tpu.vector_store %arg3[%swap3A_127, %swap3A_128], %transpose3A_126 {strides = array<i32>} : memref<6272x128xf32, #tpu.memory_space<vmem>>, vector<128x128xf32>,
    %slice3A_130 = vector.extract_strided_slice %get3A_3 {offsets = [0, 10240], sizes = [16, 128], strides = [1, 1]} : vector<16x50176xf32> to vector<16x128xf32>
    %slice3A_131 = vector.extract_strided_slice %get3A_3 {offsets = [0, 10368], sizes = [16, 128], strides = [1, 1]} : vector<16x50176xf32> to vector<16x128xf32>
    %slice3A_132 = vector.extract_strided_slice %get3A_3 {offsets = [0, 10496], sizes = [16, 128], strides = [1, 1]} : vector<16x50176xf32> to vector<16x128xf32>
    %slice3A_133 = vector.extract_strided_slice %get3A_3 {offsets = [0, 10624], sizes = [16, 128], strides = [1, 1]} : vector<16x50176xf32> to vector<16x128xf32>
    %slice3A_134 = vector.extract_strided_slice %get3A_3 {offsets = [0, 10752], sizes = [16, 128], strides = [1, 1]} : vector<16x50176xf32> to vector<16x128xf32>
    %slice3A_135 = vector.extract_strided_slice %get3A_3 {offsets = [0, 10880], sizes = [16, 128], strides = [1, 1]} : vector<16x50176xf32> to vector<16x128xf32>
    %slice3A_136 = vector.extract_strided_slice %get3A_3 {offsets = [0, 11008], sizes = [16, 128], strides = [1, 1]} : vector<16x50176xf32> to vector<16x128xf32>
    %slice3A_137 = vector.extract_strided_slice %get3A_3 {offsets = [0, 11136], sizes = [16, 128], strides = [1, 1]} : vector<16x50176xf32> to vector<16x128xf32>
    %concatenate3A_138 = tpu.concatenate %slice3A_130, %slice3A_131, %slice3A_132, %slice3A_133, %slice3A_134, %slice3A_135, %slice3A_136, %slice3A_137 in 0 : vector<16x128xf32>, vector<16x128xf32>, vector<16x128xf32>, vector<16x128xf32>, vector<16x128xf32>, vector<16x128xf32>, vector<16x128xf32>, vector<16x128xf32> -> vector<128x128xf32>
    %transpose3A_139 = tpu.transpose %concatenate3A_138, [1, 0] : vector<128x128xf32> -> vector<128x128xf32>
    %swap3A_140 = arith.constant 1280 : index
    %swap3A_141 = arith.constant 0 : index
    %swap3A_142 = vector.load %arg3[%swap3A_140, %swap3A_141] : memref<6272x128xf32, #tpu.memory_space<vmem>>, vector<128x128xf32>
    tpu.vector_store %arg3[%swap3A_140, %swap3A_141], %transpose3A_139 {strides = array<i32>} : memref<6272x128xf32, #tpu.memory_space<vmem>>, vector<128x128xf32>,
    %slice3A_143 = vector.extract_strided_slice %get3A_3 {offsets = [0, 11264], sizes = [16, 128], strides = [1, 1]} : vector<16x50176xf32> to vector<16x128xf32>
    %slice3A_144 = vector.extract_strided_slice %get3A_3 {offsets = [0, 11392], sizes = [16, 128], strides = [1, 1]} : vector<16x50176xf32> to vector<16x128xf32>
    %slice3A_145 = vector.extract_strided_slice %get3A_3 {offsets = [0, 11520], sizes = [16, 128], strides = [1, 1]} : vector<16x50176xf32> to vector<16x128xf32>
    %slice3A_146 = vector.extract_strided_slice %get3A_3 {offsets = [0, 11648], sizes = [16, 128], strides = [1, 1]} : vector<16x50176xf32> to vector<16x128xf32>
    %slice3A_147 = vector.extract_strided_slice %get3A_3 {offsets = [0, 11776], sizes = [16, 128], strides = [1, 1]} : vector<16x50176xf32> to vector<16x128xf32>
    %slice3A_148 = vector.extract_strided_slice %get3A_3 {offsets = [0, 11904], sizes = [16, 128], strides = [1, 1]} : vector<16x50176xf32> to vector<16x128xf32>
    %slice3A_149 = vector.extract_strided_slice %get3A_3 {offsets = [0, 12032], sizes = [16, 128], strides = [1, 1]} : vector<16x50176xf32> to vector<16x128xf32>
    %slice3A_150 = vector.extract_strided_slice %get3A_3 {offsets = [0, 12160], sizes = [16, 128], strides = [1, 1]} : vector<16x50176xf32> to vector<16x128xf32>
    %concatenate3A_151 = tpu.concatenate %slice3A_143, %slice3A_144, %slice3A_145, %slice3A_146, %slice3A_147, %slice3A_148, %slice3A_149, %slice3A_150 in 0 : vector<16x128xf32>, vector<16x128xf32>, vector<16x128xf32>, vector<16x128xf32>, vector<16x128xf32>, vector<16x128xf32>, vector<16x128xf32>, vector<16x128xf32> -> vector<128x128xf32>
    %transpose3A_152 = tpu.transpose %concatenate3A_151, [1, 0] : vector<128x128xf32> -> vector<128x128xf32>
    %swap3A_153 = arith.constant 1408 : index
    %swap3A_154 = arith.constant 0 : index
    %swap3A_155 = vector.load %arg3[%swap3A_153, %swap3A_154] : memref<6272x128xf32, #tpu.memory_space<vmem>>, vector<128x128xf32>
    tpu.vector_store %arg3[%swap3A_153, %swap3A_154], %transpose3A_152 {strides = array<i32>} : memref<6272x128xf32, #tpu.memory_space<vmem>>, vector<128x128xf32>,
    %slice3A_156 = vector.extract_strided_slice %get3A_3 {offsets = [0, 12288], sizes = [16, 128], strides = [1, 1]} : vector<16x50176xf32> to vector<16x128xf32>
    %slice3A_157 = vector.extract_strided_slice %get3A_3 {offsets = [0, 12416], sizes = [16, 128], strides = [1, 1]} : vector<16x50176xf32> to vector<16x128xf32>
    %slice3A_158 = vector.extract_strided_slice %get3A_3 {offsets = [0, 12544], sizes = [16, 128], strides = [1, 1]} : vector<16x50176xf32> to vector<16x128xf32>
    %slice3A_159 = vector.extract_strided_slice %get3A_3 {offsets = [0, 12672], sizes = [16, 128], strides = [1, 1]} : vector<16x50176xf32> to vector<16x128xf32>
    %slice3A_160 = vector.extract_strided_slice %get3A_3 {offsets = [0, 12800], sizes = [16, 128], strides = [1, 1]} : vector<16x50176xf32> to vector<16x128xf32>
    %slice3A_161 = vector.extract_strided_slice %get3A_3 {offsets = [0, 12928], sizes = [16, 128], strides = [1, 1]} : vector<16x50176xf32> to vector<16x128xf32>
    %slice3A_162 = vector.extract_strided_slice %get3A_3 {offsets = [0, 13056], sizes = [16, 128], strides = [1, 1]} : vector<16x50176xf32> to vector<16x128xf32>
    %slice3A_163 = vector.extract_strided_slice %get3A_3 {offsets = [0, 13184], sizes = [16, 128], strides = [1, 1]} : vector<16x50176xf32> to vector<16x128xf32>
    %concatenate3A_164 = tpu.concatenate %slice3A_156, %slice3A_157, %slice3A_158, %slice3A_159, %slice3A_160, %slice3A_161, %slice3A_162, %slice3A_163 in 0 : vector<16x128xf32>, vector<16x128xf32>, vector<16x128xf32>, vector<16x128xf32>, vector<16x128xf32>, vector<16x128xf32>, vector<16x128xf32>, vector<16x128xf32> -> vector<128x128xf32>
    %transpose3A_165 = tpu.transpose %concatenate3A_164, [1, 0] : vector<128x128xf32> -> vector<128x128xf32>
    %swap3A_166 = arith.constant 1536 : index
    %swap3A_167 = arith.constant 0 : index
    %swap3A_168 = vector.load %arg3[%swap3A_166, %swap3A_167] : memref<6272x128xf32, #tpu.memory_space<vmem>>, vector<128x128xf32>
    tpu.vector_store %arg3[%swap3A_166, %swap3A_167], %transpose3A_165 {strides = array<i32>} : memref<6272x128xf32, #tpu.memory_space<vmem>>, vector<128x128xf32>,
    %slice3A_169 = vector.extract_strided_slice %get3A_3 {offsets = [0, 13312], sizes = [16, 128], strides = [1, 1]} : vector<16x50176xf32> to vector<16x128xf32>
    %slice3A_170 = vector.extract_strided_slice %get3A_3 {offsets = [0, 13440], sizes = [16, 128], strides = [1, 1]} : vector<16x50176xf32> to vector<16x128xf32>
    %slice3A_171 = vector.extract_strided_slice %get3A_3 {offsets = [0, 13568], sizes = [16, 128], strides = [1, 1]} : vector<16x50176xf32> to vector<16x128xf32>
    %slice3A_172 = vector.extract_strided_slice %get3A_3 {offsets = [0, 13696], sizes = [16, 128], strides = [1, 1]} : vector<16x50176xf32> to vector<16x128xf32>
    %slice3A_173 = vector.extract_strided_slice %get3A_3 {offsets = [0, 13824], sizes = [16, 128], strides = [1, 1]} : vector<16x50176xf32> to vector<16x128xf32>
    %slice3A_174 = vector.extract_strided_slice %get3A_3 {offsets = [0, 13952], sizes = [16, 128], strides = [1, 1]} : vector<16x50176xf32> to vector<16x128xf32>
    %slice3A_175 = vector.extract_strided_slice %get3A_3 {offsets = [0, 14080], sizes = [16, 128], strides = [1, 1]} : vector<16x50176xf32> to vector<16x128xf32>
    %slice3A_176 = vector.extract_strided_slice %get3A_3 {offsets = [0, 14208], sizes = [16, 128], strides = [1, 1]} : vector<16x50176xf32> to vector<16x128xf32>
    %concatenate3A_177 = tpu.concatenate %slice3A_169, %slice3A_170, %slice3A_171, %slice3A_172, %slice3A_173, %slice3A_174, %slice3A_175, %slice3A_176 in 0 : vector<16x128xf32>, vector<16x128xf32>, vector<16x128xf32>, vector<16x128xf32>, vector<16x128xf32>, vector<16x128xf32>, vector<16x128xf32>, vector<16x128xf32> -> vector<128x128xf32>
    %transpose3A_178 = tpu.transpose %concatenate3A_177, [1, 0] : vector<128x128xf32> -> vector<128x128xf32>
    %swap3A_179 = arith.constant 1664 : index
    %swap3A_180 = arith.constant 0 : index
    %swap3A_181 = vector.load %arg3[%swap3A_179, %swap3A_180] : memref<6272x128xf32, #tpu.memory_space<vmem>>, vector<128x128xf32>
    tpu.vector_store %arg3[%swap3A_179, %swap3A_180], %transpose3A_178 {strides = array<i32>} : memref<6272x128xf32, #tpu.memory_space<vmem>>, vector<128x128xf32>,
    %slice3A_182 = vector.extract_strided_slice %get3A_3 {offsets = [0, 14336], sizes = [16, 128], strides = [1, 1]} : vector<16x50176xf32> to vector<16x128xf32>
    %slice3A_183 = vector.extract_strided_slice %get3A_3 {offsets = [0, 14464], sizes = [16, 128], strides = [1, 1]} : vector<16x50176xf32> to vector<16x128xf32>
    %slice3A_184 = vector.extract_strided_slice %get3A_3 {offsets = [0, 14592], sizes = [16, 128], strides = [1, 1]} : vector<16x50176xf32> to vector<16x128xf32>
    %slice3A_185 = vector.extract_strided_slice %get3A_3 {offsets = [0, 14720], sizes = [16, 128], strides = [1, 1]} : vector<16x50176xf32> to vector<16x128xf32>
    %slice3A_186 = vector.extract_strided_slice %get3A_3 {offsets = [0, 14848], sizes = [16, 128], strides = [1, 1]} : vector<16x50176xf32> to vector<16x128xf32>
    %slice3A_187 = vector.extract_strided_slice %get3A_3 {offsets = [0, 14976], sizes = [16, 128], strides = [1, 1]} : vector<16x50176xf32> to vector<16x128xf32>
    %slice3A_188 = vector.extract_strided_slice %get3A_3 {offsets = [0, 15104], sizes = [16, 128], strides = [1, 1]} : vector<16x50176xf32> to vector<16x128xf32>
    %slice3A_189 = vector.extract_strided_slice %get3A_3 {offsets = [0, 15232], sizes = [16, 128], strides = [1, 1]} : vector<16x50176xf32> to vector<16x128xf32>
    %concatenate3A_190 = tpu.concatenate %slice3A_182, %slice3A_183, %slice3A_184, %slice3A_185, %slice3A_186, %slice3A_187, %slice3A_188, %slice3A_189 in 0 : vector<16x128xf32>, vector<16x128xf32>, vector<16x128xf32>, vector<16x128xf32>, vector<16x128xf32>, vector<16x128xf32>, vector<16x128xf32>, vector<16x128xf32> -> vector<128x128xf32>
    %transpose3A_191 = tpu.transpose %concatenate3A_190, [1, 0] : vector<128x128xf32> -> vector<128x128xf32>
    %swap3A_192 = arith.constant 1792 : index
    %swap3A_193 = arith.constant 0 : index
    %swap3A_194 = vector.load %arg3[%swap3A_192, %swap3A_193] : memref<6272x128xf32, #tpu.memory_space<vmem>>, vector<128x128xf32>
    tpu.vector_store %arg3[%swap3A_192, %swap3A_193], %transpose3A_191 {strides = array<i32>} : memref<6272x128xf32, #tpu.memory_space<vmem>>, vector<128x128xf32>,
    %slice3A_195 = vector.extract_strided_slice %get3A_3 {offsets = [0, 15360], sizes = [16, 128], strides = [1, 1]} : vector<16x50176xf32> to vector<16x128xf32>
    %slice3A_196 = vector.extract_strided_slice %get3A_3 {offsets = [0, 15488], sizes = [16, 128], strides = [1, 1]} : vector<16x50176xf32> to vector<16x128xf32>
    %slice3A_197 = vector.extract_strided_slice %get3A_3 {offsets = [0, 15616], sizes = [16, 128], strides = [1, 1]} : vector<16x50176xf32> to vector<16x128xf32>
    %slice3A_198 = vector.extract_strided_slice %get3A_3 {offsets = [0, 15744], sizes = [16, 128], strides = [1, 1]} : vector<16x50176xf32> to vector<16x128xf32>
    %slice3A_199 = vector.extract_strided_slice %get3A_3 {offsets = [0, 15872], sizes = [16, 128], strides = [1, 1]} : vector<16x50176xf32> to vector<16x128xf32>
    %slice3A_200 = vector.extract_strided_slice %get3A_3 {offsets = [0, 16000], sizes = [16, 128], strides = [1, 1]} : vector<16x50176xf32> to vector<16x128xf32>
    %slice3A_201 = vector.extract_strided_slice %get3A_3 {offsets = [0, 16128], sizes = [16, 128], strides = [1, 1]} : vector<16x50176xf32> to vector<16x128xf32>
    %slice3A_202 = vector.extract_strided_slice %get3A_3 {offsets = [0, 16256], sizes = [16, 128], strides = [1, 1]} : vector<16x50176xf32> to vector<16x128xf32>
    %concatenate3A_203 = tpu.concatenate %slice3A_195, %slice3A_196, %slice3A_197, %slice3A_198, %slice3A_199, %slice3A_200, %slice3A_201, %slice3A_202 in 0 : vector<16x128xf32>, vector<16x128xf32>, vector<16x128xf32>, vector<16x128xf32>, vector<16x128xf32>, vector<16x128xf32>, vector<16x128xf32>, vector<16x128xf32> -> vector<128x128xf32>
    %transpose3A_204 = tpu.transpose %concatenate3A_203, [1, 0] : vector<128x128xf32> -> vector<128x128xf32>
    %swap3A_205 = arith.constant 1920 : index
    %swap3A_206 = arith.constant 0 : index
    %swap3A_207 = vector.load %arg3[%swap3A_205, %swap3A_206] : memref<6272x128xf32, #tpu.memory_space<vmem>>, vector<128x128xf32>
    tpu.vector_store %arg3[%swap3A_205, %swap3A_206], %transpose3A_204 {strides = array<i32>} : memref<6272x128xf32, #tpu.memory_space<vmem>>, vector<128x128xf32>,
    %slice3A_208 = vector.extract_strided_slice %get3A_3 {offsets = [0, 16384], sizes = [16, 128], strides = [1, 1]} : vector<16x50176xf32> to vector<16x128xf32>
    %slice3A_209 = vector.extract_strided_slice %get3A_3 {offsets = [0, 16512], sizes = [16, 128], strides = [1, 1]} : vector<16x50176xf32> to vector<16x128xf32>
    %slice3A_210 = vector.extract_strided_slice %get3A_3 {offsets = [0, 16640], sizes = [16, 128], strides = [1, 1]} : vector<16x50176xf32> to vector<16x128xf32>
    %slice3A_211 = vector.extract_strided_slice %get3A_3 {offsets = [0, 16768], sizes = [16, 128], strides = [1, 1]} : vector<16x50176xf32> to vector<16x128xf32>
    %slice3A_212 = vector.extract_strided_slice %get3A_3 {offsets = [0, 16896], sizes = [16, 128], strides = [1, 1]} : vector<16x50176xf32> to vector<16x128xf32>
    %slice3A_213 = vector.extract_strided_slice %get3A_3 {offsets = [0, 17024], sizes = [16, 128], strides = [1, 1]} : vector<16x50176xf32> to vector<16x128xf32>
    %slice3A_214 = vector.extract_strided_slice %get3A_3 {offsets = [0, 17152], sizes = [16, 128], strides = [1, 1]} : vector<16x50176xf32> to vector<16x128xf32>
    %slice3A_215 = vector.extract_strided_slice %get3A_3 {offsets = [0, 17280], sizes = [16, 128], strides = [1, 1]} : vector<16x50176xf32> to vector<16x128xf32>
    %concatenate3A_216 = tpu.concatenate %slice3A_208, %slice3A_209, %slice3A_210, %slice3A_211, %slice3A_212, %slice3A_213, %slice3A_214, %slice3A_215 in 0 : vector<16x128xf32>, vector<16x128xf32>, vector<16x128xf32>, vector<16x128xf32>, vector<16x128xf32>, vector<16x128xf32>, vector<16x128xf32>, vector<16x128xf32> -> vector<128x128xf32>
    %transpose3A_217 = tpu.transpose %concatenate3A_216, [1, 0] : vector<128x128xf32> -> vector<128x128xf32>
    %swap3A_218 = arith.constant 2048 : index
    %swap3A_219 = arith.constant 0 : index
    %swap3A_220 = vector.load %arg3[%swap3A_218, %swap3A_219] : memref<6272x128xf32, #tpu.memory_space<vmem>>, vector<128x128xf32>
    tpu.vector_store %arg3[%swap3A_218, %swap3A_219], %transpose3A_217 {strides = array<i32>} : memref<6272x128xf32, #tpu.memory_space<vmem>>, vector<128x128xf32>,
    %slice3A_221 = vector.extract_strided_slice %get3A_3 {offsets = [0, 17408], sizes = [16, 128], strides = [1, 1]} : vector<16x50176xf32> to vector<16x128xf32>
    %slice3A_222 = vector.extract_strided_slice %get3A_3 {offsets = [0, 17536], sizes = [16, 128], strides = [1, 1]} : vector<16x50176xf32> to vector<16x128xf32>
    %slice3A_223 = vector.extract_strided_slice %get3A_3 {offsets = [0, 17664], sizes = [16, 128], strides = [1, 1]} : vector<16x50176xf32> to vector<16x128xf32>
    %slice3A_224 = vector.extract_strided_slice %get3A_3 {offsets = [0, 17792], sizes = [16, 128], strides = [1, 1]} : vector<16x50176xf32> to vector<16x128xf32>
    %slice3A_225 = vector.extract_strided_slice %get3A_3 {offsets = [0, 17920], sizes = [16, 128], strides = [1, 1]} : vector<16x50176xf32> to vector<16x128xf32>
    %slice3A_226 = vector.extract_strided_slice %get3A_3 {offsets = [0, 18048], sizes = [16, 128], strides = [1, 1]} : vector<16x50176xf32> to vector<16x128xf32>
    %slice3A_227 = vector.extract_strided_slice %get3A_3 {offsets = [0, 18176], sizes = [16, 128], strides = [1, 1]} : vector<16x50176xf32> to vector<16x128xf32>
    %slice3A_228 = vector.extract_strided_slice %get3A_3 {offsets = [0, 18304], sizes = [16, 128], strides = [1, 1]} : vector<16x50176xf32> to vector<16x128xf32>
    %concatenate3A_229 = tpu.concatenate %slice3A_221, %slice3A_222, %slice3A_223, %slice3A_224, %slice3A_225, %slice3A_226, %slice3A_227, %slice3A_228 in 0 : vector<16x128xf32>, vector<16x128xf32>, vector<16x128xf32>, vector<16x128xf32>, vector<16x128xf32>, vector<16x128xf32>, vector<16x128xf32>, vector<16x128xf32> -> vector<128x128xf32>
    %transpose3A_230 = tpu.transpose %concatenate3A_229, [1, 0] : vector<128x128xf32> -> vector<128x128xf32>
    %swap3A_231 = arith.constant 2176 : index
    %swap3A_232 = arith.constant 0 : index
    %swap3A_233 = vector.load %arg3[%swap3A_231, %swap3A_232] : memref<6272x128xf32, #tpu.memory_space<vmem>>, vector<128x128xf32>
    tpu.vector_store %arg3[%swap3A_231, %swap3A_232], %transpose3A_230 {strides = array<i32>} : memref<6272x128xf32, #tpu.memory_space<vmem>>, vector<128x128xf32>,
    %slice3A_234 = vector.extract_strided_slice %get3A_3 {offsets = [0, 18432], sizes = [16, 128], strides = [1, 1]} : vector<16x50176xf32> to vector<16x128xf32>
    %slice3A_235 = vector.extract_strided_slice %get3A_3 {offsets = [0, 18560], sizes = [16, 128], strides = [1, 1]} : vector<16x50176xf32> to vector<16x128xf32>
    %slice3A_236 = vector.extract_strided_slice %get3A_3 {offsets = [0, 18688], sizes = [16, 128], strides = [1, 1]} : vector<16x50176xf32> to vector<16x128xf32>
    %slice3A_237 = vector.extract_strided_slice %get3A_3 {offsets = [0, 18816], sizes = [16, 128], strides = [1, 1]} : vector<16x50176xf32> to vector<16x128xf32>
    %slice3A_238 = vector.extract_strided_slice %get3A_3 {offsets = [0, 18944], sizes = [16, 128], strides = [1, 1]} : vector<16x50176xf32> to vector<16x128xf32>
    %slice3A_239 = vector.extract_strided_slice %get3A_3 {offsets = [0, 19072], sizes = [16, 128], strides = [1, 1]} : vector<16x50176xf32> to vector<16x128xf32>
    %slice3A_240 = vector.extract_strided_slice %get3A_3 {offsets = [0, 19200], sizes = [16, 128], strides = [1, 1]} : vector<16x50176xf32> to vector<16x128xf32>
    %slice3A_241 = vector.extract_strided_slice %get3A_3 {offsets = [0, 19328], sizes = [16, 128], strides = [1, 1]} : vector<16x50176xf32> to vector<16x128xf32>
    %concatenate3A_242 = tpu.concatenate %slice3A_234, %slice3A_235, %slice3A_236, %slice3A_237, %slice3A_238, %slice3A_239, %slice3A_240, %slice3A_241 in 0 : vector<16x128xf32>, vector<16x128xf32>, vector<16x128xf32>, vector<16x128xf32>, vector<16x128xf32>, vector<16x128xf32>, vector<16x128xf32>, vector<16x128xf32> -> vector<128x128xf32>
    %transpose3A_243 = tpu.transpose %concatenate3A_242, [1, 0] : vector<128x128xf32> -> vector<128x128xf32>
    %swap3A_244 = arith.constant 2304 : index
    %swap3A_245 = arith.constant 0 : index
    %swap3A_246 = vector.load %arg3[%swap3A_244, %swap3A_245] : memref<6272x128xf32, #tpu.memory_space<vmem>>, vector<128x128xf32>
    tpu.vector_store %arg3[%swap3A_244, %swap3A_245], %transpose3A_243 {strides = array<i32>} : memref<6272x128xf32, #tpu.memory_space<vmem>>, vector<128x128xf32>,
    %slice3A_247 = vector.extract_strided_slice %get3A_3 {offsets = [0, 19456], sizes = [16, 128], strides = [1, 1]} : vector<16x50176xf32> to vector<16x128xf32>
    %slice3A_248 = vector.extract_strided_slice %get3A_3 {offsets = [0, 19584], sizes = [16, 128], strides = [1, 1]} : vector<16x50176xf32> to vector<16x128xf32>
    %slice3A_249 = vector.extract_strided_slice %get3A_3 {offsets = [0, 19712], sizes = [16, 128], strides = [1, 1]} : vector<16x50176xf32> to vector<16x128xf32>
    %slice3A_250 = vector.extract_strided_slice %get3A_3 {offsets = [0, 19840], sizes = [16, 128], strides = [1, 1]} : vector<16x50176xf32> to vector<16x128xf32>
    %slice3A_251 = vector.extract_strided_slice %get3A_3 {offsets = [0, 19968], sizes = [16, 128], strides = [1, 1]} : vector<16x50176xf32> to vector<16x128xf32>
    %slice3A_252 = vector.extract_strided_slice %get3A_3 {offsets = [0, 20096], sizes = [16, 128], strides = [1, 1]} : vector<16x50176xf32> to vector<16x128xf32>
    %slice3A_253 = vector.extract_strided_slice %get3A_3 {offsets = [0, 20224], sizes = [16, 128], strides = [1, 1]} : vector<16x50176xf32> to vector<16x128xf32>
    %slice3A_254 = vector.extract_strided_slice %get3A_3 {offsets = [0, 20352], sizes = [16, 128], strides = [1, 1]} : vector<16x50176xf32> to vector<16x128xf32>
    %concatenate3A_255 = tpu.concatenate %slice3A_247, %slice3A_248, %slice3A_249, %slice3A_250, %slice3A_251, %slice3A_252, %slice3A_253, %slice3A_254 in 0 : vector<16x128xf32>, vector<16x128xf32>, vector<16x128xf32>, vector<16x128xf32>, vector<16x128xf32>, vector<16x128xf32>, vector<16x128xf32>, vector<16x128xf32> -> vector<128x128xf32>
    %transpose3A_256 = tpu.transpose %concatenate3A_255, [1, 0] : vector<128x128xf32> -> vector<128x128xf32>
    %swap3A_257 = arith.constant 2432 : index
    %swap3A_258 = arith.constant 0 : index
    %swap3A_259 = vector.load %arg3[%swap3A_257, %swap3A_258] : memref<6272x128xf32, #tpu.memory_space<vmem>>, vector<128x128xf32>
    tpu.vector_store %arg3[%swap3A_257, %swap3A_258], %transpose3A_256 {strides = array<i32>} : memref<6272x128xf32, #tpu.memory_space<vmem>>, vector<128x128xf32>,
    %slice3A_260 = vector.extract_strided_slice %get3A_3 {offsets = [0, 20480], sizes = [16, 128], strides = [1, 1]} : vector<16x50176xf32> to vector<16x128xf32>
    %slice3A_261 = vector.extract_strided_slice %get3A_3 {offsets = [0, 20608], sizes = [16, 128], strides = [1, 1]} : vector<16x50176xf32> to vector<16x128xf32>
    %slice3A_262 = vector.extract_strided_slice %get3A_3 {offsets = [0, 20736], sizes = [16, 128], strides = [1, 1]} : vector<16x50176xf32> to vector<16x128xf32>
    %slice3A_263 = vector.extract_strided_slice %get3A_3 {offsets = [0, 20864], sizes = [16, 128], strides = [1, 1]} : vector<16x50176xf32> to vector<16x128xf32>
    %slice3A_264 = vector.extract_strided_slice %get3A_3 {offsets = [0, 20992], sizes = [16, 128], strides = [1, 1]} : vector<16x50176xf32> to vector<16x128xf32>
    %slice3A_265 = vector.extract_strided_slice %get3A_3 {offsets = [0, 21120], sizes = [16, 128], strides = [1, 1]} : vector<16x50176xf32> to vector<16x128xf32>
    %slice3A_266 = vector.extract_strided_slice %get3A_3 {offsets = [0, 21248], sizes = [16, 128], strides = [1, 1]} : vector<16x50176xf32> to vector<16x128xf32>
    %slice3A_267 = vector.extract_strided_slice %get3A_3 {offsets = [0, 21376], sizes = [16, 128], strides = [1, 1]} : vector<16x50176xf32> to vector<16x128xf32>
    %concatenate3A_268 = tpu.concatenate %slice3A_260, %slice3A_261, %slice3A_262, %slice3A_263, %slice3A_264, %slice3A_265, %slice3A_266, %slice3A_267 in 0 : vector<16x128xf32>, vector<16x128xf32>, vector<16x128xf32>, vector<16x128xf32>, vector<16x128xf32>, vector<16x128xf32>, vector<16x128xf32>, vector<16x128xf32> -> vector<128x128xf32>
    %transpose3A_269 = tpu.transpose %concatenate3A_268, [1, 0] : vector<128x128xf32> -> vector<128x128xf32>
    %swap3A_270 = arith.constant 2560 : index
    %swap3A_271 = arith.constant 0 : index
    %swap3A_272 = vector.load %arg3[%swap3A_270, %swap3A_271] : memref<6272x128xf32, #tpu.memory_space<vmem>>, vector<128x128xf32>
    tpu.vector_store %arg3[%swap3A_270, %swap3A_271], %transpose3A_269 {strides = array<i32>} : memref<6272x128xf32, #tpu.memory_space<vmem>>, vector<128x128xf32>,
    %slice3A_273 = vector.extract_strided_slice %get3A_3 {offsets = [0, 21504], sizes = [16, 128], strides = [1, 1]} : vector<16x50176xf32> to vector<16x128xf32>
    %slice3A_274 = vector.extract_strided_slice %get3A_3 {offsets = [0, 21632], sizes = [16, 128], strides = [1, 1]} : vector<16x50176xf32> to vector<16x128xf32>
    %slice3A_275 = vector.extract_strided_slice %get3A_3 {offsets = [0, 21760], sizes = [16, 128], strides = [1, 1]} : vector<16x50176xf32> to vector<16x128xf32>
    %slice3A_276 = vector.extract_strided_slice %get3A_3 {offsets = [0, 21888], sizes = [16, 128], strides = [1, 1]} : vector<16x50176xf32> to vector<16x128xf32>
    %slice3A_277 = vector.extract_strided_slice %get3A_3 {offsets = [0, 22016], sizes = [16, 128], strides = [1, 1]} : vector<16x50176xf32> to vector<16x128xf32>
    %slice3A_278 = vector.extract_strided_slice %get3A_3 {offsets = [0, 22144], sizes = [16, 128], strides = [1, 1]} : vector<16x50176xf32> to vector<16x128xf32>
    %slice3A_279 = vector.extract_strided_slice %get3A_3 {offsets = [0, 22272], sizes = [16, 128], strides = [1, 1]} : vector<16x50176xf32> to vector<16x128xf32>
    %slice3A_280 = vector.extract_strided_slice %get3A_3 {offsets = [0, 22400], sizes = [16, 128], strides = [1, 1]} : vector<16x50176xf32> to vector<16x128xf32>
    %concatenate3A_281 = tpu.concatenate %slice3A_273, %slice3A_274, %slice3A_275, %slice3A_276, %slice3A_277, %slice3A_278, %slice3A_279, %slice3A_280 in 0 : vector<16x128xf32>, vector<16x128xf32>, vector<16x128xf32>, vector<16x128xf32>, vector<16x128xf32>, vector<16x128xf32>, vector<16x128xf32>, vector<16x128xf32> -> vector<128x128xf32>
    %transpose3A_282 = tpu.transpose %concatenate3A_281, [1, 0] : vector<128x128xf32> -> vector<128x128xf32>
    %swap3A_283 = arith.constant 2688 : index
    %swap3A_284 = arith.constant 0 : index
    %swap3A_285 = vector.load %arg3[%swap3A_283, %swap3A_284] : memref<6272x128xf32, #tpu.memory_space<vmem>>, vector<128x128xf32>
    tpu.vector_store %arg3[%swap3A_283, %swap3A_284], %transpose3A_282 {strides = array<i32>} : memref<6272x128xf32, #tpu.memory_space<vmem>>, vector<128x128xf32>,
    %slice3A_286 = vector.extract_strided_slice %get3A_3 {offsets = [0, 22528], sizes = [16, 128], strides = [1, 1]} : vector<16x50176xf32> to vector<16x128xf32>
    %slice3A_287 = vector.extract_strided_slice %get3A_3 {offsets = [0, 22656], sizes = [16, 128], strides = [1, 1]} : vector<16x50176xf32> to vector<16x128xf32>
    %slice3A_288 = vector.extract_strided_slice %get3A_3 {offsets = [0, 22784], sizes = [16, 128], strides = [1, 1]} : vector<16x50176xf32> to vector<16x128xf32>
    %slice3A_289 = vector.extract_strided_slice %get3A_3 {offsets = [0, 22912], sizes = [16, 128], strides = [1, 1]} : vector<16x50176xf32> to vector<16x128xf32>
    %slice3A_290 = vector.extract_strided_slice %get3A_3 {offsets = [0, 23040], sizes = [16, 128], strides = [1, 1]} : vector<16x50176xf32> to vector<16x128xf32>
    %slice3A_291 = vector.extract_strided_slice %get3A_3 {offsets = [0, 23168], sizes = [16, 128], strides = [1, 1]} : vector<16x50176xf32> to vector<16x128xf32>
    %slice3A_292 = vector.extract_strided_slice %get3A_3 {offsets = [0, 23296], sizes = [16, 128], strides = [1, 1]} : vector<16x50176xf32> to vector<16x128xf32>
    %slice3A_293 = vector.extract_strided_slice %get3A_3 {offsets = [0, 23424], sizes = [16, 128], strides = [1, 1]} : vector<16x50176xf32> to vector<16x128xf32>
    %concatenate3A_294 = tpu.concatenate %slice3A_286, %slice3A_287, %slice3A_288, %slice3A_289, %slice3A_290, %slice3A_291, %slice3A_292, %slice3A_293 in 0 : vector<16x128xf32>, vector<16x128xf32>, vector<16x128xf32>, vector<16x128xf32>, vector<16x128xf32>, vector<16x128xf32>, vector<16x128xf32>, vector<16x128xf32> -> vector<128x128xf32>
    %transpose3A_295 = tpu.transpose %concatenate3A_294, [1, 0] : vector<128x128xf32> -> vector<128x128xf32>
    %swap3A_296 = arith.constant 2816 : index
    %swap3A_297 = arith.constant 0 : index
    %swap3A_298 = vector.load %arg3[%swap3A_296, %swap3A_297] : memref<6272x128xf32, #tpu.memory_space<vmem>>, vector<128x128xf32>
    tpu.vector_store %arg3[%swap3A_296, %swap3A_297], %transpose3A_295 {strides = array<i32>} : memref<6272x128xf32, #tpu.memory_space<vmem>>, vector<128x128xf32>,
    %slice3A_299 = vector.extract_strided_slice %get3A_3 {offsets = [0, 23552], sizes = [16, 128], strides = [1, 1]} : vector<16x50176xf32> to vector<16x128xf32>
    %slice3A_300 = vector.extract_strided_slice %get3A_3 {offsets = [0, 23680], sizes = [16, 128], strides = [1, 1]} : vector<16x50176xf32> to vector<16x128xf32>
    %slice3A_301 = vector.extract_strided_slice %get3A_3 {offsets = [0, 23808], sizes = [16, 128], strides = [1, 1]} : vector<16x50176xf32> to vector<16x128xf32>
    %slice3A_302 = vector.extract_strided_slice %get3A_3 {offsets = [0, 23936], sizes = [16, 128], strides = [1, 1]} : vector<16x50176xf32> to vector<16x128xf32>
    %slice3A_303 = vector.extract_strided_slice %get3A_3 {offsets = [0, 24064], sizes = [16, 128], strides = [1, 1]} : vector<16x50176xf32> to vector<16x128xf32>
    %slice3A_304 = vector.extract_strided_slice %get3A_3 {offsets = [0, 24192], sizes = [16, 128], strides = [1, 1]} : vector<16x50176xf32> to vector<16x128xf32>
    %slice3A_305 = vector.extract_strided_slice %get3A_3 {offsets = [0, 24320], sizes = [16, 128], strides = [1, 1]} : vector<16x50176xf32> to vector<16x128xf32>
    %slice3A_306 = vector.extract_strided_slice %get3A_3 {offsets = [0, 24448], sizes = [16, 128], strides = [1, 1]} : vector<16x50176xf32> to vector<16x128xf32>
    %concatenate3A_307 = tpu.concatenate %slice3A_299, %slice3A_300, %slice3A_301, %slice3A_302, %slice3A_303, %slice3A_304, %slice3A_305, %slice3A_306 in 0 : vector<16x128xf32>, vector<16x128xf32>, vector<16x128xf32>, vector<16x128xf32>, vector<16x128xf32>, vector<16x128xf32>, vector<16x128xf32>, vector<16x128xf32> -> vector<128x128xf32>
    %transpose3A_308 = tpu.transpose %concatenate3A_307, [1, 0] : vector<128x128xf32> -> vector<128x128xf32>
    %swap3A_309 = arith.constant 2944 : index
    %swap3A_310 = arith.constant 0 : index
    %swap3A_311 = vector.load %arg3[%swap3A_309, %swap3A_310] : memref<6272x128xf32, #tpu.memory_space<vmem>>, vector<128x128xf32>
    tpu.vector_store %arg3[%swap3A_309, %swap3A_310], %transpose3A_308 {strides = array<i32>} : memref<6272x128xf32, #tpu.memory_space<vmem>>, vector<128x128xf32>,
    %slice3A_312 = vector.extract_strided_slice %get3A_3 {offsets = [0, 24576], sizes = [16, 128], strides = [1, 1]} : vector<16x50176xf32> to vector<16x128xf32>
    %slice3A_313 = vector.extract_strided_slice %get3A_3 {offsets = [0, 24704], sizes = [16, 128], strides = [1, 1]} : vector<16x50176xf32> to vector<16x128xf32>
    %slice3A_314 = vector.extract_strided_slice %get3A_3 {offsets = [0, 24832], sizes = [16, 128], strides = [1, 1]} : vector<16x50176xf32> to vector<16x128xf32>
    %slice3A_315 = vector.extract_strided_slice %get3A_3 {offsets = [0, 24960], sizes = [16, 128], strides = [1, 1]} : vector<16x50176xf32> to vector<16x128xf32>
    %slice3A_316 = vector.extract_strided_slice %get3A_3 {offsets = [0, 25088], sizes = [16, 128], strides = [1, 1]} : vector<16x50176xf32> to vector<16x128xf32>
    %slice3A_317 = vector.extract_strided_slice %get3A_3 {offsets = [0, 25216], sizes = [16, 128], strides = [1, 1]} : vector<16x50176xf32> to vector<16x128xf32>
    %slice3A_318 = vector.extract_strided_slice %get3A_3 {offsets = [0, 25344], sizes = [16, 128], strides = [1, 1]} : vector<16x50176xf32> to vector<16x128xf32>
    %slice3A_319 = vector.extract_strided_slice %get3A_3 {offsets = [0, 25472], sizes = [16, 128], strides = [1, 1]} : vector<16x50176xf32> to vector<16x128xf32>
    %concatenate3A_320 = tpu.concatenate %slice3A_312, %slice3A_313, %slice3A_314, %slice3A_315, %slice3A_316, %slice3A_317, %slice3A_318, %slice3A_319 in 0 : vector<16x128xf32>, vector<16x128xf32>, vector<16x128xf32>, vector<16x128xf32>, vector<16x128xf32>, vector<16x128xf32>, vector<16x128xf32>, vector<16x128xf32> -> vector<128x128xf32>
    %transpose3A_321 = tpu.transpose %concatenate3A_320, [1, 0] : vector<128x128xf32> -> vector<128x128xf32>
    %swap3A_322 = arith.constant 3072 : index
    %swap3A_323 = arith.constant 0 : index
    %swap3A_324 = vector.load %arg3[%swap3A_322, %swap3A_323] : memref<6272x128xf32, #tpu.memory_space<vmem>>, vector<128x128xf32>
    tpu.vector_store %arg3[%swap3A_322, %swap3A_323], %transpose3A_321 {strides = array<i32>} : memref<6272x128xf32, #tpu.memory_space<vmem>>, vector<128x128xf32>,
    %slice3A_325 = vector.extract_strided_slice %get3A_3 {offsets = [0, 25600], sizes = [16, 128], strides = [1, 1]} : vector<16x50176xf32> to vector<16x128xf32>
    %slice3A_326 = vector.extract_strided_slice %get3A_3 {offsets = [0, 25728], sizes = [16, 128], strides = [1, 1]} : vector<16x50176xf32> to vector<16x128xf32>
    %slice3A_327 = vector.extract_strided_slice %get3A_3 {offsets = [0, 25856], sizes = [16, 128], strides = [1, 1]} : vector<16x50176xf32> to vector<16x128xf32>
    %slice3A_328 = vector.extract_strided_slice %get3A_3 {offsets = [0, 25984], sizes = [16, 128], strides = [1, 1]} : vector<16x50176xf32> to vector<16x128xf32>
    %slice3A_329 = vector.extract_strided_slice %get3A_3 {offsets = [0, 26112], sizes = [16, 128], strides = [1, 1]} : vector<16x50176xf32> to vector<16x128xf32>
    %slice3A_330 = vector.extract_strided_slice %get3A_3 {offsets = [0, 26240], sizes = [16, 128], strides = [1, 1]} : vector<16x50176xf32> to vector<16x128xf32>
    %slice3A_331 = vector.extract_strided_slice %get3A_3 {offsets = [0, 26368], sizes = [16, 128], strides = [1, 1]} : vector<16x50176xf32> to vector<16x128xf32>
    %slice3A_332 = vector.extract_strided_slice %get3A_3 {offsets = [0, 26496], sizes = [16, 128], strides = [1, 1]} : vector<16x50176xf32> to vector<16x128xf32>
    %concatenate3A_333 = tpu.concatenate %slice3A_325, %slice3A_326, %slice3A_327, %slice3A_328, %slice3A_329, %slice3A_330, %slice3A_331, %slice3A_332 in 0 : vector<16x128xf32>, vector<16x128xf32>, vector<16x128xf32>, vector<16x128xf32>, vector<16x128xf32>, vector<16x128xf32>, vector<16x128xf32>, vector<16x128xf32> -> vector<128x128xf32>
    %transpose3A_334 = tpu.transpose %concatenate3A_333, [1, 0] : vector<128x128xf32> -> vector<128x128xf32>
    %swap3A_335 = arith.constant 3200 : index
    %swap3A_336 = arith.constant 0 : index
    %swap3A_337 = vector.load %arg3[%swap3A_335, %swap3A_336] : memref<6272x128xf32, #tpu.memory_space<vmem>>, vector<128x128xf32>
    tpu.vector_store %arg3[%swap3A_335, %swap3A_336], %transpose3A_334 {strides = array<i32>} : memref<6272x128xf32, #tpu.memory_space<vmem>>, vector<128x128xf32>,
    %slice3A_338 = vector.extract_strided_slice %get3A_3 {offsets = [0, 26624], sizes = [16, 128], strides = [1, 1]} : vector<16x50176xf32> to vector<16x128xf32>
    %slice3A_339 = vector.extract_strided_slice %get3A_3 {offsets = [0, 26752], sizes = [16, 128], strides = [1, 1]} : vector<16x50176xf32> to vector<16x128xf32>
    %slice3A_340 = vector.extract_strided_slice %get3A_3 {offsets = [0, 26880], sizes = [16, 128], strides = [1, 1]} : vector<16x50176xf32> to vector<16x128xf32>
    %slice3A_341 = vector.extract_strided_slice %get3A_3 {offsets = [0, 27008], sizes = [16, 128], strides = [1, 1]} : vector<16x50176xf32> to vector<16x128xf32>
    %slice3A_342 = vector.extract_strided_slice %get3A_3 {offsets = [0, 27136], sizes = [16, 128], strides = [1, 1]} : vector<16x50176xf32> to vector<16x128xf32>
    %slice3A_343 = vector.extract_strided_slice %get3A_3 {offsets = [0, 27264], sizes = [16, 128], strides = [1, 1]} : vector<16x50176xf32> to vector<16x128xf32>
    %slice3A_344 = vector.extract_strided_slice %get3A_3 {offsets = [0, 27392], sizes = [16, 128], strides = [1, 1]} : vector<16x50176xf32> to vector<16x128xf32>
    %slice3A_345 = vector.extract_strided_slice %get3A_3 {offsets = [0, 27520], sizes = [16, 128], strides = [1, 1]} : vector<16x50176xf32> to vector<16x128xf32>
    %concatenate3A_346 = tpu.concatenate %slice3A_338, %slice3A_339, %slice3A_340, %slice3A_341, %slice3A_342, %slice3A_343, %slice3A_344, %slice3A_345 in 0 : vector<16x128xf32>, vector<16x128xf32>, vector<16x128xf32>, vector<16x128xf32>, vector<16x128xf32>, vector<16x128xf32>, vector<16x128xf32>, vector<16x128xf32> -> vector<128x128xf32>
    %transpose3A_347 = tpu.transpose %concatenate3A_346, [1, 0] : vector<128x128xf32> -> vector<128x128xf32>
    %swap3A_348 = arith.constant 3328 : index
    %swap3A_349 = arith.constant 0 : index
    %swap3A_350 = vector.load %arg3[%swap3A_348, %swap3A_349] : memref<6272x128xf32, #tpu.memory_space<vmem>>, vector<128x128xf32>
    tpu.vector_store %arg3[%swap3A_348, %swap3A_349], %transpose3A_347 {strides = array<i32>} : memref<6272x128xf32, #tpu.memory_space<vmem>>, vector<128x128xf32>,
    %slice3A_351 = vector.extract_strided_slice %get3A_3 {offsets = [0, 27648], sizes = [16, 128], strides = [1, 1]} : vector<16x50176xf32> to vector<16x128xf32>
    %slice3A_352 = vector.extract_strided_slice %get3A_3 {offsets = [0, 27776], sizes = [16, 128], strides = [1, 1]} : vector<16x50176xf32> to vector<16x128xf32>
    %slice3A_353 = vector.extract_strided_slice %get3A_3 {offsets = [0, 27904], sizes = [16, 128], strides = [1, 1]} : vector<16x50176xf32> to vector<16x128xf32>
    %slice3A_354 = vector.extract_strided_slice %get3A_3 {offsets = [0, 28032], sizes = [16, 128], strides = [1, 1]} : vector<16x50176xf32> to vector<16x128xf32>
    %slice3A_355 = vector.extract_strided_slice %get3A_3 {offsets = [0, 28160], sizes = [16, 128], strides = [1, 1]} : vector<16x50176xf32> to vector<16x128xf32>
    %slice3A_356 = vector.extract_strided_slice %get3A_3 {offsets = [0, 28288], sizes = [16, 128], strides = [1, 1]} : vector<16x50176xf32> to vector<16x128xf32>
    %slice3A_357 = vector.extract_strided_slice %get3A_3 {offsets = [0, 28416], sizes = [16, 128], strides = [1, 1]} : vector<16x50176xf32> to vector<16x128xf32>
    %slice3A_358 = vector.extract_strided_slice %get3A_3 {offsets = [0, 28544], sizes = [16, 128], strides = [1, 1]} : vector<16x50176xf32> to vector<16x128xf32>
    %concatenate3A_359 = tpu.concatenate %slice3A_351, %slice3A_352, %slice3A_353, %slice3A_354, %slice3A_355, %slice3A_356, %slice3A_357, %slice3A_358 in 0 : vector<16x128xf32>, vector<16x128xf32>, vector<16x128xf32>, vector<16x128xf32>, vector<16x128xf32>, vector<16x128xf32>, vector<16x128xf32>, vector<16x128xf32> -> vector<128x128xf32>
    %transpose3A_360 = tpu.transpose %concatenate3A_359, [1, 0] : vector<128x128xf32> -> vector<128x128xf32>
    %swap3A_361 = arith.constant 3456 : index
    %swap3A_362 = arith.constant 0 : index
    %swap3A_363 = vector.load %arg3[%swap3A_361, %swap3A_362] : memref<6272x128xf32, #tpu.memory_space<vmem>>, vector<128x128xf32>
    tpu.vector_store %arg3[%swap3A_361, %swap3A_362], %transpose3A_360 {strides = array<i32>} : memref<6272x128xf32, #tpu.memory_space<vmem>>, vector<128x128xf32>,
    %slice3A_364 = vector.extract_strided_slice %get3A_3 {offsets = [0, 28672], sizes = [16, 128], strides = [1, 1]} : vector<16x50176xf32> to vector<16x128xf32>
    %slice3A_365 = vector.extract_strided_slice %get3A_3 {offsets = [0, 28800], sizes = [16, 128], strides = [1, 1]} : vector<16x50176xf32> to vector<16x128xf32>
    %slice3A_366 = vector.extract_strided_slice %get3A_3 {offsets = [0, 28928], sizes = [16, 128], strides = [1, 1]} : vector<16x50176xf32> to vector<16x128xf32>
    %slice3A_367 = vector.extract_strided_slice %get3A_3 {offsets = [0, 29056], sizes = [16, 128], strides = [1, 1]} : vector<16x50176xf32> to vector<16x128xf32>
    %slice3A_368 = vector.extract_strided_slice %get3A_3 {offsets = [0, 29184], sizes = [16, 128], strides = [1, 1]} : vector<16x50176xf32> to vector<16x128xf32>
    %slice3A_369 = vector.extract_strided_slice %get3A_3 {offsets = [0, 29312], sizes = [16, 128], strides = [1, 1]} : vector<16x50176xf32> to vector<16x128xf32>
    %slice3A_370 = vector.extract_strided_slice %get3A_3 {offsets = [0, 29440], sizes = [16, 128], strides = [1, 1]} : vector<16x50176xf32> to vector<16x128xf32>
    %slice3A_371 = vector.extract_strided_slice %get3A_3 {offsets = [0, 29568], sizes = [16, 128], strides = [1, 1]} : vector<16x50176xf32> to vector<16x128xf32>
    %concatenate3A_372 = tpu.concatenate %slice3A_364, %slice3A_365, %slice3A_366, %slice3A_367, %slice3A_368, %slice3A_369, %slice3A_370, %slice3A_371 in 0 : vector<16x128xf32>, vector<16x128xf32>, vector<16x128xf32>, vector<16x128xf32>, vector<16x128xf32>, vector<16x128xf32>, vector<16x128xf32>, vector<16x128xf32> -> vector<128x128xf32>
    %transpose3A_373 = tpu.transpose %concatenate3A_372, [1, 0] : vector<128x128xf32> -> vector<128x128xf32>
    %swap3A_374 = arith.constant 3584 : index
    %swap3A_375 = arith.constant 0 : index
    %swap3A_376 = vector.load %arg3[%swap3A_374, %swap3A_375] : memref<6272x128xf32, #tpu.memory_space<vmem>>, vector<128x128xf32>
    tpu.vector_store %arg3[%swap3A_374, %swap3A_375], %transpose3A_373 {strides = array<i32>} : memref<6272x128xf32, #tpu.memory_space<vmem>>, vector<128x128xf32>,
    %slice3A_377 = vector.extract_strided_slice %get3A_3 {offsets = [0, 29696], sizes = [16, 128], strides = [1, 1]} : vector<16x50176xf32> to vector<16x128xf32>
    %slice3A_378 = vector.extract_strided_slice %get3A_3 {offsets = [0, 29824], sizes = [16, 128], strides = [1, 1]} : vector<16x50176xf32> to vector<16x128xf32>
    %slice3A_379 = vector.extract_strided_slice %get3A_3 {offsets = [0, 29952], sizes = [16, 128], strides = [1, 1]} : vector<16x50176xf32> to vector<16x128xf32>
    %slice3A_380 = vector.extract_strided_slice %get3A_3 {offsets = [0, 30080], sizes = [16, 128], strides = [1, 1]} : vector<16x50176xf32> to vector<16x128xf32>
    %slice3A_381 = vector.extract_strided_slice %get3A_3 {offsets = [0, 30208], sizes = [16, 128], strides = [1, 1]} : vector<16x50176xf32> to vector<16x128xf32>
    %slice3A_382 = vector.extract_strided_slice %get3A_3 {offsets = [0, 30336], sizes = [16, 128], strides = [1, 1]} : vector<16x50176xf32> to vector<16x128xf32>
    %slice3A_383 = vector.extract_strided_slice %get3A_3 {offsets = [0, 30464], sizes = [16, 128], strides = [1, 1]} : vector<16x50176xf32> to vector<16x128xf32>
    %slice3A_384 = vector.extract_strided_slice %get3A_3 {offsets = [0, 30592], sizes = [16, 128], strides = [1, 1]} : vector<16x50176xf32> to vector<16x128xf32>
    %concatenate3A_385 = tpu.concatenate %slice3A_377, %slice3A_378, %slice3A_379, %slice3A_380, %slice3A_381, %slice3A_382, %slice3A_383, %slice3A_384 in 0 : vector<16x128xf32>, vector<16x128xf32>, vector<16x128xf32>, vector<16x128xf32>, vector<16x128xf32>, vector<16x128xf32>, vector<16x128xf32>, vector<16x128xf32> -> vector<128x128xf32>
    %transpose3A_386 = tpu.transpose %concatenate3A_385, [1, 0] : vector<128x128xf32> -> vector<128x128xf32>
    %swap3A_387 = arith.constant 3712 : index
    %swap3A_388 = arith.constant 0 : index
    %swap3A_389 = vector.load %arg3[%swap3A_387, %swap3A_388] : memref<6272x128xf32, #tpu.memory_space<vmem>>, vector<128x128xf32>
    tpu.vector_store %arg3[%swap3A_387, %swap3A_388], %transpose3A_386 {strides = array<i32>} : memref<6272x128xf32, #tpu.memory_space<vmem>>, vector<128x128xf32>,
    %slice3A_390 = vector.extract_strided_slice %get3A_3 {offsets = [0, 30720], sizes = [16, 128], strides = [1, 1]} : vector<16x50176xf32> to vector<16x128xf32>
    %slice3A_391 = vector.extract_strided_slice %get3A_3 {offsets = [0, 30848], sizes = [16, 128], strides = [1, 1]} : vector<16x50176xf32> to vector<16x128xf32>
    %slice3A_392 = vector.extract_strided_slice %get3A_3 {offsets = [0, 30976], sizes = [16, 128], strides = [1, 1]} : vector<16x50176xf32> to vector<16x128xf32>
    %slice3A_393 = vector.extract_strided_slice %get3A_3 {offsets = [0, 31104], sizes = [16, 128], strides = [1, 1]} : vector<16x50176xf32> to vector<16x128xf32>
    %slice3A_394 = vector.extract_strided_slice %get3A_3 {offsets = [0, 31232], sizes = [16, 128], strides = [1, 1]} : vector<16x50176xf32> to vector<16x128xf32>
    %slice3A_395 = vector.extract_strided_slice %get3A_3 {offsets = [0, 31360], sizes = [16, 128], strides = [1, 1]} : vector<16x50176xf32> to vector<16x128xf32>
    %slice3A_396 = vector.extract_strided_slice %get3A_3 {offsets = [0, 31488], sizes = [16, 128], strides = [1, 1]} : vector<16x50176xf32> to vector<16x128xf32>
    %slice3A_397 = vector.extract_strided_slice %get3A_3 {offsets = [0, 31616], sizes = [16, 128], strides = [1, 1]} : vector<16x50176xf32> to vector<16x128xf32>
    %concatenate3A_398 = tpu.concatenate %slice3A_390, %slice3A_391, %slice3A_392, %slice3A_393, %slice3A_394, %slice3A_395, %slice3A_396, %slice3A_397 in 0 : vector<16x128xf32>, vector<16x128xf32>, vector<16x128xf32>, vector<16x128xf32>, vector<16x128xf32>, vector<16x128xf32>, vector<16x128xf32>, vector<16x128xf32> -> vector<128x128xf32>
    %transpose3A_399 = tpu.transpose %concatenate3A_398, [1, 0] : vector<128x128xf32> -> vector<128x128xf32>
    %swap3A_400 = arith.constant 3840 : index
    %swap3A_401 = arith.constant 0 : index
    %swap3A_402 = vector.load %arg3[%swap3A_400, %swap3A_401] : memref<6272x128xf32, #tpu.memory_space<vmem>>, vector<128x128xf32>
    tpu.vector_store %arg3[%swap3A_400, %swap3A_401], %transpose3A_399 {strides = array<i32>} : memref<6272x128xf32, #tpu.memory_space<vmem>>, vector<128x128xf32>,
    %slice3A_403 = vector.extract_strided_slice %get3A_3 {offsets = [0, 31744], sizes = [16, 128], strides = [1, 1]} : vector<16x50176xf32> to vector<16x128xf32>
    %slice3A_404 = vector.extract_strided_slice %get3A_3 {offsets = [0, 31872], sizes = [16, 128], strides = [1, 1]} : vector<16x50176xf32> to vector<16x128xf32>
    %slice3A_405 = vector.extract_strided_slice %get3A_3 {offsets = [0, 32000], sizes = [16, 128], strides = [1, 1]} : vector<16x50176xf32> to vector<16x128xf32>
    %slice3A_406 = vector.extract_strided_slice %get3A_3 {offsets = [0, 32128], sizes = [16, 128], strides = [1, 1]} : vector<16x50176xf32> to vector<16x128xf32>
    %slice3A_407 = vector.extract_strided_slice %get3A_3 {offsets = [0, 32256], sizes = [16, 128], strides = [1, 1]} : vector<16x50176xf32> to vector<16x128xf32>
    %slice3A_408 = vector.extract_strided_slice %get3A_3 {offsets = [0, 32384], sizes = [16, 128], strides = [1, 1]} : vector<16x50176xf32> to vector<16x128xf32>
    %slice3A_409 = vector.extract_strided_slice %get3A_3 {offsets = [0, 32512], sizes = [16, 128], strides = [1, 1]} : vector<16x50176xf32> to vector<16x128xf32>
    %slice3A_410 = vector.extract_strided_slice %get3A_3 {offsets = [0, 32640], sizes = [16, 128], strides = [1, 1]} : vector<16x50176xf32> to vector<16x128xf32>
    %concatenate3A_411 = tpu.concatenate %slice3A_403, %slice3A_404, %slice3A_405, %slice3A_406, %slice3A_407, %slice3A_408, %slice3A_409, %slice3A_410 in 0 : vector<16x128xf32>, vector<16x128xf32>, vector<16x128xf32>, vector<16x128xf32>, vector<16x128xf32>, vector<16x128xf32>, vector<16x128xf32>, vector<16x128xf32> -> vector<128x128xf32>
    %transpose3A_412 = tpu.transpose %concatenate3A_411, [1, 0] : vector<128x128xf32> -> vector<128x128xf32>
    %swap3A_413 = arith.constant 3968 : index
    %swap3A_414 = arith.constant 0 : index
    %swap3A_415 = vector.load %arg3[%swap3A_413, %swap3A_414] : memref<6272x128xf32, #tpu.memory_space<vmem>>, vector<128x128xf32>
    tpu.vector_store %arg3[%swap3A_413, %swap3A_414], %transpose3A_412 {strides = array<i32>} : memref<6272x128xf32, #tpu.memory_space<vmem>>, vector<128x128xf32>,
    %slice3A_416 = vector.extract_strided_slice %get3A_3 {offsets = [0, 32768], sizes = [16, 128], strides = [1, 1]} : vector<16x50176xf32> to vector<16x128xf32>
    %slice3A_417 = vector.extract_strided_slice %get3A_3 {offsets = [0, 32896], sizes = [16, 128], strides = [1, 1]} : vector<16x50176xf32> to vector<16x128xf32>
    %slice3A_418 = vector.extract_strided_slice %get3A_3 {offsets = [0, 33024], sizes = [16, 128], strides = [1, 1]} : vector<16x50176xf32> to vector<16x128xf32>
    %slice3A_419 = vector.extract_strided_slice %get3A_3 {offsets = [0, 33152], sizes = [16, 128], strides = [1, 1]} : vector<16x50176xf32> to vector<16x128xf32>
    %slice3A_420 = vector.extract_strided_slice %get3A_3 {offsets = [0, 33280], sizes = [16, 128], strides = [1, 1]} : vector<16x50176xf32> to vector<16x128xf32>
    %slice3A_421 = vector.extract_strided_slice %get3A_3 {offsets = [0, 33408], sizes = [16, 128], strides = [1, 1]} : vector<16x50176xf32> to vector<16x128xf32>
    %slice3A_422 = vector.extract_strided_slice %get3A_3 {offsets = [0, 33536], sizes = [16, 128], strides = [1, 1]} : vector<16x50176xf32> to vector<16x128xf32>
    %slice3A_423 = vector.extract_strided_slice %get3A_3 {offsets = [0, 33664], sizes = [16, 128], strides = [1, 1]} : vector<16x50176xf32> to vector<16x128xf32>
    %concatenate3A_424 = tpu.concatenate %slice3A_416, %slice3A_417, %slice3A_418, %slice3A_419, %slice3A_420, %slice3A_421, %slice3A_422, %slice3A_423 in 0 : vector<16x128xf32>, vector<16x128xf32>, vector<16x128xf32>, vector<16x128xf32>, vector<16x128xf32>, vector<16x128xf32>, vector<16x128xf32>, vector<16x128xf32> -> vector<128x128xf32>
    %transpose3A_425 = tpu.transpose %concatenate3A_424, [1, 0] : vector<128x128xf32> -> vector<128x128xf32>
    %swap3A_426 = arith.constant 4096 : index
    %swap3A_427 = arith.constant 0 : index
    %swap3A_428 = vector.load %arg3[%swap3A_426, %swap3A_427] : memref<6272x128xf32, #tpu.memory_space<vmem>>, vector<128x128xf32>
    tpu.vector_store %arg3[%swap3A_426, %swap3A_427], %transpose3A_425 {strides = array<i32>} : memref<6272x128xf32, #tpu.memory_space<vmem>>, vector<128x128xf32>,
    %slice3A_429 = vector.extract_strided_slice %get3A_3 {offsets = [0, 33792], sizes = [16, 128], strides = [1, 1]} : vector<16x50176xf32> to vector<16x128xf32>
    %slice3A_430 = vector.extract_strided_slice %get3A_3 {offsets = [0, 33920], sizes = [16, 128], strides = [1, 1]} : vector<16x50176xf32> to vector<16x128xf32>
    %slice3A_431 = vector.extract_strided_slice %get3A_3 {offsets = [0, 34048], sizes = [16, 128], strides = [1, 1]} : vector<16x50176xf32> to vector<16x128xf32>
    %slice3A_432 = vector.extract_strided_slice %get3A_3 {offsets = [0, 34176], sizes = [16, 128], strides = [1, 1]} : vector<16x50176xf32> to vector<16x128xf32>
    %slice3A_433 = vector.extract_strided_slice %get3A_3 {offsets = [0, 34304], sizes = [16, 128], strides = [1, 1]} : vector<16x50176xf32> to vector<16x128xf32>
    %slice3A_434 = vector.extract_strided_slice %get3A_3 {offsets = [0, 34432], sizes = [16, 128], strides = [1, 1]} : vector<16x50176xf32> to vector<16x128xf32>
    %slice3A_435 = vector.extract_strided_slice %get3A_3 {offsets = [0, 34560], sizes = [16, 128], strides = [1, 1]} : vector<16x50176xf32> to vector<16x128xf32>
    %slice3A_436 = vector.extract_strided_slice %get3A_3 {offsets = [0, 34688], sizes = [16, 128], strides = [1, 1]} : vector<16x50176xf32> to vector<16x128xf32>
    %concatenate3A_437 = tpu.concatenate %slice3A_429, %slice3A_430, %slice3A_431, %slice3A_432, %slice3A_433, %slice3A_434, %slice3A_435, %slice3A_436 in 0 : vector<16x128xf32>, vector<16x128xf32>, vector<16x128xf32>, vector<16x128xf32>, vector<16x128xf32>, vector<16x128xf32>, vector<16x128xf32>, vector<16x128xf32> -> vector<128x128xf32>
    %transpose3A_438 = tpu.transpose %concatenate3A_437, [1, 0] : vector<128x128xf32> -> vector<128x128xf32>
    %swap3A_439 = arith.constant 4224 : index
    %swap3A_440 = arith.constant 0 : index
    %swap3A_441 = vector.load %arg3[%swap3A_439, %swap3A_440] : memref<6272x128xf32, #tpu.memory_space<vmem>>, vector<128x128xf32>
    tpu.vector_store %arg3[%swap3A_439, %swap3A_440], %transpose3A_438 {strides = array<i32>} : memref<6272x128xf32, #tpu.memory_space<vmem>>, vector<128x128xf32>,
    %slice3A_442 = vector.extract_strided_slice %get3A_3 {offsets = [0, 34816], sizes = [16, 128], strides = [1, 1]} : vector<16x50176xf32> to vector<16x128xf32>
    %slice3A_443 = vector.extract_strided_slice %get3A_3 {offsets = [0, 34944], sizes = [16, 128], strides = [1, 1]} : vector<16x50176xf32> to vector<16x128xf32>
    %slice3A_444 = vector.extract_strided_slice %get3A_3 {offsets = [0, 35072], sizes = [16, 128], strides = [1, 1]} : vector<16x50176xf32> to vector<16x128xf32>
    %slice3A_445 = vector.extract_strided_slice %get3A_3 {offsets = [0, 35200], sizes = [16, 128], strides = [1, 1]} : vector<16x50176xf32> to vector<16x128xf32>
    %slice3A_446 = vector.extract_strided_slice %get3A_3 {offsets = [0, 35328], sizes = [16, 128], strides = [1, 1]} : vector<16x50176xf32> to vector<16x128xf32>
    %slice3A_447 = vector.extract_strided_slice %get3A_3 {offsets = [0, 35456], sizes = [16, 128], strides = [1, 1]} : vector<16x50176xf32> to vector<16x128xf32>
    %slice3A_448 = vector.extract_strided_slice %get3A_3 {offsets = [0, 35584], sizes = [16, 128], strides = [1, 1]} : vector<16x50176xf32> to vector<16x128xf32>
    %slice3A_449 = vector.extract_strided_slice %get3A_3 {offsets = [0, 35712], sizes = [16, 128], strides = [1, 1]} : vector<16x50176xf32> to vector<16x128xf32>
    %concatenate3A_450 = tpu.concatenate %slice3A_442, %slice3A_443, %slice3A_444, %slice3A_445, %slice3A_446, %slice3A_447, %slice3A_448, %slice3A_449 in 0 : vector<16x128xf32>, vector<16x128xf32>, vector<16x128xf32>, vector<16x128xf32>, vector<16x128xf32>, vector<16x128xf32>, vector<16x128xf32>, vector<16x128xf32> -> vector<128x128xf32>
    %transpose3A_451 = tpu.transpose %concatenate3A_450, [1, 0] : vector<128x128xf32> -> vector<128x128xf32>
    %swap3A_452 = arith.constant 4352 : index
    %swap3A_453 = arith.constant 0 : index
    %swap3A_454 = vector.load %arg3[%swap3A_452, %swap3A_453] : memref<6272x128xf32, #tpu.memory_space<vmem>>, vector<128x128xf32>
    tpu.vector_store %arg3[%swap3A_452, %swap3A_453], %transpose3A_451 {strides = array<i32>} : memref<6272x128xf32, #tpu.memory_space<vmem>>, vector<128x128xf32>,
    %slice3A_455 = vector.extract_strided_slice %get3A_3 {offsets = [0, 35840], sizes = [16, 128], strides = [1, 1]} : vector<16x50176xf32> to vector<16x128xf32>
    %slice3A_456 = vector.extract_strided_slice %get3A_3 {offsets = [0, 35968], sizes = [16, 128], strides = [1, 1]} : vector<16x50176xf32> to vector<16x128xf32>
    %slice3A_457 = vector.extract_strided_slice %get3A_3 {offsets = [0, 36096], sizes = [16, 128], strides = [1, 1]} : vector<16x50176xf32> to vector<16x128xf32>
    %slice3A_458 = vector.extract_strided_slice %get3A_3 {offsets = [0, 36224], sizes = [16, 128], strides = [1, 1]} : vector<16x50176xf32> to vector<16x128xf32>
    %slice3A_459 = vector.extract_strided_slice %get3A_3 {offsets = [0, 36352], sizes = [16, 128], strides = [1, 1]} : vector<16x50176xf32> to vector<16x128xf32>
    %slice3A_460 = vector.extract_strided_slice %get3A_3 {offsets = [0, 36480], sizes = [16, 128], strides = [1, 1]} : vector<16x50176xf32> to vector<16x128xf32>
    %slice3A_461 = vector.extract_strided_slice %get3A_3 {offsets = [0, 36608], sizes = [16, 128], strides = [1, 1]} : vector<16x50176xf32> to vector<16x128xf32>
    %slice3A_462 = vector.extract_strided_slice %get3A_3 {offsets = [0, 36736], sizes = [16, 128], strides = [1, 1]} : vector<16x50176xf32> to vector<16x128xf32>
    %concatenate3A_463 = tpu.concatenate %slice3A_455, %slice3A_456, %slice3A_457, %slice3A_458, %slice3A_459, %slice3A_460, %slice3A_461, %slice3A_462 in 0 : vector<16x128xf32>, vector<16x128xf32>, vector<16x128xf32>, vector<16x128xf32>, vector<16x128xf32>, vector<16x128xf32>, vector<16x128xf32>, vector<16x128xf32> -> vector<128x128xf32>
    %transpose3A_464 = tpu.transpose %concatenate3A_463, [1, 0] : vector<128x128xf32> -> vector<128x128xf32>
    %swap3A_465 = arith.constant 4480 : index
    %swap3A_466 = arith.constant 0 : index
    %swap3A_467 = vector.load %arg3[%swap3A_465, %swap3A_466] : memref<6272x128xf32, #tpu.memory_space<vmem>>, vector<128x128xf32>
    tpu.vector_store %arg3[%swap3A_465, %swap3A_466], %transpose3A_464 {strides = array<i32>} : memref<6272x128xf32, #tpu.memory_space<vmem>>, vector<128x128xf32>,
    %slice3A_468 = vector.extract_strided_slice %get3A_3 {offsets = [0, 36864], sizes = [16, 128], strides = [1, 1]} : vector<16x50176xf32> to vector<16x128xf32>
    %slice3A_469 = vector.extract_strided_slice %get3A_3 {offsets = [0, 36992], sizes = [16, 128], strides = [1, 1]} : vector<16x50176xf32> to vector<16x128xf32>
    %slice3A_470 = vector.extract_strided_slice %get3A_3 {offsets = [0, 37120], sizes = [16, 128], strides = [1, 1]} : vector<16x50176xf32> to vector<16x128xf32>
    %slice3A_471 = vector.extract_strided_slice %get3A_3 {offsets = [0, 37248], sizes = [16, 128], strides = [1, 1]} : vector<16x50176xf32> to vector<16x128xf32>
    %slice3A_472 = vector.extract_strided_slice %get3A_3 {offsets = [0, 37376], sizes = [16, 128], strides = [1, 1]} : vector<16x50176xf32> to vector<16x128xf32>
    %slice3A_473 = vector.extract_strided_slice %get3A_3 {offsets = [0, 37504], sizes = [16, 128], strides = [1, 1]} : vector<16x50176xf32> to vector<16x128xf32>
    %slice3A_474 = vector.extract_strided_slice %get3A_3 {offsets = [0, 37632], sizes = [16, 128], strides = [1, 1]} : vector<16x50176xf32> to vector<16x128xf32>
    %slice3A_475 = vector.extract_strided_slice %get3A_3 {offsets = [0, 37760], sizes = [16, 128], strides = [1, 1]} : vector<16x50176xf32> to vector<16x128xf32>
    %concatenate3A_476 = tpu.concatenate %slice3A_468, %slice3A_469, %slice3A_470, %slice3A_471, %slice3A_472, %slice3A_473, %slice3A_474, %slice3A_475 in 0 : vector<16x128xf32>, vector<16x128xf32>, vector<16x128xf32>, vector<16x128xf32>, vector<16x128xf32>, vector<16x128xf32>, vector<16x128xf32>, vector<16x128xf32> -> vector<128x128xf32>
    %transpose3A_477 = tpu.transpose %concatenate3A_476, [1, 0] : vector<128x128xf32> -> vector<128x128xf32>
    %swap3A_478 = arith.constant 4608 : index
    %swap3A_479 = arith.constant 0 : index
    %swap3A_480 = vector.load %arg3[%swap3A_478, %swap3A_479] : memref<6272x128xf32, #tpu.memory_space<vmem>>, vector<128x128xf32>
    tpu.vector_store %arg3[%swap3A_478, %swap3A_479], %transpose3A_477 {strides = array<i32>} : memref<6272x128xf32, #tpu.memory_space<vmem>>, vector<128x128xf32>,
    %slice3A_481 = vector.extract_strided_slice %get3A_3 {offsets = [0, 37888], sizes = [16, 128], strides = [1, 1]} : vector<16x50176xf32> to vector<16x128xf32>
    %slice3A_482 = vector.extract_strided_slice %get3A_3 {offsets = [0, 38016], sizes = [16, 128], strides = [1, 1]} : vector<16x50176xf32> to vector<16x128xf32>
    %slice3A_483 = vector.extract_strided_slice %get3A_3 {offsets = [0, 38144], sizes = [16, 128], strides = [1, 1]} : vector<16x50176xf32> to vector<16x128xf32>
    %slice3A_484 = vector.extract_strided_slice %get3A_3 {offsets = [0, 38272], sizes = [16, 128], strides = [1, 1]} : vector<16x50176xf32> to vector<16x128xf32>
    %slice3A_485 = vector.extract_strided_slice %get3A_3 {offsets = [0, 38400], sizes = [16, 128], strides = [1, 1]} : vector<16x50176xf32> to vector<16x128xf32>
    %slice3A_486 = vector.extract_strided_slice %get3A_3 {offsets = [0, 38528], sizes = [16, 128], strides = [1, 1]} : vector<16x50176xf32> to vector<16x128xf32>
    %slice3A_487 = vector.extract_strided_slice %get3A_3 {offsets = [0, 38656], sizes = [16, 128], strides = [1, 1]} : vector<16x50176xf32> to vector<16x128xf32>
    %slice3A_488 = vector.extract_strided_slice %get3A_3 {offsets = [0, 38784], sizes = [16, 128], strides = [1, 1]} : vector<16x50176xf32> to vector<16x128xf32>
    %concatenate3A_489 = tpu.concatenate %slice3A_481, %slice3A_482, %slice3A_483, %slice3A_484, %slice3A_485, %slice3A_486, %slice3A_487, %slice3A_488 in 0 : vector<16x128xf32>, vector<16x128xf32>, vector<16x128xf32>, vector<16x128xf32>, vector<16x128xf32>, vector<16x128xf32>, vector<16x128xf32>, vector<16x128xf32> -> vector<128x128xf32>
    %transpose3A_490 = tpu.transpose %concatenate3A_489, [1, 0] : vector<128x128xf32> -> vector<128x128xf32>
    %swap3A_491 = arith.constant 4736 : index
    %swap3A_492 = arith.constant 0 : index
    %swap3A_493 = vector.load %arg3[%swap3A_491, %swap3A_492] : memref<6272x128xf32, #tpu.memory_space<vmem>>, vector<128x128xf32>
    tpu.vector_store %arg3[%swap3A_491, %swap3A_492], %transpose3A_490 {strides = array<i32>} : memref<6272x128xf32, #tpu.memory_space<vmem>>, vector<128x128xf32>,
    %slice3A_494 = vector.extract_strided_slice %get3A_3 {offsets = [0, 38912], sizes = [16, 128], strides = [1, 1]} : vector<16x50176xf32> to vector<16x128xf32>
    %slice3A_495 = vector.extract_strided_slice %get3A_3 {offsets = [0, 39040], sizes = [16, 128], strides = [1, 1]} : vector<16x50176xf32> to vector<16x128xf32>
    %slice3A_496 = vector.extract_strided_slice %get3A_3 {offsets = [0, 39168], sizes = [16, 128], strides = [1, 1]} : vector<16x50176xf32> to vector<16x128xf32>
    %slice3A_497 = vector.extract_strided_slice %get3A_3 {offsets = [0, 39296], sizes = [16, 128], strides = [1, 1]} : vector<16x50176xf32> to vector<16x128xf32>
    %slice3A_498 = vector.extract_strided_slice %get3A_3 {offsets = [0, 39424], sizes = [16, 128], strides = [1, 1]} : vector<16x50176xf32> to vector<16x128xf32>
    %slice3A_499 = vector.extract_strided_slice %get3A_3 {offsets = [0, 39552], sizes = [16, 128], strides = [1, 1]} : vector<16x50176xf32> to vector<16x128xf32>
    %slice3A_500 = vector.extract_strided_slice %get3A_3 {offsets = [0, 39680], sizes = [16, 128], strides = [1, 1]} : vector<16x50176xf32> to vector<16x128xf32>
    %slice3A_501 = vector.extract_strided_slice %get3A_3 {offsets = [0, 39808], sizes = [16, 128], strides = [1, 1]} : vector<16x50176xf32> to vector<16x128xf32>
    %concatenate3A_502 = tpu.concatenate %slice3A_494, %slice3A_495, %slice3A_496, %slice3A_497, %slice3A_498, %slice3A_499, %slice3A_500, %slice3A_501 in 0 : vector<16x128xf32>, vector<16x128xf32>, vector<16x128xf32>, vector<16x128xf32>, vector<16x128xf32>, vector<16x128xf32>, vector<16x128xf32>, vector<16x128xf32> -> vector<128x128xf32>
    %transpose3A_503 = tpu.transpose %concatenate3A_502, [1, 0] : vector<128x128xf32> -> vector<128x128xf32>
    %swap3A_504 = arith.constant 4864 : index
    %swap3A_505 = arith.constant 0 : index
    %swap3A_506 = vector.load %arg3[%swap3A_504, %swap3A_505] : memref<6272x128xf32, #tpu.memory_space<vmem>>, vector<128x128xf32>
    tpu.vector_store %arg3[%swap3A_504, %swap3A_505], %transpose3A_503 {strides = array<i32>} : memref<6272x128xf32, #tpu.memory_space<vmem>>, vector<128x128xf32>,
    %slice3A_507 = vector.extract_strided_slice %get3A_3 {offsets = [0, 39936], sizes = [16, 128], strides = [1, 1]} : vector<16x50176xf32> to vector<16x128xf32>
    %slice3A_508 = vector.extract_strided_slice %get3A_3 {offsets = [0, 40064], sizes = [16, 128], strides = [1, 1]} : vector<16x50176xf32> to vector<16x128xf32>
    %slice3A_509 = vector.extract_strided_slice %get3A_3 {offsets = [0, 40192], sizes = [16, 128], strides = [1, 1]} : vector<16x50176xf32> to vector<16x128xf32>
    %slice3A_510 = vector.extract_strided_slice %get3A_3 {offsets = [0, 40320], sizes = [16, 128], strides = [1, 1]} : vector<16x50176xf32> to vector<16x128xf32>
    %slice3A_511 = vector.extract_strided_slice %get3A_3 {offsets = [0, 40448], sizes = [16, 128], strides = [1, 1]} : vector<16x50176xf32> to vector<16x128xf32>
    %slice3A_512 = vector.extract_strided_slice %get3A_3 {offsets = [0, 40576], sizes = [16, 128], strides = [1, 1]} : vector<16x50176xf32> to vector<16x128xf32>
    %slice3A_513 = vector.extract_strided_slice %get3A_3 {offsets = [0, 40704], sizes = [16, 128], strides = [1, 1]} : vector<16x50176xf32> to vector<16x128xf32>
    %slice3A_514 = vector.extract_strided_slice %get3A_3 {offsets = [0, 40832], sizes = [16, 128], strides = [1, 1]} : vector<16x50176xf32> to vector<16x128xf32>
    %concatenate3A_515 = tpu.concatenate %slice3A_507, %slice3A_508, %slice3A_509, %slice3A_510, %slice3A_511, %slice3A_512, %slice3A_513, %slice3A_514 in 0 : vector<16x128xf32>, vector<16x128xf32>, vector<16x128xf32>, vector<16x128xf32>, vector<16x128xf32>, vector<16x128xf32>, vector<16x128xf32>, vector<16x128xf32> -> vector<128x128xf32>
    %transpose3A_516 = tpu.transpose %concatenate3A_515, [1, 0] : vector<128x128xf32> -> vector<128x128xf32>
    %swap3A_517 = arith.constant 4992 : index
    %swap3A_518 = arith.constant 0 : index
    %swap3A_519 = vector.load %arg3[%swap3A_517, %swap3A_518] : memref<6272x128xf32, #tpu.memory_space<vmem>>, vector<128x128xf32>
    tpu.vector_store %arg3[%swap3A_517, %swap3A_518], %transpose3A_516 {strides = array<i32>} : memref<6272x128xf32, #tpu.memory_space<vmem>>, vector<128x128xf32>,
    %slice3A_520 = vector.extract_strided_slice %get3A_3 {offsets = [0, 40960], sizes = [16, 128], strides = [1, 1]} : vector<16x50176xf32> to vector<16x128xf32>
    %slice3A_521 = vector.extract_strided_slice %get3A_3 {offsets = [0, 41088], sizes = [16, 128], strides = [1, 1]} : vector<16x50176xf32> to vector<16x128xf32>
    %slice3A_522 = vector.extract_strided_slice %get3A_3 {offsets = [0, 41216], sizes = [16, 128], strides = [1, 1]} : vector<16x50176xf32> to vector<16x128xf32>
    %slice3A_523 = vector.extract_strided_slice %get3A_3 {offsets = [0, 41344], sizes = [16, 128], strides = [1, 1]} : vector<16x50176xf32> to vector<16x128xf32>
    %slice3A_524 = vector.extract_strided_slice %get3A_3 {offsets = [0, 41472], sizes = [16, 128], strides = [1, 1]} : vector<16x50176xf32> to vector<16x128xf32>
    %slice3A_525 = vector.extract_strided_slice %get3A_3 {offsets = [0, 41600], sizes = [16, 128], strides = [1, 1]} : vector<16x50176xf32> to vector<16x128xf32>
    %slice3A_526 = vector.extract_strided_slice %get3A_3 {offsets = [0, 41728], sizes = [16, 128], strides = [1, 1]} : vector<16x50176xf32> to vector<16x128xf32>
    %slice3A_527 = vector.extract_strided_slice %get3A_3 {offsets = [0, 41856], sizes = [16, 128], strides = [1, 1]} : vector<16x50176xf32> to vector<16x128xf32>
    %concatenate3A_528 = tpu.concatenate %slice3A_520, %slice3A_521, %slice3A_522, %slice3A_523, %slice3A_524, %slice3A_525, %slice3A_526, %slice3A_527 in 0 : vector<16x128xf32>, vector<16x128xf32>, vector<16x128xf32>, vector<16x128xf32>, vector<16x128xf32>, vector<16x128xf32>, vector<16x128xf32>, vector<16x128xf32> -> vector<128x128xf32>
    %transpose3A_529 = tpu.transpose %concatenate3A_528, [1, 0] : vector<128x128xf32> -> vector<128x128xf32>
    %swap3A_530 = arith.constant 5120 : index
    %swap3A_531 = arith.constant 0 : index
    %swap3A_532 = vector.load %arg3[%swap3A_530, %swap3A_531] : memref<6272x128xf32, #tpu.memory_space<vmem>>, vector<128x128xf32>
    tpu.vector_store %arg3[%swap3A_530, %swap3A_531], %transpose3A_529 {strides = array<i32>} : memref<6272x128xf32, #tpu.memory_space<vmem>>, vector<128x128xf32>,
    %slice3A_533 = vector.extract_strided_slice %get3A_3 {offsets = [0, 41984], sizes = [16, 128], strides = [1, 1]} : vector<16x50176xf32> to vector<16x128xf32>
    %slice3A_534 = vector.extract_strided_slice %get3A_3 {offsets = [0, 42112], sizes = [16, 128], strides = [1, 1]} : vector<16x50176xf32> to vector<16x128xf32>
    %slice3A_535 = vector.extract_strided_slice %get3A_3 {offsets = [0, 42240], sizes = [16, 128], strides = [1, 1]} : vector<16x50176xf32> to vector<16x128xf32>
    %slice3A_536 = vector.extract_strided_slice %get3A_3 {offsets = [0, 42368], sizes = [16, 128], strides = [1, 1]} : vector<16x50176xf32> to vector<16x128xf32>
    %slice3A_537 = vector.extract_strided_slice %get3A_3 {offsets = [0, 42496], sizes = [16, 128], strides = [1, 1]} : vector<16x50176xf32> to vector<16x128xf32>
    %slice3A_538 = vector.extract_strided_slice %get3A_3 {offsets = [0, 42624], sizes = [16, 128], strides = [1, 1]} : vector<16x50176xf32> to vector<16x128xf32>
    %slice3A_539 = vector.extract_strided_slice %get3A_3 {offsets = [0, 42752], sizes = [16, 128], strides = [1, 1]} : vector<16x50176xf32> to vector<16x128xf32>
    %slice3A_540 = vector.extract_strided_slice %get3A_3 {offsets = [0, 42880], sizes = [16, 128], strides = [1, 1]} : vector<16x50176xf32> to vector<16x128xf32>
    %concatenate3A_541 = tpu.concatenate %slice3A_533, %slice3A_534, %slice3A_535, %slice3A_536, %slice3A_537, %slice3A_538, %slice3A_539, %slice3A_540 in 0 : vector<16x128xf32>, vector<16x128xf32>, vector<16x128xf32>, vector<16x128xf32>, vector<16x128xf32>, vector<16x128xf32>, vector<16x128xf32>, vector<16x128xf32> -> vector<128x128xf32>
    %transpose3A_542 = tpu.transpose %concatenate3A_541, [1, 0] : vector<128x128xf32> -> vector<128x128xf32>
    %swap3A_543 = arith.constant 5248 : index
    %swap3A_544 = arith.constant 0 : index
    %swap3A_545 = vector.load %arg3[%swap3A_543, %swap3A_544] : memref<6272x128xf32, #tpu.memory_space<vmem>>, vector<128x128xf32>
    tpu.vector_store %arg3[%swap3A_543, %swap3A_544], %transpose3A_542 {strides = array<i32>} : memref<6272x128xf32, #tpu.memory_space<vmem>>, vector<128x128xf32>,
    %slice3A_546 = vector.extract_strided_slice %get3A_3 {offsets = [0, 43008], sizes = [16, 128], strides = [1, 1]} : vector<16x50176xf32> to vector<16x128xf32>
    %slice3A_547 = vector.extract_strided_slice %get3A_3 {offsets = [0, 43136], sizes = [16, 128], strides = [1, 1]} : vector<16x50176xf32> to vector<16x128xf32>
    %slice3A_548 = vector.extract_strided_slice %get3A_3 {offsets = [0, 43264], sizes = [16, 128], strides = [1, 1]} : vector<16x50176xf32> to vector<16x128xf32>
    %slice3A_549 = vector.extract_strided_slice %get3A_3 {offsets = [0, 43392], sizes = [16, 128], strides = [1, 1]} : vector<16x50176xf32> to vector<16x128xf32>
    %slice3A_550 = vector.extract_strided_slice %get3A_3 {offsets = [0, 43520], sizes = [16, 128], strides = [1, 1]} : vector<16x50176xf32> to vector<16x128xf32>
    %slice3A_551 = vector.extract_strided_slice %get3A_3 {offsets = [0, 43648], sizes = [16, 128], strides = [1, 1]} : vector<16x50176xf32> to vector<16x128xf32>
    %slice3A_552 = vector.extract_strided_slice %get3A_3 {offsets = [0, 43776], sizes = [16, 128], strides = [1, 1]} : vector<16x50176xf32> to vector<16x128xf32>
    %slice3A_553 = vector.extract_strided_slice %get3A_3 {offsets = [0, 43904], sizes = [16, 128], strides = [1, 1]} : vector<16x50176xf32> to vector<16x128xf32>
    %concatenate3A_554 = tpu.concatenate %slice3A_546, %slice3A_547, %slice3A_548, %slice3A_549, %slice3A_550, %slice3A_551, %slice3A_552, %slice3A_553 in 0 : vector<16x128xf32>, vector<16x128xf32>, vector<16x128xf32>, vector<16x128xf32>, vector<16x128xf32>, vector<16x128xf32>, vector<16x128xf32>, vector<16x128xf32> -> vector<128x128xf32>
    %transpose3A_555 = tpu.transpose %concatenate3A_554, [1, 0] : vector<128x128xf32> -> vector<128x128xf32>
    %swap3A_556 = arith.constant 5376 : index
    %swap3A_557 = arith.constant 0 : index
    %swap3A_558 = vector.load %arg3[%swap3A_556, %swap3A_557] : memref<6272x128xf32, #tpu.memory_space<vmem>>, vector<128x128xf32>
    tpu.vector_store %arg3[%swap3A_556, %swap3A_557], %transpose3A_555 {strides = array<i32>} : memref<6272x128xf32, #tpu.memory_space<vmem>>, vector<128x128xf32>,
    %slice3A_559 = vector.extract_strided_slice %get3A_3 {offsets = [0, 44032], sizes = [16, 128], strides = [1, 1]} : vector<16x50176xf32> to vector<16x128xf32>
    %slice3A_560 = vector.extract_strided_slice %get3A_3 {offsets = [0, 44160], sizes = [16, 128], strides = [1, 1]} : vector<16x50176xf32> to vector<16x128xf32>
    %slice3A_561 = vector.extract_strided_slice %get3A_3 {offsets = [0, 44288], sizes = [16, 128], strides = [1, 1]} : vector<16x50176xf32> to vector<16x128xf32>
    %slice3A_562 = vector.extract_strided_slice %get3A_3 {offsets = [0, 44416], sizes = [16, 128], strides = [1, 1]} : vector<16x50176xf32> to vector<16x128xf32>
    %slice3A_563 = vector.extract_strided_slice %get3A_3 {offsets = [0, 44544], sizes = [16, 128], strides = [1, 1]} : vector<16x50176xf32> to vector<16x128xf32>
    %slice3A_564 = vector.extract_strided_slice %get3A_3 {offsets = [0, 44672], sizes = [16, 128], strides = [1, 1]} : vector<16x50176xf32> to vector<16x128xf32>
    %slice3A_565 = vector.extract_strided_slice %get3A_3 {offsets = [0, 44800], sizes = [16, 128], strides = [1, 1]} : vector<16x50176xf32> to vector<16x128xf32>
    %slice3A_566 = vector.extract_strided_slice %get3A_3 {offsets = [0, 44928], sizes = [16, 128], strides = [1, 1]} : vector<16x50176xf32> to vector<16x128xf32>
    %concatenate3A_567 = tpu.concatenate %slice3A_559, %slice3A_560, %slice3A_561, %slice3A_562, %slice3A_563, %slice3A_564, %slice3A_565, %slice3A_566 in 0 : vector<16x128xf32>, vector<16x128xf32>, vector<16x128xf32>, vector<16x128xf32>, vector<16x128xf32>, vector<16x128xf32>, vector<16x128xf32>, vector<16x128xf32> -> vector<128x128xf32>
    %transpose3A_568 = tpu.transpose %concatenate3A_567, [1, 0] : vector<128x128xf32> -> vector<128x128xf32>
    %swap3A_569 = arith.constant 5504 : index
    %swap3A_570 = arith.constant 0 : index
    %swap3A_571 = vector.load %arg3[%swap3A_569, %swap3A_570] : memref<6272x128xf32, #tpu.memory_space<vmem>>, vector<128x128xf32>
    tpu.vector_store %arg3[%swap3A_569, %swap3A_570], %transpose3A_568 {strides = array<i32>} : memref<6272x128xf32, #tpu.memory_space<vmem>>, vector<128x128xf32>,
    %slice3A_572 = vector.extract_strided_slice %get3A_3 {offsets = [0, 45056], sizes = [16, 128], strides = [1, 1]} : vector<16x50176xf32> to vector<16x128xf32>
    %slice3A_573 = vector.extract_strided_slice %get3A_3 {offsets = [0, 45184], sizes = [16, 128], strides = [1, 1]} : vector<16x50176xf32> to vector<16x128xf32>
    %slice3A_574 = vector.extract_strided_slice %get3A_3 {offsets = [0, 45312], sizes = [16, 128], strides = [1, 1]} : vector<16x50176xf32> to vector<16x128xf32>
    %slice3A_575 = vector.extract_strided_slice %get3A_3 {offsets = [0, 45440], sizes = [16, 128], strides = [1, 1]} : vector<16x50176xf32> to vector<16x128xf32>
    %slice3A_576 = vector.extract_strided_slice %get3A_3 {offsets = [0, 45568], sizes = [16, 128], strides = [1, 1]} : vector<16x50176xf32> to vector<16x128xf32>
    %slice3A_577 = vector.extract_strided_slice %get3A_3 {offsets = [0, 45696], sizes = [16, 128], strides = [1, 1]} : vector<16x50176xf32> to vector<16x128xf32>
    %slice3A_578 = vector.extract_strided_slice %get3A_3 {offsets = [0, 45824], sizes = [16, 128], strides = [1, 1]} : vector<16x50176xf32> to vector<16x128xf32>
    %slice3A_579 = vector.extract_strided_slice %get3A_3 {offsets = [0, 45952], sizes = [16, 128], strides = [1, 1]} : vector<16x50176xf32> to vector<16x128xf32>
    %concatenate3A_580 = tpu.concatenate %slice3A_572, %slice3A_573, %slice3A_574, %slice3A_575, %slice3A_576, %slice3A_577, %slice3A_578, %slice3A_579 in 0 : vector<16x128xf32>, vector<16x128xf32>, vector<16x128xf32>, vector<16x128xf32>, vector<16x128xf32>, vector<16x128xf32>, vector<16x128xf32>, vector<16x128xf32> -> vector<128x128xf32>
    %transpose3A_581 = tpu.transpose %concatenate3A_580, [1, 0] : vector<128x128xf32> -> vector<128x128xf32>
    %swap3A_582 = arith.constant 5632 : index
    %swap3A_583 = arith.constant 0 : index
    %swap3A_584 = vector.load %arg3[%swap3A_582, %swap3A_583] : memref<6272x128xf32, #tpu.memory_space<vmem>>, vector<128x128xf32>
    tpu.vector_store %arg3[%swap3A_582, %swap3A_583], %transpose3A_581 {strides = array<i32>} : memref<6272x128xf32, #tpu.memory_space<vmem>>, vector<128x128xf32>,
    %slice3A_585 = vector.extract_strided_slice %get3A_3 {offsets = [0, 46080], sizes = [16, 128], strides = [1, 1]} : vector<16x50176xf32> to vector<16x128xf32>
    %slice3A_586 = vector.extract_strided_slice %get3A_3 {offsets = [0, 46208], sizes = [16, 128], strides = [1, 1]} : vector<16x50176xf32> to vector<16x128xf32>
    %slice3A_587 = vector.extract_strided_slice %get3A_3 {offsets = [0, 46336], sizes = [16, 128], strides = [1, 1]} : vector<16x50176xf32> to vector<16x128xf32>
    %slice3A_588 = vector.extract_strided_slice %get3A_3 {offsets = [0, 46464], sizes = [16, 128], strides = [1, 1]} : vector<16x50176xf32> to vector<16x128xf32>
    %slice3A_589 = vector.extract_strided_slice %get3A_3 {offsets = [0, 46592], sizes = [16, 128], strides = [1, 1]} : vector<16x50176xf32> to vector<16x128xf32>
    %slice3A_590 = vector.extract_strided_slice %get3A_3 {offsets = [0, 46720], sizes = [16, 128], strides = [1, 1]} : vector<16x50176xf32> to vector<16x128xf32>
    %slice3A_591 = vector.extract_strided_slice %get3A_3 {offsets = [0, 46848], sizes = [16, 128], strides = [1, 1]} : vector<16x50176xf32> to vector<16x128xf32>
    %slice3A_592 = vector.extract_strided_slice %get3A_3 {offsets = [0, 46976], sizes = [16, 128], strides = [1, 1]} : vector<16x50176xf32> to vector<16x128xf32>
    %concatenate3A_593 = tpu.concatenate %slice3A_585, %slice3A_586, %slice3A_587, %slice3A_588, %slice3A_589, %slice3A_590, %slice3A_591, %slice3A_592 in 0 : vector<16x128xf32>, vector<16x128xf32>, vector<16x128xf32>, vector<16x128xf32>, vector<16x128xf32>, vector<16x128xf32>, vector<16x128xf32>, vector<16x128xf32> -> vector<128x128xf32>
    %transpose3A_594 = tpu.transpose %concatenate3A_593, [1, 0] : vector<128x128xf32> -> vector<128x128xf32>
    %swap3A_595 = arith.constant 5760 : index
    %swap3A_596 = arith.constant 0 : index
    %swap3A_597 = vector.load %arg3[%swap3A_595, %swap3A_596] : memref<6272x128xf32, #tpu.memory_space<vmem>>, vector<128x128xf32>
    tpu.vector_store %arg3[%swap3A_595, %swap3A_596], %transpose3A_594 {strides = array<i32>} : memref<6272x128xf32, #tpu.memory_space<vmem>>, vector<128x128xf32>,
    %slice3A_598 = vector.extract_strided_slice %get3A_3 {offsets = [0, 47104], sizes = [16, 128], strides = [1, 1]} : vector<16x50176xf32> to vector<16x128xf32>
    %slice3A_599 = vector.extract_strided_slice %get3A_3 {offsets = [0, 47232], sizes = [16, 128], strides = [1, 1]} : vector<16x50176xf32> to vector<16x128xf32>
    %slice3A_600 = vector.extract_strided_slice %get3A_3 {offsets = [0, 47360], sizes = [16, 128], strides = [1, 1]} : vector<16x50176xf32> to vector<16x128xf32>
    %slice3A_601 = vector.extract_strided_slice %get3A_3 {offsets = [0, 47488], sizes = [16, 128], strides = [1, 1]} : vector<16x50176xf32> to vector<16x128xf32>
    %slice3A_602 = vector.extract_strided_slice %get3A_3 {offsets = [0, 47616], sizes = [16, 128], strides = [1, 1]} : vector<16x50176xf32> to vector<16x128xf32>
    %slice3A_603 = vector.extract_strided_slice %get3A_3 {offsets = [0, 47744], sizes = [16, 128], strides = [1, 1]} : vector<16x50176xf32> to vector<16x128xf32>
    %slice3A_604 = vector.extract_strided_slice %get3A_3 {offsets = [0, 47872], sizes = [16, 128], strides = [1, 1]} : vector<16x50176xf32> to vector<16x128xf32>
    %slice3A_605 = vector.extract_strided_slice %get3A_3 {offsets = [0, 48000], sizes = [16, 128], strides = [1, 1]} : vector<16x50176xf32> to vector<16x128xf32>
    %concatenate3A_606 = tpu.concatenate %slice3A_598, %slice3A_599, %slice3A_600, %slice3A_601, %slice3A_602, %slice3A_603, %slice3A_604, %slice3A_605 in 0 : vector<16x128xf32>, vector<16x128xf32>, vector<16x128xf32>, vector<16x128xf32>, vector<16x128xf32>, vector<16x128xf32>, vector<16x128xf32>, vector<16x128xf32> -> vector<128x128xf32>
    %transpose3A_607 = tpu.transpose %concatenate3A_606, [1, 0] : vector<128x128xf32> -> vector<128x128xf32>
    %swap3A_608 = arith.constant 5888 : index
    %swap3A_609 = arith.constant 0 : index
    %swap3A_610 = vector.load %arg3[%swap3A_608, %swap3A_609] : memref<6272x128xf32, #tpu.memory_space<vmem>>, vector<128x128xf32>
    tpu.vector_store %arg3[%swap3A_608, %swap3A_609], %transpose3A_607 {strides = array<i32>} : memref<6272x128xf32, #tpu.memory_space<vmem>>, vector<128x128xf32>,
    %slice3A_611 = vector.extract_strided_slice %get3A_3 {offsets = [0, 48128], sizes = [16, 128], strides = [1, 1]} : vector<16x50176xf32> to vector<16x128xf32>
    %slice3A_612 = vector.extract_strided_slice %get3A_3 {offsets = [0, 48256], sizes = [16, 128], strides = [1, 1]} : vector<16x50176xf32> to vector<16x128xf32>
    %slice3A_613 = vector.extract_strided_slice %get3A_3 {offsets = [0, 48384], sizes = [16, 128], strides = [1, 1]} : vector<16x50176xf32> to vector<16x128xf32>
    %slice3A_614 = vector.extract_strided_slice %get3A_3 {offsets = [0, 48512], sizes = [16, 128], strides = [1, 1]} : vector<16x50176xf32> to vector<16x128xf32>
    %slice3A_615 = vector.extract_strided_slice %get3A_3 {offsets = [0, 48640], sizes = [16, 128], strides = [1, 1]} : vector<16x50176xf32> to vector<16x128xf32>
    %slice3A_616 = vector.extract_strided_slice %get3A_3 {offsets = [0, 48768], sizes = [16, 128], strides = [1, 1]} : vector<16x50176xf32> to vector<16x128xf32>
    %slice3A_617 = vector.extract_strided_slice %get3A_3 {offsets = [0, 48896], sizes = [16, 128], strides = [1, 1]} : vector<16x50176xf32> to vector<16x128xf32>
    %slice3A_618 = vector.extract_strided_slice %get3A_3 {offsets = [0, 49024], sizes = [16, 128], strides = [1, 1]} : vector<16x50176xf32> to vector<16x128xf32>
    %concatenate3A_619 = tpu.concatenate %slice3A_611, %slice3A_612, %slice3A_613, %slice3A_614, %slice3A_615, %slice3A_616, %slice3A_617, %slice3A_618 in 0 : vector<16x128xf32>, vector<16x128xf32>, vector<16x128xf32>, vector<16x128xf32>, vector<16x128xf32>, vector<16x128xf32>, vector<16x128xf32>, vector<16x128xf32> -> vector<128x128xf32>
    %transpose3A_620 = tpu.transpose %concatenate3A_619, [1, 0] : vector<128x128xf32> -> vector<128x128xf32>
    %swap3A_621 = arith.constant 6016 : index
    %swap3A_622 = arith.constant 0 : index
    %swap3A_623 = vector.load %arg3[%swap3A_621, %swap3A_622] : memref<6272x128xf32, #tpu.memory_space<vmem>>, vector<128x128xf32>
    tpu.vector_store %arg3[%swap3A_621, %swap3A_622], %transpose3A_620 {strides = array<i32>} : memref<6272x128xf32, #tpu.memory_space<vmem>>, vector<128x128xf32>,
    %slice3A_624 = vector.extract_strided_slice %get3A_3 {offsets = [0, 49152], sizes = [16, 128], strides = [1, 1]} : vector<16x50176xf32> to vector<16x128xf32>
    %slice3A_625 = vector.extract_strided_slice %get3A_3 {offsets = [0, 49280], sizes = [16, 128], strides = [1, 1]} : vector<16x50176xf32> to vector<16x128xf32>
    %slice3A_626 = vector.extract_strided_slice %get3A_3 {offsets = [0, 49408], sizes = [16, 128], strides = [1, 1]} : vector<16x50176xf32> to vector<16x128xf32>
    %slice3A_627 = vector.extract_strided_slice %get3A_3 {offsets = [0, 49536], sizes = [16, 128], strides = [1, 1]} : vector<16x50176xf32> to vector<16x128xf32>
    %slice3A_628 = vector.extract_strided_slice %get3A_3 {offsets = [0, 49664], sizes = [16, 128], strides = [1, 1]} : vector<16x50176xf32> to vector<16x128xf32>
    %slice3A_629 = vector.extract_strided_slice %get3A_3 {offsets = [0, 49792], sizes = [16, 128], strides = [1, 1]} : vector<16x50176xf32> to vector<16x128xf32>
    %slice3A_630 = vector.extract_strided_slice %get3A_3 {offsets = [0, 49920], sizes = [16, 128], strides = [1, 1]} : vector<16x50176xf32> to vector<16x128xf32>
    %slice3A_631 = vector.extract_strided_slice %get3A_3 {offsets = [0, 50048], sizes = [16, 128], strides = [1, 1]} : vector<16x50176xf32> to vector<16x128xf32>
    %concatenate3A_632 = tpu.concatenate %slice3A_624, %slice3A_625, %slice3A_626, %slice3A_627, %slice3A_628, %slice3A_629, %slice3A_630, %slice3A_631 in 0 : vector<16x128xf32>, vector<16x128xf32>, vector<16x128xf32>, vector<16x128xf32>, vector<16x128xf32>, vector<16x128xf32>, vector<16x128xf32>, vector<16x128xf32> -> vector<128x128xf32>
    %transpose3A_633 = tpu.transpose %concatenate3A_632, [1, 0] : vector<128x128xf32> -> vector<128x128xf32>
    %swap3A_634 = arith.constant 6144 : index
    %swap3A_635 = arith.constant 0 : index
    %swap3A_636 = vector.load %arg3[%swap3A_634, %swap3A_635] : memref<6272x128xf32, #tpu.memory_space<vmem>>, vector<128x128xf32>
    tpu.vector_store %arg3[%swap3A_634, %swap3A_635], %transpose3A_633 {strides = array<i32>} : memref<6272x128xf32, #tpu.memory_space<vmem>>, vector<128x128xf32>,
    return
  }
  func.func @transform_0(%arg0: i32, %arg1: i32) -> (i32, i32, i32) {
    %add3A = arith.constant 16 : i32
    %add3A_0 = arith.addi %add3A, %arg0 : i32
    %c0_i32 = arith.constant 0 : i32
    %c0_i32_1 = arith.constant 0 : i32
    return %add3A_0, %c0_i32, %arg1 : i32, i32, i32
  }
  func.func @transform_1(%arg0: i32, %arg1: i32) -> (i32, i32) {
    %mul3A = arith.constant 2 : i32
    %mul3A_0 = arith.muli %arg0, %mul3A : i32
    %add3A = arith.addi %mul3A_0, %arg1 : i32
    %c0_i32 = arith.constant 0 : i32
    %c0_i32_1 = arith.constant 0 : i32
    return %add3A, %c0_i32 : i32, i32
  }
}

module attributes {stable_mosaic.version = 14 : i64} {
  func.func @_tr_body(%arg0: i32, %arg1: i32, %arg2: memref<1x16x50176xf32, #tpu.memory_space<vmem>>, %arg3: memref<6272x128xf32, #tpu.memory_space<vmem>>) attributes {dimension_semantics = [#tpu.dimension_semantics<arbitrary>, #tpu.dimension_semantics<arbitrary>], iteration_bounds = array<i64: 16, 2>, scalar_prefetch = 0 : i64, scratch_operands = 0 : i64, tpu.core_type = #tpu.core_type<tc>, window_params = [{transform_indices = @transform_0, window_bounds = array<i64: 1, 16, 50176>}, {transform_indices = @transform_1, window_bounds = array<i64: 6272, 128>}]} {
    %get3A = arith.constant 0 : index
    %get3A_0 = arith.constant 0 : index
    %get3A_1 = arith.constant 0 : index
    %get3A_2 = vector.load %arg2[%get3A, %get3A_0, %get3A_1] : memref<1x16x50176xf32, #tpu.memory_space<vmem>>, vector<1x16x50176xf32>
    %get3A_3 = vector.shape_cast %get3A_2 : vector<1x16x50176xf32> to vector<16x50176xf32>
    %slice3A = vector.extract_strided_slice %get3A_3 {offsets = [0, 0], sizes = [16, 128], strides = [1, 1]} : vector<16x50176xf32> to vector<16x128xf32>
    %slice3A_4 = vector.extract_strided_slice %get3A_3 {offsets = [0, 128], sizes = [16, 128], strides = [1, 1]} : vector<16x50176xf32> to vector<16x128xf32>
    %slice3A_5 = vector.extract_strided_slice %get3A_3 {offsets = [0, 256], sizes = [16, 128], strides = [1, 1]} : vector<16x50176xf32> to vector<16x128xf32>
    %slice3A_6 = vector.extract_strided_slice %get3A_3 {offsets = [0, 384], sizes = [16, 128], strides = [1, 1]} : vector<16x50176xf32> to vector<16x128xf32>
    %slice3A_7 = vector.extract_strided_slice %get3A_3 {offsets = [0, 512], sizes = [16, 128], strides = [1, 1]} : vector<16x50176xf32> to vector<16x128xf32>
    %slice3A_8 = vector.extract_strided_slice %get3A_3 {offsets = [0, 640], sizes = [16, 128], strides = [1, 1]} : vector<16x50176xf32> to vector<16x128xf32>
    %slice3A_9 = vector.extract_strided_slice %get3A_3 {offsets = [0, 768], sizes = [16, 128], strides = [1, 1]} : vector<16x50176xf32> to vector<16x128xf32>
    %slice3A_10 = vector.extract_strided_slice %get3A_3 {offsets = [0, 896], sizes = [16, 128], strides = [1, 1]} : vector<16x50176xf32> to vector<16x128xf32>
    %concatenate3A = tpu.concatenate %slice3A, %slice3A_4, %slice3A_5, %slice3A_6, %slice3A_7, %slice3A_8, %slice3A_9, %slice3A_10 in 0 : vector<16x128xf32>, vector<16x128xf32>, vector<16x128xf32>, vector<16x128xf32>, vector<16x128xf32>, vector<16x128xf32>, vector<16x128xf32>, vector<16x128xf32> -> vector<128x128xf32>
    %transpose3A = tpu.transpose %concatenate3A, [1, 0] : vector<128x128xf32> -> vector<128x128xf32>
    %swap3A = arith.constant 0 : index
    %swap3A_11 = arith.constant 0 : index
    %swap3A_12 = vector.load %arg3[%swap3A, %swap3A_11] : memref<6272x128xf32, #tpu.memory_space<vmem>>, vector<128x128xf32>
    tpu.vector_store %arg3[%swap3A, %swap3A_11], %transpose3A {strides = array<i32>} : memref<6272x128xf32, #tpu.memory_space<vmem>>, vector<128x128xf32>,
    %slice3A_13 = vector.extract_strided_slice %get3A_3 {offsets = [0, 1024], sizes = [16, 128], strides = [1, 1]} : vector<16x50176xf32> to vector<16x128xf32>
    %slice3A_14 = vector.extract_strided_slice %get3A_3 {offsets = [0, 1152], sizes = [16, 128], strides = [1, 1]} : vector<16x50176xf32> to vector<16x128xf32>
    %slice3A_15 = vector.extract_strided_slice %get3A_3 {offsets = [0, 1280], sizes = [16, 128], strides = [1, 1]} : vector<16x50176xf32> to vector<16x128xf32>
    %slice3A_16 = vector.extract_strided_slice %get3A_3 {offsets = [0, 1408], sizes = [16, 128], strides = [1, 1]} : vector<16x50176xf32> to vector<16x128xf32>
    %slice3A_17 = vector.extract_strided_slice %get3A_3 {offsets = [0, 1536], sizes = [16, 128], strides = [1, 1]} : vector<16x50176xf32> to vector<16x128xf32>
    %slice3A_18 = vector.extract_strided_slice %get3A_3 {offsets = [0, 1664], sizes = [16, 128], strides = [1, 1]} : vector<16x50176xf32> to vector<16x128xf32>
    %slice3A_19 = vector.extract_strided_slice %get3A_3 {offsets = [0, 1792], sizes = [16, 128], strides = [1, 1]} : vector<16x50176xf32> to vector<16x128xf32>
    %slice3A_20 = vector.extract_strided_slice %get3A_3 {offsets = [0, 1920], sizes = [16, 128], strides = [1, 1]} : vector<16x50176xf32> to vector<16x128xf32>
    %concatenate3A_21 = tpu.concatenate %slice3A_13, %slice3A_14, %slice3A_15, %slice3A_16, %slice3A_17, %slice3A_18, %slice3A_19, %slice3A_20 in 0 : vector<16x128xf32>, vector<16x128xf32>, vector<16x128xf32>, vector<16x128xf32>, vector<16x128xf32>, vector<16x128xf32>, vector<16x128xf32>, vector<16x128xf32> -> vector<128x128xf32>
    %transpose3A_22 = tpu.transpose %concatenate3A_21, [1, 0] : vector<128x128xf32> -> vector<128x128xf32>
    %swap3A_23 = arith.constant 128 : index
    %swap3A_24 = arith.constant 0 : index
    %swap3A_25 = vector.load %arg3[%swap3A_23, %swap3A_24] : memref<6272x128xf32, #tpu.memory_space<vmem>>, vector<128x128xf32>
    tpu.vector_store %arg3[%swap3A_23, %swap3A_24], %transpose3A_22 {strides = array<i32>} : memref<6272x128xf32, #tpu.memory_space<vmem>>, vector<128x128xf32>,
    %slice3A_26 = vector.extract_strided_slice %get3A_3 {offsets = [0, 2048], sizes = [16, 128], strides = [1, 1]} : vector<16x50176xf32> to vector<16x128xf32>
    %slice3A_27 = vector.extract_strided_slice %get3A_3 {offsets = [0, 2176], sizes = [16, 128], strides = [1, 1]} : vector<16x50176xf32> to vector<16x128xf32>
    %slice3A_28 = vector.extract_strided_slice %get3A_3 {offsets = [0, 2304], sizes = [16, 128], strides = [1, 1]} : vector<16x50176xf32> to vector<16x128xf32>
    %slice3A_29 = vector.extract_strided_slice %get3A_3 {offsets = [0, 2432], sizes = [16, 128], strides = [1, 1]} : vector<16x50176xf32> to vector<16x128xf32>
    %slice3A_30 = vector.extract_strided_slice %get3A_3 {offsets = [0, 2560], sizes = [16, 128], strides = [1, 1]} : vector<16x50176xf32> to vector<16x128xf32>
    %slice3A_31 = vector.extract_strided_slice %get3A_3 {offsets = [0, 2688], sizes = [16, 128], strides = [1, 1]} : vector<16x50176xf32> to vector<16x128xf32>
    %slice3A_32 = vector.extract_strided_slice %get3A_3 {offsets = [0, 2816], sizes = [16, 128], strides = [1, 1]} : vector<16x50176xf32> to vector<16x128xf32>
    %slice3A_33 = vector.extract_strided_slice %get3A_3 {offsets = [0, 2944], sizes = [16, 128], strides = [1, 1]} : vector<16x50176xf32> to vector<16x128xf32>
    %concatenate3A_34 = tpu.concatenate %slice3A_26, %slice3A_27, %slice3A_28, %slice3A_29, %slice3A_30, %slice3A_31, %slice3A_32, %slice3A_33 in 0 : vector<16x128xf32>, vector<16x128xf32>, vector<16x128xf32>, vector<16x128xf32>, vector<16x128xf32>, vector<16x128xf32>, vector<16x128xf32>, vector<16x128xf32> -> vector<128x128xf32>
    %transpose3A_35 = tpu.transpose %concatenate3A_34, [1, 0] : vector<128x128xf32> -> vector<128x128xf32>
    %swap3A_36 = arith.constant 256 : index
    %swap3A_37 = arith.constant 0 : index
    %swap3A_38 = vector.load %arg3[%swap3A_36, %swap3A_37] : memref<6272x128xf32, #tpu.memory_space<vmem>>, vector<128x128xf32>
    tpu.vector_store %arg3[%swap3A_36, %swap3A_37], %transpose3A_35 {strides = array<i32>} : memref<6272x128xf32, #tpu.memory_space<vmem>>, vector<128x128xf32>,
    %slice3A_39 = vector.extract_strided_slice %get3A_3 {offsets = [0, 3072], sizes = [16, 128], strides = [1, 1]} : vector<16x50176xf32> to vector<16x128xf32>
    %slice3A_40 = vector.extract_strided_slice %get3A_3 {offsets = [0, 3200], sizes = [16, 128], strides = [1, 1]} : vector<16x50176xf32> to vector<16x128xf32>
    %slice3A_41 = vector.extract_strided_slice %get3A_3 {offsets = [0, 3328], sizes = [16, 128], strides = [1, 1]} : vector<16x50176xf32> to vector<16x128xf32>
    %slice3A_42 = vector.extract_strided_slice %get3A_3 {offsets = [0, 3456], sizes = [16, 128], strides = [1, 1]} : vector<16x50176xf32> to vector<16x128xf32>
    %slice3A_43 = vector.extract_strided_slice %get3A_3 {offsets = [0, 3584], sizes = [16, 128], strides = [1, 1]} : vector<16x50176xf32> to vector<16x128xf32>
    %slice3A_44 = vector.extract_strided_slice %get3A_3 {offsets = [0, 3712], sizes = [16, 128], strides = [1, 1]} : vector<16x50176xf32> to vector<16x128xf32>
    %slice3A_45 = vector.extract_strided_slice %get3A_3 {offsets = [0, 3840], sizes = [16, 128], strides = [1, 1]} : vector<16x50176xf32> to vector<16x128xf32>
    %slice3A_46 = vector.extract_strided_slice %get3A_3 {offsets = [0, 3968], sizes = [16, 128], strides = [1, 1]} : vector<16x50176xf32> to vector<16x128xf32>
    %concatenate3A_47 = tpu.concatenate %slice3A_39, %slice3A_40, %slice3A_41, %slice3A_42, %slice3A_43, %slice3A_44, %slice3A_45, %slice3A_46 in 0 : vector<16x128xf32>, vector<16x128xf32>, vector<16x128xf32>, vector<16x128xf32>, vector<16x128xf32>, vector<16x128xf32>, vector<16x128xf32>, vector<16x128xf32> -> vector<128x128xf32>
    %transpose3A_48 = tpu.transpose %concatenate3A_47, [1, 0] : vector<128x128xf32> -> vector<128x128xf32>
    %swap3A_49 = arith.constant 384 : index
    %swap3A_50 = arith.constant 0 : index
    %swap3A_51 = vector.load %arg3[%swap3A_49, %swap3A_50] : memref<6272x128xf32, #tpu.memory_space<vmem>>, vector<128x128xf32>
    tpu.vector_store %arg3[%swap3A_49, %swap3A_50], %transpose3A_48 {strides = array<i32>} : memref<6272x128xf32, #tpu.memory_space<vmem>>, vector<128x128xf32>,
    %slice3A_52 = vector.extract_strided_slice %get3A_3 {offsets = [0, 4096], sizes = [16, 128], strides = [1, 1]} : vector<16x50176xf32> to vector<16x128xf32>
    %slice3A_53 = vector.extract_strided_slice %get3A_3 {offsets = [0, 4224], sizes = [16, 128], strides = [1, 1]} : vector<16x50176xf32> to vector<16x128xf32>
    %slice3A_54 = vector.extract_strided_slice %get3A_3 {offsets = [0, 4352], sizes = [16, 128], strides = [1, 1]} : vector<16x50176xf32> to vector<16x128xf32>
    %slice3A_55 = vector.extract_strided_slice %get3A_3 {offsets = [0, 4480], sizes = [16, 128], strides = [1, 1]} : vector<16x50176xf32> to vector<16x128xf32>
    %slice3A_56 = vector.extract_strided_slice %get3A_3 {offsets = [0, 4608], sizes = [16, 128], strides = [1, 1]} : vector<16x50176xf32> to vector<16x128xf32>
    %slice3A_57 = vector.extract_strided_slice %get3A_3 {offsets = [0, 4736], sizes = [16, 128], strides = [1, 1]} : vector<16x50176xf32> to vector<16x128xf32>
    %slice3A_58 = vector.extract_strided_slice %get3A_3 {offsets = [0, 4864], sizes = [16, 128], strides = [1, 1]} : vector<16x50176xf32> to vector<16x128xf32>
    %slice3A_59 = vector.extract_strided_slice %get3A_3 {offsets = [0, 4992], sizes = [16, 128], strides = [1, 1]} : vector<16x50176xf32> to vector<16x128xf32>
    %concatenate3A_60 = tpu.concatenate %slice3A_52, %slice3A_53, %slice3A_54, %slice3A_55, %slice3A_56, %slice3A_57, %slice3A_58, %slice3A_59 in 0 : vector<16x128xf32>, vector<16x128xf32>, vector<16x128xf32>, vector<16x128xf32>, vector<16x128xf32>, vector<16x128xf32>, vector<16x128xf32>, vector<16x128xf32> -> vector<128x128xf32>
    %transpose3A_61 = tpu.transpose %concatenate3A_60, [1, 0] : vector<128x128xf32> -> vector<128x128xf32>
    %swap3A_62 = arith.constant 512 : index
    %swap3A_63 = arith.constant 0 : index
    %swap3A_64 = vector.load %arg3[%swap3A_62, %swap3A_63] : memref<6272x128xf32, #tpu.memory_space<vmem>>, vector<128x128xf32>
    tpu.vector_store %arg3[%swap3A_62, %swap3A_63], %transpose3A_61 {strides = array<i32>} : memref<6272x128xf32, #tpu.memory_space<vmem>>, vector<128x128xf32>,
    %slice3A_65 = vector.extract_strided_slice %get3A_3 {offsets = [0, 5120], sizes = [16, 128], strides = [1, 1]} : vector<16x50176xf32> to vector<16x128xf32>
    %slice3A_66 = vector.extract_strided_slice %get3A_3 {offsets = [0, 5248], sizes = [16, 128], strides = [1, 1]} : vector<16x50176xf32> to vector<16x128xf32>
    %slice3A_67 = vector.extract_strided_slice %get3A_3 {offsets = [0, 5376], sizes = [16, 128], strides = [1, 1]} : vector<16x50176xf32> to vector<16x128xf32>
    %slice3A_68 = vector.extract_strided_slice %get3A_3 {offsets = [0, 5504], sizes = [16, 128], strides = [1, 1]} : vector<16x50176xf32> to vector<16x128xf32>
    %slice3A_69 = vector.extract_strided_slice %get3A_3 {offsets = [0, 5632], sizes = [16, 128], strides = [1, 1]} : vector<16x50176xf32> to vector<16x128xf32>
    %slice3A_70 = vector.extract_strided_slice %get3A_3 {offsets = [0, 5760], sizes = [16, 128], strides = [1, 1]} : vector<16x50176xf32> to vector<16x128xf32>
    %slice3A_71 = vector.extract_strided_slice %get3A_3 {offsets = [0, 5888], sizes = [16, 128], strides = [1, 1]} : vector<16x50176xf32> to vector<16x128xf32>
    %slice3A_72 = vector.extract_strided_slice %get3A_3 {offsets = [0, 6016], sizes = [16, 128], strides = [1, 1]} : vector<16x50176xf32> to vector<16x128xf32>
    %concatenate3A_73 = tpu.concatenate %slice3A_65, %slice3A_66, %slice3A_67, %slice3A_68, %slice3A_69, %slice3A_70, %slice3A_71, %slice3A_72 in 0 : vector<16x128xf32>, vector<16x128xf32>, vector<16x128xf32>, vector<16x128xf32>, vector<16x128xf32>, vector<16x128xf32>, vector<16x128xf32>, vector<16x128xf32> -> vector<128x128xf32>
    %transpose3A_74 = tpu.transpose %concatenate3A_73, [1, 0] : vector<128x128xf32> -> vector<128x128xf32>
    %swap3A_75 = arith.constant 640 : index
    %swap3A_76 = arith.constant 0 : index
    %swap3A_77 = vector.load %arg3[%swap3A_75, %swap3A_76] : memref<6272x128xf32, #tpu.memory_space<vmem>>, vector<128x128xf32>
    tpu.vector_store %arg3[%swap3A_75, %swap3A_76], %transpose3A_74 {strides = array<i32>} : memref<6272x128xf32, #tpu.memory_space<vmem>>, vector<128x128xf32>,
    %slice3A_78 = vector.extract_strided_slice %get3A_3 {offsets = [0, 6144], sizes = [16, 128], strides = [1, 1]} : vector<16x50176xf32> to vector<16x128xf32>
    %slice3A_79 = vector.extract_strided_slice %get3A_3 {offsets = [0, 6272], sizes = [16, 128], strides = [1, 1]} : vector<16x50176xf32> to vector<16x128xf32>
    %slice3A_80 = vector.extract_strided_slice %get3A_3 {offsets = [0, 6400], sizes = [16, 128], strides = [1, 1]} : vector<16x50176xf32> to vector<16x128xf32>
    %slice3A_81 = vector.extract_strided_slice %get3A_3 {offsets = [0, 6528], sizes = [16, 128], strides = [1, 1]} : vector<16x50176xf32> to vector<16x128xf32>
    %slice3A_82 = vector.extract_strided_slice %get3A_3 {offsets = [0, 6656], sizes = [16, 128], strides = [1, 1]} : vector<16x50176xf32> to vector<16x128xf32>
    %slice3A_83 = vector.extract_strided_slice %get3A_3 {offsets = [0, 6784], sizes = [16, 128], strides = [1, 1]} : vector<16x50176xf32> to vector<16x128xf32>
    %slice3A_84 = vector.extract_strided_slice %get3A_3 {offsets = [0, 6912], sizes = [16, 128], strides = [1, 1]} : vector<16x50176xf32> to vector<16x128xf32>
    %slice3A_85 = vector.extract_strided_slice %get3A_3 {offsets = [0, 7040], sizes = [16, 128], strides = [1, 1]} : vector<16x50176xf32> to vector<16x128xf32>
    %concatenate3A_86 = tpu.concatenate %slice3A_78, %slice3A_79, %slice3A_80, %slice3A_81, %slice3A_82, %slice3A_83, %slice3A_84, %slice3A_85 in 0 : vector<16x128xf32>, vector<16x128xf32>, vector<16x128xf32>, vector<16x128xf32>, vector<16x128xf32>, vector<16x128xf32>, vector<16x128xf32>, vector<16x128xf32> -> vector<128x128xf32>
    %transpose3A_87 = tpu.transpose %concatenate3A_86, [1, 0] : vector<128x128xf32> -> vector<128x128xf32>
    %swap3A_88 = arith.constant 768 : index
    %swap3A_89 = arith.constant 0 : index
    %swap3A_90 = vector.load %arg3[%swap3A_88, %swap3A_89] : memref<6272x128xf32, #tpu.memory_space<vmem>>, vector<128x128xf32>
    tpu.vector_store %arg3[%swap3A_88, %swap3A_89], %transpose3A_87 {strides = array<i32>} : memref<6272x128xf32, #tpu.memory_space<vmem>>, vector<128x128xf32>,
    %slice3A_91 = vector.extract_strided_slice %get3A_3 {offsets = [0, 7168], sizes = [16, 128], strides = [1, 1]} : vector<16x50176xf32> to vector<16x128xf32>
    %slice3A_92 = vector.extract_strided_slice %get3A_3 {offsets = [0, 7296], sizes = [16, 128], strides = [1, 1]} : vector<16x50176xf32> to vector<16x128xf32>
    %slice3A_93 = vector.extract_strided_slice %get3A_3 {offsets = [0, 7424], sizes = [16, 128], strides = [1, 1]} : vector<16x50176xf32> to vector<16x128xf32>
    %slice3A_94 = vector.extract_strided_slice %get3A_3 {offsets = [0, 7552], sizes = [16, 128], strides = [1, 1]} : vector<16x50176xf32> to vector<16x128xf32>
    %slice3A_95 = vector.extract_strided_slice %get3A_3 {offsets = [0, 7680], sizes = [16, 128], strides = [1, 1]} : vector<16x50176xf32> to vector<16x128xf32>
    %slice3A_96 = vector.extract_strided_slice %get3A_3 {offsets = [0, 7808], sizes = [16, 128], strides = [1, 1]} : vector<16x50176xf32> to vector<16x128xf32>
    %slice3A_97 = vector.extract_strided_slice %get3A_3 {offsets = [0, 7936], sizes = [16, 128], strides = [1, 1]} : vector<16x50176xf32> to vector<16x128xf32>
    %slice3A_98 = vector.extract_strided_slice %get3A_3 {offsets = [0, 8064], sizes = [16, 128], strides = [1, 1]} : vector<16x50176xf32> to vector<16x128xf32>
    %concatenate3A_99 = tpu.concatenate %slice3A_91, %slice3A_92, %slice3A_93, %slice3A_94, %slice3A_95, %slice3A_96, %slice3A_97, %slice3A_98 in 0 : vector<16x128xf32>, vector<16x128xf32>, vector<16x128xf32>, vector<16x128xf32>, vector<16x128xf32>, vector<16x128xf32>, vector<16x128xf32>, vector<16x128xf32> -> vector<128x128xf32>
    %transpose3A_100 = tpu.transpose %concatenate3A_99, [1, 0] : vector<128x128xf32> -> vector<128x128xf32>
    %swap3A_101 = arith.constant 896 : index
    %swap3A_102 = arith.constant 0 : index
    %swap3A_103 = vector.load %arg3[%swap3A_101, %swap3A_102] : memref<6272x128xf32, #tpu.memory_space<vmem>>, vector<128x128xf32>
    tpu.vector_store %arg3[%swap3A_101, %swap3A_102], %transpose3A_100 {strides = array<i32>} : memref<6272x128xf32, #tpu.memory_space<vmem>>, vector<128x128xf32>,
    %slice3A_104 = vector.extract_strided_slice %get3A_3 {offsets = [0, 8192], sizes = [16, 128], strides = [1, 1]} : vector<16x50176xf32> to vector<16x128xf32>
    %slice3A_105 = vector.extract_strided_slice %get3A_3 {offsets = [0, 8320], sizes = [16, 128], strides = [1, 1]} : vector<16x50176xf32> to vector<16x128xf32>
    %slice3A_106 = vector.extract_strided_slice %get3A_3 {offsets = [0, 8448], sizes = [16, 128], strides = [1, 1]} : vector<16x50176xf32> to vector<16x128xf32>
    %slice3A_107 = vector.extract_strided_slice %get3A_3 {offsets = [0, 8576], sizes = [16, 128], strides = [1, 1]} : vector<16x50176xf32> to vector<16x128xf32>
    %slice3A_108 = vector.extract_strided_slice %get3A_3 {offsets = [0, 8704], sizes = [16, 128], strides = [1, 1]} : vector<16x50176xf32> to vector<16x128xf32>
    %slice3A_109 = vector.extract_strided_slice %get3A_3 {offsets = [0, 8832], sizes = [16, 128], strides = [1, 1]} : vector<16x50176xf32> to vector<16x128xf32>
    %slice3A_110 = vector.extract_strided_slice %get3A_3 {offsets = [0, 8960], sizes = [16, 128], strides = [1, 1]} : vector<16x50176xf32> to vector<16x128xf32>
    %slice3A_111 = vector.extract_strided_slice %get3A_3 {offsets = [0, 9088], sizes = [16, 128], strides = [1, 1]} : vector<16x50176xf32> to vector<16x128xf32>
    %concatenate3A_112 = tpu.concatenate %slice3A_104, %slice3A_105, %slice3A_106, %slice3A_107, %slice3A_108, %slice3A_109, %slice3A_110, %slice3A_111 in 0 : vector<16x128xf32>, vector<16x128xf32>, vector<16x128xf32>, vector<16x128xf32>, vector<16x128xf32>, vector<16x128xf32>, vector<16x128xf32>, vector<16x128xf32> -> vector<128x128xf32>
    %transpose3A_113 = tpu.transpose %concatenate3A_112, [1, 0] : vector<128x128xf32> -> vector<128x128xf32>
    %swap3A_114 = arith.constant 1024 : index
    %swap3A_115 = arith.constant 0 : index
    %swap3A_116 = vector.load %arg3[%swap3A_114, %swap3A_115] : memref<6272x128xf32, #tpu.memory_space<vmem>>, vector<128x128xf32>
    tpu.vector_store %arg3[%swap3A_114, %swap3A_115], %transpose3A_113 {strides = array<i32>} : memref<6272x128xf32, #tpu.memory_space<vmem>>, vector<128x128xf32>,
    %slice3A_117 = vector.extract_strided_slice %get3A_3 {offsets = [0, 9216], sizes = [16, 128], strides = [1, 1]} : vector<16x50176xf32> to vector<16x128xf32>
    %slice3A_118 = vector.extract_strided_slice %get3A_3 {offsets = [0, 9344], sizes = [16, 128], strides = [1, 1]} : vector<16x50176xf32> to vector<16x128xf32>
    %slice3A_119 = vector.extract_strided_slice %get3A_3 {offsets = [0, 9472], sizes = [16, 128], strides = [1, 1]} : vector<16x50176xf32> to vector<16x128xf32>
    %slice3A_120 = vector.extract_strided_slice %get3A_3 {offsets = [0, 9600], sizes = [16, 128], strides = [1, 1]} : vector<16x50176xf32> to vector<16x128xf32>
    %slice3A_121 = vector.extract_strided_slice %get3A_3 {offsets = [0, 9728], sizes = [16, 128], strides = [1, 1]} : vector<16x50176xf32> to vector<16x128xf32>
    %slice3A_122 = vector.extract_strided_slice %get3A_3 {offsets = [0, 9856], sizes = [16, 128], strides = [1, 1]} : vector<16x50176xf32> to vector<16x128xf32>
    %slice3A_123 = vector.extract_strided_slice %get3A_3 {offsets = [0, 9984], sizes = [16, 128], strides = [1, 1]} : vector<16x50176xf32> to vector<16x128xf32>
    %slice3A_124 = vector.extract_strided_slice %get3A_3 {offsets = [0, 10112], sizes = [16, 128], strides = [1, 1]} : vector<16x50176xf32> to vector<16x128xf32>
    %concatenate3A_125 = tpu.concatenate %slice3A_117, %slice3A_118, %slice3A_119, %slice3A_120, %slice3A_121, %slice3A_122, %slice3A_123, %slice3A_124 in 0 : vector<16x128xf32>, vector<16x128xf32>, vector<16x128xf32>, vector<16x128xf32>, vector<16x128xf32>, vector<16x128xf32>, vector<16x128xf32>, vector<16x128xf32> -> vector<128x128xf32>
    %transpose3A_126 = tpu.transpose %concatenate3A_125, [1, 0] : vector<128x128xf32> -> vector<128x128xf32>
    %swap3A_127 = arith.constant 1152 : index
    %swap3A_128 = arith.constant 0 : index
    %swap3A_129 = vector.load %arg3[%swap3A_127, %swap3A_128] : memref<6272x128xf32, #tpu.memory_space<vmem>>, vector<128x128xf32>
    tpu.vector_store %arg3[%swap3A_127, %swap3A_128], %transpose3A_126 {strides = array<i32>} : memref<6272x128xf32, #tpu.memory_space<vmem>>, vector<128x128xf32>,
    %slice3A_130 = vector.extract_strided_slice %get3A_3 {offsets = [0, 10240], sizes = [16, 128], strides = [1, 1]} : vector<16x50176xf32> to vector<16x128xf32>
    %slice3A_131 = vector.extract_strided_slice %get3A_3 {offsets = [0, 10368], sizes = [16, 128], strides = [1, 1]} : vector<16x50176xf32> to vector<16x128xf32>
    %slice3A_132 = vector.extract_strided_slice %get3A_3 {offsets = [0, 10496], sizes = [16, 128], strides = [1, 1]} : vector<16x50176xf32> to vector<16x128xf32>
    %slice3A_133 = vector.extract_strided_slice %get3A_3 {offsets = [0, 10624], sizes = [16, 128], strides = [1, 1]} : vector<16x50176xf32> to vector<16x128xf32>
    %slice3A_134 = vector.extract_strided_slice %get3A_3 {offsets = [0, 10752], sizes = [16, 128], strides = [1, 1]} : vector<16x50176xf32> to vector<16x128xf32>
    %slice3A_135 = vector.extract_strided_slice %get3A_3 {offsets = [0, 10880], sizes = [16, 128], strides = [1, 1]} : vector<16x50176xf32> to vector<16x128xf32>
    %slice3A_136 = vector.extract_strided_slice %get3A_3 {offsets = [0, 11008], sizes = [16, 128], strides = [1, 1]} : vector<16x50176xf32> to vector<16x128xf32>
    %slice3A_137 = vector.extract_strided_slice %get3A_3 {offsets = [0, 11136], sizes = [16, 128], strides = [1, 1]} : vector<16x50176xf32> to vector<16x128xf32>
    %concatenate3A_138 = tpu.concatenate %slice3A_130, %slice3A_131, %slice3A_132, %slice3A_133, %slice3A_134, %slice3A_135, %slice3A_136, %slice3A_137 in 0 : vector<16x128xf32>, vector<16x128xf32>, vector<16x128xf32>, vector<16x128xf32>, vector<16x128xf32>, vector<16x128xf32>, vector<16x128xf32>, vector<16x128xf32> -> vector<128x128xf32>
    %transpose3A_139 = tpu.transpose %concatenate3A_138, [1, 0] : vector<128x128xf32> -> vector<128x128xf32>
    %swap3A_140 = arith.constant 1280 : index
    %swap3A_141 = arith.constant 0 : index
    %swap3A_142 = vector.load %arg3[%swap3A_140, %swap3A_141] : memref<6272x128xf32, #tpu.memory_space<vmem>>, vector<128x128xf32>
    tpu.vector_store %arg3[%swap3A_140, %swap3A_141], %transpose3A_139 {strides = array<i32>} : memref<6272x128xf32, #tpu.memory_space<vmem>>, vector<128x128xf32>,
    %slice3A_143 = vector.extract_strided_slice %get3A_3 {offsets = [0, 11264], sizes = [16, 128], strides = [1, 1]} : vector<16x50176xf32> to vector<16x128xf32>
    %slice3A_144 = vector.extract_strided_slice %get3A_3 {offsets = [0, 11392], sizes = [16, 128], strides = [1, 1]} : vector<16x50176xf32> to vector<16x128xf32>
    %slice3A_145 = vector.extract_strided_slice %get3A_3 {offsets = [0, 11520], sizes = [16, 128], strides = [1, 1]} : vector<16x50176xf32> to vector<16x128xf32>
    %slice3A_146 = vector.extract_strided_slice %get3A_3 {offsets = [0, 11648], sizes = [16, 128], strides = [1, 1]} : vector<16x50176xf32> to vector<16x128xf32>
    %slice3A_147 = vector.extract_strided_slice %get3A_3 {offsets = [0, 11776], sizes = [16, 128], strides = [1, 1]} : vector<16x50176xf32> to vector<16x128xf32>
    %slice3A_148 = vector.extract_strided_slice %get3A_3 {offsets = [0, 11904], sizes = [16, 128], strides = [1, 1]} : vector<16x50176xf32> to vector<16x128xf32>
    %slice3A_149 = vector.extract_strided_slice %get3A_3 {offsets = [0, 12032], sizes = [16, 128], strides = [1, 1]} : vector<16x50176xf32> to vector<16x128xf32>
    %slice3A_150 = vector.extract_strided_slice %get3A_3 {offsets = [0, 12160], sizes = [16, 128], strides = [1, 1]} : vector<16x50176xf32> to vector<16x128xf32>
    %concatenate3A_151 = tpu.concatenate %slice3A_143, %slice3A_144, %slice3A_145, %slice3A_146, %slice3A_147, %slice3A_148, %slice3A_149, %slice3A_150 in 0 : vector<16x128xf32>, vector<16x128xf32>, vector<16x128xf32>, vector<16x128xf32>, vector<16x128xf32>, vector<16x128xf32>, vector<16x128xf32>, vector<16x128xf32> -> vector<128x128xf32>
    %transpose3A_152 = tpu.transpose %concatenate3A_151, [1, 0] : vector<128x128xf32> -> vector<128x128xf32>
    %swap3A_153 = arith.constant 1408 : index
    %swap3A_154 = arith.constant 0 : index
    %swap3A_155 = vector.load %arg3[%swap3A_153, %swap3A_154] : memref<6272x128xf32, #tpu.memory_space<vmem>>, vector<128x128xf32>
    tpu.vector_store %arg3[%swap3A_153, %swap3A_154], %transpose3A_152 {strides = array<i32>} : memref<6272x128xf32, #tpu.memory_space<vmem>>, vector<128x128xf32>,
    %slice3A_156 = vector.extract_strided_slice %get3A_3 {offsets = [0, 12288], sizes = [16, 128], strides = [1, 1]} : vector<16x50176xf32> to vector<16x128xf32>
    %slice3A_157 = vector.extract_strided_slice %get3A_3 {offsets = [0, 12416], sizes = [16, 128], strides = [1, 1]} : vector<16x50176xf32> to vector<16x128xf32>
    %slice3A_158 = vector.extract_strided_slice %get3A_3 {offsets = [0, 12544], sizes = [16, 128], strides = [1, 1]} : vector<16x50176xf32> to vector<16x128xf32>
    %slice3A_159 = vector.extract_strided_slice %get3A_3 {offsets = [0, 12672], sizes = [16, 128], strides = [1, 1]} : vector<16x50176xf32> to vector<16x128xf32>
    %slice3A_160 = vector.extract_strided_slice %get3A_3 {offsets = [0, 12800], sizes = [16, 128], strides = [1, 1]} : vector<16x50176xf32> to vector<16x128xf32>
    %slice3A_161 = vector.extract_strided_slice %get3A_3 {offsets = [0, 12928], sizes = [16, 128], strides = [1, 1]} : vector<16x50176xf32> to vector<16x128xf32>
    %slice3A_162 = vector.extract_strided_slice %get3A_3 {offsets = [0, 13056], sizes = [16, 128], strides = [1, 1]} : vector<16x50176xf32> to vector<16x128xf32>
    %slice3A_163 = vector.extract_strided_slice %get3A_3 {offsets = [0, 13184], sizes = [16, 128], strides = [1, 1]} : vector<16x50176xf32> to vector<16x128xf32>
    %concatenate3A_164 = tpu.concatenate %slice3A_156, %slice3A_157, %slice3A_158, %slice3A_159, %slice3A_160, %slice3A_161, %slice3A_162, %slice3A_163 in 0 : vector<16x128xf32>, vector<16x128xf32>, vector<16x128xf32>, vector<16x128xf32>, vector<16x128xf32>, vector<16x128xf32>, vector<16x128xf32>, vector<16x128xf32> -> vector<128x128xf32>
    %transpose3A_165 = tpu.transpose %concatenate3A_164, [1, 0] : vector<128x128xf32> -> vector<128x128xf32>
    %swap3A_166 = arith.constant 1536 : index
    %swap3A_167 = arith.constant 0 : index
    %swap3A_168 = vector.load %arg3[%swap3A_166, %swap3A_167] : memref<6272x128xf32, #tpu.memory_space<vmem>>, vector<128x128xf32>
    tpu.vector_store %arg3[%swap3A_166, %swap3A_167], %transpose3A_165 {strides = array<i32>} : memref<6272x128xf32, #tpu.memory_space<vmem>>, vector<128x128xf32>,
    %slice3A_169 = vector.extract_strided_slice %get3A_3 {offsets = [0, 13312], sizes = [16, 128], strides = [1, 1]} : vector<16x50176xf32> to vector<16x128xf32>
    %slice3A_170 = vector.extract_strided_slice %get3A_3 {offsets = [0, 13440], sizes = [16, 128], strides = [1, 1]} : vector<16x50176xf32> to vector<16x128xf32>
    %slice3A_171 = vector.extract_strided_slice %get3A_3 {offsets = [0, 13568], sizes = [16, 128], strides = [1, 1]} : vector<16x50176xf32> to vector<16x128xf32>
    %slice3A_172 = vector.extract_strided_slice %get3A_3 {offsets = [0, 13696], sizes = [16, 128], strides = [1, 1]} : vector<16x50176xf32> to vector<16x128xf32>
    %slice3A_173 = vector.extract_strided_slice %get3A_3 {offsets = [0, 13824], sizes = [16, 128], strides = [1, 1]} : vector<16x50176xf32> to vector<16x128xf32>
    %slice3A_174 = vector.extract_strided_slice %get3A_3 {offsets = [0, 13952], sizes = [16, 128], strides = [1, 1]} : vector<16x50176xf32> to vector<16x128xf32>
    %slice3A_175 = vector.extract_strided_slice %get3A_3 {offsets = [0, 14080], sizes = [16, 128], strides = [1, 1]} : vector<16x50176xf32> to vector<16x128xf32>
    %slice3A_176 = vector.extract_strided_slice %get3A_3 {offsets = [0, 14208], sizes = [16, 128], strides = [1, 1]} : vector<16x50176xf32> to vector<16x128xf32>
    %concatenate3A_177 = tpu.concatenate %slice3A_169, %slice3A_170, %slice3A_171, %slice3A_172, %slice3A_173, %slice3A_174, %slice3A_175, %slice3A_176 in 0 : vector<16x128xf32>, vector<16x128xf32>, vector<16x128xf32>, vector<16x128xf32>, vector<16x128xf32>, vector<16x128xf32>, vector<16x128xf32>, vector<16x128xf32> -> vector<128x128xf32>
    %transpose3A_178 = tpu.transpose %concatenate3A_177, [1, 0] : vector<128x128xf32> -> vector<128x128xf32>
    %swap3A_179 = arith.constant 1664 : index
    %swap3A_180 = arith.constant 0 : index
    %swap3A_181 = vector.load %arg3[%swap3A_179, %swap3A_180] : memref<6272x128xf32, #tpu.memory_space<vmem>>, vector<128x128xf32>
    tpu.vector_store %arg3[%swap3A_179, %swap3A_180], %transpose3A_178 {strides = array<i32>} : memref<6272x128xf32, #tpu.memory_space<vmem>>, vector<128x128xf32>,
    %slice3A_182 = vector.extract_strided_slice %get3A_3 {offsets = [0, 14336], sizes = [16, 128], strides = [1, 1]} : vector<16x50176xf32> to vector<16x128xf32>
    %slice3A_183 = vector.extract_strided_slice %get3A_3 {offsets = [0, 14464], sizes = [16, 128], strides = [1, 1]} : vector<16x50176xf32> to vector<16x128xf32>
    %slice3A_184 = vector.extract_strided_slice %get3A_3 {offsets = [0, 14592], sizes = [16, 128], strides = [1, 1]} : vector<16x50176xf32> to vector<16x128xf32>
    %slice3A_185 = vector.extract_strided_slice %get3A_3 {offsets = [0, 14720], sizes = [16, 128], strides = [1, 1]} : vector<16x50176xf32> to vector<16x128xf32>
    %slice3A_186 = vector.extract_strided_slice %get3A_3 {offsets = [0, 14848], sizes = [16, 128], strides = [1, 1]} : vector<16x50176xf32> to vector<16x128xf32>
    %slice3A_187 = vector.extract_strided_slice %get3A_3 {offsets = [0, 14976], sizes = [16, 128], strides = [1, 1]} : vector<16x50176xf32> to vector<16x128xf32>
    %slice3A_188 = vector.extract_strided_slice %get3A_3 {offsets = [0, 15104], sizes = [16, 128], strides = [1, 1]} : vector<16x50176xf32> to vector<16x128xf32>
    %slice3A_189 = vector.extract_strided_slice %get3A_3 {offsets = [0, 15232], sizes = [16, 128], strides = [1, 1]} : vector<16x50176xf32> to vector<16x128xf32>
    %concatenate3A_190 = tpu.concatenate %slice3A_182, %slice3A_183, %slice3A_184, %slice3A_185, %slice3A_186, %slice3A_187, %slice3A_188, %slice3A_189 in 0 : vector<16x128xf32>, vector<16x128xf32>, vector<16x128xf32>, vector<16x128xf32>, vector<16x128xf32>, vector<16x128xf32>, vector<16x128xf32>, vector<16x128xf32> -> vector<128x128xf32>
    %transpose3A_191 = tpu.transpose %concatenate3A_190, [1, 0] : vector<128x128xf32> -> vector<128x128xf32>
    %swap3A_192 = arith.constant 1792 : index
    %swap3A_193 = arith.constant 0 : index
    %swap3A_194 = vector.load %arg3[%swap3A_192, %swap3A_193] : memref<6272x128xf32, #tpu.memory_space<vmem>>, vector<128x128xf32>
    tpu.vector_store %arg3[%swap3A_192, %swap3A_193], %transpose3A_191 {strides = array<i32>} : memref<6272x128xf32, #tpu.memory_space<vmem>>, vector<128x128xf32>,
    %slice3A_195 = vector.extract_strided_slice %get3A_3 {offsets = [0, 15360], sizes = [16, 128], strides = [1, 1]} : vector<16x50176xf32> to vector<16x128xf32>
    %slice3A_196 = vector.extract_strided_slice %get3A_3 {offsets = [0, 15488], sizes = [16, 128], strides = [1, 1]} : vector<16x50176xf32> to vector<16x128xf32>
    %slice3A_197 = vector.extract_strided_slice %get3A_3 {offsets = [0, 15616], sizes = [16, 128], strides = [1, 1]} : vector<16x50176xf32> to vector<16x128xf32>
    %slice3A_198 = vector.extract_strided_slice %get3A_3 {offsets = [0, 15744], sizes = [16, 128], strides = [1, 1]} : vector<16x50176xf32> to vector<16x128xf32>
    %slice3A_199 = vector.extract_strided_slice %get3A_3 {offsets = [0, 15872], sizes = [16, 128], strides = [1, 1]} : vector<16x50176xf32> to vector<16x128xf32>
    %slice3A_200 = vector.extract_strided_slice %get3A_3 {offsets = [0, 16000], sizes = [16, 128], strides = [1, 1]} : vector<16x50176xf32> to vector<16x128xf32>
    %slice3A_201 = vector.extract_strided_slice %get3A_3 {offsets = [0, 16128], sizes = [16, 128], strides = [1, 1]} : vector<16x50176xf32> to vector<16x128xf32>
    %slice3A_202 = vector.extract_strided_slice %get3A_3 {offsets = [0, 16256], sizes = [16, 128], strides = [1, 1]} : vector<16x50176xf32> to vector<16x128xf32>
    %concatenate3A_203 = tpu.concatenate %slice3A_195, %slice3A_196, %slice3A_197, %slice3A_198, %slice3A_199, %slice3A_200, %slice3A_201, %slice3A_202 in 0 : vector<16x128xf32>, vector<16x128xf32>, vector<16x128xf32>, vector<16x128xf32>, vector<16x128xf32>, vector<16x128xf32>, vector<16x128xf32>, vector<16x128xf32> -> vector<128x128xf32>
    %transpose3A_204 = tpu.transpose %concatenate3A_203, [1, 0] : vector<128x128xf32> -> vector<128x128xf32>
    %swap3A_205 = arith.constant 1920 : index
    %swap3A_206 = arith.constant 0 : index
    %swap3A_207 = vector.load %arg3[%swap3A_205, %swap3A_206] : memref<6272x128xf32, #tpu.memory_space<vmem>>, vector<128x128xf32>
    tpu.vector_store %arg3[%swap3A_205, %swap3A_206], %transpose3A_204 {strides = array<i32>} : memref<6272x128xf32, #tpu.memory_space<vmem>>, vector<128x128xf32>,
    %slice3A_208 = vector.extract_strided_slice %get3A_3 {offsets = [0, 16384], sizes = [16, 128], strides = [1, 1]} : vector<16x50176xf32> to vector<16x128xf32>
    %slice3A_209 = vector.extract_strided_slice %get3A_3 {offsets = [0, 16512], sizes = [16, 128], strides = [1, 1]} : vector<16x50176xf32> to vector<16x128xf32>
    %slice3A_210 = vector.extract_strided_slice %get3A_3 {offsets = [0, 16640], sizes = [16, 128], strides = [1, 1]} : vector<16x50176xf32> to vector<16x128xf32>
    %slice3A_211 = vector.extract_strided_slice %get3A_3 {offsets = [0, 16768], sizes = [16, 128], strides = [1, 1]} : vector<16x50176xf32> to vector<16x128xf32>
    %slice3A_212 = vector.extract_strided_slice %get3A_3 {offsets = [0, 16896], sizes = [16, 128], strides = [1, 1]} : vector<16x50176xf32> to vector<16x128xf32>
    %slice3A_213 = vector.extract_strided_slice %get3A_3 {offsets = [0, 17024], sizes = [16, 128], strides = [1, 1]} : vector<16x50176xf32> to vector<16x128xf32>
    %slice3A_214 = vector.extract_strided_slice %get3A_3 {offsets = [0, 17152], sizes = [16, 128], strides = [1, 1]} : vector<16x50176xf32> to vector<16x128xf32>
    %slice3A_215 = vector.extract_strided_slice %get3A_3 {offsets = [0, 17280], sizes = [16, 128], strides = [1, 1]} : vector<16x50176xf32> to vector<16x128xf32>
    %concatenate3A_216 = tpu.concatenate %slice3A_208, %slice3A_209, %slice3A_210, %slice3A_211, %slice3A_212, %slice3A_213, %slice3A_214, %slice3A_215 in 0 : vector<16x128xf32>, vector<16x128xf32>, vector<16x128xf32>, vector<16x128xf32>, vector<16x128xf32>, vector<16x128xf32>, vector<16x128xf32>, vector<16x128xf32> -> vector<128x128xf32>
    %transpose3A_217 = tpu.transpose %concatenate3A_216, [1, 0] : vector<128x128xf32> -> vector<128x128xf32>
    %swap3A_218 = arith.constant 2048 : index
    %swap3A_219 = arith.constant 0 : index
    %swap3A_220 = vector.load %arg3[%swap3A_218, %swap3A_219] : memref<6272x128xf32, #tpu.memory_space<vmem>>, vector<128x128xf32>
    tpu.vector_store %arg3[%swap3A_218, %swap3A_219], %transpose3A_217 {strides = array<i32>} : memref<6272x128xf32, #tpu.memory_space<vmem>>, vector<128x128xf32>,
    %slice3A_221 = vector.extract_strided_slice %get3A_3 {offsets = [0, 17408], sizes = [16, 128], strides = [1, 1]} : vector<16x50176xf32> to vector<16x128xf32>
    %slice3A_222 = vector.extract_strided_slice %get3A_3 {offsets = [0, 17536], sizes = [16, 128], strides = [1, 1]} : vector<16x50176xf32> to vector<16x128xf32>
    %slice3A_223 = vector.extract_strided_slice %get3A_3 {offsets = [0, 17664], sizes = [16, 128], strides = [1, 1]} : vector<16x50176xf32> to vector<16x128xf32>
    %slice3A_224 = vector.extract_strided_slice %get3A_3 {offsets = [0, 17792], sizes = [16, 128], strides = [1, 1]} : vector<16x50176xf32> to vector<16x128xf32>
    %slice3A_225 = vector.extract_strided_slice %get3A_3 {offsets = [0, 17920], sizes = [16, 128], strides = [1, 1]} : vector<16x50176xf32> to vector<16x128xf32>
    %slice3A_226 = vector.extract_strided_slice %get3A_3 {offsets = [0, 18048], sizes = [16, 128], strides = [1, 1]} : vector<16x50176xf32> to vector<16x128xf32>
    %slice3A_227 = vector.extract_strided_slice %get3A_3 {offsets = [0, 18176], sizes = [16, 128], strides = [1, 1]} : vector<16x50176xf32> to vector<16x128xf32>
    %slice3A_228 = vector.extract_strided_slice %get3A_3 {offsets = [0, 18304], sizes = [16, 128], strides = [1, 1]} : vector<16x50176xf32> to vector<16x128xf32>
    %concatenate3A_229 = tpu.concatenate %slice3A_221, %slice3A_222, %slice3A_223, %slice3A_224, %slice3A_225, %slice3A_226, %slice3A_227, %slice3A_228 in 0 : vector<16x128xf32>, vector<16x128xf32>, vector<16x128xf32>, vector<16x128xf32>, vector<16x128xf32>, vector<16x128xf32>, vector<16x128xf32>, vector<16x128xf32> -> vector<128x128xf32>
    %transpose3A_230 = tpu.transpose %concatenate3A_229, [1, 0] : vector<128x128xf32> -> vector<128x128xf32>
    %swap3A_231 = arith.constant 2176 : index
    %swap3A_232 = arith.constant 0 : index
    %swap3A_233 = vector.load %arg3[%swap3A_231, %swap3A_232] : memref<6272x128xf32, #tpu.memory_space<vmem>>, vector<128x128xf32>
    tpu.vector_store %arg3[%swap3A_231, %swap3A_232], %transpose3A_230 {strides = array<i32>} : memref<6272x128xf32, #tpu.memory_space<vmem>>, vector<128x128xf32>,
    %slice3A_234 = vector.extract_strided_slice %get3A_3 {offsets = [0, 18432], sizes = [16, 128], strides = [1, 1]} : vector<16x50176xf32> to vector<16x128xf32>
    %slice3A_235 = vector.extract_strided_slice %get3A_3 {offsets = [0, 18560], sizes = [16, 128], strides = [1, 1]} : vector<16x50176xf32> to vector<16x128xf32>
    %slice3A_236 = vector.extract_strided_slice %get3A_3 {offsets = [0, 18688], sizes = [16, 128], strides = [1, 1]} : vector<16x50176xf32> to vector<16x128xf32>
    %slice3A_237 = vector.extract_strided_slice %get3A_3 {offsets = [0, 18816], sizes = [16, 128], strides = [1, 1]} : vector<16x50176xf32> to vector<16x128xf32>
    %slice3A_238 = vector.extract_strided_slice %get3A_3 {offsets = [0, 18944], sizes = [16, 128], strides = [1, 1]} : vector<16x50176xf32> to vector<16x128xf32>
    %slice3A_239 = vector.extract_strided_slice %get3A_3 {offsets = [0, 19072], sizes = [16, 128], strides = [1, 1]} : vector<16x50176xf32> to vector<16x128xf32>
    %slice3A_240 = vector.extract_strided_slice %get3A_3 {offsets = [0, 19200], sizes = [16, 128], strides = [1, 1]} : vector<16x50176xf32> to vector<16x128xf32>
    %slice3A_241 = vector.extract_strided_slice %get3A_3 {offsets = [0, 19328], sizes = [16, 128], strides = [1, 1]} : vector<16x50176xf32> to vector<16x128xf32>
    %concatenate3A_242 = tpu.concatenate %slice3A_234, %slice3A_235, %slice3A_236, %slice3A_237, %slice3A_238, %slice3A_239, %slice3A_240, %slice3A_241 in 0 : vector<16x128xf32>, vector<16x128xf32>, vector<16x128xf32>, vector<16x128xf32>, vector<16x128xf32>, vector<16x128xf32>, vector<16x128xf32>, vector<16x128xf32> -> vector<128x128xf32>
    %transpose3A_243 = tpu.transpose %concatenate3A_242, [1, 0] : vector<128x128xf32> -> vector<128x128xf32>
    %swap3A_244 = arith.constant 2304 : index
    %swap3A_245 = arith.constant 0 : index
    %swap3A_246 = vector.load %arg3[%swap3A_244, %swap3A_245] : memref<6272x128xf32, #tpu.memory_space<vmem>>, vector<128x128xf32>
    tpu.vector_store %arg3[%swap3A_244, %swap3A_245], %transpose3A_243 {strides = array<i32>} : memref<6272x128xf32, #tpu.memory_space<vmem>>, vector<128x128xf32>,
    %slice3A_247 = vector.extract_strided_slice %get3A_3 {offsets = [0, 19456], sizes = [16, 128], strides = [1, 1]} : vector<16x50176xf32> to vector<16x128xf32>
    %slice3A_248 = vector.extract_strided_slice %get3A_3 {offsets = [0, 19584], sizes = [16, 128], strides = [1, 1]} : vector<16x50176xf32> to vector<16x128xf32>
    %slice3A_249 = vector.extract_strided_slice %get3A_3 {offsets = [0, 19712], sizes = [16, 128], strides = [1, 1]} : vector<16x50176xf32> to vector<16x128xf32>
    %slice3A_250 = vector.extract_strided_slice %get3A_3 {offsets = [0, 19840], sizes = [16, 128], strides = [1, 1]} : vector<16x50176xf32> to vector<16x128xf32>
    %slice3A_251 = vector.extract_strided_slice %get3A_3 {offsets = [0, 19968], sizes = [16, 128], strides = [1, 1]} : vector<16x50176xf32> to vector<16x128xf32>
    %slice3A_252 = vector.extract_strided_slice %get3A_3 {offsets = [0, 20096], sizes = [16, 128], strides = [1, 1]} : vector<16x50176xf32> to vector<16x128xf32>
    %slice3A_253 = vector.extract_strided_slice %get3A_3 {offsets = [0, 20224], sizes = [16, 128], strides = [1, 1]} : vector<16x50176xf32> to vector<16x128xf32>
    %slice3A_254 = vector.extract_strided_slice %get3A_3 {offsets = [0, 20352], sizes = [16, 128], strides = [1, 1]} : vector<16x50176xf32> to vector<16x128xf32>
    %concatenate3A_255 = tpu.concatenate %slice3A_247, %slice3A_248, %slice3A_249, %slice3A_250, %slice3A_251, %slice3A_252, %slice3A_253, %slice3A_254 in 0 : vector<16x128xf32>, vector<16x128xf32>, vector<16x128xf32>, vector<16x128xf32>, vector<16x128xf32>, vector<16x128xf32>, vector<16x128xf32>, vector<16x128xf32> -> vector<128x128xf32>
    %transpose3A_256 = tpu.transpose %concatenate3A_255, [1, 0] : vector<128x128xf32> -> vector<128x128xf32>
    %swap3A_257 = arith.constant 2432 : index
    %swap3A_258 = arith.constant 0 : index
    %swap3A_259 = vector.load %arg3[%swap3A_257, %swap3A_258] : memref<6272x128xf32, #tpu.memory_space<vmem>>, vector<128x128xf32>
    tpu.vector_store %arg3[%swap3A_257, %swap3A_258], %transpose3A_256 {strides = array<i32>} : memref<6272x128xf32, #tpu.memory_space<vmem>>, vector<128x128xf32>,
    %slice3A_260 = vector.extract_strided_slice %get3A_3 {offsets = [0, 20480], sizes = [16, 128], strides = [1, 1]} : vector<16x50176xf32> to vector<16x128xf32>
    %slice3A_261 = vector.extract_strided_slice %get3A_3 {offsets = [0, 20608], sizes = [16, 128], strides = [1, 1]} : vector<16x50176xf32> to vector<16x128xf32>
    %slice3A_262 = vector.extract_strided_slice %get3A_3 {offsets = [0, 20736], sizes = [16, 128], strides = [1, 1]} : vector<16x50176xf32> to vector<16x128xf32>
    %slice3A_263 = vector.extract_strided_slice %get3A_3 {offsets = [0, 20864], sizes = [16, 128], strides = [1, 1]} : vector<16x50176xf32> to vector<16x128xf32>
    %slice3A_264 = vector.extract_strided_slice %get3A_3 {offsets = [0, 20992], sizes = [16, 128], strides = [1, 1]} : vector<16x50176xf32> to vector<16x128xf32>
    %slice3A_265 = vector.extract_strided_slice %get3A_3 {offsets = [0, 21120], sizes = [16, 128], strides = [1, 1]} : vector<16x50176xf32> to vector<16x128xf32>
    %slice3A_266 = vector.extract_strided_slice %get3A_3 {offsets = [0, 21248], sizes = [16, 128], strides = [1, 1]} : vector<16x50176xf32> to vector<16x128xf32>
    %slice3A_267 = vector.extract_strided_slice %get3A_3 {offsets = [0, 21376], sizes = [16, 128], strides = [1, 1]} : vector<16x50176xf32> to vector<16x128xf32>
    %concatenate3A_268 = tpu.concatenate %slice3A_260, %slice3A_261, %slice3A_262, %slice3A_263, %slice3A_264, %slice3A_265, %slice3A_266, %slice3A_267 in 0 : vector<16x128xf32>, vector<16x128xf32>, vector<16x128xf32>, vector<16x128xf32>, vector<16x128xf32>, vector<16x128xf32>, vector<16x128xf32>, vector<16x128xf32> -> vector<128x128xf32>
    %transpose3A_269 = tpu.transpose %concatenate3A_268, [1, 0] : vector<128x128xf32> -> vector<128x128xf32>
    %swap3A_270 = arith.constant 2560 : index
    %swap3A_271 = arith.constant 0 : index
    %swap3A_272 = vector.load %arg3[%swap3A_270, %swap3A_271] : memref<6272x128xf32, #tpu.memory_space<vmem>>, vector<128x128xf32>
    tpu.vector_store %arg3[%swap3A_270, %swap3A_271], %transpose3A_269 {strides = array<i32>} : memref<6272x128xf32, #tpu.memory_space<vmem>>, vector<128x128xf32>,
    %slice3A_273 = vector.extract_strided_slice %get3A_3 {offsets = [0, 21504], sizes = [16, 128], strides = [1, 1]} : vector<16x50176xf32> to vector<16x128xf32>
    %slice3A_274 = vector.extract_strided_slice %get3A_3 {offsets = [0, 21632], sizes = [16, 128], strides = [1, 1]} : vector<16x50176xf32> to vector<16x128xf32>
    %slice3A_275 = vector.extract_strided_slice %get3A_3 {offsets = [0, 21760], sizes = [16, 128], strides = [1, 1]} : vector<16x50176xf32> to vector<16x128xf32>
    %slice3A_276 = vector.extract_strided_slice %get3A_3 {offsets = [0, 21888], sizes = [16, 128], strides = [1, 1]} : vector<16x50176xf32> to vector<16x128xf32>
    %slice3A_277 = vector.extract_strided_slice %get3A_3 {offsets = [0, 22016], sizes = [16, 128], strides = [1, 1]} : vector<16x50176xf32> to vector<16x128xf32>
    %slice3A_278 = vector.extract_strided_slice %get3A_3 {offsets = [0, 22144], sizes = [16, 128], strides = [1, 1]} : vector<16x50176xf32> to vector<16x128xf32>
    %slice3A_279 = vector.extract_strided_slice %get3A_3 {offsets = [0, 22272], sizes = [16, 128], strides = [1, 1]} : vector<16x50176xf32> to vector<16x128xf32>
    %slice3A_280 = vector.extract_strided_slice %get3A_3 {offsets = [0, 22400], sizes = [16, 128], strides = [1, 1]} : vector<16x50176xf32> to vector<16x128xf32>
    %concatenate3A_281 = tpu.concatenate %slice3A_273, %slice3A_274, %slice3A_275, %slice3A_276, %slice3A_277, %slice3A_278, %slice3A_279, %slice3A_280 in 0 : vector<16x128xf32>, vector<16x128xf32>, vector<16x128xf32>, vector<16x128xf32>, vector<16x128xf32>, vector<16x128xf32>, vector<16x128xf32>, vector<16x128xf32> -> vector<128x128xf32>
    %transpose3A_282 = tpu.transpose %concatenate3A_281, [1, 0] : vector<128x128xf32> -> vector<128x128xf32>
    %swap3A_283 = arith.constant 2688 : index
    %swap3A_284 = arith.constant 0 : index
    %swap3A_285 = vector.load %arg3[%swap3A_283, %swap3A_284] : memref<6272x128xf32, #tpu.memory_space<vmem>>, vector<128x128xf32>
    tpu.vector_store %arg3[%swap3A_283, %swap3A_284], %transpose3A_282 {strides = array<i32>} : memref<6272x128xf32, #tpu.memory_space<vmem>>, vector<128x128xf32>,
    %slice3A_286 = vector.extract_strided_slice %get3A_3 {offsets = [0, 22528], sizes = [16, 128], strides = [1, 1]} : vector<16x50176xf32> to vector<16x128xf32>
    %slice3A_287 = vector.extract_strided_slice %get3A_3 {offsets = [0, 22656], sizes = [16, 128], strides = [1, 1]} : vector<16x50176xf32> to vector<16x128xf32>
    %slice3A_288 = vector.extract_strided_slice %get3A_3 {offsets = [0, 22784], sizes = [16, 128], strides = [1, 1]} : vector<16x50176xf32> to vector<16x128xf32>
    %slice3A_289 = vector.extract_strided_slice %get3A_3 {offsets = [0, 22912], sizes = [16, 128], strides = [1, 1]} : vector<16x50176xf32> to vector<16x128xf32>
    %slice3A_290 = vector.extract_strided_slice %get3A_3 {offsets = [0, 23040], sizes = [16, 128], strides = [1, 1]} : vector<16x50176xf32> to vector<16x128xf32>
    %slice3A_291 = vector.extract_strided_slice %get3A_3 {offsets = [0, 23168], sizes = [16, 128], strides = [1, 1]} : vector<16x50176xf32> to vector<16x128xf32>
    %slice3A_292 = vector.extract_strided_slice %get3A_3 {offsets = [0, 23296], sizes = [16, 128], strides = [1, 1]} : vector<16x50176xf32> to vector<16x128xf32>
    %slice3A_293 = vector.extract_strided_slice %get3A_3 {offsets = [0, 23424], sizes = [16, 128], strides = [1, 1]} : vector<16x50176xf32> to vector<16x128xf32>
    %concatenate3A_294 = tpu.concatenate %slice3A_286, %slice3A_287, %slice3A_288, %slice3A_289, %slice3A_290, %slice3A_291, %slice3A_292, %slice3A_293 in 0 : vector<16x128xf32>, vector<16x128xf32>, vector<16x128xf32>, vector<16x128xf32>, vector<16x128xf32>, vector<16x128xf32>, vector<16x128xf32>, vector<16x128xf32> -> vector<128x128xf32>
    %transpose3A_295 = tpu.transpose %concatenate3A_294, [1, 0] : vector<128x128xf32> -> vector<128x128xf32>
    %swap3A_296 = arith.constant 2816 : index
    %swap3A_297 = arith.constant 0 : index
    %swap3A_298 = vector.load %arg3[%swap3A_296, %swap3A_297] : memref<6272x128xf32, #tpu.memory_space<vmem>>, vector<128x128xf32>
    tpu.vector_store %arg3[%swap3A_296, %swap3A_297], %transpose3A_295 {strides = array<i32>} : memref<6272x128xf32, #tpu.memory_space<vmem>>, vector<128x128xf32>,
    %slice3A_299 = vector.extract_strided_slice %get3A_3 {offsets = [0, 23552], sizes = [16, 128], strides = [1, 1]} : vector<16x50176xf32> to vector<16x128xf32>
    %slice3A_300 = vector.extract_strided_slice %get3A_3 {offsets = [0, 23680], sizes = [16, 128], strides = [1, 1]} : vector<16x50176xf32> to vector<16x128xf32>
    %slice3A_301 = vector.extract_strided_slice %get3A_3 {offsets = [0, 23808], sizes = [16, 128], strides = [1, 1]} : vector<16x50176xf32> to vector<16x128xf32>
    %slice3A_302 = vector.extract_strided_slice %get3A_3 {offsets = [0, 23936], sizes = [16, 128], strides = [1, 1]} : vector<16x50176xf32> to vector<16x128xf32>
    %slice3A_303 = vector.extract_strided_slice %get3A_3 {offsets = [0, 24064], sizes = [16, 128], strides = [1, 1]} : vector<16x50176xf32> to vector<16x128xf32>
    %slice3A_304 = vector.extract_strided_slice %get3A_3 {offsets = [0, 24192], sizes = [16, 128], strides = [1, 1]} : vector<16x50176xf32> to vector<16x128xf32>
    %slice3A_305 = vector.extract_strided_slice %get3A_3 {offsets = [0, 24320], sizes = [16, 128], strides = [1, 1]} : vector<16x50176xf32> to vector<16x128xf32>
    %slice3A_306 = vector.extract_strided_slice %get3A_3 {offsets = [0, 24448], sizes = [16, 128], strides = [1, 1]} : vector<16x50176xf32> to vector<16x128xf32>
    %concatenate3A_307 = tpu.concatenate %slice3A_299, %slice3A_300, %slice3A_301, %slice3A_302, %slice3A_303, %slice3A_304, %slice3A_305, %slice3A_306 in 0 : vector<16x128xf32>, vector<16x128xf32>, vector<16x128xf32>, vector<16x128xf32>, vector<16x128xf32>, vector<16x128xf32>, vector<16x128xf32>, vector<16x128xf32> -> vector<128x128xf32>
    %transpose3A_308 = tpu.transpose %concatenate3A_307, [1, 0] : vector<128x128xf32> -> vector<128x128xf32>
    %swap3A_309 = arith.constant 2944 : index
    %swap3A_310 = arith.constant 0 : index
    %swap3A_311 = vector.load %arg3[%swap3A_309, %swap3A_310] : memref<6272x128xf32, #tpu.memory_space<vmem>>, vector<128x128xf32>
    tpu.vector_store %arg3[%swap3A_309, %swap3A_310], %transpose3A_308 {strides = array<i32>} : memref<6272x128xf32, #tpu.memory_space<vmem>>, vector<128x128xf32>,
    %slice3A_312 = vector.extract_strided_slice %get3A_3 {offsets = [0, 24576], sizes = [16, 128], strides = [1, 1]} : vector<16x50176xf32> to vector<16x128xf32>
    %slice3A_313 = vector.extract_strided_slice %get3A_3 {offsets = [0, 24704], sizes = [16, 128], strides = [1, 1]} : vector<16x50176xf32> to vector<16x128xf32>
    %slice3A_314 = vector.extract_strided_slice %get3A_3 {offsets = [0, 24832], sizes = [16, 128], strides = [1, 1]} : vector<16x50176xf32> to vector<16x128xf32>
    %slice3A_315 = vector.extract_strided_slice %get3A_3 {offsets = [0, 24960], sizes = [16, 128], strides = [1, 1]} : vector<16x50176xf32> to vector<16x128xf32>
    %slice3A_316 = vector.extract_strided_slice %get3A_3 {offsets = [0, 25088], sizes = [16, 128], strides = [1, 1]} : vector<16x50176xf32> to vector<16x128xf32>
    %slice3A_317 = vector.extract_strided_slice %get3A_3 {offsets = [0, 25216], sizes = [16, 128], strides = [1, 1]} : vector<16x50176xf32> to vector<16x128xf32>
    %slice3A_318 = vector.extract_strided_slice %get3A_3 {offsets = [0, 25344], sizes = [16, 128], strides = [1, 1]} : vector<16x50176xf32> to vector<16x128xf32>
    %slice3A_319 = vector.extract_strided_slice %get3A_3 {offsets = [0, 25472], sizes = [16, 128], strides = [1, 1]} : vector<16x50176xf32> to vector<16x128xf32>
    %concatenate3A_320 = tpu.concatenate %slice3A_312, %slice3A_313, %slice3A_314, %slice3A_315, %slice3A_316, %slice3A_317, %slice3A_318, %slice3A_319 in 0 : vector<16x128xf32>, vector<16x128xf32>, vector<16x128xf32>, vector<16x128xf32>, vector<16x128xf32>, vector<16x128xf32>, vector<16x128xf32>, vector<16x128xf32> -> vector<128x128xf32>
    %transpose3A_321 = tpu.transpose %concatenate3A_320, [1, 0] : vector<128x128xf32> -> vector<128x128xf32>
    %swap3A_322 = arith.constant 3072 : index
    %swap3A_323 = arith.constant 0 : index
    %swap3A_324 = vector.load %arg3[%swap3A_322, %swap3A_323] : memref<6272x128xf32, #tpu.memory_space<vmem>>, vector<128x128xf32>
    tpu.vector_store %arg3[%swap3A_322, %swap3A_323], %transpose3A_321 {strides = array<i32>} : memref<6272x128xf32, #tpu.memory_space<vmem>>, vector<128x128xf32>,
    %slice3A_325 = vector.extract_strided_slice %get3A_3 {offsets = [0, 25600], sizes = [16, 128], strides = [1, 1]} : vector<16x50176xf32> to vector<16x128xf32>
    %slice3A_326 = vector.extract_strided_slice %get3A_3 {offsets = [0, 25728], sizes = [16, 128], strides = [1, 1]} : vector<16x50176xf32> to vector<16x128xf32>
    %slice3A_327 = vector.extract_strided_slice %get3A_3 {offsets = [0, 25856], sizes = [16, 128], strides = [1, 1]} : vector<16x50176xf32> to vector<16x128xf32>
    %slice3A_328 = vector.extract_strided_slice %get3A_3 {offsets = [0, 25984], sizes = [16, 128], strides = [1, 1]} : vector<16x50176xf32> to vector<16x128xf32>
    %slice3A_329 = vector.extract_strided_slice %get3A_3 {offsets = [0, 26112], sizes = [16, 128], strides = [1, 1]} : vector<16x50176xf32> to vector<16x128xf32>
    %slice3A_330 = vector.extract_strided_slice %get3A_3 {offsets = [0, 26240], sizes = [16, 128], strides = [1, 1]} : vector<16x50176xf32> to vector<16x128xf32>
    %slice3A_331 = vector.extract_strided_slice %get3A_3 {offsets = [0, 26368], sizes = [16, 128], strides = [1, 1]} : vector<16x50176xf32> to vector<16x128xf32>
    %slice3A_332 = vector.extract_strided_slice %get3A_3 {offsets = [0, 26496], sizes = [16, 128], strides = [1, 1]} : vector<16x50176xf32> to vector<16x128xf32>
    %concatenate3A_333 = tpu.concatenate %slice3A_325, %slice3A_326, %slice3A_327, %slice3A_328, %slice3A_329, %slice3A_330, %slice3A_331, %slice3A_332 in 0 : vector<16x128xf32>, vector<16x128xf32>, vector<16x128xf32>, vector<16x128xf32>, vector<16x128xf32>, vector<16x128xf32>, vector<16x128xf32>, vector<16x128xf32> -> vector<128x128xf32>
    %transpose3A_334 = tpu.transpose %concatenate3A_333, [1, 0] : vector<128x128xf32> -> vector<128x128xf32>
    %swap3A_335 = arith.constant 3200 : index
    %swap3A_336 = arith.constant 0 : index
    %swap3A_337 = vector.load %arg3[%swap3A_335, %swap3A_336] : memref<6272x128xf32, #tpu.memory_space<vmem>>, vector<128x128xf32>
    tpu.vector_store %arg3[%swap3A_335, %swap3A_336], %transpose3A_334 {strides = array<i32>} : memref<6272x128xf32, #tpu.memory_space<vmem>>, vector<128x128xf32>,
    %slice3A_338 = vector.extract_strided_slice %get3A_3 {offsets = [0, 26624], sizes = [16, 128], strides = [1, 1]} : vector<16x50176xf32> to vector<16x128xf32>
    %slice3A_339 = vector.extract_strided_slice %get3A_3 {offsets = [0, 26752], sizes = [16, 128], strides = [1, 1]} : vector<16x50176xf32> to vector<16x128xf32>
    %slice3A_340 = vector.extract_strided_slice %get3A_3 {offsets = [0, 26880], sizes = [16, 128], strides = [1, 1]} : vector<16x50176xf32> to vector<16x128xf32>
    %slice3A_341 = vector.extract_strided_slice %get3A_3 {offsets = [0, 27008], sizes = [16, 128], strides = [1, 1]} : vector<16x50176xf32> to vector<16x128xf32>
    %slice3A_342 = vector.extract_strided_slice %get3A_3 {offsets = [0, 27136], sizes = [16, 128], strides = [1, 1]} : vector<16x50176xf32> to vector<16x128xf32>
    %slice3A_343 = vector.extract_strided_slice %get3A_3 {offsets = [0, 27264], sizes = [16, 128], strides = [1, 1]} : vector<16x50176xf32> to vector<16x128xf32>
    %slice3A_344 = vector.extract_strided_slice %get3A_3 {offsets = [0, 27392], sizes = [16, 128], strides = [1, 1]} : vector<16x50176xf32> to vector<16x128xf32>
    %slice3A_345 = vector.extract_strided_slice %get3A_3 {offsets = [0, 27520], sizes = [16, 128], strides = [1, 1]} : vector<16x50176xf32> to vector<16x128xf32>
    %concatenate3A_346 = tpu.concatenate %slice3A_338, %slice3A_339, %slice3A_340, %slice3A_341, %slice3A_342, %slice3A_343, %slice3A_344, %slice3A_345 in 0 : vector<16x128xf32>, vector<16x128xf32>, vector<16x128xf32>, vector<16x128xf32>, vector<16x128xf32>, vector<16x128xf32>, vector<16x128xf32>, vector<16x128xf32> -> vector<128x128xf32>
    %transpose3A_347 = tpu.transpose %concatenate3A_346, [1, 0] : vector<128x128xf32> -> vector<128x128xf32>
    %swap3A_348 = arith.constant 3328 : index
    %swap3A_349 = arith.constant 0 : index
    %swap3A_350 = vector.load %arg3[%swap3A_348, %swap3A_349] : memref<6272x128xf32, #tpu.memory_space<vmem>>, vector<128x128xf32>
    tpu.vector_store %arg3[%swap3A_348, %swap3A_349], %transpose3A_347 {strides = array<i32>} : memref<6272x128xf32, #tpu.memory_space<vmem>>, vector<128x128xf32>,
    %slice3A_351 = vector.extract_strided_slice %get3A_3 {offsets = [0, 27648], sizes = [16, 128], strides = [1, 1]} : vector<16x50176xf32> to vector<16x128xf32>
    %slice3A_352 = vector.extract_strided_slice %get3A_3 {offsets = [0, 27776], sizes = [16, 128], strides = [1, 1]} : vector<16x50176xf32> to vector<16x128xf32>
    %slice3A_353 = vector.extract_strided_slice %get3A_3 {offsets = [0, 27904], sizes = [16, 128], strides = [1, 1]} : vector<16x50176xf32> to vector<16x128xf32>
    %slice3A_354 = vector.extract_strided_slice %get3A_3 {offsets = [0, 28032], sizes = [16, 128], strides = [1, 1]} : vector<16x50176xf32> to vector<16x128xf32>
    %slice3A_355 = vector.extract_strided_slice %get3A_3 {offsets = [0, 28160], sizes = [16, 128], strides = [1, 1]} : vector<16x50176xf32> to vector<16x128xf32>
    %slice3A_356 = vector.extract_strided_slice %get3A_3 {offsets = [0, 28288], sizes = [16, 128], strides = [1, 1]} : vector<16x50176xf32> to vector<16x128xf32>
    %slice3A_357 = vector.extract_strided_slice %get3A_3 {offsets = [0, 28416], sizes = [16, 128], strides = [1, 1]} : vector<16x50176xf32> to vector<16x128xf32>
    %slice3A_358 = vector.extract_strided_slice %get3A_3 {offsets = [0, 28544], sizes = [16, 128], strides = [1, 1]} : vector<16x50176xf32> to vector<16x128xf32>
    %concatenate3A_359 = tpu.concatenate %slice3A_351, %slice3A_352, %slice3A_353, %slice3A_354, %slice3A_355, %slice3A_356, %slice3A_357, %slice3A_358 in 0 : vector<16x128xf32>, vector<16x128xf32>, vector<16x128xf32>, vector<16x128xf32>, vector<16x128xf32>, vector<16x128xf32>, vector<16x128xf32>, vector<16x128xf32> -> vector<128x128xf32>
    %transpose3A_360 = tpu.transpose %concatenate3A_359, [1, 0] : vector<128x128xf32> -> vector<128x128xf32>
    %swap3A_361 = arith.constant 3456 : index
    %swap3A_362 = arith.constant 0 : index
    %swap3A_363 = vector.load %arg3[%swap3A_361, %swap3A_362] : memref<6272x128xf32, #tpu.memory_space<vmem>>, vector<128x128xf32>
    tpu.vector_store %arg3[%swap3A_361, %swap3A_362], %transpose3A_360 {strides = array<i32>} : memref<6272x128xf32, #tpu.memory_space<vmem>>, vector<128x128xf32>,
    %slice3A_364 = vector.extract_strided_slice %get3A_3 {offsets = [0, 28672], sizes = [16, 128], strides = [1, 1]} : vector<16x50176xf32> to vector<16x128xf32>
    %slice3A_365 = vector.extract_strided_slice %get3A_3 {offsets = [0, 28800], sizes = [16, 128], strides = [1, 1]} : vector<16x50176xf32> to vector<16x128xf32>
    %slice3A_366 = vector.extract_strided_slice %get3A_3 {offsets = [0, 28928], sizes = [16, 128], strides = [1, 1]} : vector<16x50176xf32> to vector<16x128xf32>
    %slice3A_367 = vector.extract_strided_slice %get3A_3 {offsets = [0, 29056], sizes = [16, 128], strides = [1, 1]} : vector<16x50176xf32> to vector<16x128xf32>
    %slice3A_368 = vector.extract_strided_slice %get3A_3 {offsets = [0, 29184], sizes = [16, 128], strides = [1, 1]} : vector<16x50176xf32> to vector<16x128xf32>
    %slice3A_369 = vector.extract_strided_slice %get3A_3 {offsets = [0, 29312], sizes = [16, 128], strides = [1, 1]} : vector<16x50176xf32> to vector<16x128xf32>
    %slice3A_370 = vector.extract_strided_slice %get3A_3 {offsets = [0, 29440], sizes = [16, 128], strides = [1, 1]} : vector<16x50176xf32> to vector<16x128xf32>
    %slice3A_371 = vector.extract_strided_slice %get3A_3 {offsets = [0, 29568], sizes = [16, 128], strides = [1, 1]} : vector<16x50176xf32> to vector<16x128xf32>
    %concatenate3A_372 = tpu.concatenate %slice3A_364, %slice3A_365, %slice3A_366, %slice3A_367, %slice3A_368, %slice3A_369, %slice3A_370, %slice3A_371 in 0 : vector<16x128xf32>, vector<16x128xf32>, vector<16x128xf32>, vector<16x128xf32>, vector<16x128xf32>, vector<16x128xf32>, vector<16x128xf32>, vector<16x128xf32> -> vector<128x128xf32>
    %transpose3A_373 = tpu.transpose %concatenate3A_372, [1, 0] : vector<128x128xf32> -> vector<128x128xf32>
    %swap3A_374 = arith.constant 3584 : index
    %swap3A_375 = arith.constant 0 : index
    %swap3A_376 = vector.load %arg3[%swap3A_374, %swap3A_375] : memref<6272x128xf32, #tpu.memory_space<vmem>>, vector<128x128xf32>
    tpu.vector_store %arg3[%swap3A_374, %swap3A_375], %transpose3A_373 {strides = array<i32>} : memref<6272x128xf32, #tpu.memory_space<vmem>>, vector<128x128xf32>,
    %slice3A_377 = vector.extract_strided_slice %get3A_3 {offsets = [0, 29696], sizes = [16, 128], strides = [1, 1]} : vector<16x50176xf32> to vector<16x128xf32>
    %slice3A_378 = vector.extract_strided_slice %get3A_3 {offsets = [0, 29824], sizes = [16, 128], strides = [1, 1]} : vector<16x50176xf32> to vector<16x128xf32>
    %slice3A_379 = vector.extract_strided_slice %get3A_3 {offsets = [0, 29952], sizes = [16, 128], strides = [1, 1]} : vector<16x50176xf32> to vector<16x128xf32>
    %slice3A_380 = vector.extract_strided_slice %get3A_3 {offsets = [0, 30080], sizes = [16, 128], strides = [1, 1]} : vector<16x50176xf32> to vector<16x128xf32>
    %slice3A_381 = vector.extract_strided_slice %get3A_3 {offsets = [0, 30208], sizes = [16, 128], strides = [1, 1]} : vector<16x50176xf32> to vector<16x128xf32>
    %slice3A_382 = vector.extract_strided_slice %get3A_3 {offsets = [0, 30336], sizes = [16, 128], strides = [1, 1]} : vector<16x50176xf32> to vector<16x128xf32>
    %slice3A_383 = vector.extract_strided_slice %get3A_3 {offsets = [0, 30464], sizes = [16, 128], strides = [1, 1]} : vector<16x50176xf32> to vector<16x128xf32>
    %slice3A_384 = vector.extract_strided_slice %get3A_3 {offsets = [0, 30592], sizes = [16, 128], strides = [1, 1]} : vector<16x50176xf32> to vector<16x128xf32>
    %concatenate3A_385 = tpu.concatenate %slice3A_377, %slice3A_378, %slice3A_379, %slice3A_380, %slice3A_381, %slice3A_382, %slice3A_383, %slice3A_384 in 0 : vector<16x128xf32>, vector<16x128xf32>, vector<16x128xf32>, vector<16x128xf32>, vector<16x128xf32>, vector<16x128xf32>, vector<16x128xf32>, vector<16x128xf32> -> vector<128x128xf32>
    %transpose3A_386 = tpu.transpose %concatenate3A_385, [1, 0] : vector<128x128xf32> -> vector<128x128xf32>
    %swap3A_387 = arith.constant 3712 : index
    %swap3A_388 = arith.constant 0 : index
    %swap3A_389 = vector.load %arg3[%swap3A_387, %swap3A_388] : memref<6272x128xf32, #tpu.memory_space<vmem>>, vector<128x128xf32>
    tpu.vector_store %arg3[%swap3A_387, %swap3A_388], %transpose3A_386 {strides = array<i32>} : memref<6272x128xf32, #tpu.memory_space<vmem>>, vector<128x128xf32>,
    %slice3A_390 = vector.extract_strided_slice %get3A_3 {offsets = [0, 30720], sizes = [16, 128], strides = [1, 1]} : vector<16x50176xf32> to vector<16x128xf32>
    %slice3A_391 = vector.extract_strided_slice %get3A_3 {offsets = [0, 30848], sizes = [16, 128], strides = [1, 1]} : vector<16x50176xf32> to vector<16x128xf32>
    %slice3A_392 = vector.extract_strided_slice %get3A_3 {offsets = [0, 30976], sizes = [16, 128], strides = [1, 1]} : vector<16x50176xf32> to vector<16x128xf32>
    %slice3A_393 = vector.extract_strided_slice %get3A_3 {offsets = [0, 31104], sizes = [16, 128], strides = [1, 1]} : vector<16x50176xf32> to vector<16x128xf32>
    %slice3A_394 = vector.extract_strided_slice %get3A_3 {offsets = [0, 31232], sizes = [16, 128], strides = [1, 1]} : vector<16x50176xf32> to vector<16x128xf32>
    %slice3A_395 = vector.extract_strided_slice %get3A_3 {offsets = [0, 31360], sizes = [16, 128], strides = [1, 1]} : vector<16x50176xf32> to vector<16x128xf32>
    %slice3A_396 = vector.extract_strided_slice %get3A_3 {offsets = [0, 31488], sizes = [16, 128], strides = [1, 1]} : vector<16x50176xf32> to vector<16x128xf32>
    %slice3A_397 = vector.extract_strided_slice %get3A_3 {offsets = [0, 31616], sizes = [16, 128], strides = [1, 1]} : vector<16x50176xf32> to vector<16x128xf32>
    %concatenate3A_398 = tpu.concatenate %slice3A_390, %slice3A_391, %slice3A_392, %slice3A_393, %slice3A_394, %slice3A_395, %slice3A_396, %slice3A_397 in 0 : vector<16x128xf32>, vector<16x128xf32>, vector<16x128xf32>, vector<16x128xf32>, vector<16x128xf32>, vector<16x128xf32>, vector<16x128xf32>, vector<16x128xf32> -> vector<128x128xf32>
    %transpose3A_399 = tpu.transpose %concatenate3A_398, [1, 0] : vector<128x128xf32> -> vector<128x128xf32>
    %swap3A_400 = arith.constant 3840 : index
    %swap3A_401 = arith.constant 0 : index
    %swap3A_402 = vector.load %arg3[%swap3A_400, %swap3A_401] : memref<6272x128xf32, #tpu.memory_space<vmem>>, vector<128x128xf32>
    tpu.vector_store %arg3[%swap3A_400, %swap3A_401], %transpose3A_399 {strides = array<i32>} : memref<6272x128xf32, #tpu.memory_space<vmem>>, vector<128x128xf32>,
    %slice3A_403 = vector.extract_strided_slice %get3A_3 {offsets = [0, 31744], sizes = [16, 128], strides = [1, 1]} : vector<16x50176xf32> to vector<16x128xf32>
    %slice3A_404 = vector.extract_strided_slice %get3A_3 {offsets = [0, 31872], sizes = [16, 128], strides = [1, 1]} : vector<16x50176xf32> to vector<16x128xf32>
    %slice3A_405 = vector.extract_strided_slice %get3A_3 {offsets = [0, 32000], sizes = [16, 128], strides = [1, 1]} : vector<16x50176xf32> to vector<16x128xf32>
    %slice3A_406 = vector.extract_strided_slice %get3A_3 {offsets = [0, 32128], sizes = [16, 128], strides = [1, 1]} : vector<16x50176xf32> to vector<16x128xf32>
    %slice3A_407 = vector.extract_strided_slice %get3A_3 {offsets = [0, 32256], sizes = [16, 128], strides = [1, 1]} : vector<16x50176xf32> to vector<16x128xf32>
    %slice3A_408 = vector.extract_strided_slice %get3A_3 {offsets = [0, 32384], sizes = [16, 128], strides = [1, 1]} : vector<16x50176xf32> to vector<16x128xf32>
    %slice3A_409 = vector.extract_strided_slice %get3A_3 {offsets = [0, 32512], sizes = [16, 128], strides = [1, 1]} : vector<16x50176xf32> to vector<16x128xf32>
    %slice3A_410 = vector.extract_strided_slice %get3A_3 {offsets = [0, 32640], sizes = [16, 128], strides = [1, 1]} : vector<16x50176xf32> to vector<16x128xf32>
    %concatenate3A_411 = tpu.concatenate %slice3A_403, %slice3A_404, %slice3A_405, %slice3A_406, %slice3A_407, %slice3A_408, %slice3A_409, %slice3A_410 in 0 : vector<16x128xf32>, vector<16x128xf32>, vector<16x128xf32>, vector<16x128xf32>, vector<16x128xf32>, vector<16x128xf32>, vector<16x128xf32>, vector<16x128xf32> -> vector<128x128xf32>
    %transpose3A_412 = tpu.transpose %concatenate3A_411, [1, 0] : vector<128x128xf32> -> vector<128x128xf32>
    %swap3A_413 = arith.constant 3968 : index
    %swap3A_414 = arith.constant 0 : index
    %swap3A_415 = vector.load %arg3[%swap3A_413, %swap3A_414] : memref<6272x128xf32, #tpu.memory_space<vmem>>, vector<128x128xf32>
    tpu.vector_store %arg3[%swap3A_413, %swap3A_414], %transpose3A_412 {strides = array<i32>} : memref<6272x128xf32, #tpu.memory_space<vmem>>, vector<128x128xf32>,
    %slice3A_416 = vector.extract_strided_slice %get3A_3 {offsets = [0, 32768], sizes = [16, 128], strides = [1, 1]} : vector<16x50176xf32> to vector<16x128xf32>
    %slice3A_417 = vector.extract_strided_slice %get3A_3 {offsets = [0, 32896], sizes = [16, 128], strides = [1, 1]} : vector<16x50176xf32> to vector<16x128xf32>
    %slice3A_418 = vector.extract_strided_slice %get3A_3 {offsets = [0, 33024], sizes = [16, 128], strides = [1, 1]} : vector<16x50176xf32> to vector<16x128xf32>
    %slice3A_419 = vector.extract_strided_slice %get3A_3 {offsets = [0, 33152], sizes = [16, 128], strides = [1, 1]} : vector<16x50176xf32> to vector<16x128xf32>
    %slice3A_420 = vector.extract_strided_slice %get3A_3 {offsets = [0, 33280], sizes = [16, 128], strides = [1, 1]} : vector<16x50176xf32> to vector<16x128xf32>
    %slice3A_421 = vector.extract_strided_slice %get3A_3 {offsets = [0, 33408], sizes = [16, 128], strides = [1, 1]} : vector<16x50176xf32> to vector<16x128xf32>
    %slice3A_422 = vector.extract_strided_slice %get3A_3 {offsets = [0, 33536], sizes = [16, 128], strides = [1, 1]} : vector<16x50176xf32> to vector<16x128xf32>
    %slice3A_423 = vector.extract_strided_slice %get3A_3 {offsets = [0, 33664], sizes = [16, 128], strides = [1, 1]} : vector<16x50176xf32> to vector<16x128xf32>
    %concatenate3A_424 = tpu.concatenate %slice3A_416, %slice3A_417, %slice3A_418, %slice3A_419, %slice3A_420, %slice3A_421, %slice3A_422, %slice3A_423 in 0 : vector<16x128xf32>, vector<16x128xf32>, vector<16x128xf32>, vector<16x128xf32>, vector<16x128xf32>, vector<16x128xf32>, vector<16x128xf32>, vector<16x128xf32> -> vector<128x128xf32>
    %transpose3A_425 = tpu.transpose %concatenate3A_424, [1, 0] : vector<128x128xf32> -> vector<128x128xf32>
    %swap3A_426 = arith.constant 4096 : index
    %swap3A_427 = arith.constant 0 : index
    %swap3A_428 = vector.load %arg3[%swap3A_426, %swap3A_427] : memref<6272x128xf32, #tpu.memory_space<vmem>>, vector<128x128xf32>
    tpu.vector_store %arg3[%swap3A_426, %swap3A_427], %transpose3A_425 {strides = array<i32>} : memref<6272x128xf32, #tpu.memory_space<vmem>>, vector<128x128xf32>,
    %slice3A_429 = vector.extract_strided_slice %get3A_3 {offsets = [0, 33792], sizes = [16, 128], strides = [1, 1]} : vector<16x50176xf32> to vector<16x128xf32>
    %slice3A_430 = vector.extract_strided_slice %get3A_3 {offsets = [0, 33920], sizes = [16, 128], strides = [1, 1]} : vector<16x50176xf32> to vector<16x128xf32>
    %slice3A_431 = vector.extract_strided_slice %get3A_3 {offsets = [0, 34048], sizes = [16, 128], strides = [1, 1]} : vector<16x50176xf32> to vector<16x128xf32>
    %slice3A_432 = vector.extract_strided_slice %get3A_3 {offsets = [0, 34176], sizes = [16, 128], strides = [1, 1]} : vector<16x50176xf32> to vector<16x128xf32>
    %slice3A_433 = vector.extract_strided_slice %get3A_3 {offsets = [0, 34304], sizes = [16, 128], strides = [1, 1]} : vector<16x50176xf32> to vector<16x128xf32>
    %slice3A_434 = vector.extract_strided_slice %get3A_3 {offsets = [0, 34432], sizes = [16, 128], strides = [1, 1]} : vector<16x50176xf32> to vector<16x128xf32>
    %slice3A_435 = vector.extract_strided_slice %get3A_3 {offsets = [0, 34560], sizes = [16, 128], strides = [1, 1]} : vector<16x50176xf32> to vector<16x128xf32>
    %slice3A_436 = vector.extract_strided_slice %get3A_3 {offsets = [0, 34688], sizes = [16, 128], strides = [1, 1]} : vector<16x50176xf32> to vector<16x128xf32>
    %concatenate3A_437 = tpu.concatenate %slice3A_429, %slice3A_430, %slice3A_431, %slice3A_432, %slice3A_433, %slice3A_434, %slice3A_435, %slice3A_436 in 0 : vector<16x128xf32>, vector<16x128xf32>, vector<16x128xf32>, vector<16x128xf32>, vector<16x128xf32>, vector<16x128xf32>, vector<16x128xf32>, vector<16x128xf32> -> vector<128x128xf32>
    %transpose3A_438 = tpu.transpose %concatenate3A_437, [1, 0] : vector<128x128xf32> -> vector<128x128xf32>
    %swap3A_439 = arith.constant 4224 : index
    %swap3A_440 = arith.constant 0 : index
    %swap3A_441 = vector.load %arg3[%swap3A_439, %swap3A_440] : memref<6272x128xf32, #tpu.memory_space<vmem>>, vector<128x128xf32>
    tpu.vector_store %arg3[%swap3A_439, %swap3A_440], %transpose3A_438 {strides = array<i32>} : memref<6272x128xf32, #tpu.memory_space<vmem>>, vector<128x128xf32>,
    %slice3A_442 = vector.extract_strided_slice %get3A_3 {offsets = [0, 34816], sizes = [16, 128], strides = [1, 1]} : vector<16x50176xf32> to vector<16x128xf32>
    %slice3A_443 = vector.extract_strided_slice %get3A_3 {offsets = [0, 34944], sizes = [16, 128], strides = [1, 1]} : vector<16x50176xf32> to vector<16x128xf32>
    %slice3A_444 = vector.extract_strided_slice %get3A_3 {offsets = [0, 35072], sizes = [16, 128], strides = [1, 1]} : vector<16x50176xf32> to vector<16x128xf32>
    %slice3A_445 = vector.extract_strided_slice %get3A_3 {offsets = [0, 35200], sizes = [16, 128], strides = [1, 1]} : vector<16x50176xf32> to vector<16x128xf32>
    %slice3A_446 = vector.extract_strided_slice %get3A_3 {offsets = [0, 35328], sizes = [16, 128], strides = [1, 1]} : vector<16x50176xf32> to vector<16x128xf32>
    %slice3A_447 = vector.extract_strided_slice %get3A_3 {offsets = [0, 35456], sizes = [16, 128], strides = [1, 1]} : vector<16x50176xf32> to vector<16x128xf32>
    %slice3A_448 = vector.extract_strided_slice %get3A_3 {offsets = [0, 35584], sizes = [16, 128], strides = [1, 1]} : vector<16x50176xf32> to vector<16x128xf32>
    %slice3A_449 = vector.extract_strided_slice %get3A_3 {offsets = [0, 35712], sizes = [16, 128], strides = [1, 1]} : vector<16x50176xf32> to vector<16x128xf32>
    %concatenate3A_450 = tpu.concatenate %slice3A_442, %slice3A_443, %slice3A_444, %slice3A_445, %slice3A_446, %slice3A_447, %slice3A_448, %slice3A_449 in 0 : vector<16x128xf32>, vector<16x128xf32>, vector<16x128xf32>, vector<16x128xf32>, vector<16x128xf32>, vector<16x128xf32>, vector<16x128xf32>, vector<16x128xf32> -> vector<128x128xf32>
    %transpose3A_451 = tpu.transpose %concatenate3A_450, [1, 0] : vector<128x128xf32> -> vector<128x128xf32>
    %swap3A_452 = arith.constant 4352 : index
    %swap3A_453 = arith.constant 0 : index
    %swap3A_454 = vector.load %arg3[%swap3A_452, %swap3A_453] : memref<6272x128xf32, #tpu.memory_space<vmem>>, vector<128x128xf32>
    tpu.vector_store %arg3[%swap3A_452, %swap3A_453], %transpose3A_451 {strides = array<i32>} : memref<6272x128xf32, #tpu.memory_space<vmem>>, vector<128x128xf32>,
    %slice3A_455 = vector.extract_strided_slice %get3A_3 {offsets = [0, 35840], sizes = [16, 128], strides = [1, 1]} : vector<16x50176xf32> to vector<16x128xf32>
    %slice3A_456 = vector.extract_strided_slice %get3A_3 {offsets = [0, 35968], sizes = [16, 128], strides = [1, 1]} : vector<16x50176xf32> to vector<16x128xf32>
    %slice3A_457 = vector.extract_strided_slice %get3A_3 {offsets = [0, 36096], sizes = [16, 128], strides = [1, 1]} : vector<16x50176xf32> to vector<16x128xf32>
    %slice3A_458 = vector.extract_strided_slice %get3A_3 {offsets = [0, 36224], sizes = [16, 128], strides = [1, 1]} : vector<16x50176xf32> to vector<16x128xf32>
    %slice3A_459 = vector.extract_strided_slice %get3A_3 {offsets = [0, 36352], sizes = [16, 128], strides = [1, 1]} : vector<16x50176xf32> to vector<16x128xf32>
    %slice3A_460 = vector.extract_strided_slice %get3A_3 {offsets = [0, 36480], sizes = [16, 128], strides = [1, 1]} : vector<16x50176xf32> to vector<16x128xf32>
    %slice3A_461 = vector.extract_strided_slice %get3A_3 {offsets = [0, 36608], sizes = [16, 128], strides = [1, 1]} : vector<16x50176xf32> to vector<16x128xf32>
    %slice3A_462 = vector.extract_strided_slice %get3A_3 {offsets = [0, 36736], sizes = [16, 128], strides = [1, 1]} : vector<16x50176xf32> to vector<16x128xf32>
    %concatenate3A_463 = tpu.concatenate %slice3A_455, %slice3A_456, %slice3A_457, %slice3A_458, %slice3A_459, %slice3A_460, %slice3A_461, %slice3A_462 in 0 : vector<16x128xf32>, vector<16x128xf32>, vector<16x128xf32>, vector<16x128xf32>, vector<16x128xf32>, vector<16x128xf32>, vector<16x128xf32>, vector<16x128xf32> -> vector<128x128xf32>
    %transpose3A_464 = tpu.transpose %concatenate3A_463, [1, 0] : vector<128x128xf32> -> vector<128x128xf32>
    %swap3A_465 = arith.constant 4480 : index
    %swap3A_466 = arith.constant 0 : index
    %swap3A_467 = vector.load %arg3[%swap3A_465, %swap3A_466] : memref<6272x128xf32, #tpu.memory_space<vmem>>, vector<128x128xf32>
    tpu.vector_store %arg3[%swap3A_465, %swap3A_466], %transpose3A_464 {strides = array<i32>} : memref<6272x128xf32, #tpu.memory_space<vmem>>, vector<128x128xf32>,
    %slice3A_468 = vector.extract_strided_slice %get3A_3 {offsets = [0, 36864], sizes = [16, 128], strides = [1, 1]} : vector<16x50176xf32> to vector<16x128xf32>
    %slice3A_469 = vector.extract_strided_slice %get3A_3 {offsets = [0, 36992], sizes = [16, 128], strides = [1, 1]} : vector<16x50176xf32> to vector<16x128xf32>
    %slice3A_470 = vector.extract_strided_slice %get3A_3 {offsets = [0, 37120], sizes = [16, 128], strides = [1, 1]} : vector<16x50176xf32> to vector<16x128xf32>
    %slice3A_471 = vector.extract_strided_slice %get3A_3 {offsets = [0, 37248], sizes = [16, 128], strides = [1, 1]} : vector<16x50176xf32> to vector<16x128xf32>
    %slice3A_472 = vector.extract_strided_slice %get3A_3 {offsets = [0, 37376], sizes = [16, 128], strides = [1, 1]} : vector<16x50176xf32> to vector<16x128xf32>
    %slice3A_473 = vector.extract_strided_slice %get3A_3 {offsets = [0, 37504], sizes = [16, 128], strides = [1, 1]} : vector<16x50176xf32> to vector<16x128xf32>
    %slice3A_474 = vector.extract_strided_slice %get3A_3 {offsets = [0, 37632], sizes = [16, 128], strides = [1, 1]} : vector<16x50176xf32> to vector<16x128xf32>
    %slice3A_475 = vector.extract_strided_slice %get3A_3 {offsets = [0, 37760], sizes = [16, 128], strides = [1, 1]} : vector<16x50176xf32> to vector<16x128xf32>
    %concatenate3A_476 = tpu.concatenate %slice3A_468, %slice3A_469, %slice3A_470, %slice3A_471, %slice3A_472, %slice3A_473, %slice3A_474, %slice3A_475 in 0 : vector<16x128xf32>, vector<16x128xf32>, vector<16x128xf32>, vector<16x128xf32>, vector<16x128xf32>, vector<16x128xf32>, vector<16x128xf32>, vector<16x128xf32> -> vector<128x128xf32>
    %transpose3A_477 = tpu.transpose %concatenate3A_476, [1, 0] : vector<128x128xf32> -> vector<128x128xf32>
    %swap3A_478 = arith.constant 4608 : index
    %swap3A_479 = arith.constant 0 : index
    %swap3A_480 = vector.load %arg3[%swap3A_478, %swap3A_479] : memref<6272x128xf32, #tpu.memory_space<vmem>>, vector<128x128xf32>
    tpu.vector_store %arg3[%swap3A_478, %swap3A_479], %transpose3A_477 {strides = array<i32>} : memref<6272x128xf32, #tpu.memory_space<vmem>>, vector<128x128xf32>,
    %slice3A_481 = vector.extract_strided_slice %get3A_3 {offsets = [0, 37888], sizes = [16, 128], strides = [1, 1]} : vector<16x50176xf32> to vector<16x128xf32>
    %slice3A_482 = vector.extract_strided_slice %get3A_3 {offsets = [0, 38016], sizes = [16, 128], strides = [1, 1]} : vector<16x50176xf32> to vector<16x128xf32>
    %slice3A_483 = vector.extract_strided_slice %get3A_3 {offsets = [0, 38144], sizes = [16, 128], strides = [1, 1]} : vector<16x50176xf32> to vector<16x128xf32>
    %slice3A_484 = vector.extract_strided_slice %get3A_3 {offsets = [0, 38272], sizes = [16, 128], strides = [1, 1]} : vector<16x50176xf32> to vector<16x128xf32>
    %slice3A_485 = vector.extract_strided_slice %get3A_3 {offsets = [0, 38400], sizes = [16, 128], strides = [1, 1]} : vector<16x50176xf32> to vector<16x128xf32>
    %slice3A_486 = vector.extract_strided_slice %get3A_3 {offsets = [0, 38528], sizes = [16, 128], strides = [1, 1]} : vector<16x50176xf32> to vector<16x128xf32>
    %slice3A_487 = vector.extract_strided_slice %get3A_3 {offsets = [0, 38656], sizes = [16, 128], strides = [1, 1]} : vector<16x50176xf32> to vector<16x128xf32>
    %slice3A_488 = vector.extract_strided_slice %get3A_3 {offsets = [0, 38784], sizes = [16, 128], strides = [1, 1]} : vector<16x50176xf32> to vector<16x128xf32>
    %concatenate3A_489 = tpu.concatenate %slice3A_481, %slice3A_482, %slice3A_483, %slice3A_484, %slice3A_485, %slice3A_486, %slice3A_487, %slice3A_488 in 0 : vector<16x128xf32>, vector<16x128xf32>, vector<16x128xf32>, vector<16x128xf32>, vector<16x128xf32>, vector<16x128xf32>, vector<16x128xf32>, vector<16x128xf32> -> vector<128x128xf32>
    %transpose3A_490 = tpu.transpose %concatenate3A_489, [1, 0] : vector<128x128xf32> -> vector<128x128xf32>
    %swap3A_491 = arith.constant 4736 : index
    %swap3A_492 = arith.constant 0 : index
    %swap3A_493 = vector.load %arg3[%swap3A_491, %swap3A_492] : memref<6272x128xf32, #tpu.memory_space<vmem>>, vector<128x128xf32>
    tpu.vector_store %arg3[%swap3A_491, %swap3A_492], %transpose3A_490 {strides = array<i32>} : memref<6272x128xf32, #tpu.memory_space<vmem>>, vector<128x128xf32>,
    %slice3A_494 = vector.extract_strided_slice %get3A_3 {offsets = [0, 38912], sizes = [16, 128], strides = [1, 1]} : vector<16x50176xf32> to vector<16x128xf32>
    %slice3A_495 = vector.extract_strided_slice %get3A_3 {offsets = [0, 39040], sizes = [16, 128], strides = [1, 1]} : vector<16x50176xf32> to vector<16x128xf32>
    %slice3A_496 = vector.extract_strided_slice %get3A_3 {offsets = [0, 39168], sizes = [16, 128], strides = [1, 1]} : vector<16x50176xf32> to vector<16x128xf32>
    %slice3A_497 = vector.extract_strided_slice %get3A_3 {offsets = [0, 39296], sizes = [16, 128], strides = [1, 1]} : vector<16x50176xf32> to vector<16x128xf32>
    %slice3A_498 = vector.extract_strided_slice %get3A_3 {offsets = [0, 39424], sizes = [16, 128], strides = [1, 1]} : vector<16x50176xf32> to vector<16x128xf32>
    %slice3A_499 = vector.extract_strided_slice %get3A_3 {offsets = [0, 39552], sizes = [16, 128], strides = [1, 1]} : vector<16x50176xf32> to vector<16x128xf32>
    %slice3A_500 = vector.extract_strided_slice %get3A_3 {offsets = [0, 39680], sizes = [16, 128], strides = [1, 1]} : vector<16x50176xf32> to vector<16x128xf32>
    %slice3A_501 = vector.extract_strided_slice %get3A_3 {offsets = [0, 39808], sizes = [16, 128], strides = [1, 1]} : vector<16x50176xf32> to vector<16x128xf32>
    %concatenate3A_502 = tpu.concatenate %slice3A_494, %slice3A_495, %slice3A_496, %slice3A_497, %slice3A_498, %slice3A_499, %slice3A_500, %slice3A_501 in 0 : vector<16x128xf32>, vector<16x128xf32>, vector<16x128xf32>, vector<16x128xf32>, vector<16x128xf32>, vector<16x128xf32>, vector<16x128xf32>, vector<16x128xf32> -> vector<128x128xf32>
    %transpose3A_503 = tpu.transpose %concatenate3A_502, [1, 0] : vector<128x128xf32> -> vector<128x128xf32>
    %swap3A_504 = arith.constant 4864 : index
    %swap3A_505 = arith.constant 0 : index
    %swap3A_506 = vector.load %arg3[%swap3A_504, %swap3A_505] : memref<6272x128xf32, #tpu.memory_space<vmem>>, vector<128x128xf32>
    tpu.vector_store %arg3[%swap3A_504, %swap3A_505], %transpose3A_503 {strides = array<i32>} : memref<6272x128xf32, #tpu.memory_space<vmem>>, vector<128x128xf32>,
    %slice3A_507 = vector.extract_strided_slice %get3A_3 {offsets = [0, 39936], sizes = [16, 128], strides = [1, 1]} : vector<16x50176xf32> to vector<16x128xf32>
    %slice3A_508 = vector.extract_strided_slice %get3A_3 {offsets = [0, 40064], sizes = [16, 128], strides = [1, 1]} : vector<16x50176xf32> to vector<16x128xf32>
    %slice3A_509 = vector.extract_strided_slice %get3A_3 {offsets = [0, 40192], sizes = [16, 128], strides = [1, 1]} : vector<16x50176xf32> to vector<16x128xf32>
    %slice3A_510 = vector.extract_strided_slice %get3A_3 {offsets = [0, 40320], sizes = [16, 128], strides = [1, 1]} : vector<16x50176xf32> to vector<16x128xf32>
    %slice3A_511 = vector.extract_strided_slice %get3A_3 {offsets = [0, 40448], sizes = [16, 128], strides = [1, 1]} : vector<16x50176xf32> to vector<16x128xf32>
    %slice3A_512 = vector.extract_strided_slice %get3A_3 {offsets = [0, 40576], sizes = [16, 128], strides = [1, 1]} : vector<16x50176xf32> to vector<16x128xf32>
    %slice3A_513 = vector.extract_strided_slice %get3A_3 {offsets = [0, 40704], sizes = [16, 128], strides = [1, 1]} : vector<16x50176xf32> to vector<16x128xf32>
    %slice3A_514 = vector.extract_strided_slice %get3A_3 {offsets = [0, 40832], sizes = [16, 128], strides = [1, 1]} : vector<16x50176xf32> to vector<16x128xf32>
    %concatenate3A_515 = tpu.concatenate %slice3A_507, %slice3A_508, %slice3A_509, %slice3A_510, %slice3A_511, %slice3A_512, %slice3A_513, %slice3A_514 in 0 : vector<16x128xf32>, vector<16x128xf32>, vector<16x128xf32>, vector<16x128xf32>, vector<16x128xf32>, vector<16x128xf32>, vector<16x128xf32>, vector<16x128xf32> -> vector<128x128xf32>
    %transpose3A_516 = tpu.transpose %concatenate3A_515, [1, 0] : vector<128x128xf32> -> vector<128x128xf32>
    %swap3A_517 = arith.constant 4992 : index
    %swap3A_518 = arith.constant 0 : index
    %swap3A_519 = vector.load %arg3[%swap3A_517, %swap3A_518] : memref<6272x128xf32, #tpu.memory_space<vmem>>, vector<128x128xf32>
    tpu.vector_store %arg3[%swap3A_517, %swap3A_518], %transpose3A_516 {strides = array<i32>} : memref<6272x128xf32, #tpu.memory_space<vmem>>, vector<128x128xf32>,
    %slice3A_520 = vector.extract_strided_slice %get3A_3 {offsets = [0, 40960], sizes = [16, 128], strides = [1, 1]} : vector<16x50176xf32> to vector<16x128xf32>
    %slice3A_521 = vector.extract_strided_slice %get3A_3 {offsets = [0, 41088], sizes = [16, 128], strides = [1, 1]} : vector<16x50176xf32> to vector<16x128xf32>
    %slice3A_522 = vector.extract_strided_slice %get3A_3 {offsets = [0, 41216], sizes = [16, 128], strides = [1, 1]} : vector<16x50176xf32> to vector<16x128xf32>
    %slice3A_523 = vector.extract_strided_slice %get3A_3 {offsets = [0, 41344], sizes = [16, 128], strides = [1, 1]} : vector<16x50176xf32> to vector<16x128xf32>
    %slice3A_524 = vector.extract_strided_slice %get3A_3 {offsets = [0, 41472], sizes = [16, 128], strides = [1, 1]} : vector<16x50176xf32> to vector<16x128xf32>
    %slice3A_525 = vector.extract_strided_slice %get3A_3 {offsets = [0, 41600], sizes = [16, 128], strides = [1, 1]} : vector<16x50176xf32> to vector<16x128xf32>
    %slice3A_526 = vector.extract_strided_slice %get3A_3 {offsets = [0, 41728], sizes = [16, 128], strides = [1, 1]} : vector<16x50176xf32> to vector<16x128xf32>
    %slice3A_527 = vector.extract_strided_slice %get3A_3 {offsets = [0, 41856], sizes = [16, 128], strides = [1, 1]} : vector<16x50176xf32> to vector<16x128xf32>
    %concatenate3A_528 = tpu.concatenate %slice3A_520, %slice3A_521, %slice3A_522, %slice3A_523, %slice3A_524, %slice3A_525, %slice3A_526, %slice3A_527 in 0 : vector<16x128xf32>, vector<16x128xf32>, vector<16x128xf32>, vector<16x128xf32>, vector<16x128xf32>, vector<16x128xf32>, vector<16x128xf32>, vector<16x128xf32> -> vector<128x128xf32>
    %transpose3A_529 = tpu.transpose %concatenate3A_528, [1, 0] : vector<128x128xf32> -> vector<128x128xf32>
    %swap3A_530 = arith.constant 5120 : index
    %swap3A_531 = arith.constant 0 : index
    %swap3A_532 = vector.load %arg3[%swap3A_530, %swap3A_531] : memref<6272x128xf32, #tpu.memory_space<vmem>>, vector<128x128xf32>
    tpu.vector_store %arg3[%swap3A_530, %swap3A_531], %transpose3A_529 {strides = array<i32>} : memref<6272x128xf32, #tpu.memory_space<vmem>>, vector<128x128xf32>,
    %slice3A_533 = vector.extract_strided_slice %get3A_3 {offsets = [0, 41984], sizes = [16, 128], strides = [1, 1]} : vector<16x50176xf32> to vector<16x128xf32>
    %slice3A_534 = vector.extract_strided_slice %get3A_3 {offsets = [0, 42112], sizes = [16, 128], strides = [1, 1]} : vector<16x50176xf32> to vector<16x128xf32>
    %slice3A_535 = vector.extract_strided_slice %get3A_3 {offsets = [0, 42240], sizes = [16, 128], strides = [1, 1]} : vector<16x50176xf32> to vector<16x128xf32>
    %slice3A_536 = vector.extract_strided_slice %get3A_3 {offsets = [0, 42368], sizes = [16, 128], strides = [1, 1]} : vector<16x50176xf32> to vector<16x128xf32>
    %slice3A_537 = vector.extract_strided_slice %get3A_3 {offsets = [0, 42496], sizes = [16, 128], strides = [1, 1]} : vector<16x50176xf32> to vector<16x128xf32>
    %slice3A_538 = vector.extract_strided_slice %get3A_3 {offsets = [0, 42624], sizes = [16, 128], strides = [1, 1]} : vector<16x50176xf32> to vector<16x128xf32>
    %slice3A_539 = vector.extract_strided_slice %get3A_3 {offsets = [0, 42752], sizes = [16, 128], strides = [1, 1]} : vector<16x50176xf32> to vector<16x128xf32>
    %slice3A_540 = vector.extract_strided_slice %get3A_3 {offsets = [0, 42880], sizes = [16, 128], strides = [1, 1]} : vector<16x50176xf32> to vector<16x128xf32>
    %concatenate3A_541 = tpu.concatenate %slice3A_533, %slice3A_534, %slice3A_535, %slice3A_536, %slice3A_537, %slice3A_538, %slice3A_539, %slice3A_540 in 0 : vector<16x128xf32>, vector<16x128xf32>, vector<16x128xf32>, vector<16x128xf32>, vector<16x128xf32>, vector<16x128xf32>, vector<16x128xf32>, vector<16x128xf32> -> vector<128x128xf32>
    %transpose3A_542 = tpu.transpose %concatenate3A_541, [1, 0] : vector<128x128xf32> -> vector<128x128xf32>
    %swap3A_543 = arith.constant 5248 : index
    %swap3A_544 = arith.constant 0 : index
    %swap3A_545 = vector.load %arg3[%swap3A_543, %swap3A_544] : memref<6272x128xf32, #tpu.memory_space<vmem>>, vector<128x128xf32>
    tpu.vector_store %arg3[%swap3A_543, %swap3A_544], %transpose3A_542 {strides = array<i32>} : memref<6272x128xf32, #tpu.memory_space<vmem>>, vector<128x128xf32>,
    %slice3A_546 = vector.extract_strided_slice %get3A_3 {offsets = [0, 43008], sizes = [16, 128], strides = [1, 1]} : vector<16x50176xf32> to vector<16x128xf32>
    %slice3A_547 = vector.extract_strided_slice %get3A_3 {offsets = [0, 43136], sizes = [16, 128], strides = [1, 1]} : vector<16x50176xf32> to vector<16x128xf32>
    %slice3A_548 = vector.extract_strided_slice %get3A_3 {offsets = [0, 43264], sizes = [16, 128], strides = [1, 1]} : vector<16x50176xf32> to vector<16x128xf32>
    %slice3A_549 = vector.extract_strided_slice %get3A_3 {offsets = [0, 43392], sizes = [16, 128], strides = [1, 1]} : vector<16x50176xf32> to vector<16x128xf32>
    %slice3A_550 = vector.extract_strided_slice %get3A_3 {offsets = [0, 43520], sizes = [16, 128], strides = [1, 1]} : vector<16x50176xf32> to vector<16x128xf32>
    %slice3A_551 = vector.extract_strided_slice %get3A_3 {offsets = [0, 43648], sizes = [16, 128], strides = [1, 1]} : vector<16x50176xf32> to vector<16x128xf32>
    %slice3A_552 = vector.extract_strided_slice %get3A_3 {offsets = [0, 43776], sizes = [16, 128], strides = [1, 1]} : vector<16x50176xf32> to vector<16x128xf32>
    %slice3A_553 = vector.extract_strided_slice %get3A_3 {offsets = [0, 43904], sizes = [16, 128], strides = [1, 1]} : vector<16x50176xf32> to vector<16x128xf32>
    %concatenate3A_554 = tpu.concatenate %slice3A_546, %slice3A_547, %slice3A_548, %slice3A_549, %slice3A_550, %slice3A_551, %slice3A_552, %slice3A_553 in 0 : vector<16x128xf32>, vector<16x128xf32>, vector<16x128xf32>, vector<16x128xf32>, vector<16x128xf32>, vector<16x128xf32>, vector<16x128xf32>, vector<16x128xf32> -> vector<128x128xf32>
    %transpose3A_555 = tpu.transpose %concatenate3A_554, [1, 0] : vector<128x128xf32> -> vector<128x128xf32>
    %swap3A_556 = arith.constant 5376 : index
    %swap3A_557 = arith.constant 0 : index
    %swap3A_558 = vector.load %arg3[%swap3A_556, %swap3A_557] : memref<6272x128xf32, #tpu.memory_space<vmem>>, vector<128x128xf32>
    tpu.vector_store %arg3[%swap3A_556, %swap3A_557], %transpose3A_555 {strides = array<i32>} : memref<6272x128xf32, #tpu.memory_space<vmem>>, vector<128x128xf32>,
    %slice3A_559 = vector.extract_strided_slice %get3A_3 {offsets = [0, 44032], sizes = [16, 128], strides = [1, 1]} : vector<16x50176xf32> to vector<16x128xf32>
    %slice3A_560 = vector.extract_strided_slice %get3A_3 {offsets = [0, 44160], sizes = [16, 128], strides = [1, 1]} : vector<16x50176xf32> to vector<16x128xf32>
    %slice3A_561 = vector.extract_strided_slice %get3A_3 {offsets = [0, 44288], sizes = [16, 128], strides = [1, 1]} : vector<16x50176xf32> to vector<16x128xf32>
    %slice3A_562 = vector.extract_strided_slice %get3A_3 {offsets = [0, 44416], sizes = [16, 128], strides = [1, 1]} : vector<16x50176xf32> to vector<16x128xf32>
    %slice3A_563 = vector.extract_strided_slice %get3A_3 {offsets = [0, 44544], sizes = [16, 128], strides = [1, 1]} : vector<16x50176xf32> to vector<16x128xf32>
    %slice3A_564 = vector.extract_strided_slice %get3A_3 {offsets = [0, 44672], sizes = [16, 128], strides = [1, 1]} : vector<16x50176xf32> to vector<16x128xf32>
    %slice3A_565 = vector.extract_strided_slice %get3A_3 {offsets = [0, 44800], sizes = [16, 128], strides = [1, 1]} : vector<16x50176xf32> to vector<16x128xf32>
    %slice3A_566 = vector.extract_strided_slice %get3A_3 {offsets = [0, 44928], sizes = [16, 128], strides = [1, 1]} : vector<16x50176xf32> to vector<16x128xf32>
    %concatenate3A_567 = tpu.concatenate %slice3A_559, %slice3A_560, %slice3A_561, %slice3A_562, %slice3A_563, %slice3A_564, %slice3A_565, %slice3A_566 in 0 : vector<16x128xf32>, vector<16x128xf32>, vector<16x128xf32>, vector<16x128xf32>, vector<16x128xf32>, vector<16x128xf32>, vector<16x128xf32>, vector<16x128xf32> -> vector<128x128xf32>
    %transpose3A_568 = tpu.transpose %concatenate3A_567, [1, 0] : vector<128x128xf32> -> vector<128x128xf32>
    %swap3A_569 = arith.constant 5504 : index
    %swap3A_570 = arith.constant 0 : index
    %swap3A_571 = vector.load %arg3[%swap3A_569, %swap3A_570] : memref<6272x128xf32, #tpu.memory_space<vmem>>, vector<128x128xf32>
    tpu.vector_store %arg3[%swap3A_569, %swap3A_570], %transpose3A_568 {strides = array<i32>} : memref<6272x128xf32, #tpu.memory_space<vmem>>, vector<128x128xf32>,
    %slice3A_572 = vector.extract_strided_slice %get3A_3 {offsets = [0, 45056], sizes = [16, 128], strides = [1, 1]} : vector<16x50176xf32> to vector<16x128xf32>
    %slice3A_573 = vector.extract_strided_slice %get3A_3 {offsets = [0, 45184], sizes = [16, 128], strides = [1, 1]} : vector<16x50176xf32> to vector<16x128xf32>
    %slice3A_574 = vector.extract_strided_slice %get3A_3 {offsets = [0, 45312], sizes = [16, 128], strides = [1, 1]} : vector<16x50176xf32> to vector<16x128xf32>
    %slice3A_575 = vector.extract_strided_slice %get3A_3 {offsets = [0, 45440], sizes = [16, 128], strides = [1, 1]} : vector<16x50176xf32> to vector<16x128xf32>
    %slice3A_576 = vector.extract_strided_slice %get3A_3 {offsets = [0, 45568], sizes = [16, 128], strides = [1, 1]} : vector<16x50176xf32> to vector<16x128xf32>
    %slice3A_577 = vector.extract_strided_slice %get3A_3 {offsets = [0, 45696], sizes = [16, 128], strides = [1, 1]} : vector<16x50176xf32> to vector<16x128xf32>
    %slice3A_578 = vector.extract_strided_slice %get3A_3 {offsets = [0, 45824], sizes = [16, 128], strides = [1, 1]} : vector<16x50176xf32> to vector<16x128xf32>
    %slice3A_579 = vector.extract_strided_slice %get3A_3 {offsets = [0, 45952], sizes = [16, 128], strides = [1, 1]} : vector<16x50176xf32> to vector<16x128xf32>
    %concatenate3A_580 = tpu.concatenate %slice3A_572, %slice3A_573, %slice3A_574, %slice3A_575, %slice3A_576, %slice3A_577, %slice3A_578, %slice3A_579 in 0 : vector<16x128xf32>, vector<16x128xf32>, vector<16x128xf32>, vector<16x128xf32>, vector<16x128xf32>, vector<16x128xf32>, vector<16x128xf32>, vector<16x128xf32> -> vector<128x128xf32>
    %transpose3A_581 = tpu.transpose %concatenate3A_580, [1, 0] : vector<128x128xf32> -> vector<128x128xf32>
    %swap3A_582 = arith.constant 5632 : index
    %swap3A_583 = arith.constant 0 : index
    %swap3A_584 = vector.load %arg3[%swap3A_582, %swap3A_583] : memref<6272x128xf32, #tpu.memory_space<vmem>>, vector<128x128xf32>
    tpu.vector_store %arg3[%swap3A_582, %swap3A_583], %transpose3A_581 {strides = array<i32>} : memref<6272x128xf32, #tpu.memory_space<vmem>>, vector<128x128xf32>,
    %slice3A_585 = vector.extract_strided_slice %get3A_3 {offsets = [0, 46080], sizes = [16, 128], strides = [1, 1]} : vector<16x50176xf32> to vector<16x128xf32>
    %slice3A_586 = vector.extract_strided_slice %get3A_3 {offsets = [0, 46208], sizes = [16, 128], strides = [1, 1]} : vector<16x50176xf32> to vector<16x128xf32>
    %slice3A_587 = vector.extract_strided_slice %get3A_3 {offsets = [0, 46336], sizes = [16, 128], strides = [1, 1]} : vector<16x50176xf32> to vector<16x128xf32>
    %slice3A_588 = vector.extract_strided_slice %get3A_3 {offsets = [0, 46464], sizes = [16, 128], strides = [1, 1]} : vector<16x50176xf32> to vector<16x128xf32>
    %slice3A_589 = vector.extract_strided_slice %get3A_3 {offsets = [0, 46592], sizes = [16, 128], strides = [1, 1]} : vector<16x50176xf32> to vector<16x128xf32>
    %slice3A_590 = vector.extract_strided_slice %get3A_3 {offsets = [0, 46720], sizes = [16, 128], strides = [1, 1]} : vector<16x50176xf32> to vector<16x128xf32>
    %slice3A_591 = vector.extract_strided_slice %get3A_3 {offsets = [0, 46848], sizes = [16, 128], strides = [1, 1]} : vector<16x50176xf32> to vector<16x128xf32>
    %slice3A_592 = vector.extract_strided_slice %get3A_3 {offsets = [0, 46976], sizes = [16, 128], strides = [1, 1]} : vector<16x50176xf32> to vector<16x128xf32>
    %concatenate3A_593 = tpu.concatenate %slice3A_585, %slice3A_586, %slice3A_587, %slice3A_588, %slice3A_589, %slice3A_590, %slice3A_591, %slice3A_592 in 0 : vector<16x128xf32>, vector<16x128xf32>, vector<16x128xf32>, vector<16x128xf32>, vector<16x128xf32>, vector<16x128xf32>, vector<16x128xf32>, vector<16x128xf32> -> vector<128x128xf32>
    %transpose3A_594 = tpu.transpose %concatenate3A_593, [1, 0] : vector<128x128xf32> -> vector<128x128xf32>
    %swap3A_595 = arith.constant 5760 : index
    %swap3A_596 = arith.constant 0 : index
    %swap3A_597 = vector.load %arg3[%swap3A_595, %swap3A_596] : memref<6272x128xf32, #tpu.memory_space<vmem>>, vector<128x128xf32>
    tpu.vector_store %arg3[%swap3A_595, %swap3A_596], %transpose3A_594 {strides = array<i32>} : memref<6272x128xf32, #tpu.memory_space<vmem>>, vector<128x128xf32>,
    %slice3A_598 = vector.extract_strided_slice %get3A_3 {offsets = [0, 47104], sizes = [16, 128], strides = [1, 1]} : vector<16x50176xf32> to vector<16x128xf32>
    %slice3A_599 = vector.extract_strided_slice %get3A_3 {offsets = [0, 47232], sizes = [16, 128], strides = [1, 1]} : vector<16x50176xf32> to vector<16x128xf32>
    %slice3A_600 = vector.extract_strided_slice %get3A_3 {offsets = [0, 47360], sizes = [16, 128], strides = [1, 1]} : vector<16x50176xf32> to vector<16x128xf32>
    %slice3A_601 = vector.extract_strided_slice %get3A_3 {offsets = [0, 47488], sizes = [16, 128], strides = [1, 1]} : vector<16x50176xf32> to vector<16x128xf32>
    %slice3A_602 = vector.extract_strided_slice %get3A_3 {offsets = [0, 47616], sizes = [16, 128], strides = [1, 1]} : vector<16x50176xf32> to vector<16x128xf32>
    %slice3A_603 = vector.extract_strided_slice %get3A_3 {offsets = [0, 47744], sizes = [16, 128], strides = [1, 1]} : vector<16x50176xf32> to vector<16x128xf32>
    %slice3A_604 = vector.extract_strided_slice %get3A_3 {offsets = [0, 47872], sizes = [16, 128], strides = [1, 1]} : vector<16x50176xf32> to vector<16x128xf32>
    %slice3A_605 = vector.extract_strided_slice %get3A_3 {offsets = [0, 48000], sizes = [16, 128], strides = [1, 1]} : vector<16x50176xf32> to vector<16x128xf32>
    %concatenate3A_606 = tpu.concatenate %slice3A_598, %slice3A_599, %slice3A_600, %slice3A_601, %slice3A_602, %slice3A_603, %slice3A_604, %slice3A_605 in 0 : vector<16x128xf32>, vector<16x128xf32>, vector<16x128xf32>, vector<16x128xf32>, vector<16x128xf32>, vector<16x128xf32>, vector<16x128xf32>, vector<16x128xf32> -> vector<128x128xf32>
    %transpose3A_607 = tpu.transpose %concatenate3A_606, [1, 0] : vector<128x128xf32> -> vector<128x128xf32>
    %swap3A_608 = arith.constant 5888 : index
    %swap3A_609 = arith.constant 0 : index
    %swap3A_610 = vector.load %arg3[%swap3A_608, %swap3A_609] : memref<6272x128xf32, #tpu.memory_space<vmem>>, vector<128x128xf32>
    tpu.vector_store %arg3[%swap3A_608, %swap3A_609], %transpose3A_607 {strides = array<i32>} : memref<6272x128xf32, #tpu.memory_space<vmem>>, vector<128x128xf32>,
    %slice3A_611 = vector.extract_strided_slice %get3A_3 {offsets = [0, 48128], sizes = [16, 128], strides = [1, 1]} : vector<16x50176xf32> to vector<16x128xf32>
    %slice3A_612 = vector.extract_strided_slice %get3A_3 {offsets = [0, 48256], sizes = [16, 128], strides = [1, 1]} : vector<16x50176xf32> to vector<16x128xf32>
    %slice3A_613 = vector.extract_strided_slice %get3A_3 {offsets = [0, 48384], sizes = [16, 128], strides = [1, 1]} : vector<16x50176xf32> to vector<16x128xf32>
    %slice3A_614 = vector.extract_strided_slice %get3A_3 {offsets = [0, 48512], sizes = [16, 128], strides = [1, 1]} : vector<16x50176xf32> to vector<16x128xf32>
    %slice3A_615 = vector.extract_strided_slice %get3A_3 {offsets = [0, 48640], sizes = [16, 128], strides = [1, 1]} : vector<16x50176xf32> to vector<16x128xf32>
    %slice3A_616 = vector.extract_strided_slice %get3A_3 {offsets = [0, 48768], sizes = [16, 128], strides = [1, 1]} : vector<16x50176xf32> to vector<16x128xf32>
    %slice3A_617 = vector.extract_strided_slice %get3A_3 {offsets = [0, 48896], sizes = [16, 128], strides = [1, 1]} : vector<16x50176xf32> to vector<16x128xf32>
    %slice3A_618 = vector.extract_strided_slice %get3A_3 {offsets = [0, 49024], sizes = [16, 128], strides = [1, 1]} : vector<16x50176xf32> to vector<16x128xf32>
    %concatenate3A_619 = tpu.concatenate %slice3A_611, %slice3A_612, %slice3A_613, %slice3A_614, %slice3A_615, %slice3A_616, %slice3A_617, %slice3A_618 in 0 : vector<16x128xf32>, vector<16x128xf32>, vector<16x128xf32>, vector<16x128xf32>, vector<16x128xf32>, vector<16x128xf32>, vector<16x128xf32>, vector<16x128xf32> -> vector<128x128xf32>
    %transpose3A_620 = tpu.transpose %concatenate3A_619, [1, 0] : vector<128x128xf32> -> vector<128x128xf32>
    %swap3A_621 = arith.constant 6016 : index
    %swap3A_622 = arith.constant 0 : index
    %swap3A_623 = vector.load %arg3[%swap3A_621, %swap3A_622] : memref<6272x128xf32, #tpu.memory_space<vmem>>, vector<128x128xf32>
    tpu.vector_store %arg3[%swap3A_621, %swap3A_622], %transpose3A_620 {strides = array<i32>} : memref<6272x128xf32, #tpu.memory_space<vmem>>, vector<128x128xf32>,
    %slice3A_624 = vector.extract_strided_slice %get3A_3 {offsets = [0, 49152], sizes = [16, 128], strides = [1, 1]} : vector<16x50176xf32> to vector<16x128xf32>
    %slice3A_625 = vector.extract_strided_slice %get3A_3 {offsets = [0, 49280], sizes = [16, 128], strides = [1, 1]} : vector<16x50176xf32> to vector<16x128xf32>
    %slice3A_626 = vector.extract_strided_slice %get3A_3 {offsets = [0, 49408], sizes = [16, 128], strides = [1, 1]} : vector<16x50176xf32> to vector<16x128xf32>
    %slice3A_627 = vector.extract_strided_slice %get3A_3 {offsets = [0, 49536], sizes = [16, 128], strides = [1, 1]} : vector<16x50176xf32> to vector<16x128xf32>
    %slice3A_628 = vector.extract_strided_slice %get3A_3 {offsets = [0, 49664], sizes = [16, 128], strides = [1, 1]} : vector<16x50176xf32> to vector<16x128xf32>
    %slice3A_629 = vector.extract_strided_slice %get3A_3 {offsets = [0, 49792], sizes = [16, 128], strides = [1, 1]} : vector<16x50176xf32> to vector<16x128xf32>
    %slice3A_630 = vector.extract_strided_slice %get3A_3 {offsets = [0, 49920], sizes = [16, 128], strides = [1, 1]} : vector<16x50176xf32> to vector<16x128xf32>
    %slice3A_631 = vector.extract_strided_slice %get3A_3 {offsets = [0, 50048], sizes = [16, 128], strides = [1, 1]} : vector<16x50176xf32> to vector<16x128xf32>
    %concatenate3A_632 = tpu.concatenate %slice3A_624, %slice3A_625, %slice3A_626, %slice3A_627, %slice3A_628, %slice3A_629, %slice3A_630, %slice3A_631 in 0 : vector<16x128xf32>, vector<16x128xf32>, vector<16x128xf32>, vector<16x128xf32>, vector<16x128xf32>, vector<16x128xf32>, vector<16x128xf32>, vector<16x128xf32> -> vector<128x128xf32>
    %transpose3A_633 = tpu.transpose %concatenate3A_632, [1, 0] : vector<128x128xf32> -> vector<128x128xf32>
    %swap3A_634 = arith.constant 6144 : index
    %swap3A_635 = arith.constant 0 : index
    %swap3A_636 = vector.load %arg3[%swap3A_634, %swap3A_635] : memref<6272x128xf32, #tpu.memory_space<vmem>>, vector<128x128xf32>
    tpu.vector_store %arg3[%swap3A_634, %swap3A_635], %transpose3A_633 {strides = array<i32>} : memref<6272x128xf32, #tpu.memory_space<vmem>>, vector<128x128xf32>,
    return
  }
  func.func @transform_0(%arg0: i32, %arg1: i32) -> (i32, i32, i32) {
    %add3A = arith.constant 0 : i32
    %add3A_0 = arith.addi %add3A, %arg0 : i32
    %c0_i32 = arith.constant 0 : i32
    %c0_i32_1 = arith.constant 0 : i32
    return %add3A_0, %c0_i32, %arg1 : i32, i32, i32
  }
  func.func @transform_1(%arg0: i32, %arg1: i32) -> (i32, i32) {
    %mul3A = arith.constant 2 : i32
    %mul3A_0 = arith.muli %arg0, %mul3A : i32
    %add3A = arith.addi %mul3A_0, %arg1 : i32
    %c0_i32 = arith.constant 0 : i32
    %c0_i32_1 = arith.constant 0 : i32
    return %add3A, %c0_i32 : i32, i32
  }
}

module attributes {stable_mosaic.version = 14 : i64} {
  func.func @_l1_body(%arg0: i32, %arg1: memref<2048x128xf32, #tpu.memory_space<vmem>>, %arg2: memref<2048x128xf32, #tpu.memory_space<vmem>>, %arg3: memref<2048x128xf32, #tpu.memory_space<vmem>>, %arg4: memref<2048x128xf32, #tpu.memory_space<vmem>>, %arg5: memref<13x2048xf32, #tpu.memory_space<vmem>>, %arg6: memref<13x2xf32, #tpu.memory_space<vmem>>, %arg7: memref<13x1xf32, #tpu.memory_space<vmem>>, %arg8: memref<13x1xf32, #tpu.memory_space<vmem>>, %arg9: memref<512x512xf32, #tpu.memory_space<vmem>>, %arg10: memref<13x512xf32, #tpu.memory_space<vmem>>, %arg11: memref<1x512xf32, #tpu.memory_space<vmem>>, %arg12: memref<2048x512xf32, #tpu.memory_space<vmem>>, %arg13: memref<2x512xf32, #tpu.memory_space<vmem>>) attributes {dimension_semantics = [#tpu.dimension_semantics<arbitrary>], iteration_bounds = array<i64: 8>, scalar_prefetch = 0 : i64, scratch_operands = 0 : i64, tpu.core_type = #tpu.core_type<tc>, window_params = [{transform_indices = @transform_0, window_bounds = array<i64: 2048, 128>}, {transform_indices = @transform_1, window_bounds = array<i64: 2048, 128>}, {transform_indices = @transform_2, window_bounds = array<i64: 2048, 128>}, {transform_indices = @transform_3, window_bounds = array<i64: 2048, 128>}, {transform_indices = @transform_4, window_bounds = array<i64: 13, 2048>}, {pipeline_mode = #tpu.pipeline_mode<synchronous>, transform_indices = @transform_5, window_bounds = array<i64: 13, 2>}, {pipeline_mode = #tpu.pipeline_mode<synchronous>, transform_indices = @transform_6, window_bounds = array<i64: 13, 1>}, {pipeline_mode = #tpu.pipeline_mode<synchronous>, transform_indices = @transform_7, window_bounds = array<i64: 13, 1>}, {pipeline_mode = #tpu.pipeline_mode<synchronous>, transform_indices = @transform_8, window_bounds = array<i64: 512, 512>}, {pipeline_mode = #tpu.pipeline_mode<synchronous>, transform_indices = @transform_9, window_bounds = array<i64: 13, 512>}, {pipeline_mode = #tpu.pipeline_mode<synchronous>, transform_indices = @transform_10, window_bounds = array<i64: 1, 512>}, {transform_indices = @transform_11, window_bounds = array<i64: 2048, 512>}, {pipeline_mode = #tpu.pipeline_mode<synchronous>, transform_indices = @transform_12, window_bounds = array<i64: 2, 512>}]} {
    %get3A = arith.constant 0 : index
    %get3A_0 = arith.constant 0 : index
    %get3A_1 = vector.load %arg6[%get3A, %get3A_0] : memref<13x2xf32, #tpu.memory_space<vmem>>, vector<13x1xf32>
    %mul3A = arith.constant 6.10351563E-5 : f32
    %mul3A_2 = vector.broadcast %mul3A : f32 to vector<13x1xf32>
    %mul3A_3 = arith.mulf %get3A_1, %mul3A_2 : vector<13x1xf32>
    %get3A_4 = arith.constant 0 : index
    %get3A_5 = arith.constant 1 : index
    %get3A_6 = vector.load %arg6[%get3A_4, %get3A_5] : memref<13x2xf32, #tpu.memory_space<vmem>>, vector<13x1xf32>
    %mul3A_7 = arith.constant 6.10351563E-5 : f32
    %mul3A_8 = vector.broadcast %mul3A_7 : f32 to vector<13x1xf32>
    %mul3A_9 = arith.mulf %get3A_6, %mul3A_8 : vector<13x1xf32>
    %mul3A_10 = arith.mulf %mul3A_3, %mul3A_3 : vector<13x1xf32>
    %sub3A = arith.subf %mul3A_9, %mul3A_10 : vector<13x1xf32>
    %get3A_11 = arith.constant 0 : index
    %get3A_12 = arith.constant 0 : index
    %get3A_13 = vector.load %arg5[%get3A_11, %get3A_12] : memref<13x2048xf32, #tpu.memory_space<vmem>>, vector<13x2048xf32>
    %sub3A_14 = vector.broadcast %mul3A_3 : vector<13x1xf32> to vector<13x2048xf32>
    %sub3A_15 = arith.subf %get3A_13, %sub3A_14 : vector<13x2048xf32>
    %add3A = arith.constant 9.99999974E-6 : f32
    %add3A_16 = vector.broadcast %add3A : f32 to vector<13x1xf32>
    %add3A_17 = arith.addf %sub3A, %add3A_16 : vector<13x1xf32>
    %rsqrt3A = math.rsqrt %add3A_17 : vector<13x1xf32>
    %mul3A_18 = vector.broadcast %rsqrt3A : vector<13x1xf32> to vector<13x2048xf32>
    %mul3A_19 = arith.mulf %sub3A_15, %mul3A_18 : vector<13x2048xf32>
    %get3A_20 = arith.constant 0 : index
    %get3A_21 = arith.constant 0 : index
    %get3A_22 = vector.load %arg7[%get3A_20, %get3A_21] : memref<13x1xf32, #tpu.memory_space<vmem>>, vector<13x1xf32>
    %mul3A_23 = vector.broadcast %get3A_22 : vector<13x1xf32> to vector<13x2048xf32>
    %mul3A_24 = arith.mulf %mul3A_19, %mul3A_23 : vector<13x2048xf32>
    %get3A_25 = arith.constant 0 : index
    %get3A_26 = arith.constant 0 : index
    %get3A_27 = vector.load %arg8[%get3A_25, %get3A_26] : memref<13x1xf32, #tpu.memory_space<vmem>>, vector<13x1xf32>
    %add3A_28 = vector.broadcast %get3A_27 : vector<13x1xf32> to vector<13x2048xf32>
    %add3A_29 = arith.addf %mul3A_24, %add3A_28 : vector<13x2048xf32>
    %get3A_30 = arith.constant 0 : index
    %get3A_31 = arith.constant 0 : index
    %get3A_32 = vector.load %arg10[%get3A_30, %get3A_31] : memref<13x512xf32, #tpu.memory_space<vmem>>, vector<13x512xf32>
    %dot_general3A = arith.constant dense<0.000000e+00> : vector<2048x512xf32>
    %dot_general3A_33 = tpu.matmul %add3A_29, %get3A_32, %dot_general3A {dimension_numbers = #tpu.dot_dimension_numbers<[0], [0], [1], [1], [0, 1, 1, 1], [], []>, transpose_lhs_hint = false} : vector<13x2048xf32>, vector<13x512xf32>, vector<2048x512xf32> -> vector<2048x512xf32>
    %get3A_34 = arith.constant 0 : index
    %get3A_35 = arith.constant 0 : index
    %get3A_36 = vector.load %arg11[%get3A_34, %get3A_35] : memref<1x512xf32, #tpu.memory_space<vmem>>, vector<1x512xf32>
    %add3A_37 = vector.broadcast %get3A_36 : vector<1x512xf32> to vector<2048x512xf32>
    %add3A_38 = arith.addf %dot_general3A_33, %add3A_37 : vector<2048x512xf32>
    %get3A_39 = arith.constant 0 : index
    %get3A_40 = arith.constant 0 : index
    %get3A_41 = vector.load %arg1[%get3A_39, %get3A_40] : memref<2048x128xf32, #tpu.memory_space<vmem>>, vector<2048x128xf32>
    %get3A_42 = arith.constant 0 : index
    %get3A_43 = arith.constant 0 : index
    %get3A_44 = vector.load %arg9[%get3A_42, %get3A_43] : memref<512x512xf32, #tpu.memory_space<vmem>>, vector<128x512xf32>
    %dot_general3A_45 = arith.constant dense<0.000000e+00> : vector<2048x512xf32>
    %dot_general3A_46 = tpu.matmul %get3A_41, %get3A_44, %dot_general3A_45 {dimension_numbers = #tpu.dot_dimension_numbers<[1], [0], [0], [1], [0, 0, 1, 1], [], []>, transpose_lhs_hint = false} : vector<2048x128xf32>, vector<128x512xf32>, vector<2048x512xf32> -> vector<2048x512xf32>
    %add3A_47 = arith.addf %add3A_38, %dot_general3A_46 : vector<2048x512xf32>
    %get3A_48 = arith.constant 0 : index
    %get3A_49 = arith.constant 0 : index
    %get3A_50 = vector.load %arg2[%get3A_48, %get3A_49] : memref<2048x128xf32, #tpu.memory_space<vmem>>, vector<2048x128xf32>
    %get3A_51 = arith.constant 128 : index
    %get3A_52 = arith.constant 0 : index
    %get3A_53 = vector.load %arg9[%get3A_51, %get3A_52] : memref<512x512xf32, #tpu.memory_space<vmem>>, vector<128x512xf32>
    %dot_general3A_54 = arith.constant dense<0.000000e+00> : vector<2048x512xf32>
    %dot_general3A_55 = tpu.matmul %get3A_50, %get3A_53, %dot_general3A_54 {dimension_numbers = #tpu.dot_dimension_numbers<[1], [0], [0], [1], [0, 0, 1, 1], [], []>, transpose_lhs_hint = false} : vector<2048x128xf32>, vector<128x512xf32>, vector<2048x512xf32> -> vector<2048x512xf32>
    %add3A_56 = arith.addf %add3A_47, %dot_general3A_55 : vector<2048x512xf32>
    %get3A_57 = arith.constant 0 : index
    %get3A_58 = arith.constant 0 : index
    %get3A_59 = vector.load %arg3[%get3A_57, %get3A_58] : memref<2048x128xf32, #tpu.memory_space<vmem>>, vector<2048x128xf32>
    %get3A_60 = arith.constant 256 : index
    %get3A_61 = arith.constant 0 : index
    %get3A_62 = vector.load %arg9[%get3A_60, %get3A_61] : memref<512x512xf32, #tpu.memory_space<vmem>>, vector<128x512xf32>
    %dot_general3A_63 = arith.constant dense<0.000000e+00> : vector<2048x512xf32>
    %dot_general3A_64 = tpu.matmul %get3A_59, %get3A_62, %dot_general3A_63 {dimension_numbers = #tpu.dot_dimension_numbers<[1], [0], [0], [1], [0, 0, 1, 1], [], []>, transpose_lhs_hint = false} : vector<2048x128xf32>, vector<128x512xf32>, vector<2048x512xf32> -> vector<2048x512xf32>
    %add3A_65 = arith.addf %add3A_56, %dot_general3A_64 : vector<2048x512xf32>
    %get3A_66 = arith.constant 0 : index
    %get3A_67 = arith.constant 0 : index
    %get3A_68 = vector.load %arg4[%get3A_66, %get3A_67] : memref<2048x128xf32, #tpu.memory_space<vmem>>, vector<2048x128xf32>
    %get3A_69 = arith.constant 384 : index
    %get3A_70 = arith.constant 0 : index
    %get3A_71 = vector.load %arg9[%get3A_69, %get3A_70] : memref<512x512xf32, #tpu.memory_space<vmem>>, vector<128x512xf32>
    %dot_general3A_72 = arith.constant dense<0.000000e+00> : vector<2048x512xf32>
    %dot_general3A_73 = tpu.matmul %get3A_68, %get3A_71, %dot_general3A_72 {dimension_numbers = #tpu.dot_dimension_numbers<[1], [0], [0], [1], [0, 0, 1, 1], [], []>, transpose_lhs_hint = false} : vector<2048x128xf32>, vector<128x512xf32>, vector<2048x512xf32> -> vector<2048x512xf32>
    %add3A_74 = arith.addf %add3A_65, %dot_general3A_73 : vector<2048x512xf32>
    %max3A = arith.constant 0.000000e+00 : f32
    %max3A_75 = vector.broadcast %max3A : f32 to vector<2048x512xf32>
    %max3A_76 = arith.maximumf %add3A_74, %max3A_75 : vector<2048x512xf32>
    %swap3A = arith.constant 0 : index
    %swap3A_77 = arith.constant 0 : index
    %swap3A_78 = vector.load %arg12[%swap3A, %swap3A_77] : memref<2048x512xf32, #tpu.memory_space<vmem>>, vector<2048x512xf32>
    tpu.vector_store %arg12[%swap3A, %swap3A_77], %max3A_76 {strides = array<i32>} : memref<2048x512xf32, #tpu.memory_space<vmem>>, vector<2048x512xf32>,
    %reduce_sum3A = arith.constant dense<0.000000e+00> : vector<512xf32>
    %reduce_sum3A_79 = vector.multi_reduction <add>, %max3A_76, %reduce_sum3A [0] : vector<2048x512xf32> to vector<512xf32>
    %broadcast_in_dim3A = vector.shape_cast %reduce_sum3A_79 : vector<512xf32> to vector<1x512xf32>
    %mul3A_80 = arith.mulf %max3A_76, %max3A_76 : vector<2048x512xf32>
    %reduce_sum3A_81 = arith.constant dense<0.000000e+00> : vector<512xf32>
    %reduce_sum3A_82 = vector.multi_reduction <add>, %mul3A_80, %reduce_sum3A_81 [0] : vector<2048x512xf32> to vector<512xf32>
    %broadcast_in_dim3A_83 = vector.shape_cast %reduce_sum3A_82 : vector<512xf32> to vector<1x512xf32>
    %concatenate3A = tpu.concatenate %broadcast_in_dim3A, %broadcast_in_dim3A_83 in 0 : vector<1x512xf32>, vector<1x512xf32> -> vector<2x512xf32>
    %eq3A = arith.constant 0 : i32
    %eq3A_84 = arith.cmpi eq, %arg0, %eq3A : i32
    %convert_element_type3A = arith.extui %eq3A_84 : i1 to i32
    %cond3A = arith.constant 0 : i32
    %cond3A_85 = arith.cmpi ne, %convert_element_type3A, %cond3A : i32
    scf.if %cond3A_85 {
      %swap3A_90 = arith.constant 0 : index
      %swap3A_91 = arith.constant 0 : index
      %swap3A_92 = vector.load %arg13[%swap3A_90, %swap3A_91] : memref<2x512xf32, #tpu.memory_space<vmem>>, vector<2x512xf32>
      tpu.vector_store %arg13[%swap3A_90, %swap3A_91], %concatenate3A {strides = array<i32>} : memref<2x512xf32, #tpu.memory_space<vmem>>, vector<2x512xf32>,
    } else {
    }
    %gt3A = arith.constant 0 : i32
    %gt3A_86 = arith.cmpi sgt, %arg0, %gt3A : i32
    %convert_element_type3A_87 = arith.extui %gt3A_86 : i1 to i32
    %cond3A_88 = arith.constant 0 : i32
    %cond3A_89 = arith.cmpi ne, %convert_element_type3A_87, %cond3A_88 : i32
    scf.if %cond3A_89 {
      %get3A_90 = arith.constant 0 : index
      %get3A_91 = arith.constant 0 : index
      %get3A_92 = vector.load %arg13[%get3A_90, %get3A_91] : memref<2x512xf32, #tpu.memory_space<vmem>>, vector<2x512xf32>
      %add3A_93 = arith.addf %get3A_92, %concatenate3A : vector<2x512xf32>
      %swap3A_94 = arith.constant 0 : index
      %swap3A_95 = arith.constant 0 : index
      %swap3A_96 = vector.load %arg13[%swap3A_94, %swap3A_95] : memref<2x512xf32, #tpu.memory_space<vmem>>, vector<2x512xf32>
      tpu.vector_store %arg13[%swap3A_94, %swap3A_95], %add3A_93 {strides = array<i32>} : memref<2x512xf32, #tpu.memory_space<vmem>>, vector<2x512xf32>,
    } else {
    }
    return
  }
  func.func @transform_0(%arg0: i32) -> (i32, i32) {
    %c0_i32 = arith.constant 0 : i32
    %c0_i32_0 = arith.constant 0 : i32
    return %arg0, %c0_i32 : i32, i32
  }
  func.func @transform_1(%arg0: i32) -> (i32, i32) {
    %add3A = arith.constant 8 : i32
    %add3A_0 = arith.addi %add3A, %arg0 : i32
    %c0_i32 = arith.constant 0 : i32
    %c0_i32_1 = arith.constant 0 : i32
    return %add3A_0, %c0_i32 : i32, i32
  }
  func.func @transform_2(%arg0: i32) -> (i32, i32) {
    %c0_i32 = arith.constant 0 : i32
    %c0_i32_0 = arith.constant 0 : i32
    return %arg0, %c0_i32 : i32, i32
  }
  func.func @transform_3(%arg0: i32) -> (i32, i32) {
    %add3A = arith.constant 8 : i32
    %add3A_0 = arith.addi %add3A, %arg0 : i32
    %c0_i32 = arith.constant 0 : i32
    %c0_i32_1 = arith.constant 0 : i32
    return %add3A_0, %c0_i32 : i32, i32
  }
  func.func @transform_4(%arg0: i32) -> (i32, i32) {
    %c0_i32 = arith.constant 0 : i32
    %c0_i32_0 = arith.constant 0 : i32
    return %c0_i32, %arg0 : i32, i32
  }
  func.func @transform_5(%arg0: i32) -> (i32, i32) {
    %c0_i32 = arith.constant 0 : i32
    %c0_i32_0 = arith.constant 0 : i32
    %c0_i32_1 = arith.constant 0 : i32
    return %c0_i32, %c0_i32_0 : i32, i32
  }
  func.func @transform_6(%arg0: i32) -> (i32, i32) {
    %c0_i32 = arith.constant 0 : i32
    %c0_i32_0 = arith.constant 0 : i32
    %c0_i32_1 = arith.constant 0 : i32
    return %c0_i32, %c0_i32_0 : i32, i32
  }
  func.func @transform_7(%arg0: i32) -> (i32, i32) {
    %c0_i32 = arith.constant 0 : i32
    %c0_i32_0 = arith.constant 0 : i32
    %c0_i32_1 = arith.constant 0 : i32
    return %c0_i32, %c0_i32_0 : i32, i32
  }
  func.func @transform_8(%arg0: i32) -> (i32, i32) {
    %c0_i32 = arith.constant 0 : i32
    %c0_i32_0 = arith.constant 0 : i32
    %c0_i32_1 = arith.constant 0 : i32
    return %c0_i32, %c0_i32_0 : i32, i32
  }
  func.func @transform_9(%arg0: i32) -> (i32, i32) {
    %c0_i32 = arith.constant 0 : i32
    %c0_i32_0 = arith.constant 0 : i32
    %c0_i32_1 = arith.constant 0 : i32
    return %c0_i32, %c0_i32_0 : i32, i32
  }
  func.func @transform_10(%arg0: i32) -> (i32, i32) {
    %c0_i32 = arith.constant 0 : i32
    %c0_i32_0 = arith.constant 0 : i32
    %c0_i32_1 = arith.constant 0 : i32
    return %c0_i32, %c0_i32_0 : i32, i32
  }
  func.func @transform_11(%arg0: i32) -> (i32, i32) {
    %c0_i32 = arith.constant 0 : i32
    %c0_i32_0 = arith.constant 0 : i32
    return %arg0, %c0_i32 : i32, i32
  }
  func.func @transform_12(%arg0: i32) -> (i32, i32) {
    %c0_i32 = arith.constant 0 : i32
    %c0_i32_0 = arith.constant 0 : i32
    %c0_i32_1 = arith.constant 0 : i32
    return %c0_i32, %c0_i32_0 : i32, i32
  }
}

module attributes {stable_mosaic.version = 14 : i64} {
  func.func @_l2_body(%arg0: i32, %arg1: memref<2048x512xf32, #tpu.memory_space<vmem>>, %arg2: memref<2x512xf32, #tpu.memory_space<vmem>>, %arg3: memref<1x512xf32, #tpu.memory_space<vmem>>, %arg4: memref<1x512xf32, #tpu.memory_space<vmem>>, %arg5: memref<512x256xf32, #tpu.memory_space<vmem>>, %arg6: memref<1x256xf32, #tpu.memory_space<vmem>>, %arg7: memref<2048x256xf32, #tpu.memory_space<vmem>>, %arg8: memref<2x256xf32, #tpu.memory_space<vmem>>) attributes {dimension_semantics = [#tpu.dimension_semantics<arbitrary>], iteration_bounds = array<i64: 8>, scalar_prefetch = 0 : i64, scratch_operands = 0 : i64, tpu.core_type = #tpu.core_type<tc>, window_params = [{transform_indices = @transform_0, window_bounds = array<i64: 2048, 512>}, {pipeline_mode = #tpu.pipeline_mode<synchronous>, transform_indices = @transform_1, window_bounds = array<i64: 2, 512>}, {pipeline_mode = #tpu.pipeline_mode<synchronous>, transform_indices = @transform_2, window_bounds = array<i64: 1, 512>}, {pipeline_mode = #tpu.pipeline_mode<synchronous>, transform_indices = @transform_3, window_bounds = array<i64: 1, 512>}, {pipeline_mode = #tpu.pipeline_mode<synchronous>, transform_indices = @transform_4, window_bounds = array<i64: 512, 256>}, {pipeline_mode = #tpu.pipeline_mode<synchronous>, transform_indices = @transform_5, window_bounds = array<i64: 1, 256>}, {transform_indices = @transform_6, window_bounds = array<i64: 2048, 256>}, {pipeline_mode = #tpu.pipeline_mode<synchronous>, transform_indices = @transform_7, window_bounds = array<i64: 2, 256>}]} {
    %get3A = arith.constant 0 : index
    %get3A_0 = arith.constant 0 : index
    %get3A_1 = vector.load %arg2[%get3A, %get3A_0] : memref<2x512xf32, #tpu.memory_space<vmem>>, vector<1x512xf32>
    %mul3A = arith.constant 6.10351563E-5 : f32
    %mul3A_2 = vector.broadcast %mul3A : f32 to vector<1x512xf32>
    %mul3A_3 = arith.mulf %get3A_1, %mul3A_2 : vector<1x512xf32>
    %get3A_4 = arith.constant 1 : index
    %get3A_5 = arith.constant 0 : index
    %get3A_6 = vector.load %arg2[%get3A_4, %get3A_5] : memref<2x512xf32, #tpu.memory_space<vmem>>, vector<1x512xf32>
    %mul3A_7 = arith.constant 6.10351563E-5 : f32
    %mul3A_8 = vector.broadcast %mul3A_7 : f32 to vector<1x512xf32>
    %mul3A_9 = arith.mulf %get3A_6, %mul3A_8 : vector<1x512xf32>
    %mul3A_10 = arith.mulf %mul3A_3, %mul3A_3 : vector<1x512xf32>
    %sub3A = arith.subf %mul3A_9, %mul3A_10 : vector<1x512xf32>
    %get3A_11 = arith.constant 0 : index
    %get3A_12 = arith.constant 0 : index
    %get3A_13 = vector.load %arg1[%get3A_11, %get3A_12] : memref<2048x512xf32, #tpu.memory_space<vmem>>, vector<2048x512xf32>
    %sub3A_14 = vector.broadcast %mul3A_3 : vector<1x512xf32> to vector<2048x512xf32>
    %sub3A_15 = arith.subf %get3A_13, %sub3A_14 : vector<2048x512xf32>
    %add3A = arith.constant 9.99999974E-6 : f32
    %add3A_16 = vector.broadcast %add3A : f32 to vector<1x512xf32>
    %add3A_17 = arith.addf %sub3A, %add3A_16 : vector<1x512xf32>
    %rsqrt3A = math.rsqrt %add3A_17 : vector<1x512xf32>
    %mul3A_18 = vector.broadcast %rsqrt3A : vector<1x512xf32> to vector<2048x512xf32>
    %mul3A_19 = arith.mulf %sub3A_15, %mul3A_18 : vector<2048x512xf32>
    %get3A_20 = arith.constant 0 : index
    %get3A_21 = arith.constant 0 : index
    %get3A_22 = vector.load %arg3[%get3A_20, %get3A_21] : memref<1x512xf32, #tpu.memory_space<vmem>>, vector<1x512xf32>
    %mul3A_23 = vector.broadcast %get3A_22 : vector<1x512xf32> to vector<2048x512xf32>
    %mul3A_24 = arith.mulf %mul3A_19, %mul3A_23 : vector<2048x512xf32>
    %get3A_25 = arith.constant 0 : index
    %get3A_26 = arith.constant 0 : index
    %get3A_27 = vector.load %arg4[%get3A_25, %get3A_26] : memref<1x512xf32, #tpu.memory_space<vmem>>, vector<1x512xf32>
    %add3A_28 = vector.broadcast %get3A_27 : vector<1x512xf32> to vector<2048x512xf32>
    %add3A_29 = arith.addf %mul3A_24, %add3A_28 : vector<2048x512xf32>
    %get3A_30 = arith.constant 0 : index
    %get3A_31 = arith.constant 0 : index
    %get3A_32 = vector.load %arg5[%get3A_30, %get3A_31] : memref<512x256xf32, #tpu.memory_space<vmem>>, vector<512x256xf32>
    %dot_general3A = arith.constant dense<0.000000e+00> : vector<2048x256xf32>
    %dot_general3A_33 = tpu.matmul %add3A_29, %get3A_32, %dot_general3A {dimension_numbers = #tpu.dot_dimension_numbers<[1], [0], [0], [1], [0, 0, 1, 1], [], []>, transpose_lhs_hint = false} : vector<2048x512xf32>, vector<512x256xf32>, vector<2048x256xf32> -> vector<2048x256xf32>
    %get3A_34 = arith.constant 0 : index
    %get3A_35 = arith.constant 0 : index
    %get3A_36 = vector.load %arg6[%get3A_34, %get3A_35] : memref<1x256xf32, #tpu.memory_space<vmem>>, vector<1x256xf32>
    %add3A_37 = vector.broadcast %get3A_36 : vector<1x256xf32> to vector<2048x256xf32>
    %add3A_38 = arith.addf %dot_general3A_33, %add3A_37 : vector<2048x256xf32>
    %max3A = arith.constant 0.000000e+00 : f32
    %max3A_39 = vector.broadcast %max3A : f32 to vector<2048x256xf32>
    %max3A_40 = arith.maximumf %add3A_38, %max3A_39 : vector<2048x256xf32>
    %swap3A = arith.constant 0 : index
    %swap3A_41 = arith.constant 0 : index
    %swap3A_42 = vector.load %arg7[%swap3A, %swap3A_41] : memref<2048x256xf32, #tpu.memory_space<vmem>>, vector<2048x256xf32>
    tpu.vector_store %arg7[%swap3A, %swap3A_41], %max3A_40 {strides = array<i32>} : memref<2048x256xf32, #tpu.memory_space<vmem>>, vector<2048x256xf32>,
    %reduce_sum3A = arith.constant dense<0.000000e+00> : vector<256xf32>
    %reduce_sum3A_43 = vector.multi_reduction <add>, %max3A_40, %reduce_sum3A [0] : vector<2048x256xf32> to vector<256xf32>
    %broadcast_in_dim3A = vector.shape_cast %reduce_sum3A_43 : vector<256xf32> to vector<1x256xf32>
    %mul3A_44 = arith.mulf %max3A_40, %max3A_40 : vector<2048x256xf32>
    %reduce_sum3A_45 = arith.constant dense<0.000000e+00> : vector<256xf32>
    %reduce_sum3A_46 = vector.multi_reduction <add>, %mul3A_44, %reduce_sum3A_45 [0] : vector<2048x256xf32> to vector<256xf32>
    %broadcast_in_dim3A_47 = vector.shape_cast %reduce_sum3A_46 : vector<256xf32> to vector<1x256xf32>
    %concatenate3A = tpu.concatenate %broadcast_in_dim3A, %broadcast_in_dim3A_47 in 0 : vector<1x256xf32>, vector<1x256xf32> -> vector<2x256xf32>
    %eq3A = arith.constant 0 : i32
    %eq3A_48 = arith.cmpi eq, %arg0, %eq3A : i32
    %convert_element_type3A = arith.extui %eq3A_48 : i1 to i32
    %cond3A = arith.constant 0 : i32
    %cond3A_49 = arith.cmpi ne, %convert_element_type3A, %cond3A : i32
    scf.if %cond3A_49 {
      %swap3A_54 = arith.constant 0 : index
      %swap3A_55 = arith.constant 0 : index
      %swap3A_56 = vector.load %arg8[%swap3A_54, %swap3A_55] : memref<2x256xf32, #tpu.memory_space<vmem>>, vector<2x256xf32>
      tpu.vector_store %arg8[%swap3A_54, %swap3A_55], %concatenate3A {strides = array<i32>} : memref<2x256xf32, #tpu.memory_space<vmem>>, vector<2x256xf32>,
    } else {
    }
    %gt3A = arith.constant 0 : i32
    %gt3A_50 = arith.cmpi sgt, %arg0, %gt3A : i32
    %convert_element_type3A_51 = arith.extui %gt3A_50 : i1 to i32
    %cond3A_52 = arith.constant 0 : i32
    %cond3A_53 = arith.cmpi ne, %convert_element_type3A_51, %cond3A_52 : i32
    scf.if %cond3A_53 {
      %get3A_54 = arith.constant 0 : index
      %get3A_55 = arith.constant 0 : index
      %get3A_56 = vector.load %arg8[%get3A_54, %get3A_55] : memref<2x256xf32, #tpu.memory_space<vmem>>, vector<2x256xf32>
      %add3A_57 = arith.addf %get3A_56, %concatenate3A : vector<2x256xf32>
      %swap3A_58 = arith.constant 0 : index
      %swap3A_59 = arith.constant 0 : index
      %swap3A_60 = vector.load %arg8[%swap3A_58, %swap3A_59] : memref<2x256xf32, #tpu.memory_space<vmem>>, vector<2x256xf32>
      tpu.vector_store %arg8[%swap3A_58, %swap3A_59], %add3A_57 {strides = array<i32>} : memref<2x256xf32, #tpu.memory_space<vmem>>, vector<2x256xf32>,
    } else {
    }
    return
  }
  func.func @transform_0(%arg0: i32) -> (i32, i32) {
    %c0_i32 = arith.constant 0 : i32
    %c0_i32_0 = arith.constant 0 : i32
    return %arg0, %c0_i32 : i32, i32
  }
  func.func @transform_1(%arg0: i32) -> (i32, i32) {
    %c0_i32 = arith.constant 0 : i32
    %c0_i32_0 = arith.constant 0 : i32
    %c0_i32_1 = arith.constant 0 : i32
    return %c0_i32, %c0_i32_0 : i32, i32
  }
  func.func @transform_2(%arg0: i32) -> (i32, i32) {
    %c0_i32 = arith.constant 0 : i32
    %c0_i32_0 = arith.constant 0 : i32
    %c0_i32_1 = arith.constant 0 : i32
    return %c0_i32, %c0_i32_0 : i32, i32
  }
  func.func @transform_3(%arg0: i32) -> (i32, i32) {
    %c0_i32 = arith.constant 0 : i32
    %c0_i32_0 = arith.constant 0 : i32
    %c0_i32_1 = arith.constant 0 : i32
    return %c0_i32, %c0_i32_0 : i32, i32
  }
  func.func @transform_4(%arg0: i32) -> (i32, i32) {
    %c0_i32 = arith.constant 0 : i32
    %c0_i32_0 = arith.constant 0 : i32
    %c0_i32_1 = arith.constant 0 : i32
    return %c0_i32, %c0_i32_0 : i32, i32
  }
  func.func @transform_5(%arg0: i32) -> (i32, i32) {
    %c0_i32 = arith.constant 0 : i32
    %c0_i32_0 = arith.constant 0 : i32
    %c0_i32_1 = arith.constant 0 : i32
    return %c0_i32, %c0_i32_0 : i32, i32
  }
  func.func @transform_6(%arg0: i32) -> (i32, i32) {
    %c0_i32 = arith.constant 0 : i32
    %c0_i32_0 = arith.constant 0 : i32
    return %arg0, %c0_i32 : i32, i32
  }
  func.func @transform_7(%arg0: i32) -> (i32, i32) {
    %c0_i32 = arith.constant 0 : i32
    %c0_i32_0 = arith.constant 0 : i32
    %c0_i32_1 = arith.constant 0 : i32
    return %c0_i32, %c0_i32_0 : i32, i32
  }
}

module attributes {stable_mosaic.version = 14 : i64} {
  func.func @_l3_body(%arg0: i32, %arg1: memref<2048x256xf32, #tpu.memory_space<vmem>>, %arg2: memref<2x256xf32, #tpu.memory_space<vmem>>, %arg3: memref<1x256xf32, #tpu.memory_space<vmem>>, %arg4: memref<1x256xf32, #tpu.memory_space<vmem>>, %arg5: memref<1x256xf32, #tpu.memory_space<vmem>>, %arg6: memref<1x1xf32, #tpu.memory_space<vmem>>, %arg7: memref<1x2048xf32, #tpu.memory_space<vmem>>) attributes {dimension_semantics = [#tpu.dimension_semantics<arbitrary>], iteration_bounds = array<i64: 8>, scalar_prefetch = 0 : i64, scratch_operands = 0 : i64, tpu.core_type = #tpu.core_type<tc>, window_params = [{transform_indices = @transform_0, window_bounds = array<i64: 2048, 256>}, {pipeline_mode = #tpu.pipeline_mode<synchronous>, transform_indices = @transform_1, window_bounds = array<i64: 2, 256>}, {pipeline_mode = #tpu.pipeline_mode<synchronous>, transform_indices = @transform_2, window_bounds = array<i64: 1, 256>}, {pipeline_mode = #tpu.pipeline_mode<synchronous>, transform_indices = @transform_3, window_bounds = array<i64: 1, 256>}, {pipeline_mode = #tpu.pipeline_mode<synchronous>, transform_indices = @transform_4, window_bounds = array<i64: 1, 256>}, {pipeline_mode = #tpu.pipeline_mode<synchronous>, transform_indices = @transform_5, window_bounds = array<i64: 1, 1>}, {transform_indices = @transform_6, window_bounds = array<i64: 1, 2048>}]} {
    %get3A = arith.constant 0 : index
    %get3A_0 = arith.constant 0 : index
    %get3A_1 = vector.load %arg2[%get3A, %get3A_0] : memref<2x256xf32, #tpu.memory_space<vmem>>, vector<1x256xf32>
    %mul3A = arith.constant 6.10351563E-5 : f32
    %mul3A_2 = vector.broadcast %mul3A : f32 to vector<1x256xf32>
    %mul3A_3 = arith.mulf %get3A_1, %mul3A_2 : vector<1x256xf32>
    %get3A_4 = arith.constant 1 : index
    %get3A_5 = arith.constant 0 : index
    %get3A_6 = vector.load %arg2[%get3A_4, %get3A_5] : memref<2x256xf32, #tpu.memory_space<vmem>>, vector<1x256xf32>
    %mul3A_7 = arith.constant 6.10351563E-5 : f32
    %mul3A_8 = vector.broadcast %mul3A_7 : f32 to vector<1x256xf32>
    %mul3A_9 = arith.mulf %get3A_6, %mul3A_8 : vector<1x256xf32>
    %mul3A_10 = arith.mulf %mul3A_3, %mul3A_3 : vector<1x256xf32>
    %sub3A = arith.subf %mul3A_9, %mul3A_10 : vector<1x256xf32>
    %get3A_11 = arith.constant 0 : index
    %get3A_12 = arith.constant 0 : index
    %get3A_13 = vector.load %arg1[%get3A_11, %get3A_12] : memref<2048x256xf32, #tpu.memory_space<vmem>>, vector<2048x256xf32>
    %sub3A_14 = vector.broadcast %mul3A_3 : vector<1x256xf32> to vector<2048x256xf32>
    %sub3A_15 = arith.subf %get3A_13, %sub3A_14 : vector<2048x256xf32>
    %add3A = arith.constant 9.99999974E-6 : f32
    %add3A_16 = vector.broadcast %add3A : f32 to vector<1x256xf32>
    %add3A_17 = arith.addf %sub3A, %add3A_16 : vector<1x256xf32>
    %rsqrt3A = math.rsqrt %add3A_17 : vector<1x256xf32>
    %mul3A_18 = vector.broadcast %rsqrt3A : vector<1x256xf32> to vector<2048x256xf32>
    %mul3A_19 = arith.mulf %sub3A_15, %mul3A_18 : vector<2048x256xf32>
    %get3A_20 = arith.constant 0 : index
    %get3A_21 = arith.constant 0 : index
    %get3A_22 = vector.load %arg3[%get3A_20, %get3A_21] : memref<1x256xf32, #tpu.memory_space<vmem>>, vector<1x256xf32>
    %mul3A_23 = vector.broadcast %get3A_22 : vector<1x256xf32> to vector<2048x256xf32>
    %mul3A_24 = arith.mulf %mul3A_19, %mul3A_23 : vector<2048x256xf32>
    %get3A_25 = arith.constant 0 : index
    %get3A_26 = arith.constant 0 : index
    %get3A_27 = vector.load %arg4[%get3A_25, %get3A_26] : memref<1x256xf32, #tpu.memory_space<vmem>>, vector<1x256xf32>
    %add3A_28 = vector.broadcast %get3A_27 : vector<1x256xf32> to vector<2048x256xf32>
    %add3A_29 = arith.addf %mul3A_24, %add3A_28 : vector<2048x256xf32>
    %get3A_30 = arith.constant 0 : index
    %get3A_31 = arith.constant 0 : index
    %get3A_32 = vector.load %arg5[%get3A_30, %get3A_31] : memref<1x256xf32, #tpu.memory_space<vmem>>, vector<1x256xf32>
    %dot_general3A = arith.constant dense<0.000000e+00> : vector<1x2048xf32>
    %dot_general3A_33 = tpu.matmul %get3A_32, %add3A_29, %dot_general3A {dimension_numbers = #tpu.dot_dimension_numbers<[1], [1], [0], [0], [0, 0, 1, 0], [], []>, transpose_lhs_hint = false} : vector<1x256xf32>, vector<2048x256xf32>, vector<1x2048xf32> -> vector<1x2048xf32>
    %get3A_34 = arith.constant 0 : index
    %get3A_35 = arith.constant 0 : index
    %get3A_36 = vector.load %arg6[%get3A_34, %get3A_35] : memref<1x1xf32, #tpu.memory_space<vmem>>, vector<1x1xf32>
    %add3A_37 = vector.broadcast %get3A_36 : vector<1x1xf32> to vector<1x2048xf32>
    %add3A_38 = arith.addf %dot_general3A_33, %add3A_37 : vector<1x2048xf32>
    %swap3A = arith.constant 0 : index
    %swap3A_39 = arith.constant 0 : index
    %swap3A_40 = vector.load %arg7[%swap3A, %swap3A_39] : memref<1x2048xf32, #tpu.memory_space<vmem>>, vector<1x2048xf32>
    tpu.vector_store %arg7[%swap3A, %swap3A_39], %add3A_38 {strides = array<i32>} : memref<1x2048xf32, #tpu.memory_space<vmem>>, vector<1x2048xf32>,
    return
  }
  func.func @transform_0(%arg0: i32) -> (i32, i32) {
    %c0_i32 = arith.constant 0 : i32
    %c0_i32_0 = arith.constant 0 : i32
    return %arg0, %c0_i32 : i32, i32
  }
  func.func @transform_1(%arg0: i32) -> (i32, i32) {
    %c0_i32 = arith.constant 0 : i32
    %c0_i32_0 = arith.constant 0 : i32
    %c0_i32_1 = arith.constant 0 : i32
    return %c0_i32, %c0_i32_0 : i32, i32
  }
  func.func @transform_2(%arg0: i32) -> (i32, i32) {
    %c0_i32 = arith.constant 0 : i32
    %c0_i32_0 = arith.constant 0 : i32
    %c0_i32_1 = arith.constant 0 : i32
    return %c0_i32, %c0_i32_0 : i32, i32
  }
  func.func @transform_3(%arg0: i32) -> (i32, i32) {
    %c0_i32 = arith.constant 0 : i32
    %c0_i32_0 = arith.constant 0 : i32
    %c0_i32_1 = arith.constant 0 : i32
    return %c0_i32, %c0_i32_0 : i32, i32
  }
  func.func @transform_4(%arg0: i32) -> (i32, i32) {
    %c0_i32 = arith.constant 0 : i32
    %c0_i32_0 = arith.constant 0 : i32
    %c0_i32_1 = arith.constant 0 : i32
    return %c0_i32, %c0_i32_0 : i32, i32
  }
  func.func @transform_5(%arg0: i32) -> (i32, i32) {
    %c0_i32 = arith.constant 0 : i32
    %c0_i32_0 = arith.constant 0 : i32
    %c0_i32_1 = arith.constant 0 : i32
    return %c0_i32, %c0_i32_0 : i32, i32
  }
  func.func @transform_6(%arg0: i32) -> (i32, i32) {
    %c0_i32 = arith.constant 0 : i32
    %c0_i32_0 = arith.constant 0 : i32
    return %c0_i32, %arg0 : i32, i32
  }
}

</mosaic_0001>

<sc_bundles>
// kernel: kernel.11.cloned.1.call-start
scs
__scs_entry_jumppad:
0x0: {  	(pc) =	sbr.rel $0x88, $3  }
0x1: {  	(tag) =	ssettag $0x0;
	lr =	simm.s32 $0x1  }
0x2: {  	[smem:$0x3F92] =	sst lr;
	_ =	strace $0xD0000000  }
0x3: {  	_ = 	snop  }
0x4: {  	_ = 	snop  }
0x5: {  	_ = 	snop  }
0x6: {  	_ = 	snop  }
0x7: {  	_ = 	snop  }
__scs_overlays_trampoline_lowered:
0x8: {  	[smem:$0x3FA1] =	sst s0  }
0x9: {  	[smem:$0x3FA2] =	sst s1  }
0xa: {  	[smem:$0x3FA3] =	sst s2  }
0xb: {  	[smem:$0x3FA4] =	sst s3  }
0xc: {  	[smem:$0x3FA5] =	sst s4  }
0xd: {  	[smem:$0x3FA6] =	sst s5  }
0xe: {  	[smem:$0x3FA7] =	sst s6  }
0xf: {  	[smem:$0x3FA8] =	sst s7  }
0x10: {  	[smem:$0x3FA9] =	sst s8  }
0x11: {  	[smem:$0x3FAA] =	sst s9;
	s0 =	simm.s32 @!p0 $0x0  }
0x12: {  	s1 =	sld [smem:$0x3F90];
	s0 =	simm.s32 @p0 $0x1  }
0x13: {  	[smem:$0x3FAB] =	sst s0;
	s0 =	simm.s32 @!p1 $0x0  }
0x14: {  	s2 =	sld [smem:$0x3F8F];
	s0 =	simm.s32 @p1 $0x1  }
0x15: {  	[smem:$0x3FAC] =	sst s0;
	s0 =	simm.s32 @!p2 $0x0  }
0x16: {  	s3 =	sld [smem:$0x3FDB];
	s0 =	simm.s32 @p2 $0x1  }
0x17: {  	s4 =	simm.s32 $0x1BF5;
	[smem:$0x3FAE] =	sst s0  }
0x18: {  	s0 =	sld [smem:$0x3F91];
	_ =	swait.ge [sflag:s4], $0x0  }
0x19: {  	s7 =	sld [smem:$0x3F92]  }
0x1a: {  	s8 =	sadd.s32 $0xFFFFE003, lr  }
0x1b: {  	s9 =	sadd.s32 $0xFFFFFEF7, lr;
	s5 =	simm.s32 $0xFFFFFFFF;
	p2 =	slt.u32 s8, $0xFFFFF086  }
0x1c: {  	p1 =	slt.u32 s9, $0xF7A;
	s5 =	simm.s32 @!p2 $0x0  }
0x1d: {  	s5 =	simm.s32 @p1 $0x1;
	p0 =	seq.s32 s7, s2  }
0x1e: {  	s7 =	smul.u32 @!p0 $0xF7A, s2;
	p2 =	seq.s32 @!p0 s5, $0x0  }
0x1f: {  	s9 =	smul.u32 $0xF7A, s1;
	s8 =	simm.s32 @!p0 $0x1BF5;
	p2 =	por !p2, p0  }
0x20: {  	[sflag:s8] =	ssyncset.s32 @!p0 $0xFFFFF086;
	s6 =	sadd.s32 @!p0 s3, s7;
	s7 =	simm.s32 @!p0 $0x108  }
0x21: {  	s3 =	sadd.s32 s3, s9;
	s6 =	sadd.s32 @!p0 $0x88, s6;
	s7 =	simm.s32 @p2 $0x1082  }
0x22: {  	[simem:s7], [sflag:s8] =	dma.local @!p0 [hbm:s6], $0xF7A  }
0x23: {  	s9 =	sor.u32 $0xD0000000, s2;
	s6 =	simm.s32 $0x108;
	_ =	swait.ge @!p0 [sflag:s8], $0x0  }
0x24: {  	s3 =	sadd.s32 $0x88, s3;
	s6 =	simm.s32 @!p1 $0x1082;
	[sflag:s4] =	ssyncset.s32 $0xFFFFF086  }
0x25: {  	[simem:s6], [sflag:s4] =	dma.local [hbm:s3], $0xF7A  }
0x26: {  	[smem:$0x3F92] =	sst s1;
	(tag) =	ssettag s2;
	_ =	strace s9  }
0x27: {  	s1 =	sld [smem:$0x3FA2]  }
0x28: {  	s2 =	sld [smem:$0x3FA3]  }
0x29: {  	s4 =	sld [smem:$0x3FA5]  }
0x2a: {  	p0 =	seq.s32 s5, $0x0;
	s5 =	sld [smem:$0x3FA6]  }
0x2b: {  	s6 =	sld [smem:$0x3FA7]  }
0x2c: {  	s7 =	sld [smem:$0x3FA8]  }
0x2d: {  	s3 =	simm.s32 $0x108;
	s8 =	sld [smem:$0x3FA9]  }
0x2e: {  	s3 =	simm.s32 @!p0 $0x1082;
	s9 =	sld [smem:$0x3FAA]  }
0x2f: {  	lr =	sadd.s32 s0, s3;
	s0 =	sld [smem:$0x3FA1]  }
0x30: {  	s3 =	sld [smem:$0x3FA4]  }
0x31: {  	[smem:$0x3FAD] =	sst s10  }
0x32: {  	s10 =	sld [smem:$0x3FAB];
	_ =	sdelay $0x3  }
0x33: {  	p0 =	seq.s32 s10, $0x1;
	s10 =	sld [smem:$0x3FAD];
	_ =	sdelay $0x3  }
0x34: {  	[smem:$0x3FAD] =	sst s10  }
0x35: {  	s10 =	sld [smem:$0x3FAC];
	_ =	sdelay $0x3  }
0x36: {  	p1 =	seq.s32 s10, $0x1;
	s10 =	sld [smem:$0x3FAD];
	_ =	sdelay $0x3  }
0x37: {  	[smem:$0x3FAD] =	sst s10  }
0x38: {  	s10 =	sld [smem:$0x3FAE]  }
0x39: {  	_ = 	snop;
	(pc) =	sbr.ind lr, $3  }
0x3a: {  	_ = 	snop  }
0x3b: {  	_ = 	snop  }
0x3c: {  	p2 =	seq.s32 s10, $0x1;
	s10 =	sld [smem:$0x3FAD]  }
0x3d: {  	_ =	shalt  }
0x3e: {  	_ =	shalt  }
0x3f: {  	_ =	shalt  }
0x40: {  	_ =	shalt  }
0x41: {  	_ =	shalt  }
0x42: {  	_ =	shalt  }
0x43: {  	_ =	shalt  }
0x44: {  	_ =	shalt  }
0x45: {  	_ =	shalt  }
0x46: {  	_ =	shalt  }
0x47: {  	_ =	shalt  }
0x48: {  	_ =	shalt  }
0x49: {  	_ =	shalt  }
0x4a: {  	_ =	shalt  }
0x4b: {  	_ =	shalt  }
0x4c: {  	_ =	shalt  }
0x4d: {  	_ =	shalt  }
0x4e: {  	_ =	shalt  }
0x4f: {  	_ =	shalt  }
0x50: {  	_ =	shalt  }
0x51: {  	_ =	shalt  }
0x52: {  	_ =	shalt  }
0x53: {  	_ =	shalt  }
0x54: {  	_ =	shalt  }
0x55: {  	_ =	shalt  }
0x56: {  	_ =	shalt  }
0x57: {  	_ =	shalt  }
0x58: {  	_ =	shalt  }
0x59: {  	_ =	shalt  }
0x5a: {  	_ =	shalt  }
0x5b: {  	_ =	shalt  }
0x5c: {  	_ =	shalt  }
0x5d: {  	_ =	shalt  }
0x5e: {  	_ =	shalt  }
0x5f: {  	_ =	shalt  }
0x60: {  	_ =	shalt  }
0x61: {  	_ =	shalt  }
0x62: {  	_ =	shalt  }
0x63: {  	_ =	shalt  }
0x64: {  	_ =	shalt  }
0x65: {  	_ =	shalt  }
0x66: {  	_ =	shalt  }
0x67: {  	_ =	shalt  }
0x68: {  	_ =	shalt  }
0x69: {  	_ =	shalt  }
0x6a: {  	_ =	shalt  }
0x6b: {  	_ =	shalt  }
0x6c: {  	_ =	shalt  }
0x6d: {  	_ =	shalt  }
0x6e: {  	_ =	shalt  }
0x6f: {  	_ =	shalt  }
0x70: {  	_ =	shalt  }
0x71: {  	_ =	shalt  }
0x72: {  	_ =	shalt  }
0x73: {  	_ =	shalt  }
0x74: {  	_ =	shalt  }
0x75: {  	_ =	shalt  }
0x76: {  	_ =	shalt  }
0x77: {  	_ =	shalt  }
0x78: {  	_ =	shalt  }
0x79: {  	_ =	shalt  }
0x7a: {  	_ =	shalt  }
0x7b: {  	_ =	shalt  }
0x7c: {  	_ =	shalt  }
0x7d: {  	_ =	shalt  }
0x7e: {  	_ =	shalt  }
0x7f: {  	_ =	shalt  }
0x80: {  	_ =	shalt  }
0x81: {  	_ =	shalt  }
0x82: {  	_ =	shalt  }
0x83: {  	_ =	shalt  }
0x84: {  	_ =	shalt  }
0x85: {  	_ =	shalt  }
0x86: {  	_ =	shalt  }
0x87: {  	_ =	shalt  }
.Lfunc_end0:
.L_simem_size_0:
called_computation_lowered:
.L_overlay_start_0:
0x88: {  	s2 =	sld [smem:$0x3FD9]  }
0x89: {  	s3 =	sld [smem:$0x3FFE];
	_ =	sdelay $0x1  }
0x8a: {  	s1 =	srdreg.scid  }
0x8b: {  	s0 =	sand.u32 $0x1, s1  }
0x8c: {  	s16 =	sshll.u32 s0, $0xA;
	s2 =	sadd.s32 s3, s2  }
0x8d: {  	s2 =	sadd.s32 s2, s16  }
0x8e: {  	[smem:$0x3FB9] =	sst s2  }
0x8f: {  	_ = 	snop  }
0x90: {  	(tm) =	ssettm $0x1  }
0x91: {  	s17 =	sld [smem:$0x3FFB];
	_ =	sdelay $0x3  }
0x92: {  	_ =	strace s17  }
0x93: {  	s2 =	sld [smem:$0x3FFC];
	_ =	sdelay $0x3  }
0x94: {  	_ =	strace s2  }
0x95: {  	s2 =	sld [smem:$0x3FFD];
	_ =	sdelay $0x3  }
0x96: {  	_ =	strace s2  }
0x97: {  	_ =	strace $0x8FFFFFFF  }
0x98: {  	s18 =	sld [smem:$0x3FDB];
	_ =	sdelay $0x1  }
0x99: {  	s19 =	simm.s32 $_scs_section_size  }
0x9a: {  	s4 =	simm.s32 $_size__tile_overlayer_lowered;
	s5 =	simm.s32 $_tile_overlayer_lowered  }
0x9b: {  	s22 =	simm.s32 $0x1BFF;
	s21 =	sshll.u32 s5, $0x1;
	s2 =	sadd.s32 s19, s18  }
0x9c: {  	s6 =	simm.s32 $0x0;
	s20 =	sshll.u32 s4, $0x1;
	s4 =	sadd.s32 s21, s2  }
0x9d: {  	[timem:s6], [sflag:s22] =	dma.local [hbm:s4], s20  }
0x9e: {  	_ =	swait.ge [sflag:s22], s20  }
0x9f: {  	s3 =	ssub.s32 $0x0, s20;
	[sflag:s22] =	ssyncset.done $0x0  }
0xa0: {  	[sflag:s22] =	ssyncadd.s32 s3;
	_ =	sdelay $0x1  }
0xa1: {  	s23 =	simm.s32 $0x1B8B  }
0xa2: {  	_ =	swait.ge [sflag:s23], $0x1  }
0xa3: {  	[sflag:s23] =	ssyncset.done $0x0  }
0xa4: {  	s25 =	simm.s32 $0x1B8E;
	s24 =	sld [smem:$0x3FFE];
	[sflag:s23] =	ssyncadd.s32 $0xFFFFFFFF  }
0xa5: {  	s26 =	simm.s32 $execute0_lowered;
	[smem:$0x3FD2] =	sst s25  }
0xa6: {  	s4 =	sshll.u32 s26, $0x1;
	_ =	strace $0x80000046;
	[dreg:$0x1] =	wrdreg $0xFFFFFFFF  }
0xa7: {  	s28 =	simm.s32 $_size_execute0_lowered;
	s2 =	sadd.s32 s2, s4;
	[dreg:$0x0] =	wrdreg $0x0  }
0xa8: {  	s4 =	sshll.u32 s28, $0x1;
	[dreg:$0x2] =	wrdreg s2  }
0xa9: {  	[dreg:$0x3] =	wrdreg s4  }
0xaa: {  	[dreg:$0x4] =	wrdreg $0xC0  }
0xab: {  	_ =	task [dreg:s6], $0x5FFFF  }
0xac: {  	[dreg:$0x1] =	wrdreg $0xFFFFFFFF  }
0xad: {  	[dreg:$0x0] =	wrdreg $0x60  }
0xae: {  	[dreg:$0x2] =	wrdreg s24  }
0xaf: {  	[dreg:$0x3] =	wrdreg $0x9  }
0xb0: {  	_ =	task.clear_ibuf [dreg:s6], $0x4FFFF;
	_ =	strace $0x90000046  }
0xb1: {  	s29 =	simm.s32 $0x9;
	_ =	strace $0x80000048  }
0xb2: {  	_ =	swait.ge [sflag:s29], $0x1  }
0xb3: {  	[sflag:s29] =	ssyncadd.s32 $0xFFFFFFFF  }
0xb4: {  	_ =	strace $0x90000048  }
0xb5: {  	_ =	sfence  }
0xb6: {  	s30 =	sld [smem:$0x0];
	_ =	sdelay $0x2  }
0xb7: {  	s31 =	sshll.u32 s1, $0xD;
	s1 =	sshrl.u32 s1, $0x2  }
0xb8: {  	s3 =	sand.u32 $0x4000, s31;
	s1 =	sadd.s32 s1, s30  }
0xb9: {  	s0 =	sor.u32 s3, s0;
	s1 =	sshll.u32 s1, $0x11  }
0xba: {  	s0 =	sor.u32 s1, s0  }
0xbb: {  	s0 =	sadd.s32 $0x8F2B, s0  }
0xbc: {  	[sflag:s0] =	ssyncadd.remote.s32 $0x1  }
0xbd: {  	_ =	sfence.sel $0xFFFF  }
0xbe: {  	[dreg:$0x0] =	wrdreg $0xFFFFFFFF;
	(pc) =	sbr.abs _section_cstart, $3  }
0xbf: {  	[dreg:$0x1] =	wrdreg $0xFFFFFFFF  }
0xc0: {  	_ =	task.clear_ibuf [dreg:s6], $0x2FFFF;
	_ =	strace $0x9FFFFFFF  }
0xc1: {  	(tm) =	ssettm $0x7FFFFFFF  }
tec
execute0_lowered:
.L_overlay_start_1:
0x0: {  	(tag) =	ssettag $0x1  }
0x1: {  	s3 =	rddreg [dreg:$0x0]  }
0x2: {  	s0 =	rddreg [dreg:$0x1]  }
0x3: {  	s2 =	simm.s32 $0x0;
	s4 =	srdreg.scid;
	s1 =	stileid.u32  }
0x4: {  	[smem:$0x7FF] =	sst s2;
	s4 =	sand.u32 $0x1, s4;
	s8 =	sshll.u32 s1, $0x1  }
0x5: {  	s10 =	sadd.s32 $0x2E00, s3;
	s9 =	sshrl.u32 s1, $0x2;
	_ =	strace $0x80000047  }
0x6: {  	s5 =	sor.u32 s4, s8;
	s4 =	ssub.s32 $0x2, s4;
	s13 =	sshll.u32 s9, $0x3  }
0x7: {  	s23 =	sshll.u32 s9, $0x11;
	p0 =	seq.s32 s9, $0x3;
	s9 =	sshllo.u32 s9, $0x3  }
0x8: {  	s5 =	sshll.u32 s5, $0xB;
	s22 =	sshrl.u32 s4, $0x1;
	s15 =	sor.u32 $0x1, s13  }
0x9: {  	s16 =	sor.u32 $0x2, s13;
	s6 =	sor.u32 $0x3, s13;
	s17 =	sor.u32 $0x4, s13  }
0xa: {  	s19 =	sor.u32 $0x5, s13;
	s21 =	sor.u32 $0x6, s13;
	s9 =	smin.u32 s9, $0x19  }
0xb: {  	s11 =	sadd.s32 s5, s3;
	s14 =	sand.u32 $0x3800, s5;
	s12 =	ssub.s32 s4, s22  }
0xc: {  	s25 =	sshll.u32 s15, $0xE;
	s16 =	simm.s32 @p0 $0x18;
	s18 =	smin.u32 s6, $0x19  }
0xd: {  	p0 =	slt.u32 s17, $0x1A;
	s19 =	smin.u32 s19, $0x19;
	s22 =	sand.u32 $0x10, s8  }
0xe: {  	s24 =	sor.u32 s23, s14;
	s4 =	sor.u32 s14, s25;
	s26 =	sshll.u32 s16, $0xE  }
0xf: {  	s6 =	sshll.u32 s18, $0xE;
	s17 =	simm.s32 @!p0 $0x18;
	s20 =	sshll.u32 s19, $0xE  }
0x10: {  	p0 =	slt.u32 s21, $0x1A;
	s13 =	ssub.s32 s13, s22;
	s15 =	ssub.s32 s15, s22  }
0x11: {  	s16 =	ssub.s32 s16, s22;
	s18 =	ssub.s32 s18, s22;
	s19 =	ssub.s32 s19, s22  }
0x12: {  	s23 =	sshll.u32 s9, $0xE;
	s30 =	ssub.s32 s9, s22;
	s13 =	smul.u32 $0x18800, s13  }
0x13: {  	s11 =	sadd.s32 $0xFE00, s11;
	s12 =	smax.u32 s12, $0x1;
	s15 =	smul.u32 $0x18800, s15  }
0x14: {  	s3 =	sshrl.u32 s24, $0x3;
	s4 =	sshrl.u32 s4, $0x3;
	s16 =	smul.u32 $0x18800, s16  }
0x15: {  	s5 =	sor.u32 s14, s26;
	s6 =	sor.u32 s14, s6;
	s18 =	smul.u32 $0x18800, s18  }
0x16: {  	s7 =	sshll.u32 s17, $0xE;
	s20 =	sor.u32 s14, s20;
	s19 =	smul.u32 $0x18800, s19  }
0x17: {  	s21 =	simm.s32 @!p0 $0x18;
	s17 =	ssub.s32 s17, s22;
	s31 =	smul.u32 $0x18800, s30  }
0x18: {  	s3 =	sadd.s32 s10, s3;
	s4 =	sadd.s32 s10, s4;
	s5 =	sshrl.u32 s5, $0x3  }
0x19: {  	s6 =	sshrl.u32 s6, $0x3;
	s7 =	sor.u32 s14, s7;
	s20 =	sshrl.u32 s20, $0x3  }
0x1a: {  	v3 =	vlaneseq.u32;
	s28 =	sshll.u32 s21, $0xE;
	s17 =	smul.u32 $0x18800, s17;
	s21 =	ssub.s32 s21, s22  }
0x1b: {  	v3 =	vmul.u32 $0x8, v3;
	s5 =	sadd.s32 s10, s5;
	s6 =	sadd.s32 s10, s6;
	s7 =	sshrl.u32 s7, $0x3  }
0x1c: {  	s8 =	sadd.s32 s10, s20;
	s20 =	sor.u32 s14, s28;
	s14 =	sor.u32 s14, s23  }
0x1d: {  	v9 =	vor.u32 $0x1, v3;
	v0 =	vmov s13;
	s29 =	smul.u32 $0x18800, s21;
	v1 =	vmov s15;
	s13 =	simm.s32 $0x1;
	s15 =	simm.s32 $0x1000  }
0x1e: {  	v2 =	vmov s16;
	v4 =	vmov s18;
	v6 =	vmov s19;
	s16 =	simm.s32 $0x1800;
	s18 =	simm.s32 $0x3000;
	s19 =	simm.s32 $0x3800  }
0x1f: {  	v10 =	vor.u32 $0x2, v3;
	v11 =	vor.u32 $0x3, v3;
	v12 =	vor.u32 $0x4, v3;
	s21 =	simm.s32 $0x0;
	s7 =	sadd.s32 s10, s7;
	s20 =	sshrl.u32 s20, $0x3  }
0x20: {  	v13 =	vor.u32 $0x5, v3;
	v14 =	vor.u32 $0x6, v3;
	s14 =	sshrl.u32 s14, $0x3;
	v5 =	vmov s17;
	s17 =	simm.s32 $0x2800;
	s9 =	sadd.s32 s10, s20  }
0x21: {  	v15 =	vor.u32 $0x7, v3;
	v8 =	vmov s31;
	s10 =	sadd.s32 s10, s14;
	v7 =	vmov s29;
	s14 =	simm.s32 $0x800;
	s20 =	simm.s32 $0x4000  }
.LBB2_1:
0x22: {  	[tilespmem:s2], [sflag:$0x1] =	stream.linear.gather [hbm4b:s3+s2], $0x800, $0x38;
	[tilespmem:$0x8000] =	vst v63  }
0x23: {  	_ =	swait.ge [sflag:s13], $0x800  }
0x24: {  	[sflag:s13] =	ssyncset.done $0x0  }
0x25: {  	[sflag:s13] =	ssyncadd.s32 $0xFFFFF800  }
0x26: {  	[tilespmem:s14], [sflag:$0x1] =	stream.linear.gather [hbm4b:s4+s2], $0x800, $0x38;
	[tilespmem:$0x8000] =	vst v63  }
0x27: {  	_ =	swait.ge [sflag:s13], $0x800  }
0x28: {  	[sflag:s13] =	ssyncset.done $0x0  }
0x29: {  	[sflag:s13] =	ssyncadd.s32 $0xFFFFF800  }
0x2a: {  	[tilespmem:s15], [sflag:$0x1] =	stream.linear.gather [hbm4b:s5+s2], $0x800, $0x38;
	[tilespmem:$0x8000] =	vst v63  }
0x2b: {  	_ =	swait.ge [sflag:s13], $0x800  }
0x2c: {  	[sflag:s13] =	ssyncset.done $0x0  }
0x2d: {  	[sflag:s13] =	ssyncadd.s32 $0xFFFFF800  }
0x2e: {  	[tilespmem:s16], [sflag:$0x1] =	stream.linear.gather [hbm4b:s6+s2], $0x800, $0x38;
	[tilespmem:$0x8000] =	vst v63  }
0x2f: {  	_ =	swait.ge [sflag:s13], $0x800  }
0x30: {  	[sflag:s13] =	ssyncset.done $0x0  }
0x31: {  	s22 =	simm.s32 $0x2000;
	[sflag:s13] =	ssyncadd.s32 $0xFFFFF800  }
0x32: {  	[tilespmem:s22], [sflag:$0x1] =	stream.linear.gather [hbm4b:s7+s2], $0x800, $0x38;
	[tilespmem:$0x8000] =	vst v63  }
0x33: {  	_ =	swait.ge [sflag:s13], $0x800  }
0x34: {  	[sflag:s13] =	ssyncset.done $0x0  }
0x35: {  	[sflag:s13] =	ssyncadd.s32 $0xFFFFF800  }
0x36: {  	[tilespmem:s17], [sflag:$0x1] =	stream.linear.gather [hbm4b:s8+s2], $0x800, $0x38;
	[tilespmem:$0x8000] =	vst v63  }
0x37: {  	_ =	swait.ge [sflag:s13], $0x800  }
0x38: {  	[sflag:s13] =	ssyncset.done $0x0  }
0x39: {  	[sflag:s13] =	ssyncadd.s32 $0xFFFFF800  }
0x3a: {  	[tilespmem:s18], [sflag:$0x1] =	stream.linear.gather [hbm4b:s9+s2], $0x800, $0x38;
	[tilespmem:$0x8000] =	vst v63  }
0x3b: {  	_ =	swait.ge [sflag:s13], $0x800  }
0x3c: {  	[sflag:s13] =	ssyncset.done $0x0  }
0x3d: {  	[sflag:s13] =	ssyncadd.s32 $0xFFFFF800  }
0x3e: {  	[tilespmem:s19], [sflag:$0x1] =	stream.linear.gather [hbm4b:s10+s2], $0x800, $0x38;
	[tilespmem:$0x8000] =	vst v63  }
0x3f: {  	_ =	swait.ge [sflag:s13], $0x800  }
0x40: {  	[sflag:s13] =	ssyncset.done $0x0  }
0x41: {  	[sflag:s13] =	ssyncadd.s32 $0xFFFFF800  }
0x42: {  	v16 =	vld [tilespmem:s22+$0xFFFFE000];
	_ =	sdelay $0x3  }
0x43: {  	v17 =	vor.u32 s2, v3  }
0x44: {  	v18 =	vshll.u32 v16, $0x3;
	v19 =	vshrl.u32 v16, $0x7  }
0x45: {  	v16 =	vand.u32 $0xFFFFFC00, v16;
	v18 =	vand.u32 $0x3F8, v18;
	v19 =	vand.u32 $0x7, v19  }
0x46: {  	v16 =	vor.u32 v18, v16;
	v18 =	vor.u32 v0, v19  }
0x47: {  	v16 =	vadd.s32 v16, v18  }
0x48: {  	[tilespmem:v17+s20+$0x0] =	vst.idx.msk $0xffff, v16  }
0x49: {  	v16 =	vld [tilespmem:s22+$0xFFFFE800];
	_ =	sdelay $0x3  }
0x4a: {  	v17 =	vor.u32 s2, v9  }
0x4b: {  	v18 =	vshll.u32 v16, $0x3;
	v19 =	vshrl.u32 v16, $0x7  }
0x4c: {  	v16 =	vand.u32 $0xFFFFFC00, v16;
	v18 =	vand.u32 $0x3F8, v18;
	v19 =	vand.u32 $0x7, v19  }
0x4d: {  	v16 =	vor.u32 v18, v16;
	v18 =	vor.u32 v1, v19  }
0x4e: {  	v16 =	vadd.s32 v16, v18  }
0x4f: {  	[tilespmem:v17+s20+$0x0] =	vst.idx.msk $0xffff, v16  }
0x50: {  	v16 =	vld [tilespmem:s22+$0xFFFFF000];
	_ =	sdelay $0x3  }
0x51: {  	v17 =	vor.u32 s2, v10  }
0x52: {  	v18 =	vshll.u32 v16, $0x3;
	v19 =	vshrl.u32 v16, $0x7  }
0x53: {  	v16 =	vand.u32 $0xFFFFFC00, v16;
	v18 =	vand.u32 $0x3F8, v18;
	v19 =	vand.u32 $0x7, v19  }
0x54: {  	v16 =	vor.u32 v18, v16;
	v18 =	vor.u32 v2, v19  }
0x55: {  	v16 =	vadd.s32 v16, v18  }
0x56: {  	[tilespmem:v17+s20+$0x0] =	vst.idx.msk $0xffff, v16  }
0x57: {  	v16 =	vld [tilespmem:s22+$0xFFFFF800];
	_ =	sdelay $0x3  }
0x58: {  	v17 =	vor.u32 s2, v11  }
0x59: {  	v18 =	vshll.u32 v16, $0x3;
	v19 =	vshrl.u32 v16, $0x7  }
0x5a: {  	v16 =	vand.u32 $0xFFFFFC00, v16;
	v18 =	vand.u32 $0x3F8, v18;
	v19 =	vand.u32 $0x7, v19  }
0x5b: {  	v16 =	vor.u32 v18, v16;
	v18 =	vor.u32 v4, v19  }
0x5c: {  	v16 =	vadd.s32 v16, v18  }
0x5d: {  	[tilespmem:v17+s20+$0x0] =	vst.idx.msk $0xffff, v16  }
0x5e: {  	v16 =	vld [tilespmem:s22+$0x0];
	_ =	sdelay $0x3  }
0x5f: {  	v17 =	vor.u32 s2, v12  }
0x60: {  	v18 =	vshll.u32 v16, $0x3;
	v19 =	vshrl.u32 v16, $0x7  }
0x61: {  	v16 =	vand.u32 $0xFFFFFC00, v16;
	v18 =	vand.u32 $0x3F8, v18;
	v19 =	vand.u32 $0x7, v19  }
0x62: {  	v16 =	vor.u32 v18, v16;
	v18 =	vor.u32 v5, v19  }
0x63: {  	v16 =	vadd.s32 v16, v18  }
0x64: {  	[tilespmem:v17+s20+$0x0] =	vst.idx.msk $0xffff, v16  }
0x65: {  	v16 =	vld [tilespmem:s22+$0x800];
	_ =	sdelay $0x3  }
0x66: {  	v17 =	vor.u32 s2, v13  }
0x67: {  	v18 =	vshll.u32 v16, $0x3;
	v19 =	vshrl.u32 v16, $0x7  }
0x68: {  	v16 =	vand.u32 $0xFFFFFC00, v16;
	v18 =	vand.u32 $0x3F8, v18;
	v19 =	vand.u32 $0x7, v19  }
0x69: {  	v16 =	vor.u32 v18, v16;
	v18 =	vor.u32 v6, v19  }
0x6a: {  	v16 =	vadd.s32 v16, v18  }
0x6b: {  	[tilespmem:v17+s20+$0x0] =	vst.idx.msk $0xffff, v16  }
0x6c: {  	v16 =	vld [tilespmem:s22+$0x1000];
	_ =	sdelay $0x3  }
0x6d: {  	v17 =	vor.u32 s2, v14  }
0x6e: {  	v18 =	vshll.u32 v16, $0x3;
	v19 =	vshrl.u32 v16, $0x7  }
0x6f: {  	v16 =	vand.u32 $0xFFFFFC00, v16;
	v18 =	vand.u32 $0x3F8, v18;
	v19 =	vand.u32 $0x7, v19  }
0x70: {  	v16 =	vor.u32 v18, v16;
	v18 =	vor.u32 v7, v19  }
0x71: {  	v16 =	vadd.s32 v16, v18  }
0x72: {  	[tilespmem:v17+s20+$0x0] =	vst.idx.msk $0xffff, v16  }
0x73: {  	v16 =	vld [tilespmem:s22+$0x1800];
	_ =	sdelay $0x4  }
0x74: {  	v17 =	vshll.u32 v16, $0x3  }
0x75: {  	v18 =	vshrl.u32 v16, $0x7;
	v16 =	vand.u32 $0xFFFFFC00, v16;
	v17 =	vand.u32 $0x3F8, v17  }
0x76: {  	v17 =	vor.u32 v17, v16;
	v16 =	vor.u32 s2, v15  }
0x77: {  	v18 =	vand.u32 $0x7, v18  }
0x78: {  	v18 =	vor.u32 v8, v18  }
0x79: {  	s23 =	simm.s32 $0x80;
	v17 =	vadd.s32 v17, v18  }
.LBB2_2:
0x7a: {  	p0 =	sne.s32 s23, $0x3F80  }
0x7b: {  	[tilespmem:v16+s20+$0x0] =	vst.idx.msk $0xffff, v17;
	s22 =	sadd.s32 $0x10, s22;
	s24 =	smov.u32 s23;
	s23 =	sadd.s32 $0x80, s23  }
0x7c: {  	v16 =	vld [tilespmem:s22+$0xFFFFE000];
	_ =	sdelay $0x3  }
0x7d: {  	v17 =	vor.u32 s24, v3  }
0x7e: {  	v18 =	vshll.u32 v16, $0x3;
	v19 =	vshrl.u32 v16, $0x7  }
0x7f: {  	v16 =	vand.u32 $0xFFFFFC00, v16;
	v18 =	vand.u32 $0x3F8, v18;
	v19 =	vand.u32 $0x7, v19  }
0x80: {  	v16 =	vor.u32 v18, v16;
	v18 =	vor.u32 v0, v19  }
0x81: {  	v16 =	vadd.s32 v16, v18  }
0x82: {  	[tilespmem:v17+s20+$0x0] =	vst.idx.msk $0xffff, v16  }
0x83: {  	v16 =	vld [tilespmem:s22+$0xFFFFE800];
	_ =	sdelay $0x3  }
0x84: {  	v17 =	vor.u32 s24, v9  }
0x85: {  	v18 =	vshll.u32 v16, $0x3;
	v19 =	vshrl.u32 v16, $0x7  }
0x86: {  	v16 =	vand.u32 $0xFFFFFC00, v16;
	v18 =	vand.u32 $0x3F8, v18;
	v19 =	vand.u32 $0x7, v19  }
0x87: {  	v16 =	vor.u32 v18, v16;
	v18 =	vor.u32 v1, v19  }
0x88: {  	v16 =	vadd.s32 v16, v18  }
0x89: {  	[tilespmem:v17+s20+$0x0] =	vst.idx.msk $0xffff, v16  }
0x8a: {  	v16 =	vld [tilespmem:s22+$0xFFFFF000];
	_ =	sdelay $0x3  }
0x8b: {  	v17 =	vor.u32 s24, v10  }
0x8c: {  	v18 =	vshll.u32 v16, $0x3;
	v19 =	vshrl.u32 v16, $0x7  }
0x8d: {  	v16 =	vand.u32 $0xFFFFFC00, v16;
	v18 =	vand.u32 $0x3F8, v18;
	v19 =	vand.u32 $0x7, v19  }
0x8e: {  	v16 =	vor.u32 v18, v16;
	v18 =	vor.u32 v2, v19  }
0x8f: {  	v16 =	vadd.s32 v16, v18  }
0x90: {  	[tilespmem:v17+s20+$0x0] =	vst.idx.msk $0xffff, v16  }
0x91: {  	v16 =	vld [tilespmem:s22+$0xFFFFF800];
	_ =	sdelay $0x3  }
0x92: {  	v17 =	vor.u32 s24, v11  }
0x93: {  	v18 =	vshll.u32 v16, $0x3;
	v19 =	vshrl.u32 v16, $0x7  }
0x94: {  	v16 =	vand.u32 $0xFFFFFC00, v16;
	v18 =	vand.u32 $0x3F8, v18;
	v19 =	vand.u32 $0x7, v19  }
0x95: {  	v16 =	vor.u32 v18, v16;
	v18 =	vor.u32 v4, v19  }
0x96: {  	v16 =	vadd.s32 v16, v18  }
0x97: {  	[tilespmem:v17+s20+$0x0] =	vst.idx.msk $0xffff, v16  }
0x98: {  	v16 =	vld [tilespmem:s22+$0x0];
	_ =	sdelay $0x3  }
0x99: {  	v17 =	vor.u32 s24, v12  }
0x9a: {  	v18 =	vshll.u32 v16, $0x3;
	v19 =	vshrl.u32 v16, $0x7  }
0x9b: {  	v16 =	vand.u32 $0xFFFFFC00, v16;
	v18 =	vand.u32 $0x3F8, v18;
	v19 =	vand.u32 $0x7, v19  }
0x9c: {  	v16 =	vor.u32 v18, v16;
	v18 =	vor.u32 v5, v19  }
0x9d: {  	v16 =	vadd.s32 v16, v18  }
0x9e: {  	[tilespmem:v17+s20+$0x0] =	vst.idx.msk $0xffff, v16  }
0x9f: {  	v16 =	vld [tilespmem:s22+$0x800];
	_ =	sdelay $0x3  }
0xa0: {  	v17 =	vor.u32 s24, v13  }
0xa1: {  	v18 =	vshll.u32 v16, $0x3;
	v19 =	vshrl.u32 v16, $0x7  }
0xa2: {  	v16 =	vand.u32 $0xFFFFFC00, v16;
	v18 =	vand.u32 $0x3F8, v18;
	v19 =	vand.u32 $0x7, v19  }
0xa3: {  	v16 =	vor.u32 v18, v16;
	v18 =	vor.u32 v6, v19  }
0xa4: {  	v16 =	vadd.s32 v16, v18  }
0xa5: {  	[tilespmem:v17+s20+$0x0] =	vst.idx.msk $0xffff, v16  }
0xa6: {  	v16 =	vld [tilespmem:s22+$0x1000];
	_ =	sdelay $0x3  }
0xa7: {  	v17 =	vor.u32 s24, v14  }
0xa8: {  	v18 =	vshll.u32 v16, $0x3;
	v19 =	vshrl.u32 v16, $0x7  }
0xa9: {  	v16 =	vand.u32 $0xFFFFFC00, v16;
	v18 =	vand.u32 $0x3F8, v18;
	v19 =	vand.u32 $0x7, v19  }
0xaa: {  	v16 =	vor.u32 v18, v16;
	v18 =	vor.u32 v7, v19  }
0xab: {  	v16 =	vadd.s32 v16, v18  }
0xac: {  	[tilespmem:v17+s20+$0x0] =	vst.idx.msk $0xffff, v16  }
0xad: {  	v17 =	vld [tilespmem:s22+$0x1800];
	_ =	sdelay $0x3  }
.Ltmp0:
0xae: {  	v16 =	vor.u32 s24, v15;
	(pc) =	sbr.rel @p0 .LBB2_2-.Ltmp0, $4  }
0xaf: {  	v18 =	vshll.u32 v17, $0x3;
	v19 =	vshrl.u32 v17, $0x7  }
0xb0: {  	v17 =	vand.u32 $0xFFFFFC00, v17;
	v18 =	vand.u32 $0x3F8, v18;
	v19 =	vand.u32 $0x7, v19  }
0xb1: {  	v17 =	vor.u32 v18, v17;
	v18 =	vor.u32 v8, v19  }
0xb2: {  	v17 =	vadd.s32 v17, v18  }
0xb3: {  	_ =	sdelay $0x1  }
0xb4: {  	s21 =	sadd.s32 $0x1, s21  }
0xb5: {  	p0 =	sne.s32 s21, s12  }
.Ltmp1:
0xb6: {  	[tilespmem:v16+s20+$0x0] =	vst.idx.msk $0xffff, v17;
	(pc) =	sbr.rel @p0 .LBB2_1-.Ltmp1, $4  }
0xb7: {  	[hbm4b:s11+s2] =	stream.linear.scatter [tilespmem:s20], [sflag:$0x1], $0x4000, $0x38;
	[tilespmem:$0x8000] =	vst v63  }
0xb8: {  	_ =	swait.ge [sflag:s13], $0x4000  }
0xb9: {  	[sflag:s13] =	ssyncset.done $0x0  }
0xba: {  	[sflag:s13] =	ssyncadd.s32 $0xFFFFC000  }
0xbb: {  	_ =	sfence.sel $0x180000  }
0xbc: {  	[bflag:$0x0] =	sbarrier.arrive $0xFFFF  }
0xbd: {  	p0 =	sne.s32 s1, $0x0;
	_ =	strace $0x90000047  }
0xbe: {  	s0 =	sadd.s32 @!p0 $0x100000, s0;
	[bflag:$0x2] =	sbarrier.arrive $0xFFFF  }
0xbf: {  	[sflag:s0] =	ssyncadd.tile.s32 @!p0 $0x1;
	_ =	shalt  }
.Lfunc_end2:
_tile_overlayer_lowered:
.L_overlay_start_2:
0xc0: {  	(tag) =	ssettag $0x2  }
0xc1: {  	s0 =	rddreg [dreg:$0x0];
	s2 =	stileid.u32  }
0xc2: {  	s1 =	rddreg [dreg:$0x1];
	p0 =	sne.s32 s2, $0x0  }
0xc3: {  	s3 =	rddreg [dreg:$0x2];
	[bflag:$0x3] =	sbarrier.arrive $0xFFFF;
	s2 =	simm.s32 @!p0 $0x1C01  }
0xc4: {  	[timem:s3], [sflag:s2] =	dma.local @!p0 [hbm:s0], s1  }
0xc5: {  	s0 =	simm.s32 @!p0 $0x1  }
0xc6: {  	_ =	swait.ge @!p0 [sflag:s0], s1  }
0xc7: {  	s1 =	ssub.s32 @!p0 $0x0, s1;
	[sflag:s0] =	ssyncset.done @!p0 $0x0  }
0xc8: {  	[sflag:s0] =	ssyncadd.s32 @!p0 s1  }
0xc9: {  	[bflag:$0x3] =	sbarrier.arrive $0xFFFF  }
0xca: {  	_ =	shalt  }

// kernel: kernel.14.cloned.1.call-start
scs
__scs_entry_jumppad:
0x0: {  	(pc) =	sbr.rel $0x88, $3  }
0x1: {  	(tag) =	ssettag $0x0;
	lr =	simm.s32 $0x1  }
0x2: {  	[smem:$0x3F92] =	sst lr;
	_ =	strace $0xD0000000  }
0x3: {  	_ = 	snop  }
0x4: {  	_ = 	snop  }
0x5: {  	_ = 	snop  }
0x6: {  	_ = 	snop  }
0x7: {  	_ = 	snop  }
__scs_overlays_trampoline_lowered:
0x8: {  	[smem:$0x3FA1] =	sst s0  }
0x9: {  	[smem:$0x3FA2] =	sst s1  }
0xa: {  	[smem:$0x3FA3] =	sst s2  }
0xb: {  	[smem:$0x3FA4] =	sst s3  }
0xc: {  	[smem:$0x3FA5] =	sst s4  }
0xd: {  	[smem:$0x3FA6] =	sst s5  }
0xe: {  	[smem:$0x3FA7] =	sst s6  }
0xf: {  	[smem:$0x3FA8] =	sst s7  }
0x10: {  	[smem:$0x3FA9] =	sst s8  }
0x11: {  	[smem:$0x3FAA] =	sst s9;
	s0 =	simm.s32 @!p0 $0x0  }
0x12: {  	s1 =	sld [smem:$0x3F90];
	s0 =	simm.s32 @p0 $0x1  }
0x13: {  	[smem:$0x3FAB] =	sst s0;
	s0 =	simm.s32 @!p1 $0x0  }
0x14: {  	s2 =	sld [smem:$0x3F8F];
	s0 =	simm.s32 @p1 $0x1  }
0x15: {  	[smem:$0x3FAC] =	sst s0;
	s0 =	simm.s32 @!p2 $0x0  }
0x16: {  	s3 =	sld [smem:$0x3FDB];
	s0 =	simm.s32 @p2 $0x1  }
0x17: {  	s4 =	simm.s32 $0x1BF5;
	[smem:$0x3FAE] =	sst s0  }
0x18: {  	s0 =	sld [smem:$0x3F91];
	_ =	swait.ge [sflag:s4], $0x0  }
0x19: {  	s7 =	sld [smem:$0x3F92]  }
0x1a: {  	s8 =	sadd.s32 $0xFFFFE003, lr  }
0x1b: {  	s9 =	sadd.s32 $0xFFFFFEF7, lr;
	s5 =	simm.s32 $0xFFFFFFFF;
	p2 =	slt.u32 s8, $0xFFFFF086  }
0x1c: {  	p1 =	slt.u32 s9, $0xF7A;
	s5 =	simm.s32 @!p2 $0x0  }
0x1d: {  	s5 =	simm.s32 @p1 $0x1;
	p0 =	seq.s32 s7, s2  }
0x1e: {  	s7 =	smul.u32 @!p0 $0xF7A, s2;
	p2 =	seq.s32 @!p0 s5, $0x0  }
0x1f: {  	s9 =	smul.u32 $0xF7A, s1;
	s8 =	simm.s32 @!p0 $0x1BF5;
	p2 =	por !p2, p0  }
0x20: {  	[sflag:s8] =	ssyncset.s32 @!p0 $0xFFFFF086;
	s6 =	sadd.s32 @!p0 s3, s7;
	s7 =	simm.s32 @!p0 $0x108  }
0x21: {  	s3 =	sadd.s32 s3, s9;
	s6 =	sadd.s32 @!p0 $0x88, s6;
	s7 =	simm.s32 @p2 $0x1082  }
0x22: {  	[simem:s7], [sflag:s8] =	dma.local @!p0 [hbm:s6], $0xF7A  }
0x23: {  	s9 =	sor.u32 $0xD0000000, s2;
	s6 =	simm.s32 $0x108;
	_ =	swait.ge @!p0 [sflag:s8], $0x0  }
0x24: {  	s3 =	sadd.s32 $0x88, s3;
	s6 =	simm.s32 @!p1 $0x1082;
	[sflag:s4] =	ssyncset.s32 $0xFFFFF086  }
0x25: {  	[simem:s6], [sflag:s4] =	dma.local [hbm:s3], $0xF7A  }
0x26: {  	[smem:$0x3F92] =	sst s1;
	(tag) =	ssettag s2;
	_ =	strace s9  }
0x27: {  	s1 =	sld [smem:$0x3FA2]  }
0x28: {  	s2 =	sld [smem:$0x3FA3]  }
0x29: {  	s4 =	sld [smem:$0x3FA5]  }
0x2a: {  	p0 =	seq.s32 s5, $0x0;
	s5 =	sld [smem:$0x3FA6]  }
0x2b: {  	s6 =	sld [smem:$0x3FA7]  }
0x2c: {  	s7 =	sld [smem:$0x3FA8]  }
0x2d: {  	s3 =	simm.s32 $0x108;
	s8 =	sld [smem:$0x3FA9]  }
0x2e: {  	s3 =	simm.s32 @!p0 $0x1082;
	s9 =	sld [smem:$0x3FAA]  }
0x2f: {  	lr =	sadd.s32 s0, s3;
	s0 =	sld [smem:$0x3FA1]  }
0x30: {  	s3 =	sld [smem:$0x3FA4]  }
0x31: {  	[smem:$0x3FAD] =	sst s10  }
0x32: {  	s10 =	sld [smem:$0x3FAB];
	_ =	sdelay $0x3  }
0x33: {  	p0 =	seq.s32 s10, $0x1;
	s10 =	sld [smem:$0x3FAD];
	_ =	sdelay $0x3  }
0x34: {  	[smem:$0x3FAD] =	sst s10  }
0x35: {  	s10 =	sld [smem:$0x3FAC];
	_ =	sdelay $0x3  }
0x36: {  	p1 =	seq.s32 s10, $0x1;
	s10 =	sld [smem:$0x3FAD];
	_ =	sdelay $0x3  }
0x37: {  	[smem:$0x3FAD] =	sst s10  }
0x38: {  	s10 =	sld [smem:$0x3FAE]  }
0x39: {  	_ = 	snop;
	(pc) =	sbr.ind lr, $3  }
0x3a: {  	_ = 	snop  }
0x3b: {  	_ = 	snop  }
0x3c: {  	p2 =	seq.s32 s10, $0x1;
	s10 =	sld [smem:$0x3FAD]  }
0x3d: {  	_ =	shalt  }
0x3e: {  	_ =	shalt  }
0x3f: {  	_ =	shalt  }
0x40: {  	_ =	shalt  }
0x41: {  	_ =	shalt  }
0x42: {  	_ =	shalt  }
0x43: {  	_ =	shalt  }
0x44: {  	_ =	shalt  }
0x45: {  	_ =	shalt  }
0x46: {  	_ =	shalt  }
0x47: {  	_ =	shalt  }
0x48: {  	_ =	shalt  }
0x49: {  	_ =	shalt  }
0x4a: {  	_ =	shalt  }
0x4b: {  	_ =	shalt  }
0x4c: {  	_ =	shalt  }
0x4d: {  	_ =	shalt  }
0x4e: {  	_ =	shalt  }
0x4f: {  	_ =	shalt  }
0x50: {  	_ =	shalt  }
0x51: {  	_ =	shalt  }
0x52: {  	_ =	shalt  }
0x53: {  	_ =	shalt  }
0x54: {  	_ =	shalt  }
0x55: {  	_ =	shalt  }
0x56: {  	_ =	shalt  }
0x57: {  	_ =	shalt  }
0x58: {  	_ =	shalt  }
0x59: {  	_ =	shalt  }
0x5a: {  	_ =	shalt  }
0x5b: {  	_ =	shalt  }
0x5c: {  	_ =	shalt  }
0x5d: {  	_ =	shalt  }
0x5e: {  	_ =	shalt  }
0x5f: {  	_ =	shalt  }
0x60: {  	_ =	shalt  }
0x61: {  	_ =	shalt  }
0x62: {  	_ =	shalt  }
0x63: {  	_ =	shalt  }
0x64: {  	_ =	shalt  }
0x65: {  	_ =	shalt  }
0x66: {  	_ =	shalt  }
0x67: {  	_ =	shalt  }
0x68: {  	_ =	shalt  }
0x69: {  	_ =	shalt  }
0x6a: {  	_ =	shalt  }
0x6b: {  	_ =	shalt  }
0x6c: {  	_ =	shalt  }
0x6d: {  	_ =	shalt  }
0x6e: {  	_ =	shalt  }
0x6f: {  	_ =	shalt  }
0x70: {  	_ =	shalt  }
0x71: {  	_ =	shalt  }
0x72: {  	_ =	shalt  }
0x73: {  	_ =	shalt  }
0x74: {  	_ =	shalt  }
0x75: {  	_ =	shalt  }
0x76: {  	_ =	shalt  }
0x77: {  	_ =	shalt  }
0x78: {  	_ =	shalt  }
0x79: {  	_ =	shalt  }
0x7a: {  	_ =	shalt  }
0x7b: {  	_ =	shalt  }
0x7c: {  	_ =	shalt  }
0x7d: {  	_ =	shalt  }
0x7e: {  	_ =	shalt  }
0x7f: {  	_ =	shalt  }
0x80: {  	_ =	shalt  }
0x81: {  	_ =	shalt  }
0x82: {  	_ =	shalt  }
0x83: {  	_ =	shalt  }
0x84: {  	_ =	shalt  }
0x85: {  	_ =	shalt  }
0x86: {  	_ =	shalt  }
0x87: {  	_ =	shalt  }
.Lfunc_end0:
.L_simem_size_0:
called_computation.1_lowered:
.L_overlay_start_0:
0x88: {  	s2 =	sld [smem:$0x3FD9]  }
0x89: {  	s3 =	sld [smem:$0x3FFE];
	_ =	sdelay $0x1  }
0x8a: {  	s1 =	srdreg.scid  }
0x8b: {  	s0 =	sand.u32 $0x1, s1  }
0x8c: {  	s16 =	sshll.u32 s0, $0xA;
	s2 =	sadd.s32 s3, s2  }
0x8d: {  	s2 =	sadd.s32 s2, s16  }
0x8e: {  	[smem:$0x3FB9] =	sst s2  }
0x8f: {  	_ = 	snop  }
0x90: {  	(tm) =	ssettm $0x1  }
0x91: {  	s17 =	sld [smem:$0x3FFB];
	_ =	sdelay $0x3  }
0x92: {  	_ =	strace s17  }
0x93: {  	s2 =	sld [smem:$0x3FFC];
	_ =	sdelay $0x3  }
0x94: {  	_ =	strace s2  }
0x95: {  	s2 =	sld [smem:$0x3FFD];
	_ =	sdelay $0x3  }
0x96: {  	_ =	strace s2  }
0x97: {  	_ =	strace $0x8FFFFFFF  }
0x98: {  	s18 =	sld [smem:$0x3FDB];
	_ =	sdelay $0x1  }
0x99: {  	s19 =	simm.s32 $_scs_section_size  }
0x9a: {  	s4 =	simm.s32 $_size__tile_overlayer_lowered;
	s5 =	simm.s32 $_tile_overlayer_lowered  }
0x9b: {  	s22 =	simm.s32 $0x1BFF;
	s21 =	sshll.u32 s5, $0x1;
	s2 =	sadd.s32 s19, s18  }
0x9c: {  	s6 =	simm.s32 $0x0;
	s20 =	sshll.u32 s4, $0x1;
	s4 =	sadd.s32 s21, s2  }
0x9d: {  	[timem:s6], [sflag:s22] =	dma.local [hbm:s4], s20  }
0x9e: {  	_ =	swait.ge [sflag:s22], s20  }
0x9f: {  	s3 =	ssub.s32 $0x0, s20;
	[sflag:s22] =	ssyncset.done $0x0  }
0xa0: {  	[sflag:s22] =	ssyncadd.s32 s3;
	_ =	sdelay $0x1  }
0xa1: {  	s23 =	simm.s32 $0x1B8B  }
0xa2: {  	_ =	swait.ge [sflag:s23], $0x1  }
0xa3: {  	[sflag:s23] =	ssyncset.done $0x0  }
0xa4: {  	s25 =	simm.s32 $0x1B8E;
	s24 =	sld [smem:$0x3FFE];
	[sflag:s23] =	ssyncadd.s32 $0xFFFFFFFF  }
0xa5: {  	s26 =	simm.s32 $execute0_lowered;
	[smem:$0x3FD2] =	sst s25  }
0xa6: {  	s4 =	sshll.u32 s26, $0x1;
	_ =	strace $0x80000049;
	[dreg:$0x1] =	wrdreg $0xFFFFFFFF  }
0xa7: {  	s28 =	simm.s32 $_size_execute0_lowered;
	s2 =	sadd.s32 s2, s4;
	[dreg:$0x0] =	wrdreg $0x0  }
0xa8: {  	s4 =	sshll.u32 s28, $0x1;
	[dreg:$0x2] =	wrdreg s2  }
0xa9: {  	[dreg:$0x3] =	wrdreg s4  }
0xaa: {  	[dreg:$0x4] =	wrdreg $0xC0  }
0xab: {  	_ =	task [dreg:s6], $0x5FFFF  }
0xac: {  	[dreg:$0x1] =	wrdreg $0xFFFFFFFF  }
0xad: {  	[dreg:$0x0] =	wrdreg $0x60  }
0xae: {  	[dreg:$0x2] =	wrdreg s24  }
0xaf: {  	[dreg:$0x3] =	wrdreg $0x9  }
0xb0: {  	_ =	task.clear_ibuf [dreg:s6], $0x4FFFF;
	_ =	strace $0x90000049  }
0xb1: {  	s29 =	simm.s32 $0x9;
	_ =	strace $0x8000004B  }
0xb2: {  	_ =	swait.ge [sflag:s29], $0x1  }
0xb3: {  	[sflag:s29] =	ssyncadd.s32 $0xFFFFFFFF  }
0xb4: {  	_ =	strace $0x9000004B  }
0xb5: {  	_ =	sfence  }
0xb6: {  	s30 =	sld [smem:$0x0];
	_ =	sdelay $0x2  }
0xb7: {  	s31 =	sshll.u32 s1, $0xD;
	s1 =	sshrl.u32 s1, $0x2  }
0xb8: {  	s3 =	sand.u32 $0x4000, s31;
	s1 =	sadd.s32 s1, s30  }
0xb9: {  	s0 =	sor.u32 s3, s0;
	s1 =	sshll.u32 s1, $0x11  }
0xba: {  	s0 =	sor.u32 s1, s0  }
0xbb: {  	s0 =	sadd.s32 $0x8F2B, s0  }
0xbc: {  	[sflag:s0] =	ssyncadd.remote.s32 $0x1  }
0xbd: {  	_ =	sfence.sel $0xFFFF  }
0xbe: {  	[dreg:$0x0] =	wrdreg $0xFFFFFFFF;
	(pc) =	sbr.abs _section_cstart, $3  }
0xbf: {  	[dreg:$0x1] =	wrdreg $0xFFFFFFFF  }
0xc0: {  	_ =	task.clear_ibuf [dreg:s6], $0x2FFFF;
	_ =	strace $0x9FFFFFFF  }
0xc1: {  	(tm) =	ssettm $0x7FFFFFFF  }
tec
execute0_lowered:
.L_overlay_start_1:
0x0: {  	(tag) =	ssettag $0x1  }
0x1: {  	s1 =	srdreg.scid  }
0x2: {  	s0 =	stileid.u32;
	s16 =	sand.u32 $0x1, s1  }
0x3: {  	s30 =	sshll.u32 s0, $0xE;
	s2 =	sshll.u32 s16, $0xD  }
0x4: {  	s10 =	rddreg [dreg:$0x0];
	s11 =	sor.u32 s2, s30  }
0x5: {  	s1 =	rddreg [dreg:$0x1];
	s2 =	simm.s32 $0x0;
	s3 =	sshrl.u32 s11, $0x3  }
0x6: {  	[smem:$0x7FF] =	sst s2;
	s3 =	sadd.s32 s3, s10  }
0x7: {  	_ =	strace $0x8000004A;
	s4 =	sadd.s32 $0xFE00, s3;
	s3 =	simm.s32 $0x3  }
0x8: {  	[tilespmem:s2], [sflag:$0x3] =	stream.linear.gather [hbm4b:s4+s2], $0x2000, $0x38;
	[tilespmem:$0x12000] =	vst v63  }
0x9: {  	_ =	swait.ge [sflag:s3], $0x2000  }
0xa: {  	s6 =	simm.s32 $0x800;
	[sflag:s3] =	ssyncset.done $0x0  }
0xb: {  	s7 =	simm.s32 $0x2000;
	s5 =	sadd.s32 $0x1FE00, s10;
	[sflag:s3] =	ssyncadd.s32 $0xFFFFE000  }
0xc: {  	[tilespmem:s7], [sflag:$0x1] =	stream.indirect.gather [hbm4b:s5+s6], $0x10, s2, s6, $0xb8;
	[tilespmem:$0x12000] =	vst v63  }
0xd: {  	s8 =	simm.s32 $0xA000;
	s9 =	simm.s32 $0x1  }
0xe: {  	[tilespmem:s8], [sflag:$0x2] =	stream.indirect.gather [hbm4b:s5+s6], $0x10, s6, s6, $0xb8;
	[tilespmem:$0x12000] =	vst v63  }
0xf: {  	s11 =	sshll.u32 s11, $0x1;
	_ =	swait.ge [sflag:s9], $0x8000  }
0x10: {  	s17 =	sadd.s32 s11, s10;
	[sflag:s9] =	ssyncset.done $0x0  }
0x11: {  	s10 =	sadd.s32 $0x32FE00, s17;
	[sflag:s9] =	ssyncadd.s32 $0xFFFF8000  }
0x12: {  	[hbm4b:s10+s2] =	stream.linear.scatter [tilespmem:s7], [sflag:$0x3], $0x8000, $0x38;
	[tilespmem:$0x12000] =	vst v63  }
0x13: {  	_ =	swait.ge [sflag:s3], $0x8000  }
0x14: {  	[sflag:s3] =	ssyncset.done $0x0  }
0x15: {  	s12 =	simm.s32 $0x2;
	s11 =	simm.s32 $0x1000;
	[sflag:s3] =	ssyncadd.s32 $0xFFFF8000  }
0x16: {  	[tilespmem:s7], [sflag:$0x1] =	stream.indirect.gather [hbm4b:s5+s6], $0x10, s11, s6, $0xb8;
	[tilespmem:$0x12000] =	vst v63  }
0x17: {  	_ =	swait.ge [sflag:s12], $0x8000  }
0x18: {  	[sflag:s12] =	ssyncset.done $0x0  }
0x19: {  	s13 =	sadd.s32 $0x330E00, s17;
	[sflag:s12] =	ssyncadd.s32 $0xFFFF8000  }
0x1a: {  	[hbm4b:s13+s2] =	stream.linear.scatter [tilespmem:s8], [sflag:$0x3], $0x8000, $0x38;
	[tilespmem:$0x12000] =	vst v63  }
0x1b: {  	_ =	swait.ge [sflag:s3], $0x8000  }
0x1c: {  	[sflag:s3] =	ssyncset.done $0x0  }
0x1d: {  	s14 =	simm.s32 $0x1800;
	[sflag:s3] =	ssyncadd.s32 $0xFFFF8000  }
0x1e: {  	[tilespmem:s8], [sflag:$0x2] =	stream.indirect.gather [hbm4b:s5+s6], $0x10, s14, s6, $0xb8;
	[tilespmem:$0x12000] =	vst v63  }
0x1f: {  	_ =	swait.ge [sflag:s9], $0x8000  }
0x20: {  	[sflag:s9] =	ssyncset.done $0x0  }
0x21: {  	s16 =	ssub.s32 $0x2, s16;
	s15 =	sadd.s32 $0x331E00, s17;
	[sflag:s9] =	ssyncadd.s32 $0xFFFF8000  }
0x22: {  	[hbm4b:s15+s2] =	stream.linear.scatter [tilespmem:s7], [sflag:$0x3], $0x8000, $0x38;
	[tilespmem:$0x12000] =	vst v63  }
0x23: {  	s18 =	sshrl.u32 s16, $0x1;
	_ =	swait.ge [sflag:s3], $0x8000  }
0x24: {  	s18 =	ssub.s32 s16, s18;
	[sflag:s3] =	ssyncset.done $0x0  }
0x25: {  	s31 =	smax.u32 s18, $0x1;
	[sflag:s3] =	ssyncadd.s32 $0xFFFF8000  }
0x26: {  	p0 =	sne.s32 s31, $0x1;
	_ =	swait.ge [sflag:s12], $0x8000  }
.Ltmp0:
0x27: {  	[sflag:s12] =	ssyncset.done $0x0;
	(pc) =	sbr.rel @!p0 .LBB2_2-.Ltmp0, $4  }
0x28: {  	s16 =	sadd.s32 $0x332E00, s17;
	[sflag:s12] =	ssyncadd.s32 $0xFFFF8000  }
0x29: {  	[hbm4b:s16+s2] =	stream.linear.scatter [tilespmem:s8], [sflag:$0x3], $0x8000, $0x38;
	[tilespmem:$0x12000] =	vst v63  }
0x2a: {  	_ =	swait.ge [sflag:s3], $0x8000  }
0x2b: {  	s17 =	sadd.s32 $0xFFFFFFFF, s31;
	[sflag:s3] =	ssyncset.done $0x0  }
.LBB2_1:
0x2c: {  	p0 =	sne.s32 s17, $0x1;
	s17 =	sadd.s32 $0xFFFFFFFF, s17;
	[sflag:s3] =	ssyncadd.s32 $0xFFFF8000  }
0x2d: {  	[tilespmem:s2], [sflag:$0x3] =	stream.linear.gather [hbm4b:s4+s2], $0x2000, $0x38;
	[tilespmem:$0x12000] =	vst v63  }
0x2e: {  	_ =	swait.ge [sflag:s3], $0x2000  }
0x2f: {  	[sflag:s3] =	ssyncset.done $0x0  }
0x30: {  	[sflag:s3] =	ssyncadd.s32 $0xFFFFE000  }
0x31: {  	[tilespmem:s7], [sflag:$0x1] =	stream.indirect.gather [hbm4b:s5+s6], $0x10, s2, s6, $0xb8;
	[tilespmem:$0x12000] =	vst v63  }
0x32: {  	_ = 	snop  }
0x33: {  	[tilespmem:s8], [sflag:$0x2] =	stream.indirect.gather [hbm4b:s5+s6], $0x10, s6, s6, $0xb8;
	[tilespmem:$0x12000] =	vst v63  }
0x34: {  	_ =	swait.ge [sflag:s9], $0x8000  }
0x35: {  	[sflag:s9] =	ssyncset.done $0x0  }
0x36: {  	[sflag:s9] =	ssyncadd.s32 $0xFFFF8000  }
0x37: {  	[hbm4b:s10+s2] =	stream.linear.scatter [tilespmem:s7], [sflag:$0x3], $0x8000, $0x38;
	[tilespmem:$0x12000] =	vst v63  }
0x38: {  	_ =	swait.ge [sflag:s3], $0x8000  }
0x39: {  	[sflag:s3] =	ssyncset.done $0x0  }
0x3a: {  	[sflag:s3] =	ssyncadd.s32 $0xFFFF8000  }
0x3b: {  	[tilespmem:s7], [sflag:$0x1] =	stream.indirect.gather [hbm4b:s5+s6], $0x10, s11, s6, $0xb8;
	[tilespmem:$0x12000] =	vst v63  }
0x3c: {  	_ =	swait.ge [sflag:s12], $0x8000  }
0x3d: {  	[sflag:s12] =	ssyncset.done $0x0  }
0x3e: {  	[sflag:s12] =	ssyncadd.s32 $0xFFFF8000  }
0x3f: {  	[hbm4b:s13+s2] =	stream.linear.scatter [tilespmem:s8], [sflag:$0x3], $0x8000, $0x38;
	[tilespmem:$0x12000] =	vst v63  }
0x40: {  	_ =	swait.ge [sflag:s3], $0x8000  }
0x41: {  	[sflag:s3] =	ssyncset.done $0x0  }
0x42: {  	[sflag:s3] =	ssyncadd.s32 $0xFFFF8000  }
0x43: {  	[tilespmem:s8], [sflag:$0x2] =	stream.indirect.gather [hbm4b:s5+s6], $0x10, s14, s6, $0xb8;
	[tilespmem:$0x12000] =	vst v63  }
0x44: {  	_ =	swait.ge [sflag:s9], $0x8000  }
0x45: {  	[sflag:s9] =	ssyncset.done $0x0  }
0x46: {  	[sflag:s9] =	ssyncadd.s32 $0xFFFF8000  }
0x47: {  	[hbm4b:s15+s2] =	stream.linear.scatter [tilespmem:s7], [sflag:$0x3], $0x8000, $0x38;
	[tilespmem:$0x12000] =	vst v63  }
0x48: {  	_ =	swait.ge [sflag:s3], $0x8000  }
0x49: {  	[sflag:s3] =	ssyncset.done $0x0  }
0x4a: {  	[sflag:s3] =	ssyncadd.s32 $0xFFFF8000  }
0x4b: {  	_ =	swait.ge [sflag:s12], $0x8000  }
.Ltmp1:
0x4c: {  	[sflag:s12] =	ssyncset.done $0x0;
	(pc) =	sbr.rel @p0 .LBB2_1-.Ltmp1, $4  }
0x4d: {  	[sflag:s12] =	ssyncadd.s32 $0xFFFF8000  }
0x4e: {  	[hbm4b:s16+s2] =	stream.linear.scatter [tilespmem:s8], [sflag:$0x3], $0x8000, $0x38;
	[tilespmem:$0x12000] =	vst v63  }
0x4f: {  	_ =	swait.ge [sflag:s3], $0x8000  }
0x50: {  	[sflag:s3] =	ssyncset.done $0x0  }
.LBB2_2:
0x51: {  	[sflag:s3] =	ssyncadd.s32 $0xFFFF8000  }
0x52: {  	_ =	sfence.sel $0x180000  }
0x53: {  	[bflag:$0x0] =	sbarrier.arrive $0xFFFF  }
0x54: {  	p0 =	sne.s32 s0, $0x0;
	_ =	strace $0x9000004A  }
0x55: {  	s0 =	sadd.s32 @!p0 $0x100000, s1;
	[bflag:$0x2] =	sbarrier.arrive $0xFFFF  }
0x56: {  	[sflag:s0] =	ssyncadd.tile.s32 @!p0 $0x1;
	_ =	shalt  }
.Lfunc_end2:
_tile_overlayer_lowered:
.L_overlay_start_2:
0x57: {  	(tag) =	ssettag $0x2  }
0x58: {  	s0 =	rddreg [dreg:$0x0];
	s2 =	stileid.u32  }
0x59: {  	s1 =	rddreg [dreg:$0x1];
	p0 =	sne.s32 s2, $0x0  }
0x5a: {  	s3 =	rddreg [dreg:$0x2];
	[bflag:$0x3] =	sbarrier.arrive $0xFFFF;
	s2 =	simm.s32 @!p0 $0x1C03  }
0x5b: {  	[timem:s3], [sflag:s2] =	dma.local @!p0 [hbm:s0], s1  }
0x5c: {  	s0 =	simm.s32 @!p0 $0x3  }
0x5d: {  	_ =	swait.ge @!p0 [sflag:s0], s1  }
0x5e: {  	s1 =	ssub.s32 @!p0 $0x0, s1;
	[sflag:s0] =	ssyncset.done @!p0 $0x0  }
0x5f: {  	[sflag:s0] =	ssyncadd.s32 @!p0 s1  }
0x60: {  	[bflag:$0x3] =	sbarrier.arrive $0xFFFF  }
0x61: {  	_ =	shalt  }

// kernel: kernel.17.cloned.1.call-start
scs
__scs_entry_jumppad:
0x0: {  	(pc) =	sbr.rel $0x88, $3  }
0x1: {  	(tag) =	ssettag $0x0;
	lr =	simm.s32 $0x1  }
0x2: {  	[smem:$0x3F92] =	sst lr;
	_ =	strace $0xD0000000  }
0x3: {  	_ = 	snop  }
0x4: {  	_ = 	snop  }
0x5: {  	_ = 	snop  }
0x6: {  	_ = 	snop  }
0x7: {  	_ = 	snop  }
__scs_overlays_trampoline_lowered:
0x8: {  	[smem:$0x3FA1] =	sst s0  }
0x9: {  	[smem:$0x3FA2] =	sst s1  }
0xa: {  	[smem:$0x3FA3] =	sst s2  }
0xb: {  	[smem:$0x3FA4] =	sst s3  }
0xc: {  	[smem:$0x3FA5] =	sst s4  }
0xd: {  	[smem:$0x3FA6] =	sst s5  }
0xe: {  	[smem:$0x3FA7] =	sst s6  }
0xf: {  	[smem:$0x3FA8] =	sst s7  }
0x10: {  	[smem:$0x3FA9] =	sst s8  }
0x11: {  	[smem:$0x3FAA] =	sst s9;
	s0 =	simm.s32 @!p0 $0x0  }
0x12: {  	s1 =	sld [smem:$0x3F90];
	s0 =	simm.s32 @p0 $0x1  }
0x13: {  	[smem:$0x3FAB] =	sst s0;
	s0 =	simm.s32 @!p1 $0x0  }
0x14: {  	s2 =	sld [smem:$0x3F8F];
	s0 =	simm.s32 @p1 $0x1  }
0x15: {  	[smem:$0x3FAC] =	sst s0;
	s0 =	simm.s32 @!p2 $0x0  }
0x16: {  	s3 =	sld [smem:$0x3FDB];
	s0 =	simm.s32 @p2 $0x1  }
0x17: {  	s4 =	simm.s32 $0x1BF5;
	[smem:$0x3FAE] =	sst s0  }
0x18: {  	s0 =	sld [smem:$0x3F91];
	_ =	swait.ge [sflag:s4], $0x0  }
0x19: {  	s7 =	sld [smem:$0x3F92]  }
0x1a: {  	s8 =	sadd.s32 $0xFFFFE003, lr  }
0x1b: {  	s9 =	sadd.s32 $0xFFFFFEF7, lr;
	s5 =	simm.s32 $0xFFFFFFFF;
	p2 =	slt.u32 s8, $0xFFFFF086  }
0x1c: {  	p1 =	slt.u32 s9, $0xF7A;
	s5 =	simm.s32 @!p2 $0x0  }
0x1d: {  	s5 =	simm.s32 @p1 $0x1;
	p0 =	seq.s32 s7, s2  }
0x1e: {  	s7 =	smul.u32 @!p0 $0xF7A, s2;
	p2 =	seq.s32 @!p0 s5, $0x0  }
0x1f: {  	s9 =	smul.u32 $0xF7A, s1;
	s8 =	simm.s32 @!p0 $0x1BF5;
	p2 =	por !p2, p0  }
0x20: {  	[sflag:s8] =	ssyncset.s32 @!p0 $0xFFFFF086;
	s6 =	sadd.s32 @!p0 s3, s7;
	s7 =	simm.s32 @!p0 $0x108  }
0x21: {  	s3 =	sadd.s32 s3, s9;
	s6 =	sadd.s32 @!p0 $0x88, s6;
	s7 =	simm.s32 @p2 $0x1082  }
0x22: {  	[simem:s7], [sflag:s8] =	dma.local @!p0 [hbm:s6], $0xF7A  }
0x23: {  	s9 =	sor.u32 $0xD0000000, s2;
	s6 =	simm.s32 $0x108;
	_ =	swait.ge @!p0 [sflag:s8], $0x0  }
0x24: {  	s3 =	sadd.s32 $0x88, s3;
	s6 =	simm.s32 @!p1 $0x1082;
	[sflag:s4] =	ssyncset.s32 $0xFFFFF086  }
0x25: {  	[simem:s6], [sflag:s4] =	dma.local [hbm:s3], $0xF7A  }
0x26: {  	[smem:$0x3F92] =	sst s1;
	(tag) =	ssettag s2;
	_ =	strace s9  }
0x27: {  	s1 =	sld [smem:$0x3FA2]  }
0x28: {  	s2 =	sld [smem:$0x3FA3]  }
0x29: {  	s4 =	sld [smem:$0x3FA5]  }
0x2a: {  	p0 =	seq.s32 s5, $0x0;
	s5 =	sld [smem:$0x3FA6]  }
0x2b: {  	s6 =	sld [smem:$0x3FA7]  }
0x2c: {  	s7 =	sld [smem:$0x3FA8]  }
0x2d: {  	s3 =	simm.s32 $0x108;
	s8 =	sld [smem:$0x3FA9]  }
0x2e: {  	s3 =	simm.s32 @!p0 $0x1082;
	s9 =	sld [smem:$0x3FAA]  }
0x2f: {  	lr =	sadd.s32 s0, s3;
	s0 =	sld [smem:$0x3FA1]  }
0x30: {  	s3 =	sld [smem:$0x3FA4]  }
0x31: {  	[smem:$0x3FAD] =	sst s10  }
0x32: {  	s10 =	sld [smem:$0x3FAB];
	_ =	sdelay $0x3  }
0x33: {  	p0 =	seq.s32 s10, $0x1;
	s10 =	sld [smem:$0x3FAD];
	_ =	sdelay $0x3  }
0x34: {  	[smem:$0x3FAD] =	sst s10  }
0x35: {  	s10 =	sld [smem:$0x3FAC];
	_ =	sdelay $0x3  }
0x36: {  	p1 =	seq.s32 s10, $0x1;
	s10 =	sld [smem:$0x3FAD];
	_ =	sdelay $0x3  }
0x37: {  	[smem:$0x3FAD] =	sst s10  }
0x38: {  	s10 =	sld [smem:$0x3FAE]  }
0x39: {  	_ = 	snop;
	(pc) =	sbr.ind lr, $3  }
0x3a: {  	_ = 	snop  }
0x3b: {  	_ = 	snop  }
0x3c: {  	p2 =	seq.s32 s10, $0x1;
	s10 =	sld [smem:$0x3FAD]  }
0x3d: {  	_ =	shalt  }
0x3e: {  	_ =	shalt  }
0x3f: {  	_ =	shalt  }
0x40: {  	_ =	shalt  }
0x41: {  	_ =	shalt  }
0x42: {  	_ =	shalt  }
0x43: {  	_ =	shalt  }
0x44: {  	_ =	shalt  }
0x45: {  	_ =	shalt  }
0x46: {  	_ =	shalt  }
0x47: {  	_ =	shalt  }
0x48: {  	_ =	shalt  }
0x49: {  	_ =	shalt  }
0x4a: {  	_ =	shalt  }
0x4b: {  	_ =	shalt  }
0x4c: {  	_ =	shalt  }
0x4d: {  	_ =	shalt  }
0x4e: {  	_ =	shalt  }
0x4f: {  	_ =	shalt  }
0x50: {  	_ =	shalt  }
0x51: {  	_ =	shalt  }
0x52: {  	_ =	shalt  }
0x53: {  	_ =	shalt  }
0x54: {  	_ =	shalt  }
0x55: {  	_ =	shalt  }
0x56: {  	_ =	shalt  }
0x57: {  	_ =	shalt  }
0x58: {  	_ =	shalt  }
0x59: {  	_ =	shalt  }
0x5a: {  	_ =	shalt  }
0x5b: {  	_ =	shalt  }
0x5c: {  	_ =	shalt  }
0x5d: {  	_ =	shalt  }
0x5e: {  	_ =	shalt  }
0x5f: {  	_ =	shalt  }
0x60: {  	_ =	shalt  }
0x61: {  	_ =	shalt  }
0x62: {  	_ =	shalt  }
0x63: {  	_ =	shalt  }
0x64: {  	_ =	shalt  }
0x65: {  	_ =	shalt  }
0x66: {  	_ =	shalt  }
0x67: {  	_ =	shalt  }
0x68: {  	_ =	shalt  }
0x69: {  	_ =	shalt  }
0x6a: {  	_ =	shalt  }
0x6b: {  	_ =	shalt  }
0x6c: {  	_ =	shalt  }
0x6d: {  	_ =	shalt  }
0x6e: {  	_ =	shalt  }
0x6f: {  	_ =	shalt  }
0x70: {  	_ =	shalt  }
0x71: {  	_ =	shalt  }
0x72: {  	_ =	shalt  }
0x73: {  	_ =	shalt  }
0x74: {  	_ =	shalt  }
0x75: {  	_ =	shalt  }
0x76: {  	_ =	shalt  }
0x77: {  	_ =	shalt  }
0x78: {  	_ =	shalt  }
0x79: {  	_ =	shalt  }
0x7a: {  	_ =	shalt  }
0x7b: {  	_ =	shalt  }
0x7c: {  	_ =	shalt  }
0x7d: {  	_ =	shalt  }
0x7e: {  	_ =	shalt  }
0x7f: {  	_ =	shalt  }
0x80: {  	_ =	shalt  }
0x81: {  	_ =	shalt  }
0x82: {  	_ =	shalt  }
0x83: {  	_ =	shalt  }
0x84: {  	_ =	shalt  }
0x85: {  	_ =	shalt  }
0x86: {  	_ =	shalt  }
0x87: {  	_ =	shalt  }
.Lfunc_end0:
.L_simem_size_0:
called_computation.2_lowered:
.L_overlay_start_0:
0x88: {  	s2 =	sld [smem:$0x3FD9]  }
0x89: {  	s3 =	sld [smem:$0x3FFE];
	_ =	sdelay $0x1  }
0x8a: {  	s1 =	srdreg.scid  }
0x8b: {  	s0 =	sand.u32 $0x1, s1  }
0x8c: {  	s17 =	sshll.u32 s0, $0xA;
	s2 =	sadd.s32 s3, s2  }
0x8d: {  	s2 =	sadd.s32 s2, s17  }
0x8e: {  	[smem:$0x3FB9] =	sst s2  }
0x8f: {  	_ = 	snop  }
0x90: {  	(tm) =	ssettm $0x1  }
0x91: {  	s18 =	sld [smem:$0x3FFB];
	_ =	sdelay $0x3  }
0x92: {  	_ =	strace s18  }
0x93: {  	s2 =	sld [smem:$0x3FFC];
	_ =	sdelay $0x3  }
0x94: {  	_ =	strace s2  }
0x95: {  	s2 =	sld [smem:$0x3FFD];
	_ =	sdelay $0x3  }
0x96: {  	_ =	strace s2  }
0x97: {  	_ =	strace $0x8FFFFFFF  }
0x98: {  	s19 =	sld [smem:$0x3FDB];
	_ =	sdelay $0x1  }
0x99: {  	s20 =	simm.s32 $_scs_section_size  }
0x9a: {  	s4 =	simm.s32 $_size__tile_overlayer_lowered;
	s5 =	simm.s32 $_tile_overlayer_lowered  }
0x9b: {  	s6 =	simm.s32 $0x1BFF;
	s21 =	sshll.u32 s5, $0x1;
	s3 =	sadd.s32 s20, s19  }
0x9c: {  	s22 =	simm.s32 $0x0;
	s4 =	sshll.u32 s4, $0x1;
	s5 =	sadd.s32 s21, s3  }
0x9d: {  	[timem:s22], [sflag:s6] =	dma.local [hbm:s5], s4  }
0x9e: {  	_ =	swait.ge [sflag:s6], s4  }
0x9f: {  	s4 =	ssub.s32 $0x0, s4;
	[sflag:s6] =	ssyncset.done $0x0  }
0xa0: {  	[sflag:s6] =	ssyncadd.s32 s4;
	_ =	sdelay $0x1  }
0xa1: {  	s23 =	simm.s32 $0x1B8B  }
0xa2: {  	_ =	swait.ge [sflag:s23], $0x1  }
0xa3: {  	[sflag:s23] =	ssyncset.done $0x0  }
0xa4: {  	[sflag:s23] =	ssyncadd.s32 $0xFFFFFFFF  }
0xa5: {  	s4 =	sld [smem:$0x0]  }
0xa6: {  	s5 =	sand.u32 $0xFFFFFFFE, s1  }
0xa7: {  	p0 =	sne.s32 s1, s5  }
0xa8: {  	s5 =	sshll.u32 @p0 s5, $0xE  }
0xa9: {  	s5 =	sadd.s32 @p0 $0x11B8D, s5;
	s6 =	sshll.u32 @p0 s4, $0x11  }
0xaa: {  	s5 =	sor.u32 @p0 s6, s5  }
0xab: {  	[sflag:s5] =	ssyncadd.remote.s32 @p0 $0x1;
	_ =	sdelay $0x1  }
0xac: {  	s5 =	simm.s32 @p0 $0x1B8D  }
0xad: {  	_ =	swait.eq @p0 [sflag:s5], $0x1  }
0xae: {  	[sflag:s5] =	ssyncadd.s32 @p0 $0xFFFFFFFF  }
0xaf: {  	s6 =	sshll.u32 @!p0 s1, $0xE  }
0xb0: {  	s6 =	sor.u32 @!p0 $0x4000, s6;
	s5 =	simm.s32 @!p0 $0x1B8D  }
0xb1: {  	s4 =	sshll.u32 @!p0 s4, $0x11;
	s6 =	sadd.s32 @!p0 $0x11B8D, s6;
	_ =	swait.eq @!p0 [sflag:s5], $0x1  }
0xb2: {  	s4 =	sor.u32 @!p0 s4, s6;
	[sflag:s5] =	ssyncadd.s32 @!p0 $0xFFFFFFFF  }
0xb3: {  	s25 =	simm.s32 $0x1B8E;
	s24 =	sld [smem:$0x3FFE];
	[sflag:s4] =	ssyncadd.remote.s32 @!p0 $0x1  }
0xb4: {  	s26 =	simm.s32 $execute0_lowered;
	[smem:$0x3FD2] =	sst s25  }
0xb5: {  	s5 =	sshll.u32 s26, $0x1;
	_ =	strace $0x8000004C;
	[dreg:$0x1] =	wrdreg $0xFFFFFFFF  }
0xb6: {  	s28 =	simm.s32 $_size_execute0_lowered;
	s3 =	sadd.s32 s3, s5;
	[dreg:$0x0] =	wrdreg $0x0  }
0xb7: {  	s5 =	sshll.u32 s28, $0x1;
	[dreg:$0x2] =	wrdreg s3  }
0xb8: {  	[dreg:$0x3] =	wrdreg s5  }
0xb9: {  	[dreg:$0x4] =	wrdreg $0xC0  }
0xba: {  	_ =	task [dreg:s22], $0x5FFFF  }
0xbb: {  	[dreg:$0x1] =	wrdreg $0xFFFFFFFF  }
0xbc: {  	[dreg:$0x0] =	wrdreg $0x60  }
0xbd: {  	[dreg:$0x2] =	wrdreg s24  }
0xbe: {  	[dreg:$0x3] =	wrdreg $0xA  }
0xbf: {  	_ =	task.clear_ibuf [dreg:s22], $0x4FFFF;
	_ =	strace $0x9000004C  }
0xc0: {  	s29 =	simm.s32 $0xA;
	_ =	strace $0x8000004E  }
0xc1: {  	_ =	swait.ge [sflag:s29], $0x1  }
0xc2: {  	[sflag:s29] =	ssyncadd.s32 $0xFFFFFFFF  }
0xc3: {  	_ =	strace $0x9000004E  }
0xc4: {  	_ =	sfence  }
0xc5: {  	s30 =	sld [smem:$0x0];
	_ =	sdelay $0x2  }
0xc6: {  	s31 =	sshll.u32 s1, $0xD;
	s1 =	sshrl.u32 s1, $0x2  }
0xc7: {  	s4 =	sand.u32 $0x4000, s31;
	s1 =	sadd.s32 s1, s30  }
0xc8: {  	s0 =	sor.u32 s4, s0;
	s1 =	sshll.u32 s1, $0x11  }
0xc9: {  	s0 =	sor.u32 s1, s0  }
0xca: {  	s0 =	sadd.s32 $0x8F2B, s0  }
0xcb: {  	[sflag:s0] =	ssyncadd.remote.s32 $0x1  }
0xcc: {  	_ =	sfence.sel $0xFFFF  }
0xcd: {  	[dreg:$0x0] =	wrdreg $0xFFFFFFFF;
	(pc) =	sbr.abs _section_cstart, $3  }
0xce: {  	[dreg:$0x1] =	wrdreg $0xFFFFFFFF  }
0xcf: {  	_ =	task.clear_ibuf [dreg:s22], $0x2FFFF;
	_ =	strace $0x9FFFFFFF  }
0xd0: {  	(tm) =	ssettm $0x7FFFFFFF  }
0xd1: {  	_ =	shalt  }
tec
execute0_lowered:
.L_overlay_start_1:
0x0: {  	(tag) =	ssettag $0x1  }
0x1: {  	s1 =	srdreg.scid  }
0x2: {  	s0 =	stileid.u32;
	s16 =	sand.u32 $0x1, s1  }
0x3: {  	s30 =	sshll.u32 s0, $0xE;
	s2 =	sshll.u32 s16, $0xD  }
0x4: {  	s10 =	rddreg [dreg:$0x0];
	s11 =	sor.u32 s2, s30  }
0x5: {  	s1 =	rddreg [dreg:$0x1];
	s2 =	simm.s32 $0x0;
	s3 =	sshrl.u32 s11, $0x3  }
0x6: {  	[smem:$0x7FF] =	sst s2;
	s3 =	sadd.s32 s3, s10  }
0x7: {  	_ =	strace $0x8000004D;
	s4 =	sadd.s32 $0x17E00, s3;
	s3 =	simm.s32 $0x3  }
0x8: {  	[tilespmem:s2], [sflag:$0x3] =	stream.linear.gather [hbm4b:s4+s2], $0x2000, $0x38;
	[tilespmem:$0x12000] =	vst v63  }
0x9: {  	_ =	swait.ge [sflag:s3], $0x2000  }
0xa: {  	s6 =	simm.s32 $0x800;
	[sflag:s3] =	ssyncset.done $0x0  }
0xb: {  	s7 =	simm.s32 $0x2000;
	s5 =	sadd.s32 $0x3AFE00, s10;
	[sflag:s3] =	ssyncadd.s32 $0xFFFFE000  }
0xc: {  	[tilespmem:s7], [sflag:$0x1] =	stream.indirect.gather [hbm4b:s5+s6], $0x10, s2, s6, $0xb8;
	[tilespmem:$0x12000] =	vst v63  }
0xd: {  	s8 =	simm.s32 $0xA000;
	s9 =	simm.s32 $0x1  }
0xe: {  	[tilespmem:s8], [sflag:$0x2] =	stream.indirect.gather [hbm4b:s5+s6], $0x10, s6, s6, $0xb8;
	[tilespmem:$0x12000] =	vst v63  }
0xf: {  	s11 =	sshll.u32 s11, $0x1;
	_ =	swait.ge [sflag:s9], $0x8000  }
0x10: {  	s17 =	sadd.s32 s11, s10;
	[sflag:s9] =	ssyncset.done $0x0  }
0x11: {  	s10 =	sadd.s32 $0x599E00, s17;
	[sflag:s9] =	ssyncadd.s32 $0xFFFF8000  }
0x12: {  	[hbm4b:s10+s2] =	stream.linear.scatter [tilespmem:s7], [sflag:$0x3], $0x8000, $0x38;
	[tilespmem:$0x12000] =	vst v63  }
0x13: {  	_ =	swait.ge [sflag:s3], $0x8000  }
0x14: {  	[sflag:s3] =	ssyncset.done $0x0  }
0x15: {  	s12 =	simm.s32 $0x2;
	s11 =	simm.s32 $0x1000;
	[sflag:s3] =	ssyncadd.s32 $0xFFFF8000  }
0x16: {  	[tilespmem:s7], [sflag:$0x1] =	stream.indirect.gather [hbm4b:s5+s6], $0x10, s11, s6, $0xb8;
	[tilespmem:$0x12000] =	vst v63  }
0x17: {  	_ =	swait.ge [sflag:s12], $0x8000  }
0x18: {  	[sflag:s12] =	ssyncset.done $0x0  }
0x19: {  	s13 =	sadd.s32 $0x59AE00, s17;
	[sflag:s12] =	ssyncadd.s32 $0xFFFF8000  }
0x1a: {  	[hbm4b:s13+s2] =	stream.linear.scatter [tilespmem:s8], [sflag:$0x3], $0x8000, $0x38;
	[tilespmem:$0x12000] =	vst v63  }
0x1b: {  	_ =	swait.ge [sflag:s3], $0x8000  }
0x1c: {  	[sflag:s3] =	ssyncset.done $0x0  }
0x1d: {  	s14 =	simm.s32 $0x1800;
	[sflag:s3] =	ssyncadd.s32 $0xFFFF8000  }
0x1e: {  	[tilespmem:s8], [sflag:$0x2] =	stream.indirect.gather [hbm4b:s5+s6], $0x10, s14, s6, $0xb8;
	[tilespmem:$0x12000] =	vst v63  }
0x1f: {  	_ =	swait.ge [sflag:s9], $0x8000  }
0x20: {  	[sflag:s9] =	ssyncset.done $0x0  }
0x21: {  	s16 =	ssub.s32 $0x2, s16;
	s15 =	sadd.s32 $0x59BE00, s17;
	[sflag:s9] =	ssyncadd.s32 $0xFFFF8000  }
0x22: {  	[hbm4b:s15+s2] =	stream.linear.scatter [tilespmem:s7], [sflag:$0x3], $0x8000, $0x38;
	[tilespmem:$0x12000] =	vst v63  }
0x23: {  	s18 =	sshrl.u32 s16, $0x1;
	_ =	swait.ge [sflag:s3], $0x8000  }
0x24: {  	s18 =	ssub.s32 s16, s18;
	[sflag:s3] =	ssyncset.done $0x0  }
0x25: {  	s31 =	smax.u32 s18, $0x1;
	[sflag:s3] =	ssyncadd.s32 $0xFFFF8000  }
0x26: {  	p0 =	sne.s32 s31, $0x1;
	_ =	swait.ge [sflag:s12], $0x8000  }
.Ltmp0:
0x27: {  	[sflag:s12] =	ssyncset.done $0x0;
	(pc) =	sbr.rel @!p0 .LBB2_2-.Ltmp0, $4  }
0x28: {  	s16 =	sadd.s32 $0x59CE00, s17;
	[sflag:s12] =	ssyncadd.s32 $0xFFFF8000  }
0x29: {  	[hbm4b:s16+s2] =	stream.linear.scatter [tilespmem:s8], [sflag:$0x3], $0x8000, $0x38;
	[tilespmem:$0x12000] =	vst v63  }
0x2a: {  	_ =	swait.ge [sflag:s3], $0x8000  }
0x2b: {  	s17 =	sadd.s32 $0xFFFFFFFF, s31;
	[sflag:s3] =	ssyncset.done $0x0  }
.LBB2_1:
0x2c: {  	p0 =	sne.s32 s17, $0x1;
	s17 =	sadd.s32 $0xFFFFFFFF, s17;
	[sflag:s3] =	ssyncadd.s32 $0xFFFF8000  }
0x2d: {  	[tilespmem:s2], [sflag:$0x3] =	stream.linear.gather [hbm4b:s4+s2], $0x2000, $0x38;
	[tilespmem:$0x12000] =	vst v63  }
0x2e: {  	_ =	swait.ge [sflag:s3], $0x2000  }
0x2f: {  	[sflag:s3] =	ssyncset.done $0x0  }
0x30: {  	[sflag:s3] =	ssyncadd.s32 $0xFFFFE000  }
0x31: {  	[tilespmem:s7], [sflag:$0x1] =	stream.indirect.gather [hbm4b:s5+s6], $0x10, s2, s6, $0xb8;
	[tilespmem:$0x12000] =	vst v63  }
0x32: {  	_ = 	snop  }
0x33: {  	[tilespmem:s8], [sflag:$0x2] =	stream.indirect.gather [hbm4b:s5+s6], $0x10, s6, s6, $0xb8;
	[tilespmem:$0x12000] =	vst v63  }
0x34: {  	_ =	swait.ge [sflag:s9], $0x8000  }
0x35: {  	[sflag:s9] =	ssyncset.done $0x0  }
0x36: {  	[sflag:s9] =	ssyncadd.s32 $0xFFFF8000  }
0x37: {  	[hbm4b:s10+s2] =	stream.linear.scatter [tilespmem:s7], [sflag:$0x3], $0x8000, $0x38;
	[tilespmem:$0x12000] =	vst v63  }
0x38: {  	_ =	swait.ge [sflag:s3], $0x8000  }
0x39: {  	[sflag:s3] =	ssyncset.done $0x0  }
0x3a: {  	[sflag:s3] =	ssyncadd.s32 $0xFFFF8000  }
0x3b: {  	[tilespmem:s7], [sflag:$0x1] =	stream.indirect.gather [hbm4b:s5+s6], $0x10, s11, s6, $0xb8;
	[tilespmem:$0x12000] =	vst v63  }
0x3c: {  	_ =	swait.ge [sflag:s12], $0x8000  }
0x3d: {  	[sflag:s12] =	ssyncset.done $0x0  }
0x3e: {  	[sflag:s12] =	ssyncadd.s32 $0xFFFF8000  }
0x3f: {  	[hbm4b:s13+s2] =	stream.linear.scatter [tilespmem:s8], [sflag:$0x3], $0x8000, $0x38;
	[tilespmem:$0x12000] =	vst v63  }
0x40: {  	_ =	swait.ge [sflag:s3], $0x8000  }
0x41: {  	[sflag:s3] =	ssyncset.done $0x0  }
0x42: {  	[sflag:s3] =	ssyncadd.s32 $0xFFFF8000  }
0x43: {  	[tilespmem:s8], [sflag:$0x2] =	stream.indirect.gather [hbm4b:s5+s6], $0x10, s14, s6, $0xb8;
	[tilespmem:$0x12000] =	vst v63  }
0x44: {  	_ =	swait.ge [sflag:s9], $0x8000  }
0x45: {  	[sflag:s9] =	ssyncset.done $0x0  }
0x46: {  	[sflag:s9] =	ssyncadd.s32 $0xFFFF8000  }
0x47: {  	[hbm4b:s15+s2] =	stream.linear.scatter [tilespmem:s7], [sflag:$0x3], $0x8000, $0x38;
	[tilespmem:$0x12000] =	vst v63  }
0x48: {  	_ =	swait.ge [sflag:s3], $0x8000  }
0x49: {  	[sflag:s3] =	ssyncset.done $0x0  }
0x4a: {  	[sflag:s3] =	ssyncadd.s32 $0xFFFF8000  }
0x4b: {  	_ =	swait.ge [sflag:s12], $0x8000  }
.Ltmp1:
0x4c: {  	[sflag:s12] =	ssyncset.done $0x0;
	(pc) =	sbr.rel @p0 .LBB2_1-.Ltmp1, $4  }
0x4d: {  	[sflag:s12] =	ssyncadd.s32 $0xFFFF8000  }
0x4e: {  	[hbm4b:s16+s2] =	stream.linear.scatter [tilespmem:s8], [sflag:$0x3], $0x8000, $0x38;
	[tilespmem:$0x12000] =	vst v63  }
0x4f: {  	_ =	swait.ge [sflag:s3], $0x8000  }
0x50: {  	[sflag:s3] =	ssyncset.done $0x0  }
.LBB2_2:
0x51: {  	[sflag:s3] =	ssyncadd.s32 $0xFFFF8000  }
0x52: {  	_ =	sfence.sel $0x180000  }
0x53: {  	[bflag:$0x0] =	sbarrier.arrive $0xFFFF  }
0x54: {  	p0 =	sne.s32 s0, $0x0;
	_ =	strace $0x9000004D  }
0x55: {  	s0 =	sadd.s32 @!p0 $0x100000, s1;
	[bflag:$0x2] =	sbarrier.arrive $0xFFFF  }
0x56: {  	[sflag:s0] =	ssyncadd.tile.s32 @!p0 $0x1;
	_ =	shalt  }
.Lfunc_end2:
_tile_overlayer_lowered:
.L_overlay_start_2:
0x57: {  	(tag) =	ssettag $0x2  }
0x58: {  	s0 =	rddreg [dreg:$0x0];
	s2 =	stileid.u32  }
0x59: {  	s1 =	rddreg [dreg:$0x1];
	p0 =	sne.s32 s2, $0x0  }
0x5a: {  	s3 =	rddreg [dreg:$0x2];
	[bflag:$0x3] =	sbarrier.arrive $0xFFFF;
	s2 =	simm.s32 @!p0 $0x1C03  }
0x5b: {  	[timem:s3], [sflag:s2] =	dma.local @!p0 [hbm:s0], s1  }
0x5c: {  	s0 =	simm.s32 @!p0 $0x3  }
0x5d: {  	_ =	swait.ge @!p0 [sflag:s0], s1  }
0x5e: {  	s1 =	ssub.s32 @!p0 $0x0, s1;
	[sflag:s0] =	ssyncset.done @!p0 $0x0  }
0x5f: {  	[sflag:s0] =	ssyncadd.s32 @!p0 s1  }
0x60: {  	[bflag:$0x3] =	sbarrier.arrive $0xFFFF  }
0x61: {  	_ =	shalt  }

</sc_bundles>
